<compile_context>
chip_gen: v7x
topology: tpu7x:2x2x1
jax: 0.10.2.dev20260603
libtpu: 0.0.44.dev20260713+nightly
codegen_flags: <defaults>
</compile_context>

<pallas_src>
import functools

import jax
import jax.numpy as jnp
from jax import lax
from jax.experimental import pallas as pl
from jax.experimental.pallas import tpu as pltpu
from jax.experimental.pallas import tpu_sc as plsc

N_NODES = 10000
D = 128
N_EDGES = 320000

NC = 2
NS = 16
L = 16
NW = NC * NS

CHUNK = 128
GC = 8
NG = 10
NCH = GC * NG
EPW = NCH * CHUNK
E_PAD = EPW * NW
N_PAD = 10240
RPT = N_PAD // NS

_mesh = plsc.VectorSubcoreMesh(core_axis_name="c", subcore_axis_name="s")


@functools.partial(
    pl.kernel,
    out_type=jax.ShapeDtypeStruct((NC, N_PAD), jnp.float32),
    mesh=_mesh,
    scratch_types=[
        pltpu.VMEM((NCH, CHUNK), jnp.int32),
        pltpu.VMEM((CHUNK,), jnp.float32),
        pltpu.VMEM((RPT,), jnp.float32),
        pltpu.VMEM_SHARED((N_PAD,), jnp.float32),
        pltpu.SemaphoreType.DMA,
        pltpu.SemaphoreType.DMA,
    ],
)
def _deg_kernel(dst_hbm, deg_out, idx_v, ones_v, zero_v, deg_sh, sem, semi):
    cid = lax.axis_index("c")
    sid = lax.axis_index("s")
    wid = cid * NS + sid

    pltpu.async_copy(dst_hbm.at[wid], idx_v, semi)

    zeros = jnp.zeros((L,), jnp.float32)
    ones = jnp.ones((L,), jnp.float32)

    def _zero(i, carry):
        zero_v[pl.ds(i * L, L)] = zeros
        return carry

    lax.fori_loop(0, RPT // L, _zero, 0)

    def _one(i, carry):
        ones_v[pl.ds(i * L, L)] = ones
        return carry

    lax.fori_loop(0, CHUNK // L, _one, 0)

    pltpu.sync_copy(zero_v, deg_sh.at[pl.ds(sid * RPT, RPT)])
    pltpu.make_async_copy(dst_hbm.at[wid], idx_v, semi).wait()
    plsc.subcore_barrier()

    def _scat(k, c2):
        pltpu.async_copy(ones_v, deg_sh.at[idx_v.at[k]], sem, add=True)
        return c2

    lax.fori_loop(0, NCH, _scat, 0)

    def _drain(k, c2):
        pltpu.make_async_copy(ones_v, deg_sh.at[idx_v.at[k]], sem).wait()
        return c2

    lax.fori_loop(0, NCH, _drain, 0)

    plsc.subcore_barrier()
    pltpu.sync_copy(deg_sh.at[pl.ds(sid * RPT, RPT)],
                    deg_out.at[cid, pl.ds(sid * RPT, RPT)])


@functools.partial(
    pl.kernel,
    out_type=jax.ShapeDtypeStruct((NC, N_PAD, D), jnp.float32),
    mesh=_mesh,
    scratch_types=[
        pltpu.VMEM((GC, CHUNK), jnp.int32),
        pltpu.VMEM((GC, CHUNK), jnp.int32),
        pltpu.VMEM((GC, CHUNK), jnp.int32),
        pltpu.VMEM((GC, CHUNK), jnp.int32),
        pltpu.VMEM((CHUNK, D), jnp.float32),
        pltpu.VMEM((CHUNK, D), jnp.float32),
        pltpu.VMEM_SHARED((N_PAD, D), jnp.float32),
        pltpu.SemaphoreType.DMA,
        pltpu.SemaphoreType.DMA,
        pltpu.SemaphoreType.DMA,
        pltpu.SemaphoreType.DMA,
    ],
)
def _agg_kernel(xs_hbm, src_hbm, dst_hbm, part_out,
                idxs0, idxs1, idxd0, idxd1, rows0, rows1, agg_sh,
                sem0, sem1, semi, semi2):
    cid = lax.axis_index("c")
    sid = lax.axis_index("s")
    wid = cid * NS + sid

    pltpu.async_copy(src_hbm.at[wid, 0], idxs0, semi2)
    pltpu.async_copy(dst_hbm.at[wid, 0], idxd0, semi2)
    pltpu.async_copy(src_hbm.at[wid, 1], idxs1, semi)
    pltpu.async_copy(dst_hbm.at[wid, 1], idxd1, semi)

    zeros = jnp.zeros((L,), jnp.float32)

    def _zero(t, carry):
        r = t // (D // L)
        j = t - r * (D // L)
        rows0[r, pl.ds(j * L, L)] = zeros
        return carry

    lax.fori_loop(0, CHUNK * (D // L), _zero, 0)

    for q in range(RPT // CHUNK):
        pltpu.sync_copy(rows0, agg_sh.at[pl.ds(sid * RPT + q * CHUNK, CHUNK)])

    pltpu.make_async_copy(src_hbm.at[wid, 0], idxs0, semi2).wait()
    pltpu.make_async_copy(dst_hbm.at[wid, 0], idxd0, semi2).wait()
    pltpu.async_copy(xs_hbm.at[idxs0.at[0]], rows0, sem0)
    plsc.subcore_barrier()

    for g in range(NG):
        a_idxs, a_idxd = (idxs0, idxd0) if g % 2 == 0 else (idxs1, idxd1)
        n_idxs, n_idxd = (idxs1, idxd1) if g % 2 == 0 else (idxs0, idxd0)

        def _step(i, carry, a_idxs=a_idxs, a_idxd=a_idxd):
            k0 = i * 2
            k1 = k0 + 1
            pltpu.async_copy(xs_hbm.at[a_idxs.at[k1]], rows1, sem1)
            pltpu.make_async_copy(xs_hbm.at[a_idxs.at[k0]], rows0, sem0).wait()
            pltpu.sync_copy(rows0, agg_sh.at[a_idxd.at[k0]], add=True)
            pltpu.async_copy(xs_hbm.at[a_idxs.at[k0 + 2]], rows0, sem0)
            pltpu.make_async_copy(xs_hbm.at[a_idxs.at[k1]], rows1, sem1).wait()
            pltpu.sync_copy(rows1, agg_sh.at[a_idxd.at[k1]], add=True)
            return carry

        lax.fori_loop(0, GC // 2 - 1, _step, 0)

        pltpu.async_copy(xs_hbm.at[a_idxs.at[GC - 1]], rows1, sem1)
        pltpu.make_async_copy(xs_hbm.at[a_idxs.at[GC - 2]], rows0, sem0).wait()
        pltpu.sync_copy(rows0, agg_sh.at[a_idxd.at[GC - 2]], add=True)
        if g + 1 < NG:
            pltpu.make_async_copy(src_hbm.at[wid, g + 1], n_idxs, semi).wait()
            pltpu.make_async_copy(dst_hbm.at[wid, g + 1], n_idxd, semi).wait()
            pltpu.async_copy(xs_hbm.at[n_idxs.at[0]], rows0, sem0)
        pltpu.make_async_copy(xs_hbm.at[a_idxs.at[GC - 1]], rows1, sem1).wait()
        pltpu.sync_copy(rows1, agg_sh.at[a_idxd.at[GC - 1]], add=True)
        if g + 2 < NG:
            pltpu.async_copy(src_hbm.at[wid, g + 2], a_idxs, semi)
            pltpu.async_copy(dst_hbm.at[wid, g + 2], a_idxd, semi)

    plsc.subcore_barrier()
    pltpu.sync_copy(agg_sh.at[pl.ds(sid * RPT, RPT)],
                    part_out.at[cid, pl.ds(sid * RPT, RPT)])


def _scale_body(x_ref, degp_ref, xs_ref):
    blk = xs_ref.shape[0]
    i = pl.program_id(0)
    dis = lax.rsqrt(degp_ref[0] + degp_ref[1] + 1.0)
    rid = i * blk + lax.broadcasted_iota(jnp.int32, (blk, 1), 0)
    xs_ref[...] = jnp.where(rid < N_NODES, x_ref[...] * dis, 0.0)


def _scale_call(x, degp3):
    blk = N_PAD // 4
    return pl.pallas_call(
        _scale_body,
        grid=(4,),
        in_specs=[
            pl.BlockSpec((blk, D), lambda i: (i, 0)),
            pl.BlockSpec((NC, blk, 1), lambda i: (0, i, 0)),
        ],
        out_specs=pl.BlockSpec((blk, D), lambda i: (i, 0)),
        out_shape=jax.ShapeDtypeStruct((N_PAD, D), jnp.float32),
    )(x, degp3)


def _out_body(p_ref, xs_ref, degp_ref, wmu_ref, bmu_ref, wls_ref, bls_ref,
              mu_ref, ls_ref):
    dis = lax.rsqrt(degp_ref[0] + degp_ref[1] + 1.0)
    y = (p_ref[0] + p_ref[1] + xs_ref[...]) * dis
    mu_ref[...] = (
        jnp.dot(y, wmu_ref[...], preferred_element_type=jnp.float32)
        + bmu_ref[...]
    )
    ls_ref[...] = (
        jnp.dot(y, wls_ref[...], preferred_element_type=jnp.float32)
        + bls_ref[...]
    )


def _out_call(part, xs, degp3, W_mu, b_mu, W_logstd, b_logstd):
    blk = 2000
    grid = N_NODES // blk
    wspec = pl.BlockSpec((D, D), lambda i: (0, 0))
    bspec = pl.BlockSpec((1, D), lambda i: (0, 0))
    return pl.pallas_call(
        _out_body,
        grid=(grid,),
        in_specs=[
            pl.BlockSpec((NC, blk, D), lambda i: (0, i, 0)),
            pl.BlockSpec((blk, D), lambda i: (i, 0)),
            pl.BlockSpec((NC, blk, 1), lambda i: (0, i, 0)),
            wspec, bspec, wspec, bspec,
        ],
        out_specs=[
            pl.BlockSpec((blk, D), lambda i: (i, 0)),
            pl.BlockSpec((blk, D), lambda i: (i, 0)),
        ],
        out_shape=[
            jax.ShapeDtypeStruct((N_NODES, D), jnp.float32),
            jax.ShapeDtypeStruct((N_NODES, D), jnp.float32),
        ],
    )(part, xs, degp3, W_mu, b_mu, W_logstd, b_logstd)


def kernel(x, edge_index, W_mu, b_mu, W_logstd, b_logstd):
    src = edge_index[0].astype(jnp.int32)
    dst = edge_index[1].astype(jnp.int32)
    pad = N_NODES + (jnp.arange(E_PAD - N_EDGES, dtype=jnp.int32)
                     % (N_PAD - N_NODES))
    srcb = jnp.concatenate([src, pad]).reshape(NW, NG, GC, CHUNK)
    dstb = jnp.concatenate([dst, pad]).reshape(NW, NG, GC, CHUNK)

    degp = _deg_kernel(dstb.reshape(NW, NCH, CHUNK))
    degp3 = degp.reshape(NC, N_PAD, 1)
    xs = _scale_call(x, degp3)
    part = _agg_kernel(xs, srcb, dstb)
    mu, logstd = _out_call(part, xs, degp3, W_mu, b_mu.reshape(1, D),
                           W_logstd, b_logstd.reshape(1, D))
    return (mu, logstd)

# --- scband reference (transcript-rebuilt; emitter-appended) ---
"""Pipeline reference for scband-variational-linear-encoder-12472585028063 (READ-ONLY COPY).

The authoritative reference and input builder live on the scoring server;
editing this copy changes nothing except your own understanding.
"""

import jax, jax.numpy as jnp
import numpy as np

N_NODES = 10000
D_IN = 128
D_OUT = 128
N_EDGES = 320000


def _gcn_conv(x, W, b, edge_index, num_nodes):
    # GCNConv: out = D^{-1/2} (A + I) D^{-1/2} (x @ W) + b
    src = edge_index[0]
    dst = edge_index[1]
    loop = jnp.arange(num_nodes, dtype=edge_index.dtype)
    src2 = jnp.concatenate([src, loop])
    dst2 = jnp.concatenate([dst, loop])
    deg = jax.ops.segment_sum(jnp.ones(src2.shape[0], dtype=x.dtype), dst2, num_segments=num_nodes)
    deg_inv_sqrt = jnp.where(deg > 0, jax.lax.rsqrt(deg), 0.0)
    norm = deg_inv_sqrt[src2] * deg_inv_sqrt[dst2]
    h = x @ W
    msgs = h[src2] * norm[:, None]
    out = jax.ops.segment_sum(msgs, dst2, num_segments=num_nodes)
    return out + b


def setup_inputs(seed: int = 0) -> dict:
    key = jax.random.key(seed)
    k1, k2, k3, k4, k5, k6 = jax.random.split(key, 6)
    x = jax.random.normal(k1, (N_NODES, D_IN), dtype=jnp.float32)
    edge_index = jax.random.randint(k2, (2, N_EDGES), 0, N_NODES, dtype=jnp.int64)
    glorot = float(np.sqrt(6.0 / (D_IN + D_OUT)))
    W_mu = jax.random.uniform(k3, (D_IN, D_OUT), dtype=jnp.float32, minval=-glorot, maxval=glorot)
    b_mu = jnp.zeros((D_OUT,), dtype=jnp.float32)
    W_logstd = jax.random.uniform(k4, (D_IN, D_OUT), dtype=jnp.float32, minval=-glorot, maxval=glorot)
    b_logstd = jnp.zeros((D_OUT,), dtype=jnp.float32)
    return {"x": x, "edge_index": edge_index, "W_mu": W_mu, "b_mu": b_mu, "W_logstd": W_logstd, "b_logstd": b_logstd}


def reference(x, edge_index, W_mu, b_mu, W_logstd, b_logstd):
    # eval mode: F.dropout is identity when training=False
    num_nodes = x.shape[0]
    mu = _gcn_conv(x, W_mu, b_mu, edge_index, num_nodes)
    logstd = _gcn_conv(x, W_logstd, b_logstd, edge_index, num_nodes)
    return (mu, logstd)

if __name__ == "__main__":
    import jax
    _d = setup_inputs()
    print(jax.jit(kernel)(*tuple(_d.values())))

</pallas_src>

<mosaic_0001>
#map = affine_map<(d0, d1) -> (0, 0, 0)>
#map1 = affine_map<(d0, d1) -> (0, 0)>
module attributes {stable_mosaic.version = 14 : i64} {
  func.func @_deg_kernel(%arg0: i32, %arg1: i32, %arg2: memref<32x80x128xi32, #tpu.memory_space<hbm>>, %arg3: memref<2x10240xf32, #tpu.memory_space<hbm>>, %arg4: memref<80x128xi32, #tpu.memory_space<vmem>>, %arg5: memref<128xf32, #tpu.memory_space<vmem>>, %arg6: memref<640xf32, #tpu.memory_space<vmem>>, %arg7: memref<10240xf32, #tpu.memory_space<vmem_shared>>, %arg8: memref<!tpu.dma_semaphore, #tpu.memory_space<semaphore_mem>>, %arg9: memref<!tpu.dma_semaphore, #tpu.memory_space<semaphore_mem>>) attributes {dimension_semantics = [#tpu.dimension_semantics<core_parallel>, #tpu.dimension_semantics<subcore_parallel>], iteration_bounds = array<i64: 2, 16>, scalar_prefetch = 0 : i64, scratch_operands = 6 : i64, tpu.core_type = #tpu.core_type<sc_vector_subcore>, window_params = [{transform_indices = #map}, {transform_indices = #map1}]} {
    %mul3A = arith.constant 16 : i32
    %mul3A_0 = arith.muli %arg0, %mul3A : i32
    %add3A = arith.addi %mul3A_0, %arg1 : i32
    %dma_start3A = arith.constant 0 : i32
    %dma_start3A_1 = arith.constant 0 : i32
    %dma_start3A_2 = tpu.memref_slice %arg2[%add3A, %dma_start3A, %dma_start3A_1] : memref<32x80x128xi32, #tpu.memory_space<hbm>> -> memref<1x80x128xi32, #tpu.memory_space<hbm>>
    %dma_start3A_3 = tpu.memref_squeeze %dma_start3A_2 : memref<1x80x128xi32, #tpu.memory_space<hbm>> -> memref<80x128xi32, #tpu.memory_space<hbm>>
    %dma_start3A_4 = arith.constant 0 : i32
    %dma_start3A_5 = arith.constant 0 : i32
    %dma_start3A_6 = tpu.memref_slice %arg2[%add3A, %dma_start3A_4, %dma_start3A_5] : memref<32x80x128xi32, #tpu.memory_space<hbm>> -> memref<1x80x128xi32, #tpu.memory_space<hbm>>
    %dma_start3A_7 = tpu.memref_squeeze %dma_start3A_6 : memref<1x80x128xi32, #tpu.memory_space<hbm>> -> memref<80x128xi32, #tpu.memory_space<hbm>>
    tpu.enqueue_dma source(%dma_start3A_7 : memref<80x128xi32, #tpu.memory_space<hbm>>) target(%arg4 : memref<80x128xi32, #tpu.memory_space<vmem>>) target_semaphore(%arg9 : memref<!tpu.dma_semaphore, #tpu.memory_space<semaphore_mem>>)
    %broadcast_in_dim3A = arith.constant 0.000000e+00 : f32
    %broadcast_in_dim3A_8 = vector.broadcast %broadcast_in_dim3A : f32 to vector<16xf32>
    %broadcast_in_dim3A_9 = arith.constant 1.000000e+00 : f32
    %broadcast_in_dim3A_10 = vector.broadcast %broadcast_in_dim3A_9 : f32 to vector<16xf32>
    %scan3A = arith.constant 0 : i32
    %scan3A_11 = arith.constant 0 : i32
    %scan3A_12 = arith.constant 40 : i32
    %scan3A_13 = arith.addi %scan3A_11, %scan3A_12 : i32
    %scan3A_14 = arith.constant 1 : i32
    scf.for %scan3A_48 = %scan3A_11 to %scan3A_13 step %scan3A_14  : i32 {
      %mul3A_49 = arith.constant 16 : i32
      %mul3A_50 = arith.muli %scan3A_48, %mul3A_49 : i32
      %swap3A = arith.index_cast %mul3A_50 : i32 to index
      %swap3A_51 = tpu.vector_load %arg6[%swap3A] {strides = array<i32>} : memref<640xf32, #tpu.memory_space<vmem>>, vector<16xf32>,
      %swap3A_52 = vector.shape_cast %swap3A_51 : vector<16xf32> to vector<16xf32>
      %swap3A_53 = vector.shape_cast %broadcast_in_dim3A_8 : vector<16xf32> to vector<16xf32>
      tpu.vector_store %arg6[%swap3A], %swap3A_53 {strides = array<i32>} : memref<640xf32, #tpu.memory_space<vmem>>, vector<16xf32>,
    }
    %scan3A_15 = arith.constant 40 : i32
    %scan3A_16 = arith.constant 0 : i32
    %scan3A_17 = arith.constant 0 : i32
    %scan3A_18 = arith.constant 8 : i32
    %scan3A_19 = arith.addi %scan3A_17, %scan3A_18 : i32
    %scan3A_20 = arith.constant 1 : i32
    scf.for %scan3A_48 = %scan3A_17 to %scan3A_19 step %scan3A_20  : i32 {
      %mul3A_49 = arith.constant 16 : i32
      %mul3A_50 = arith.muli %scan3A_48, %mul3A_49 : i32
      %swap3A = arith.index_cast %mul3A_50 : i32 to index
      %swap3A_51 = tpu.vector_load %arg5[%swap3A] {strides = array<i32>} : memref<128xf32, #tpu.memory_space<vmem>>, vector<16xf32>,
      %swap3A_52 = vector.shape_cast %swap3A_51 : vector<16xf32> to vector<16xf32>
      %swap3A_53 = vector.shape_cast %broadcast_in_dim3A_10 : vector<16xf32> to vector<16xf32>
      tpu.vector_store %arg5[%swap3A], %swap3A_53 {strides = array<i32>} : memref<128xf32, #tpu.memory_space<vmem>>, vector<16xf32>,
    }
    %scan3A_21 = arith.constant 8 : i32
    %mul3A_22 = arith.constant 640 : i32
    %mul3A_23 = arith.muli %arg1, %mul3A_22 : i32
    "tpu.region"() ({
      %run_scoped3A = tpu.sem_alloc : memref<!tpu.dma_semaphore, #tpu.memory_space<semaphore_mem>>
      %dma_start3A_48 = tpu.memref_slice %arg7[%mul3A_23] : memref<10240xf32, #tpu.memory_space<vmem_shared>> -> memref<640xf32, #tpu.memory_space<vmem_shared>>
      %dma_start3A_49 = tpu.memref_slice %arg7[%mul3A_23] : memref<10240xf32, #tpu.memory_space<vmem_shared>> -> memref<640xf32, #tpu.memory_space<vmem_shared>>
      tpu.enqueue_dma source(%arg6 : memref<640xf32, #tpu.memory_space<vmem>>) target(%dma_start3A_49 : memref<640xf32, #tpu.memory_space<vmem_shared>>) target_semaphore(%run_scoped3A : memref<!tpu.dma_semaphore, #tpu.memory_space<semaphore_mem>>)
      %dma_wait3A_50 = tpu.memref_slice %arg7[%mul3A_23] : memref<10240xf32, #tpu.memory_space<vmem_shared>> -> memref<640xf32, #tpu.memory_space<vmem_shared>>
      %dma_wait3A_51 = tpu.memref_slice %arg7[%mul3A_23] : memref<10240xf32, #tpu.memory_space<vmem_shared>> -> memref<640xf32, #tpu.memory_space<vmem_shared>>
      tpu.wait_dma2 semaphore(%run_scoped3A : memref<!tpu.dma_semaphore, #tpu.memory_space<semaphore_mem>>) src(%arg6 : memref<640xf32, #tpu.memory_space<vmem>>) dst(%dma_wait3A_51 : memref<640xf32, #tpu.memory_space<vmem_shared>>)
      tpu.yield
    }) : () -> ()
    %dma_wait3A = arith.constant 0 : i32
    %dma_wait3A_24 = arith.constant 0 : i32
    %dma_wait3A_25 = tpu.memref_slice %arg2[%add3A, %dma_wait3A, %dma_wait3A_24] : memref<32x80x128xi32, #tpu.memory_space<hbm>> -> memref<1x80x128xi32, #tpu.memory_space<hbm>>
    %dma_wait3A_26 = tpu.memref_squeeze %dma_wait3A_25 : memref<1x80x128xi32, #tpu.memory_space<hbm>> -> memref<80x128xi32, #tpu.memory_space<hbm>>
    %dma_wait3A_27 = arith.constant 0 : i32
    %dma_wait3A_28 = arith.constant 0 : i32
    %dma_wait3A_29 = tpu.memref_slice %arg2[%add3A, %dma_wait3A_27, %dma_wait3A_28] : memref<32x80x128xi32, #tpu.memory_space<hbm>> -> memref<1x80x128xi32, #tpu.memory_space<hbm>>
    %dma_wait3A_30 = tpu.memref_squeeze %dma_wait3A_29 : memref<1x80x128xi32, #tpu.memory_space<hbm>> -> memref<80x128xi32, #tpu.memory_space<hbm>>
    tpu.wait_dma2 semaphore(%arg9 : memref<!tpu.dma_semaphore, #tpu.memory_space<semaphore_mem>>) src(%dma_wait3A_30 : memref<80x128xi32, #tpu.memory_space<hbm>>) dst(%arg4 : memref<80x128xi32, #tpu.memory_space<vmem>>)
    %barrier3A = arith.constant 0 : index
    tpu.barrier barrier_id(%barrier3A)
    %scan3A_31 = arith.constant 0 : i32
    %scan3A_32 = arith.constant 0 : i32
    %scan3A_33 = arith.constant 80 : i32
    %scan3A_34 = arith.addi %scan3A_32, %scan3A_33 : i32
    %scan3A_35 = arith.constant 1 : i32
    scf.for %scan3A_48 = %scan3A_32 to %scan3A_34 step %scan3A_35  : i32 {
      %dma_start3A_49 = arith.constant 0 : i32
      %dma_start3A_50 = tpu.memref_slice %arg4[%scan3A_48, %dma_start3A_49] : memref<80x128xi32, #tpu.memory_space<vmem>> -> memref<1x128xi32, #tpu.memory_space<vmem>>
      %dma_start3A_51 = tpu.memref_squeeze %dma_start3A_50 : memref<1x128xi32, #tpu.memory_space<vmem>> -> memref<128xi32, #tpu.memory_space<vmem>>
      %dma_start3A_52 = arith.constant 0 : i32
      %dma_start3A_53 = tpu.memref_slice %arg7[%dma_start3A_52] : memref<10240xf32, #tpu.memory_space<vmem_shared>> -> memref<10240xf32, #tpu.memory_space<vmem_shared>>
      tpu.enqueue_indirect_dma source(%arg5 : memref<128xf32, #tpu.memory_space<vmem>>) target(%dma_start3A_53 : memref<10240xf32, #tpu.memory_space<vmem_shared>>) offsets(%dma_start3A_51 : memref<128xi32, #tpu.memory_space<vmem>>) semaphore(%arg8 : memref<!tpu.dma_semaphore, #tpu.memory_space<semaphore_mem>>) {add = true}
    }
    %scan3A_36 = arith.constant 80 : i32
    %scan3A_37 = arith.constant 0 : i32
    %scan3A_38 = arith.constant 0 : i32
    %scan3A_39 = arith.constant 80 : i32
    %scan3A_40 = arith.addi %scan3A_38, %scan3A_39 : i32
    %scan3A_41 = arith.constant 1 : i32
    scf.for %scan3A_48 = %scan3A_38 to %scan3A_40 step %scan3A_41  : i32 {
      %dma_wait3A_49 = arith.constant 0 : i32
      %dma_wait3A_50 = tpu.memref_slice %arg4[%scan3A_48, %dma_wait3A_49] : memref<80x128xi32, #tpu.memory_space<vmem>> -> memref<1x128xi32, #tpu.memory_space<vmem>>
      %dma_wait3A_51 = tpu.memref_squeeze %dma_wait3A_50 : memref<1x128xi32, #tpu.memory_space<vmem>> -> memref<128xi32, #tpu.memory_space<vmem>>
      %dma_wait3A_52 = arith.constant 0 : i32
      %dma_wait3A_53 = tpu.memref_slice %arg7[%dma_wait3A_52] : memref<10240xf32, #tpu.memory_space<vmem_shared>> -> memref<10240xf32, #tpu.memory_space<vmem_shared>>
      tpu.wait_indirect_dma semaphore(%arg8 : memref<!tpu.dma_semaphore, #tpu.memory_space<semaphore_mem>>) src(%arg5 : memref<128xf32, #tpu.memory_space<vmem>>) dst(%dma_wait3A_53 : memref<10240xf32, #tpu.memory_space<vmem_shared>>)
    }
    %scan3A_42 = arith.constant 80 : i32
    %barrier3A_43 = arith.constant 0 : index
    tpu.barrier barrier_id(%barrier3A_43)
    %mul3A_44 = arith.constant 640 : i32
    %mul3A_45 = arith.muli %arg1, %mul3A_44 : i32
    %mul3A_46 = arith.constant 640 : i32
    %mul3A_47 = arith.muli %arg1, %mul3A_46 : i32
    "tpu.region"() ({
      %run_scoped3A = tpu.sem_alloc : memref<!tpu.dma_semaphore, #tpu.memory_space<semaphore_mem>>
      %dma_start3A_48 = tpu.memref_slice %arg3[%arg0, %mul3A_47] : memref<2x10240xf32, #tpu.memory_space<hbm>> -> memref<1x640xf32, #tpu.memory_space<hbm>>
      %dma_start3A_49 = tpu.memref_squeeze %dma_start3A_48 : memref<1x640xf32, #tpu.memory_space<hbm>> -> memref<640xf32, #tpu.memory_space<hbm>>
      %dma_start3A_50 = tpu.memref_slice %arg7[%mul3A_45] : memref<10240xf32, #tpu.memory_space<vmem_shared>> -> memref<640xf32, #tpu.memory_space<vmem_shared>>
      tpu.enqueue_dma source(%dma_start3A_50 : memref<640xf32, #tpu.memory_space<vmem_shared>>) target(%dma_start3A_49 : memref<640xf32, #tpu.memory_space<hbm>>) target_semaphore(%run_scoped3A : memref<!tpu.dma_semaphore, #tpu.memory_space<semaphore_mem>>)
      %dma_wait3A_51 = tpu.memref_slice %arg3[%arg0, %mul3A_47] : memref<2x10240xf32, #tpu.memory_space<hbm>> -> memref<1x640xf32, #tpu.memory_space<hbm>>
      %dma_wait3A_52 = tpu.memref_squeeze %dma_wait3A_51 : memref<1x640xf32, #tpu.memory_space<hbm>> -> memref<640xf32, #tpu.memory_space<hbm>>
      %dma_wait3A_53 = tpu.memref_slice %arg7[%mul3A_45] : memref<10240xf32, #tpu.memory_space<vmem_shared>> -> memref<640xf32, #tpu.memory_space<vmem_shared>>
      tpu.wait_dma2 semaphore(%run_scoped3A : memref<!tpu.dma_semaphore, #tpu.memory_space<semaphore_mem>>) src(%dma_wait3A_53 : memref<640xf32, #tpu.memory_space<vmem_shared>>) dst(%dma_wait3A_52 : memref<640xf32, #tpu.memory_space<hbm>>)
      tpu.yield
    }) : () -> ()
    return
  }
}

#map = affine_map<(d0, d1) -> (0, 0)>
#map1 = affine_map<(d0, d1) -> (0, 0, 0, 0)>
#map2 = affine_map<(d0, d1) -> (0, 0, 0)>
module attributes {stable_mosaic.version = 14 : i64} {
  func.func @_agg_kernel(%arg0: i32, %arg1: i32, %arg2: memref<10240x128xf32, #tpu.memory_space<hbm>>, %arg3: memref<32x10x8x128xi32, #tpu.memory_space<hbm>>, %arg4: memref<32x10x8x128xi32, #tpu.memory_space<hbm>>, %arg5: memref<2x10240x128xf32, #tpu.memory_space<hbm>>, %arg6: memref<8x128xi32, #tpu.memory_space<vmem>>, %arg7: memref<8x128xi32, #tpu.memory_space<vmem>>, %arg8: memref<8x128xi32, #tpu.memory_space<vmem>>, %arg9: memref<8x128xi32, #tpu.memory_space<vmem>>, %arg10: memref<128x128xf32, #tpu.memory_space<vmem>>, %arg11: memref<128x128xf32, #tpu.memory_space<vmem>>, %arg12: memref<10240x128xf32, #tpu.memory_space<vmem_shared>>, %arg13: memref<!tpu.dma_semaphore, #tpu.memory_space<semaphore_mem>>, %arg14: memref<!tpu.dma_semaphore, #tpu.memory_space<semaphore_mem>>, %arg15: memref<!tpu.dma_semaphore, #tpu.memory_space<semaphore_mem>>, %arg16: memref<!tpu.dma_semaphore, #tpu.memory_space<semaphore_mem>>) attributes {dimension_semantics = [#tpu.dimension_semantics<core_parallel>, #tpu.dimension_semantics<subcore_parallel>], iteration_bounds = array<i64: 2, 16>, scalar_prefetch = 0 : i64, scratch_operands = 11 : i64, tpu.core_type = #tpu.core_type<sc_vector_subcore>, window_params = [{transform_indices = #map}, {transform_indices = #map1}, {transform_indices = #map1}, {transform_indices = #map2}]} {
    %mul3A = arith.constant 16 : i32
    %mul3A_0 = arith.muli %arg0, %mul3A : i32
    %add3A = arith.addi %mul3A_0, %arg1 : i32
    %dma_start3A = arith.constant 0 : i32
    %dma_start3A_1 = arith.constant 0 : i32
    %dma_start3A_2 = arith.constant 0 : i32
    %dma_start3A_3 = tpu.memref_slice %arg3[%add3A, %dma_start3A, %dma_start3A_1, %dma_start3A_2] : memref<32x10x8x128xi32, #tpu.memory_space<hbm>> -> memref<1x1x8x128xi32, #tpu.memory_space<hbm>>
    %dma_start3A_4 = tpu.memref_squeeze %dma_start3A_3 : memref<1x1x8x128xi32, #tpu.memory_space<hbm>> -> memref<8x128xi32, #tpu.memory_space<hbm>>
    %dma_start3A_5 = arith.constant 0 : i32
    %dma_start3A_6 = arith.constant 0 : i32
    %dma_start3A_7 = tpu.memref_slice %arg3[%add3A, %dma_start3A, %dma_start3A_5, %dma_start3A_6] : memref<32x10x8x128xi32, #tpu.memory_space<hbm>> -> memref<1x1x8x128xi32, #tpu.memory_space<hbm>>
    %dma_start3A_8 = tpu.memref_squeeze %dma_start3A_7 : memref<1x1x8x128xi32, #tpu.memory_space<hbm>> -> memref<8x128xi32, #tpu.memory_space<hbm>>
    tpu.enqueue_dma source(%dma_start3A_8 : memref<8x128xi32, #tpu.memory_space<hbm>>) target(%arg6 : memref<8x128xi32, #tpu.memory_space<vmem>>) target_semaphore(%arg16 : memref<!tpu.dma_semaphore, #tpu.memory_space<semaphore_mem>>)
    %dma_start3A_9 = arith.constant 0 : i32
    %dma_start3A_10 = arith.constant 0 : i32
    %dma_start3A_11 = arith.constant 0 : i32
    %dma_start3A_12 = tpu.memref_slice %arg4[%add3A, %dma_start3A_9, %dma_start3A_10, %dma_start3A_11] : memref<32x10x8x128xi32, #tpu.memory_space<hbm>> -> memref<1x1x8x128xi32, #tpu.memory_space<hbm>>
    %dma_start3A_13 = tpu.memref_squeeze %dma_start3A_12 : memref<1x1x8x128xi32, #tpu.memory_space<hbm>> -> memref<8x128xi32, #tpu.memory_space<hbm>>
    %dma_start3A_14 = arith.constant 0 : i32
    %dma_start3A_15 = arith.constant 0 : i32
    %dma_start3A_16 = tpu.memref_slice %arg4[%add3A, %dma_start3A_9, %dma_start3A_14, %dma_start3A_15] : memref<32x10x8x128xi32, #tpu.memory_space<hbm>> -> memref<1x1x8x128xi32, #tpu.memory_space<hbm>>
    %dma_start3A_17 = tpu.memref_squeeze %dma_start3A_16 : memref<1x1x8x128xi32, #tpu.memory_space<hbm>> -> memref<8x128xi32, #tpu.memory_space<hbm>>
    tpu.enqueue_dma source(%dma_start3A_17 : memref<8x128xi32, #tpu.memory_space<hbm>>) target(%arg8 : memref<8x128xi32, #tpu.memory_space<vmem>>) target_semaphore(%arg16 : memref<!tpu.dma_semaphore, #tpu.memory_space<semaphore_mem>>)
    %dma_start3A_18 = arith.constant 1 : i32
    %dma_start3A_19 = arith.constant 0 : i32
    %dma_start3A_20 = arith.constant 0 : i32
    %dma_start3A_21 = tpu.memref_slice %arg3[%add3A, %dma_start3A_18, %dma_start3A_19, %dma_start3A_20] : memref<32x10x8x128xi32, #tpu.memory_space<hbm>> -> memref<1x1x8x128xi32, #tpu.memory_space<hbm>>
    %dma_start3A_22 = tpu.memref_squeeze %dma_start3A_21 : memref<1x1x8x128xi32, #tpu.memory_space<hbm>> -> memref<8x128xi32, #tpu.memory_space<hbm>>
    %dma_start3A_23 = arith.constant 0 : i32
    %dma_start3A_24 = arith.constant 0 : i32
    %dma_start3A_25 = tpu.memref_slice %arg3[%add3A, %dma_start3A_18, %dma_start3A_23, %dma_start3A_24] : memref<32x10x8x128xi32, #tpu.memory_space<hbm>> -> memref<1x1x8x128xi32, #tpu.memory_space<hbm>>
    %dma_start3A_26 = tpu.memref_squeeze %dma_start3A_25 : memref<1x1x8x128xi32, #tpu.memory_space<hbm>> -> memref<8x128xi32, #tpu.memory_space<hbm>>
    tpu.enqueue_dma source(%dma_start3A_26 : memref<8x128xi32, #tpu.memory_space<hbm>>) target(%arg7 : memref<8x128xi32, #tpu.memory_space<vmem>>) target_semaphore(%arg15 : memref<!tpu.dma_semaphore, #tpu.memory_space<semaphore_mem>>)
    %dma_start3A_27 = arith.constant 1 : i32
    %dma_start3A_28 = arith.constant 0 : i32
    %dma_start3A_29 = arith.constant 0 : i32
    %dma_start3A_30 = tpu.memref_slice %arg4[%add3A, %dma_start3A_27, %dma_start3A_28, %dma_start3A_29] : memref<32x10x8x128xi32, #tpu.memory_space<hbm>> -> memref<1x1x8x128xi32, #tpu.memory_space<hbm>>
    %dma_start3A_31 = tpu.memref_squeeze %dma_start3A_30 : memref<1x1x8x128xi32, #tpu.memory_space<hbm>> -> memref<8x128xi32, #tpu.memory_space<hbm>>
    %dma_start3A_32 = arith.constant 0 : i32
    %dma_start3A_33 = arith.constant 0 : i32
    %dma_start3A_34 = tpu.memref_slice %arg4[%add3A, %dma_start3A_27, %dma_start3A_32, %dma_start3A_33] : memref<32x10x8x128xi32, #tpu.memory_space<hbm>> -> memref<1x1x8x128xi32, #tpu.memory_space<hbm>>
    %dma_start3A_35 = tpu.memref_squeeze %dma_start3A_34 : memref<1x1x8x128xi32, #tpu.memory_space<hbm>> -> memref<8x128xi32, #tpu.memory_space<hbm>>
    tpu.enqueue_dma source(%dma_start3A_35 : memref<8x128xi32, #tpu.memory_space<hbm>>) target(%arg9 : memref<8x128xi32, #tpu.memory_space<vmem>>) target_semaphore(%arg15 : memref<!tpu.dma_semaphore, #tpu.memory_space<semaphore_mem>>)
    %broadcast_in_dim3A = arith.constant 0.000000e+00 : f32
    %broadcast_in_dim3A_36 = vector.broadcast %broadcast_in_dim3A : f32 to vector<16xf32>
    %scan3A = arith.constant 0 : i32
    %scan3A_37 = arith.constant 0 : i32
    %scan3A_38 = arith.constant 1024 : i32
    %scan3A_39 = arith.addi %scan3A_37, %scan3A_38 : i32
    %scan3A_40 = arith.constant 1 : i32
    scf.for %scan3A_749 = %scan3A_37 to %scan3A_39 step %scan3A_40  : i32 {
      %jit3A = arith.constant 8 : i32
      %div3A = arith.divsi %scan3A_749, %jit3A : i32
      %sign3A = arith.constant 0 : i32
      %sign3A_750 = arith.cmpi sgt, %scan3A_749, %sign3A : i32
      %sign3A_751 = arith.extui %sign3A_750 : i1 to i32
      %sign3A_752 = arith.constant 0 : i32
      %sign3A_753 = arith.cmpi slt, %scan3A_749, %sign3A_752 : i32
      %sign3A_754 = arith.extui %sign3A_753 : i1 to i32
      %sign3A_755 = arith.subi %sign3A_751, %sign3A_754 : i32
      %sign3A_756 = arith.constant 0 : i32
      %sign3A_757 = arith.cmpi sgt, %jit3A, %sign3A_756 : i32
      %sign3A_758 = arith.extui %sign3A_757 : i1 to i32
      %sign3A_759 = arith.constant 0 : i32
      %sign3A_760 = arith.cmpi slt, %jit3A, %sign3A_759 : i32
      %sign3A_761 = arith.extui %sign3A_760 : i1 to i32
      %sign3A_762 = arith.subi %sign3A_758, %sign3A_761 : i32
      %ne3A = arith.cmpi ne, %sign3A_755, %sign3A_762 : i32
      %rem3A = arith.remsi %scan3A_749, %jit3A : i32
      %ne3A_763 = arith.constant 0 : i32
      %ne3A_764 = arith.cmpi ne, %rem3A, %ne3A_763 : i32
      %and3A = arith.andi %ne3A, %ne3A_764 : i1
      %sub3A = arith.constant 1 : i32
      %sub3A_765 = arith.subi %div3A, %sub3A : i32
      %select_n3A = arith.select %and3A, %sub3A_765, %div3A : i32
      %mul3A_766 = arith.constant 8 : i32
      %mul3A_767 = arith.muli %select_n3A, %mul3A_766 : i32
      %sub3A_768 = arith.subi %scan3A_749, %mul3A_767 : i32
      %mul3A_769 = arith.constant 16 : i32
      %mul3A_770 = arith.muli %sub3A_768, %mul3A_769 : i32
      %swap3A = arith.index_cast %select_n3A : i32 to index
      %swap3A_771 = arith.index_cast %mul3A_770 : i32 to index
      %swap3A_772 = tpu.vector_load %arg10[%swap3A, %swap3A_771] {strides = array<i32>} : memref<128x128xf32, #tpu.memory_space<vmem>>, vector<1x16xf32>,
      %swap3A_773 = vector.shape_cast %swap3A_772 : vector<1x16xf32> to vector<16xf32>
      %swap3A_774 = vector.shape_cast %broadcast_in_dim3A_36 : vector<16xf32> to vector<1x16xf32>
      tpu.vector_store %arg10[%swap3A, %swap3A_771], %swap3A_774 {strides = array<i32>} : memref<128x128xf32, #tpu.memory_space<vmem>>, vector<1x16xf32>,
    }
    %scan3A_41 = arith.constant 1024 : i32
    %mul3A_42 = arith.constant 640 : i32
    %mul3A_43 = arith.muli %arg1, %mul3A_42 : i32
    %add3A_44 = arith.constant 0 : i32
    %add3A_45 = arith.addi %mul3A_43, %add3A_44 : i32
    "tpu.region"() ({
      %run_scoped3A_749 = tpu.sem_alloc : memref<!tpu.dma_semaphore, #tpu.memory_space<semaphore_mem>>
      %dma_start3A_750 = arith.constant 0 : i32
      %dma_start3A_751 = tpu.memref_slice %arg12[%add3A_45, %dma_start3A_750] : memref<10240x128xf32, #tpu.memory_space<vmem_shared>> -> memref<128x128xf32, #tpu.memory_space<vmem_shared>>
      %dma_start3A_752 = arith.constant 0 : i32
      %dma_start3A_753 = tpu.memref_slice %arg12[%add3A_45, %dma_start3A_752] : memref<10240x128xf32, #tpu.memory_space<vmem_shared>> -> memref<128x128xf32, #tpu.memory_space<vmem_shared>>
      tpu.enqueue_dma source(%arg10 : memref<128x128xf32, #tpu.memory_space<vmem>>) target(%dma_start3A_753 : memref<128x128xf32, #tpu.memory_space<vmem_shared>>) target_semaphore(%run_scoped3A_749 : memref<!tpu.dma_semaphore, #tpu.memory_space<semaphore_mem>>)
      %dma_wait3A_754 = arith.constant 0 : i32
      %dma_wait3A_755 = tpu.memref_slice %arg12[%add3A_45, %dma_wait3A_754] : memref<10240x128xf32, #tpu.memory_space<vmem_shared>> -> memref<128x128xf32, #tpu.memory_space<vmem_shared>>
      %dma_wait3A_756 = arith.constant 0 : i32
      %dma_wait3A_757 = tpu.memref_slice %arg12[%add3A_45, %dma_wait3A_756] : memref<10240x128xf32, #tpu.memory_space<vmem_shared>> -> memref<128x128xf32, #tpu.memory_space<vmem_shared>>
      tpu.wait_dma2 semaphore(%run_scoped3A_749 : memref<!tpu.dma_semaphore, #tpu.memory_space<semaphore_mem>>) src(%arg10 : memref<128x128xf32, #tpu.memory_space<vmem>>) dst(%dma_wait3A_757 : memref<128x128xf32, #tpu.memory_space<vmem_shared>>)
      tpu.yield
    }) : () -> ()
    %mul3A_46 = arith.constant 640 : i32
    %mul3A_47 = arith.muli %arg1, %mul3A_46 : i32
    %add3A_48 = arith.constant 128 : i32
    %add3A_49 = arith.addi %mul3A_47, %add3A_48 : i32
    "tpu.region"() ({
      %run_scoped3A_749 = tpu.sem_alloc : memref<!tpu.dma_semaphore, #tpu.memory_space<semaphore_mem>>
      %dma_start3A_750 = arith.constant 0 : i32
      %dma_start3A_751 = tpu.memref_slice %arg12[%add3A_49, %dma_start3A_750] : memref<10240x128xf32, #tpu.memory_space<vmem_shared>> -> memref<128x128xf32, #tpu.memory_space<vmem_shared>>
      %dma_start3A_752 = arith.constant 0 : i32
      %dma_start3A_753 = tpu.memref_slice %arg12[%add3A_49, %dma_start3A_752] : memref<10240x128xf32, #tpu.memory_space<vmem_shared>> -> memref<128x128xf32, #tpu.memory_space<vmem_shared>>
      tpu.enqueue_dma source(%arg10 : memref<128x128xf32, #tpu.memory_space<vmem>>) target(%dma_start3A_753 : memref<128x128xf32, #tpu.memory_space<vmem_shared>>) target_semaphore(%run_scoped3A_749 : memref<!tpu.dma_semaphore, #tpu.memory_space<semaphore_mem>>)
      %dma_wait3A_754 = arith.constant 0 : i32
      %dma_wait3A_755 = tpu.memref_slice %arg12[%add3A_49, %dma_wait3A_754] : memref<10240x128xf32, #tpu.memory_space<vmem_shared>> -> memref<128x128xf32, #tpu.memory_space<vmem_shared>>
      %dma_wait3A_756 = arith.constant 0 : i32
      %dma_wait3A_757 = tpu.memref_slice %arg12[%add3A_49, %dma_wait3A_756] : memref<10240x128xf32, #tpu.memory_space<vmem_shared>> -> memref<128x128xf32, #tpu.memory_space<vmem_shared>>
      tpu.wait_dma2 semaphore(%run_scoped3A_749 : memref<!tpu.dma_semaphore, #tpu.memory_space<semaphore_mem>>) src(%arg10 : memref<128x128xf32, #tpu.memory_space<vmem>>) dst(%dma_wait3A_757 : memref<128x128xf32, #tpu.memory_space<vmem_shared>>)
      tpu.yield
    }) : () -> ()
    %mul3A_50 = arith.constant 640 : i32
    %mul3A_51 = arith.muli %arg1, %mul3A_50 : i32
    %add3A_52 = arith.constant 256 : i32
    %add3A_53 = arith.addi %mul3A_51, %add3A_52 : i32
    "tpu.region"() ({
      %run_scoped3A_749 = tpu.sem_alloc : memref<!tpu.dma_semaphore, #tpu.memory_space<semaphore_mem>>
      %dma_start3A_750 = arith.constant 0 : i32
      %dma_start3A_751 = tpu.memref_slice %arg12[%add3A_53, %dma_start3A_750] : memref<10240x128xf32, #tpu.memory_space<vmem_shared>> -> memref<128x128xf32, #tpu.memory_space<vmem_shared>>
      %dma_start3A_752 = arith.constant 0 : i32
      %dma_start3A_753 = tpu.memref_slice %arg12[%add3A_53, %dma_start3A_752] : memref<10240x128xf32, #tpu.memory_space<vmem_shared>> -> memref<128x128xf32, #tpu.memory_space<vmem_shared>>
      tpu.enqueue_dma source(%arg10 : memref<128x128xf32, #tpu.memory_space<vmem>>) target(%dma_start3A_753 : memref<128x128xf32, #tpu.memory_space<vmem_shared>>) target_semaphore(%run_scoped3A_749 : memref<!tpu.dma_semaphore, #tpu.memory_space<semaphore_mem>>)
      %dma_wait3A_754 = arith.constant 0 : i32
      %dma_wait3A_755 = tpu.memref_slice %arg12[%add3A_53, %dma_wait3A_754] : memref<10240x128xf32, #tpu.memory_space<vmem_shared>> -> memref<128x128xf32, #tpu.memory_space<vmem_shared>>
      %dma_wait3A_756 = arith.constant 0 : i32
      %dma_wait3A_757 = tpu.memref_slice %arg12[%add3A_53, %dma_wait3A_756] : memref<10240x128xf32, #tpu.memory_space<vmem_shared>> -> memref<128x128xf32, #tpu.memory_space<vmem_shared>>
      tpu.wait_dma2 semaphore(%run_scoped3A_749 : memref<!tpu.dma_semaphore, #tpu.memory_space<semaphore_mem>>) src(%arg10 : memref<128x128xf32, #tpu.memory_space<vmem>>) dst(%dma_wait3A_757 : memref<128x128xf32, #tpu.memory_space<vmem_shared>>)
      tpu.yield
    }) : () -> ()
    %mul3A_54 = arith.constant 640 : i32
    %mul3A_55 = arith.muli %arg1, %mul3A_54 : i32
    %add3A_56 = arith.constant 384 : i32
    %add3A_57 = arith.addi %mul3A_55, %add3A_56 : i32
    "tpu.region"() ({
      %run_scoped3A_749 = tpu.sem_alloc : memref<!tpu.dma_semaphore, #tpu.memory_space<semaphore_mem>>
      %dma_start3A_750 = arith.constant 0 : i32
      %dma_start3A_751 = tpu.memref_slice %arg12[%add3A_57, %dma_start3A_750] : memref<10240x128xf32, #tpu.memory_space<vmem_shared>> -> memref<128x128xf32, #tpu.memory_space<vmem_shared>>
      %dma_start3A_752 = arith.constant 0 : i32
      %dma_start3A_753 = tpu.memref_slice %arg12[%add3A_57, %dma_start3A_752] : memref<10240x128xf32, #tpu.memory_space<vmem_shared>> -> memref<128x128xf32, #tpu.memory_space<vmem_shared>>
      tpu.enqueue_dma source(%arg10 : memref<128x128xf32, #tpu.memory_space<vmem>>) target(%dma_start3A_753 : memref<128x128xf32, #tpu.memory_space<vmem_shared>>) target_semaphore(%run_scoped3A_749 : memref<!tpu.dma_semaphore, #tpu.memory_space<semaphore_mem>>)
      %dma_wait3A_754 = arith.constant 0 : i32
      %dma_wait3A_755 = tpu.memref_slice %arg12[%add3A_57, %dma_wait3A_754] : memref<10240x128xf32, #tpu.memory_space<vmem_shared>> -> memref<128x128xf32, #tpu.memory_space<vmem_shared>>
      %dma_wait3A_756 = arith.constant 0 : i32
      %dma_wait3A_757 = tpu.memref_slice %arg12[%add3A_57, %dma_wait3A_756] : memref<10240x128xf32, #tpu.memory_space<vmem_shared>> -> memref<128x128xf32, #tpu.memory_space<vmem_shared>>
      tpu.wait_dma2 semaphore(%run_scoped3A_749 : memref<!tpu.dma_semaphore, #tpu.memory_space<semaphore_mem>>) src(%arg10 : memref<128x128xf32, #tpu.memory_space<vmem>>) dst(%dma_wait3A_757 : memref<128x128xf32, #tpu.memory_space<vmem_shared>>)
      tpu.yield
    }) : () -> ()
    %mul3A_58 = arith.constant 640 : i32
    %mul3A_59 = arith.muli %arg1, %mul3A_58 : i32
    %add3A_60 = arith.constant 512 : i32
    %add3A_61 = arith.addi %mul3A_59, %add3A_60 : i32
    "tpu.region"() ({
      %run_scoped3A_749 = tpu.sem_alloc : memref<!tpu.dma_semaphore, #tpu.memory_space<semaphore_mem>>
      %dma_start3A_750 = arith.constant 0 : i32
      %dma_start3A_751 = tpu.memref_slice %arg12[%add3A_61, %dma_start3A_750] : memref<10240x128xf32, #tpu.memory_space<vmem_shared>> -> memref<128x128xf32, #tpu.memory_space<vmem_shared>>
      %dma_start3A_752 = arith.constant 0 : i32
      %dma_start3A_753 = tpu.memref_slice %arg12[%add3A_61, %dma_start3A_752] : memref<10240x128xf32, #tpu.memory_space<vmem_shared>> -> memref<128x128xf32, #tpu.memory_space<vmem_shared>>
      tpu.enqueue_dma source(%arg10 : memref<128x128xf32, #tpu.memory_space<vmem>>) target(%dma_start3A_753 : memref<128x128xf32, #tpu.memory_space<vmem_shared>>) target_semaphore(%run_scoped3A_749 : memref<!tpu.dma_semaphore, #tpu.memory_space<semaphore_mem>>)
      %dma_wait3A_754 = arith.constant 0 : i32
      %dma_wait3A_755 = tpu.memref_slice %arg12[%add3A_61, %dma_wait3A_754] : memref<10240x128xf32, #tpu.memory_space<vmem_shared>> -> memref<128x128xf32, #tpu.memory_space<vmem_shared>>
      %dma_wait3A_756 = arith.constant 0 : i32
      %dma_wait3A_757 = tpu.memref_slice %arg12[%add3A_61, %dma_wait3A_756] : memref<10240x128xf32, #tpu.memory_space<vmem_shared>> -> memref<128x128xf32, #tpu.memory_space<vmem_shared>>
      tpu.wait_dma2 semaphore(%run_scoped3A_749 : memref<!tpu.dma_semaphore, #tpu.memory_space<semaphore_mem>>) src(%arg10 : memref<128x128xf32, #tpu.memory_space<vmem>>) dst(%dma_wait3A_757 : memref<128x128xf32, #tpu.memory_space<vmem_shared>>)
      tpu.yield
    }) : () -> ()
    %dma_wait3A = arith.constant 0 : i32
    %dma_wait3A_62 = arith.constant 0 : i32
    %dma_wait3A_63 = arith.constant 0 : i32
    %dma_wait3A_64 = tpu.memref_slice %arg3[%add3A, %dma_wait3A, %dma_wait3A_62, %dma_wait3A_63] : memref<32x10x8x128xi32, #tpu.memory_space<hbm>> -> memref<1x1x8x128xi32, #tpu.memory_space<hbm>>
    %dma_wait3A_65 = tpu.memref_squeeze %dma_wait3A_64 : memref<1x1x8x128xi32, #tpu.memory_space<hbm>> -> memref<8x128xi32, #tpu.memory_space<hbm>>
    %dma_wait3A_66 = arith.constant 0 : i32
    %dma_wait3A_67 = arith.constant 0 : i32
    %dma_wait3A_68 = tpu.memref_slice %arg3[%add3A, %dma_wait3A, %dma_wait3A_66, %dma_wait3A_67] : memref<32x10x8x128xi32, #tpu.memory_space<hbm>> -> memref<1x1x8x128xi32, #tpu.memory_space<hbm>>
    %dma_wait3A_69 = tpu.memref_squeeze %dma_wait3A_68 : memref<1x1x8x128xi32, #tpu.memory_space<hbm>> -> memref<8x128xi32, #tpu.memory_space<hbm>>
    tpu.wait_dma2 semaphore(%arg16 : memref<!tpu.dma_semaphore, #tpu.memory_space<semaphore_mem>>) src(%dma_wait3A_69 : memref<8x128xi32, #tpu.memory_space<hbm>>) dst(%arg6 : memref<8x128xi32, #tpu.memory_space<vmem>>)
    %dma_wait3A_70 = arith.constant 0 : i32
    %dma_wait3A_71 = arith.constant 0 : i32
    %dma_wait3A_72 = arith.constant 0 : i32
    %dma_wait3A_73 = tpu.memref_slice %arg4[%add3A, %dma_wait3A_70, %dma_wait3A_71, %dma_wait3A_72] : memref<32x10x8x128xi32, #tpu.memory_space<hbm>> -> memref<1x1x8x128xi32, #tpu.memory_space<hbm>>
    %dma_wait3A_74 = tpu.memref_squeeze %dma_wait3A_73 : memref<1x1x8x128xi32, #tpu.memory_space<hbm>> -> memref<8x128xi32, #tpu.memory_space<hbm>>
    %dma_wait3A_75 = arith.constant 0 : i32
    %dma_wait3A_76 = arith.constant 0 : i32
    %dma_wait3A_77 = tpu.memref_slice %arg4[%add3A, %dma_wait3A_70, %dma_wait3A_75, %dma_wait3A_76] : memref<32x10x8x128xi32, #tpu.memory_space<hbm>> -> memref<1x1x8x128xi32, #tpu.memory_space<hbm>>
    %dma_wait3A_78 = tpu.memref_squeeze %dma_wait3A_77 : memref<1x1x8x128xi32, #tpu.memory_space<hbm>> -> memref<8x128xi32, #tpu.memory_space<hbm>>
    tpu.wait_dma2 semaphore(%arg16 : memref<!tpu.dma_semaphore, #tpu.memory_space<semaphore_mem>>) src(%dma_wait3A_78 : memref<8x128xi32, #tpu.memory_space<hbm>>) dst(%arg8 : memref<8x128xi32, #tpu.memory_space<vmem>>)
    %dma_start3A_79 = arith.constant 0 : i32
    %dma_start3A_80 = arith.constant 0 : i32
    %dma_start3A_81 = tpu.memref_slice %arg6[%dma_start3A_79, %dma_start3A_80] : memref<8x128xi32, #tpu.memory_space<vmem>> -> memref<1x128xi32, #tpu.memory_space<vmem>>
    %dma_start3A_82 = tpu.memref_squeeze %dma_start3A_81 : memref<1x128xi32, #tpu.memory_space<vmem>> -> memref<128xi32, #tpu.memory_space<vmem>>
    %dma_start3A_83 = arith.constant 0 : i32
    %dma_start3A_84 = arith.constant 0 : i32
    %dma_start3A_85 = tpu.memref_slice %arg2[%dma_start3A_83, %dma_start3A_84] : memref<10240x128xf32, #tpu.memory_space<hbm>> -> memref<10240x128xf32, #tpu.memory_space<hbm>>
    tpu.enqueue_indirect_dma source(%dma_start3A_85 : memref<10240x128xf32, #tpu.memory_space<hbm>>) target(%arg10 : memref<128x128xf32, #tpu.memory_space<vmem>>) offsets(%dma_start3A_82 : memref<128xi32, #tpu.memory_space<vmem>>) semaphore(%arg13 : memref<!tpu.dma_semaphore, #tpu.memory_space<semaphore_mem>>)
    %barrier3A = arith.constant 0 : index
    tpu.barrier barrier_id(%barrier3A)
    %scan3A_86 = arith.constant 0 : i32
    %scan3A_87 = arith.constant 0 : i32
    %scan3A_88 = arith.constant 3 : i32
    %scan3A_89 = arith.addi %scan3A_87, %scan3A_88 : i32
    %scan3A_90 = arith.constant 1 : i32
    scf.for %scan3A_749 = %scan3A_87 to %scan3A_89 step %scan3A_90  : i32 {
      %mul3A_750 = arith.constant 2 : i32
      %mul3A_751 = arith.muli %scan3A_749, %mul3A_750 : i32
      %add3A_752 = arith.constant 1 : i32
      %add3A_753 = arith.addi %mul3A_751, %add3A_752 : i32
      %dma_start3A_754 = arith.constant 0 : i32
      %dma_start3A_755 = tpu.memref_slice %arg6[%add3A_753, %dma_start3A_754] : memref<8x128xi32, #tpu.memory_space<vmem>> -> memref<1x128xi32, #tpu.memory_space<vmem>>
      %dma_start3A_756 = tpu.memref_squeeze %dma_start3A_755 : memref<1x128xi32, #tpu.memory_space<vmem>> -> memref<128xi32, #tpu.memory_space<vmem>>
      %dma_start3A_757 = arith.constant 0 : i32
      %dma_start3A_758 = arith.constant 0 : i32
      %dma_start3A_759 = tpu.memref_slice %arg2[%dma_start3A_757, %dma_start3A_758] : memref<10240x128xf32, #tpu.memory_space<hbm>> -> memref<10240x128xf32, #tpu.memory_space<hbm>>
      tpu.enqueue_indirect_dma source(%dma_start3A_759 : memref<10240x128xf32, #tpu.memory_space<hbm>>) target(%arg11 : memref<128x128xf32, #tpu.memory_space<vmem>>) offsets(%dma_start3A_756 : memref<128xi32, #tpu.memory_space<vmem>>) semaphore(%arg14 : memref<!tpu.dma_semaphore, #tpu.memory_space<semaphore_mem>>)
      %dma_wait3A_760 = arith.constant 0 : i32
      %dma_wait3A_761 = tpu.memref_slice %arg6[%mul3A_751, %dma_wait3A_760] : memref<8x128xi32, #tpu.memory_space<vmem>> -> memref<1x128xi32, #tpu.memory_space<vmem>>
      %dma_wait3A_762 = tpu.memref_squeeze %dma_wait3A_761 : memref<1x128xi32, #tpu.memory_space<vmem>> -> memref<128xi32, #tpu.memory_space<vmem>>
      %dma_wait3A_763 = arith.constant 0 : i32
      %dma_wait3A_764 = arith.constant 0 : i32
      %dma_wait3A_765 = tpu.memref_slice %arg2[%dma_wait3A_763, %dma_wait3A_764] : memref<10240x128xf32, #tpu.memory_space<hbm>> -> memref<10240x128xf32, #tpu.memory_space<hbm>>
      tpu.wait_indirect_dma semaphore(%arg13 : memref<!tpu.dma_semaphore, #tpu.memory_space<semaphore_mem>>) src(%dma_wait3A_765 : memref<10240x128xf32, #tpu.memory_space<hbm>>) dst(%arg10 : memref<128x128xf32, #tpu.memory_space<vmem>>)
      "tpu.region"() ({
        %run_scoped3A_780 = tpu.sem_alloc : memref<!tpu.dma_semaphore, #tpu.memory_space<semaphore_mem>>
        %dma_start3A_781 = arith.constant 0 : i32
        %dma_start3A_782 = tpu.memref_slice %arg8[%mul3A_751, %dma_start3A_781] : memref<8x128xi32, #tpu.memory_space<vmem>> -> memref<1x128xi32, #tpu.memory_space<vmem>>
        %dma_start3A_783 = tpu.memref_squeeze %dma_start3A_782 : memref<1x128xi32, #tpu.memory_space<vmem>> -> memref<128xi32, #tpu.memory_space<vmem>>
        %dma_start3A_784 = arith.constant 0 : i32
        %dma_start3A_785 = arith.constant 0 : i32
        %dma_start3A_786 = tpu.memref_slice %arg12[%dma_start3A_784, %dma_start3A_785] : memref<10240x128xf32, #tpu.memory_space<vmem_shared>> -> memref<10240x128xf32, #tpu.memory_space<vmem_shared>>
        tpu.enqueue_indirect_dma source(%arg10 : memref<128x128xf32, #tpu.memory_space<vmem>>) target(%dma_start3A_786 : memref<10240x128xf32, #tpu.memory_space<vmem_shared>>) offsets(%dma_start3A_783 : memref<128xi32, #tpu.memory_space<vmem>>) semaphore(%run_scoped3A_780 : memref<!tpu.dma_semaphore, #tpu.memory_space<semaphore_mem>>) {add = true}
        %dma_wait3A_787 = arith.constant 0 : i32
        %dma_wait3A_788 = tpu.memref_slice %arg8[%mul3A_751, %dma_wait3A_787] : memref<8x128xi32, #tpu.memory_space<vmem>> -> memref<1x128xi32, #tpu.memory_space<vmem>>
        %dma_wait3A_789 = tpu.memref_squeeze %dma_wait3A_788 : memref<1x128xi32, #tpu.memory_space<vmem>> -> memref<128xi32, #tpu.memory_space<vmem>>
        %dma_wait3A_790 = arith.constant 0 : i32
        %dma_wait3A_791 = arith.constant 0 : i32
        %dma_wait3A_792 = tpu.memref_slice %arg12[%dma_wait3A_790, %dma_wait3A_791] : memref<10240x128xf32, #tpu.memory_space<vmem_shared>> -> memref<10240x128xf32, #tpu.memory_space<vmem_shared>>
        tpu.wait_indirect_dma semaphore(%run_scoped3A_780 : memref<!tpu.dma_semaphore, #tpu.memory_space<semaphore_mem>>) src(%arg10 : memref<128x128xf32, #tpu.memory_space<vmem>>) dst(%dma_wait3A_792 : memref<10240x128xf32, #tpu.memory_space<vmem_shared>>)
        tpu.yield
      }) : () -> ()
      %add3A_766 = arith.constant 2 : i32
      %add3A_767 = arith.addi %mul3A_751, %add3A_766 : i32
      %dma_start3A_768 = arith.constant 0 : i32
      %dma_start3A_769 = tpu.memref_slice %arg6[%add3A_767, %dma_start3A_768] : memref<8x128xi32, #tpu.memory_space<vmem>> -> memref<1x128xi32, #tpu.memory_space<vmem>>
      %dma_start3A_770 = tpu.memref_squeeze %dma_start3A_769 : memref<1x128xi32, #tpu.memory_space<vmem>> -> memref<128xi32, #tpu.memory_space<vmem>>
      %dma_start3A_771 = arith.constant 0 : i32
      %dma_start3A_772 = arith.constant 0 : i32
      %dma_start3A_773 = tpu.memref_slice %arg2[%dma_start3A_771, %dma_start3A_772] : memref<10240x128xf32, #tpu.memory_space<hbm>> -> memref<10240x128xf32, #tpu.memory_space<hbm>>
      tpu.enqueue_indirect_dma source(%dma_start3A_773 : memref<10240x128xf32, #tpu.memory_space<hbm>>) target(%arg10 : memref<128x128xf32, #tpu.memory_space<vmem>>) offsets(%dma_start3A_770 : memref<128xi32, #tpu.memory_space<vmem>>) semaphore(%arg13 : memref<!tpu.dma_semaphore, #tpu.memory_space<semaphore_mem>>)
      %dma_wait3A_774 = arith.constant 0 : i32
      %dma_wait3A_775 = tpu.memref_slice %arg6[%add3A_753, %dma_wait3A_774] : memref<8x128xi32, #tpu.memory_space<vmem>> -> memref<1x128xi32, #tpu.memory_space<vmem>>
      %dma_wait3A_776 = tpu.memref_squeeze %dma_wait3A_775 : memref<1x128xi32, #tpu.memory_space<vmem>> -> memref<128xi32, #tpu.memory_space<vmem>>
      %dma_wait3A_777 = arith.constant 0 : i32
      %dma_wait3A_778 = arith.constant 0 : i32
      %dma_wait3A_779 = tpu.memref_slice %arg2[%dma_wait3A_777, %dma_wait3A_778] : memref<10240x128xf32, #tpu.memory_space<hbm>> -> memref<10240x128xf32, #tpu.memory_space<hbm>>
      tpu.wait_indirect_dma semaphore(%arg14 : memref<!tpu.dma_semaphore, #tpu.memory_space<semaphore_mem>>) src(%dma_wait3A_779 : memref<10240x128xf32, #tpu.memory_space<hbm>>) dst(%arg11 : memref<128x128xf32, #tpu.memory_space<vmem>>)
      "tpu.region"() ({
        %run_scoped3A_780 = tpu.sem_alloc : memref<!tpu.dma_semaphore, #tpu.memory_space<semaphore_mem>>
        %dma_start3A_781 = arith.constant 0 : i32
        %dma_start3A_782 = tpu.memref_slice %arg8[%add3A_753, %dma_start3A_781] : memref<8x128xi32, #tpu.memory_space<vmem>> -> memref<1x128xi32, #tpu.memory_space<vmem>>
        %dma_start3A_783 = tpu.memref_squeeze %dma_start3A_782 : memref<1x128xi32, #tpu.memory_space<vmem>> -> memref<128xi32, #tpu.memory_space<vmem>>
        %dma_start3A_784 = arith.constant 0 : i32
        %dma_start3A_785 = arith.constant 0 : i32
        %dma_start3A_786 = tpu.memref_slice %arg12[%dma_start3A_784, %dma_start3A_785] : memref<10240x128xf32, #tpu.memory_space<vmem_shared>> -> memref<10240x128xf32, #tpu.memory_space<vmem_shared>>
        tpu.enqueue_indirect_dma source(%arg11 : memref<128x128xf32, #tpu.memory_space<vmem>>) target(%dma_start3A_786 : memref<10240x128xf32, #tpu.memory_space<vmem_shared>>) offsets(%dma_start3A_783 : memref<128xi32, #tpu.memory_space<vmem>>) semaphore(%run_scoped3A_780 : memref<!tpu.dma_semaphore, #tpu.memory_space<semaphore_mem>>) {add = true}
        %dma_wait3A_787 = arith.constant 0 : i32
        %dma_wait3A_788 = tpu.memref_slice %arg8[%add3A_753, %dma_wait3A_787] : memref<8x128xi32, #tpu.memory_space<vmem>> -> memref<1x128xi32, #tpu.memory_space<vmem>>
        %dma_wait3A_789 = tpu.memref_squeeze %dma_wait3A_788 : memref<1x128xi32, #tpu.memory_space<vmem>> -> memref<128xi32, #tpu.memory_space<vmem>>
        %dma_wait3A_790 = arith.constant 0 : i32
        %dma_wait3A_791 = arith.constant 0 : i32
        %dma_wait3A_792 = tpu.memref_slice %arg12[%dma_wait3A_790, %dma_wait3A_791] : memref<10240x128xf32, #tpu.memory_space<vmem_shared>> -> memref<10240x128xf32, #tpu.memory_space<vmem_shared>>
        tpu.wait_indirect_dma semaphore(%run_scoped3A_780 : memref<!tpu.dma_semaphore, #tpu.memory_space<semaphore_mem>>) src(%arg11 : memref<128x128xf32, #tpu.memory_space<vmem>>) dst(%dma_wait3A_792 : memref<10240x128xf32, #tpu.memory_space<vmem_shared>>)
        tpu.yield
      }) : () -> ()
    }
    %scan3A_91 = arith.constant 3 : i32
    %dma_start3A_92 = arith.constant 7 : i32
    %dma_start3A_93 = arith.constant 0 : i32
    %dma_start3A_94 = tpu.memref_slice %arg6[%dma_start3A_92, %dma_start3A_93] : memref<8x128xi32, #tpu.memory_space<vmem>> -> memref<1x128xi32, #tpu.memory_space<vmem>>
    %dma_start3A_95 = tpu.memref_squeeze %dma_start3A_94 : memref<1x128xi32, #tpu.memory_space<vmem>> -> memref<128xi32, #tpu.memory_space<vmem>>
    %dma_start3A_96 = arith.constant 0 : i32
    %dma_start3A_97 = arith.constant 0 : i32
    %dma_start3A_98 = tpu.memref_slice %arg2[%dma_start3A_96, %dma_start3A_97] : memref<10240x128xf32, #tpu.memory_space<hbm>> -> memref<10240x128xf32, #tpu.memory_space<hbm>>
    tpu.enqueue_indirect_dma source(%dma_start3A_98 : memref<10240x128xf32, #tpu.memory_space<hbm>>) target(%arg11 : memref<128x128xf32, #tpu.memory_space<vmem>>) offsets(%dma_start3A_95 : memref<128xi32, #tpu.memory_space<vmem>>) semaphore(%arg14 : memref<!tpu.dma_semaphore, #tpu.memory_space<semaphore_mem>>)
    %dma_wait3A_99 = arith.constant 6 : i32
    %dma_wait3A_100 = arith.constant 0 : i32
    %dma_wait3A_101 = tpu.memref_slice %arg6[%dma_wait3A_99, %dma_wait3A_100] : memref<8x128xi32, #tpu.memory_space<vmem>> -> memref<1x128xi32, #tpu.memory_space<vmem>>
    %dma_wait3A_102 = tpu.memref_squeeze %dma_wait3A_101 : memref<1x128xi32, #tpu.memory_space<vmem>> -> memref<128xi32, #tpu.memory_space<vmem>>
    %dma_wait3A_103 = arith.constant 0 : i32
    %dma_wait3A_104 = arith.constant 0 : i32
    %dma_wait3A_105 = tpu.memref_slice %arg2[%dma_wait3A_103, %dma_wait3A_104] : memref<10240x128xf32, #tpu.memory_space<hbm>> -> memref<10240x128xf32, #tpu.memory_space<hbm>>
    tpu.wait_indirect_dma semaphore(%arg13 : memref<!tpu.dma_semaphore, #tpu.memory_space<semaphore_mem>>) src(%dma_wait3A_105 : memref<10240x128xf32, #tpu.memory_space<hbm>>) dst(%arg10 : memref<128x128xf32, #tpu.memory_space<vmem>>)
    %run_scoped3A = arith.constant 6 : i32
    "tpu.region"() ({
      %run_scoped3A_749 = tpu.sem_alloc : memref<!tpu.dma_semaphore, #tpu.memory_space<semaphore_mem>>
      %dma_start3A_750 = arith.constant 0 : i32
      %dma_start3A_751 = tpu.memref_slice %arg8[%run_scoped3A, %dma_start3A_750] : memref<8x128xi32, #tpu.memory_space<vmem>> -> memref<1x128xi32, #tpu.memory_space<vmem>>
      %dma_start3A_752 = tpu.memref_squeeze %dma_start3A_751 : memref<1x128xi32, #tpu.memory_space<vmem>> -> memref<128xi32, #tpu.memory_space<vmem>>
      %dma_start3A_753 = arith.constant 0 : i32
      %dma_start3A_754 = arith.constant 0 : i32
      %dma_start3A_755 = tpu.memref_slice %arg12[%dma_start3A_753, %dma_start3A_754] : memref<10240x128xf32, #tpu.memory_space<vmem_shared>> -> memref<10240x128xf32, #tpu.memory_space<vmem_shared>>
      tpu.enqueue_indirect_dma source(%arg10 : memref<128x128xf32, #tpu.memory_space<vmem>>) target(%dma_start3A_755 : memref<10240x128xf32, #tpu.memory_space<vmem_shared>>) offsets(%dma_start3A_752 : memref<128xi32, #tpu.memory_space<vmem>>) semaphore(%run_scoped3A_749 : memref<!tpu.dma_semaphore, #tpu.memory_space<semaphore_mem>>) {add = true}
      %dma_wait3A_756 = arith.constant 0 : i32
      %dma_wait3A_757 = tpu.memref_slice %arg8[%run_scoped3A, %dma_wait3A_756] : memref<8x128xi32, #tpu.memory_space<vmem>> -> memref<1x128xi32, #tpu.memory_space<vmem>>
      %dma_wait3A_758 = tpu.memref_squeeze %dma_wait3A_757 : memref<1x128xi32, #tpu.memory_space<vmem>> -> memref<128xi32, #tpu.memory_space<vmem>>
      %dma_wait3A_759 = arith.constant 0 : i32
      %dma_wait3A_760 = arith.constant 0 : i32
      %dma_wait3A_761 = tpu.memref_slice %arg12[%dma_wait3A_759, %dma_wait3A_760] : memref<10240x128xf32, #tpu.memory_space<vmem_shared>> -> memref<10240x128xf32, #tpu.memory_space<vmem_shared>>
      tpu.wait_indirect_dma semaphore(%run_scoped3A_749 : memref<!tpu.dma_semaphore, #tpu.memory_space<semaphore_mem>>) src(%arg10 : memref<128x128xf32, #tpu.memory_space<vmem>>) dst(%dma_wait3A_761 : memref<10240x128xf32, #tpu.memory_space<vmem_shared>>)
      tpu.yield
    }) : () -> ()
    %dma_wait3A_106 = arith.constant 1 : i32
    %dma_wait3A_107 = arith.constant 0 : i32
    %dma_wait3A_108 = arith.constant 0 : i32
    %dma_wait3A_109 = tpu.memref_slice %arg3[%add3A, %dma_wait3A_106, %dma_wait3A_107, %dma_wait3A_108] : memref<32x10x8x128xi32, #tpu.memory_space<hbm>> -> memref<1x1x8x128xi32, #tpu.memory_space<hbm>>
    %dma_wait3A_110 = tpu.memref_squeeze %dma_wait3A_109 : memref<1x1x8x128xi32, #tpu.memory_space<hbm>> -> memref<8x128xi32, #tpu.memory_space<hbm>>
    %dma_wait3A_111 = arith.constant 0 : i32
    %dma_wait3A_112 = arith.constant 0 : i32
    %dma_wait3A_113 = tpu.memref_slice %arg3[%add3A, %dma_wait3A_106, %dma_wait3A_111, %dma_wait3A_112] : memref<32x10x8x128xi32, #tpu.memory_space<hbm>> -> memref<1x1x8x128xi32, #tpu.memory_space<hbm>>
    %dma_wait3A_114 = tpu.memref_squeeze %dma_wait3A_113 : memref<1x1x8x128xi32, #tpu.memory_space<hbm>> -> memref<8x128xi32, #tpu.memory_space<hbm>>
    tpu.wait_dma2 semaphore(%arg15 : memref<!tpu.dma_semaphore, #tpu.memory_space<semaphore_mem>>) src(%dma_wait3A_114 : memref<8x128xi32, #tpu.memory_space<hbm>>) dst(%arg7 : memref<8x128xi32, #tpu.memory_space<vmem>>)
    %dma_wait3A_115 = arith.constant 1 : i32
    %dma_wait3A_116 = arith.constant 0 : i32
    %dma_wait3A_117 = arith.constant 0 : i32
    %dma_wait3A_118 = tpu.memref_slice %arg4[%add3A, %dma_wait3A_115, %dma_wait3A_116, %dma_wait3A_117] : memref<32x10x8x128xi32, #tpu.memory_space<hbm>> -> memref<1x1x8x128xi32, #tpu.memory_space<hbm>>
    %dma_wait3A_119 = tpu.memref_squeeze %dma_wait3A_118 : memref<1x1x8x128xi32, #tpu.memory_space<hbm>> -> memref<8x128xi32, #tpu.memory_space<hbm>>
    %dma_wait3A_120 = arith.constant 0 : i32
    %dma_wait3A_121 = arith.constant 0 : i32
    %dma_wait3A_122 = tpu.memref_slice %arg4[%add3A, %dma_wait3A_115, %dma_wait3A_120, %dma_wait3A_121] : memref<32x10x8x128xi32, #tpu.memory_space<hbm>> -> memref<1x1x8x128xi32, #tpu.memory_space<hbm>>
    %dma_wait3A_123 = tpu.memref_squeeze %dma_wait3A_122 : memref<1x1x8x128xi32, #tpu.memory_space<hbm>> -> memref<8x128xi32, #tpu.memory_space<hbm>>
    tpu.wait_dma2 semaphore(%arg15 : memref<!tpu.dma_semaphore, #tpu.memory_space<semaphore_mem>>) src(%dma_wait3A_123 : memref<8x128xi32, #tpu.memory_space<hbm>>) dst(%arg9 : memref<8x128xi32, #tpu.memory_space<vmem>>)
    %dma_start3A_124 = arith.constant 0 : i32
    %dma_start3A_125 = arith.constant 0 : i32
    %dma_start3A_126 = tpu.memref_slice %arg7[%dma_start3A_124, %dma_start3A_125] : memref<8x128xi32, #tpu.memory_space<vmem>> -> memref<1x128xi32, #tpu.memory_space<vmem>>
    %dma_start3A_127 = tpu.memref_squeeze %dma_start3A_126 : memref<1x128xi32, #tpu.memory_space<vmem>> -> memref<128xi32, #tpu.memory_space<vmem>>
    %dma_start3A_128 = arith.constant 0 : i32
    %dma_start3A_129 = arith.constant 0 : i32
    %dma_start3A_130 = tpu.memref_slice %arg2[%dma_start3A_128, %dma_start3A_129] : memref<10240x128xf32, #tpu.memory_space<hbm>> -> memref<10240x128xf32, #tpu.memory_space<hbm>>
    tpu.enqueue_indirect_dma source(%dma_start3A_130 : memref<10240x128xf32, #tpu.memory_space<hbm>>) target(%arg10 : memref<128x128xf32, #tpu.memory_space<vmem>>) offsets(%dma_start3A_127 : memref<128xi32, #tpu.memory_space<vmem>>) semaphore(%arg13 : memref<!tpu.dma_semaphore, #tpu.memory_space<semaphore_mem>>)
    %dma_wait3A_131 = arith.constant 7 : i32
    %dma_wait3A_132 = arith.constant 0 : i32
    %dma_wait3A_133 = tpu.memref_slice %arg6[%dma_wait3A_131, %dma_wait3A_132] : memref<8x128xi32, #tpu.memory_space<vmem>> -> memref<1x128xi32, #tpu.memory_space<vmem>>
    %dma_wait3A_134 = tpu.memref_squeeze %dma_wait3A_133 : memref<1x128xi32, #tpu.memory_space<vmem>> -> memref<128xi32, #tpu.memory_space<vmem>>
    %dma_wait3A_135 = arith.constant 0 : i32
    %dma_wait3A_136 = arith.constant 0 : i32
    %dma_wait3A_137 = tpu.memref_slice %arg2[%dma_wait3A_135, %dma_wait3A_136] : memref<10240x128xf32, #tpu.memory_space<hbm>> -> memref<10240x128xf32, #tpu.memory_space<hbm>>
    tpu.wait_indirect_dma semaphore(%arg14 : memref<!tpu.dma_semaphore, #tpu.memory_space<semaphore_mem>>) src(%dma_wait3A_137 : memref<10240x128xf32, #tpu.memory_space<hbm>>) dst(%arg11 : memref<128x128xf32, #tpu.memory_space<vmem>>)
    %run_scoped3A_138 = arith.constant 7 : i32
    "tpu.region"() ({
      %run_scoped3A_749 = tpu.sem_alloc : memref<!tpu.dma_semaphore, #tpu.memory_space<semaphore_mem>>
      %dma_start3A_750 = arith.constant 0 : i32
      %dma_start3A_751 = tpu.memref_slice %arg8[%run_scoped3A_138, %dma_start3A_750] : memref<8x128xi32, #tpu.memory_space<vmem>> -> memref<1x128xi32, #tpu.memory_space<vmem>>
      %dma_start3A_752 = tpu.memref_squeeze %dma_start3A_751 : memref<1x128xi32, #tpu.memory_space<vmem>> -> memref<128xi32, #tpu.memory_space<vmem>>
      %dma_start3A_753 = arith.constant 0 : i32
      %dma_start3A_754 = arith.constant 0 : i32
      %dma_start3A_755 = tpu.memref_slice %arg12[%dma_start3A_753, %dma_start3A_754] : memref<10240x128xf32, #tpu.memory_space<vmem_shared>> -> memref<10240x128xf32, #tpu.memory_space<vmem_shared>>
      tpu.enqueue_indirect_dma source(%arg11 : memref<128x128xf32, #tpu.memory_space<vmem>>) target(%dma_start3A_755 : memref<10240x128xf32, #tpu.memory_space<vmem_shared>>) offsets(%dma_start3A_752 : memref<128xi32, #tpu.memory_space<vmem>>) semaphore(%run_scoped3A_749 : memref<!tpu.dma_semaphore, #tpu.memory_space<semaphore_mem>>) {add = true}
      %dma_wait3A_756 = arith.constant 0 : i32
      %dma_wait3A_757 = tpu.memref_slice %arg8[%run_scoped3A_138, %dma_wait3A_756] : memref<8x128xi32, #tpu.memory_space<vmem>> -> memref<1x128xi32, #tpu.memory_space<vmem>>
      %dma_wait3A_758 = tpu.memref_squeeze %dma_wait3A_757 : memref<1x128xi32, #tpu.memory_space<vmem>> -> memref<128xi32, #tpu.memory_space<vmem>>
      %dma_wait3A_759 = arith.constant 0 : i32
      %dma_wait3A_760 = arith.constant 0 : i32
      %dma_wait3A_761 = tpu.memref_slice %arg12[%dma_wait3A_759, %dma_wait3A_760] : memref<10240x128xf32, #tpu.memory_space<vmem_shared>> -> memref<10240x128xf32, #tpu.memory_space<vmem_shared>>
      tpu.wait_indirect_dma semaphore(%run_scoped3A_749 : memref<!tpu.dma_semaphore, #tpu.memory_space<semaphore_mem>>) src(%arg11 : memref<128x128xf32, #tpu.memory_space<vmem>>) dst(%dma_wait3A_761 : memref<10240x128xf32, #tpu.memory_space<vmem_shared>>)
      tpu.yield
    }) : () -> ()
    %dma_start3A_139 = arith.constant 2 : i32
    %dma_start3A_140 = arith.constant 0 : i32
    %dma_start3A_141 = arith.constant 0 : i32
    %dma_start3A_142 = tpu.memref_slice %arg3[%add3A, %dma_start3A_139, %dma_start3A_140, %dma_start3A_141] : memref<32x10x8x128xi32, #tpu.memory_space<hbm>> -> memref<1x1x8x128xi32, #tpu.memory_space<hbm>>
    %dma_start3A_143 = tpu.memref_squeeze %dma_start3A_142 : memref<1x1x8x128xi32, #tpu.memory_space<hbm>> -> memref<8x128xi32, #tpu.memory_space<hbm>>
    %dma_start3A_144 = arith.constant 0 : i32
    %dma_start3A_145 = arith.constant 0 : i32
    %dma_start3A_146 = tpu.memref_slice %arg3[%add3A, %dma_start3A_139, %dma_start3A_144, %dma_start3A_145] : memref<32x10x8x128xi32, #tpu.memory_space<hbm>> -> memref<1x1x8x128xi32, #tpu.memory_space<hbm>>
    %dma_start3A_147 = tpu.memref_squeeze %dma_start3A_146 : memref<1x1x8x128xi32, #tpu.memory_space<hbm>> -> memref<8x128xi32, #tpu.memory_space<hbm>>
    tpu.enqueue_dma source(%dma_start3A_147 : memref<8x128xi32, #tpu.memory_space<hbm>>) target(%arg6 : memref<8x128xi32, #tpu.memory_space<vmem>>) target_semaphore(%arg15 : memref<!tpu.dma_semaphore, #tpu.memory_space<semaphore_mem>>)
    %dma_start3A_148 = arith.constant 2 : i32
    %dma_start3A_149 = arith.constant 0 : i32
    %dma_start3A_150 = arith.constant 0 : i32
    %dma_start3A_151 = tpu.memref_slice %arg4[%add3A, %dma_start3A_148, %dma_start3A_149, %dma_start3A_150] : memref<32x10x8x128xi32, #tpu.memory_space<hbm>> -> memref<1x1x8x128xi32, #tpu.memory_space<hbm>>
    %dma_start3A_152 = tpu.memref_squeeze %dma_start3A_151 : memref<1x1x8x128xi32, #tpu.memory_space<hbm>> -> memref<8x128xi32, #tpu.memory_space<hbm>>
    %dma_start3A_153 = arith.constant 0 : i32
    %dma_start3A_154 = arith.constant 0 : i32
    %dma_start3A_155 = tpu.memref_slice %arg4[%add3A, %dma_start3A_148, %dma_start3A_153, %dma_start3A_154] : memref<32x10x8x128xi32, #tpu.memory_space<hbm>> -> memref<1x1x8x128xi32, #tpu.memory_space<hbm>>
    %dma_start3A_156 = tpu.memref_squeeze %dma_start3A_155 : memref<1x1x8x128xi32, #tpu.memory_space<hbm>> -> memref<8x128xi32, #tpu.memory_space<hbm>>
    tpu.enqueue_dma source(%dma_start3A_156 : memref<8x128xi32, #tpu.memory_space<hbm>>) target(%arg8 : memref<8x128xi32, #tpu.memory_space<vmem>>) target_semaphore(%arg15 : memref<!tpu.dma_semaphore, #tpu.memory_space<semaphore_mem>>)
    %scan3A_157 = arith.constant 0 : i32
    %scan3A_158 = arith.constant 0 : i32
    %scan3A_159 = arith.constant 3 : i32
    %scan3A_160 = arith.addi %scan3A_158, %scan3A_159 : i32
    %scan3A_161 = arith.constant 1 : i32
    scf.for %scan3A_749 = %scan3A_158 to %scan3A_160 step %scan3A_161  : i32 {
      %mul3A_750 = arith.constant 2 : i32
      %mul3A_751 = arith.muli %scan3A_749, %mul3A_750 : i32
      %add3A_752 = arith.constant 1 : i32
      %add3A_753 = arith.addi %mul3A_751, %add3A_752 : i32
      %dma_start3A_754 = arith.constant 0 : i32
      %dma_start3A_755 = tpu.memref_slice %arg7[%add3A_753, %dma_start3A_754] : memref<8x128xi32, #tpu.memory_space<vmem>> -> memref<1x128xi32, #tpu.memory_space<vmem>>
      %dma_start3A_756 = tpu.memref_squeeze %dma_start3A_755 : memref<1x128xi32, #tpu.memory_space<vmem>> -> memref<128xi32, #tpu.memory_space<vmem>>
      %dma_start3A_757 = arith.constant 0 : i32
      %dma_start3A_758 = arith.constant 0 : i32
      %dma_start3A_759 = tpu.memref_slice %arg2[%dma_start3A_757, %dma_start3A_758] : memref<10240x128xf32, #tpu.memory_space<hbm>> -> memref<10240x128xf32, #tpu.memory_space<hbm>>
      tpu.enqueue_indirect_dma source(%dma_start3A_759 : memref<10240x128xf32, #tpu.memory_space<hbm>>) target(%arg11 : memref<128x128xf32, #tpu.memory_space<vmem>>) offsets(%dma_start3A_756 : memref<128xi32, #tpu.memory_space<vmem>>) semaphore(%arg14 : memref<!tpu.dma_semaphore, #tpu.memory_space<semaphore_mem>>)
      %dma_wait3A_760 = arith.constant 0 : i32
      %dma_wait3A_761 = tpu.memref_slice %arg7[%mul3A_751, %dma_wait3A_760] : memref<8x128xi32, #tpu.memory_space<vmem>> -> memref<1x128xi32, #tpu.memory_space<vmem>>
      %dma_wait3A_762 = tpu.memref_squeeze %dma_wait3A_761 : memref<1x128xi32, #tpu.memory_space<vmem>> -> memref<128xi32, #tpu.memory_space<vmem>>
      %dma_wait3A_763 = arith.constant 0 : i32
      %dma_wait3A_764 = arith.constant 0 : i32
      %dma_wait3A_765 = tpu.memref_slice %arg2[%dma_wait3A_763, %dma_wait3A_764] : memref<10240x128xf32, #tpu.memory_space<hbm>> -> memref<10240x128xf32, #tpu.memory_space<hbm>>
      tpu.wait_indirect_dma semaphore(%arg13 : memref<!tpu.dma_semaphore, #tpu.memory_space<semaphore_mem>>) src(%dma_wait3A_765 : memref<10240x128xf32, #tpu.memory_space<hbm>>) dst(%arg10 : memref<128x128xf32, #tpu.memory_space<vmem>>)
      "tpu.region"() ({
        %run_scoped3A_780 = tpu.sem_alloc : memref<!tpu.dma_semaphore, #tpu.memory_space<semaphore_mem>>
        %dma_start3A_781 = arith.constant 0 : i32
        %dma_start3A_782 = tpu.memref_slice %arg9[%mul3A_751, %dma_start3A_781] : memref<8x128xi32, #tpu.memory_space<vmem>> -> memref<1x128xi32, #tpu.memory_space<vmem>>
        %dma_start3A_783 = tpu.memref_squeeze %dma_start3A_782 : memref<1x128xi32, #tpu.memory_space<vmem>> -> memref<128xi32, #tpu.memory_space<vmem>>
        %dma_start3A_784 = arith.constant 0 : i32
        %dma_start3A_785 = arith.constant 0 : i32
        %dma_start3A_786 = tpu.memref_slice %arg12[%dma_start3A_784, %dma_start3A_785] : memref<10240x128xf32, #tpu.memory_space<vmem_shared>> -> memref<10240x128xf32, #tpu.memory_space<vmem_shared>>
        tpu.enqueue_indirect_dma source(%arg10 : memref<128x128xf32, #tpu.memory_space<vmem>>) target(%dma_start3A_786 : memref<10240x128xf32, #tpu.memory_space<vmem_shared>>) offsets(%dma_start3A_783 : memref<128xi32, #tpu.memory_space<vmem>>) semaphore(%run_scoped3A_780 : memref<!tpu.dma_semaphore, #tpu.memory_space<semaphore_mem>>) {add = true}
        %dma_wait3A_787 = arith.constant 0 : i32
        %dma_wait3A_788 = tpu.memref_slice %arg9[%mul3A_751, %dma_wait3A_787] : memref<8x128xi32, #tpu.memory_space<vmem>> -> memref<1x128xi32, #tpu.memory_space<vmem>>
        %dma_wait3A_789 = tpu.memref_squeeze %dma_wait3A_788 : memref<1x128xi32, #tpu.memory_space<vmem>> -> memref<128xi32, #tpu.memory_space<vmem>>
        %dma_wait3A_790 = arith.constant 0 : i32
        %dma_wait3A_791 = arith.constant 0 : i32
        %dma_wait3A_792 = tpu.memref_slice %arg12[%dma_wait3A_790, %dma_wait3A_791] : memref<10240x128xf32, #tpu.memory_space<vmem_shared>> -> memref<10240x128xf32, #tpu.memory_space<vmem_shared>>
        tpu.wait_indirect_dma semaphore(%run_scoped3A_780 : memref<!tpu.dma_semaphore, #tpu.memory_space<semaphore_mem>>) src(%arg10 : memref<128x128xf32, #tpu.memory_space<vmem>>) dst(%dma_wait3A_792 : memref<10240x128xf32, #tpu.memory_space<vmem_shared>>)
        tpu.yield
      }) : () -> ()
      %add3A_766 = arith.constant 2 : i32
      %add3A_767 = arith.addi %mul3A_751, %add3A_766 : i32
      %dma_start3A_768 = arith.constant 0 : i32
      %dma_start3A_769 = tpu.memref_slice %arg7[%add3A_767, %dma_start3A_768] : memref<8x128xi32, #tpu.memory_space<vmem>> -> memref<1x128xi32, #tpu.memory_space<vmem>>
      %dma_start3A_770 = tpu.memref_squeeze %dma_start3A_769 : memref<1x128xi32, #tpu.memory_space<vmem>> -> memref<128xi32, #tpu.memory_space<vmem>>
      %dma_start3A_771 = arith.constant 0 : i32
      %dma_start3A_772 = arith.constant 0 : i32
      %dma_start3A_773 = tpu.memref_slice %arg2[%dma_start3A_771, %dma_start3A_772] : memref<10240x128xf32, #tpu.memory_space<hbm>> -> memref<10240x128xf32, #tpu.memory_space<hbm>>
      tpu.enqueue_indirect_dma source(%dma_start3A_773 : memref<10240x128xf32, #tpu.memory_space<hbm>>) target(%arg10 : memref<128x128xf32, #tpu.memory_space<vmem>>) offsets(%dma_start3A_770 : memref<128xi32, #tpu.memory_space<vmem>>) semaphore(%arg13 : memref<!tpu.dma_semaphore, #tpu.memory_space<semaphore_mem>>)
      %dma_wait3A_774 = arith.constant 0 : i32
      %dma_wait3A_775 = tpu.memref_slice %arg7[%add3A_753, %dma_wait3A_774] : memref<8x128xi32, #tpu.memory_space<vmem>> -> memref<1x128xi32, #tpu.memory_space<vmem>>
      %dma_wait3A_776 = tpu.memref_squeeze %dma_wait3A_775 : memref<1x128xi32, #tpu.memory_space<vmem>> -> memref<128xi32, #tpu.memory_space<vmem>>
      %dma_wait3A_777 = arith.constant 0 : i32
      %dma_wait3A_778 = arith.constant 0 : i32
      %dma_wait3A_779 = tpu.memref_slice %arg2[%dma_wait3A_777, %dma_wait3A_778] : memref<10240x128xf32, #tpu.memory_space<hbm>> -> memref<10240x128xf32, #tpu.memory_space<hbm>>
      tpu.wait_indirect_dma semaphore(%arg14 : memref<!tpu.dma_semaphore, #tpu.memory_space<semaphore_mem>>) src(%dma_wait3A_779 : memref<10240x128xf32, #tpu.memory_space<hbm>>) dst(%arg11 : memref<128x128xf32, #tpu.memory_space<vmem>>)
      "tpu.region"() ({
        %run_scoped3A_780 = tpu.sem_alloc : memref<!tpu.dma_semaphore, #tpu.memory_space<semaphore_mem>>
        %dma_start3A_781 = arith.constant 0 : i32
        %dma_start3A_782 = tpu.memref_slice %arg9[%add3A_753, %dma_start3A_781] : memref<8x128xi32, #tpu.memory_space<vmem>> -> memref<1x128xi32, #tpu.memory_space<vmem>>
        %dma_start3A_783 = tpu.memref_squeeze %dma_start3A_782 : memref<1x128xi32, #tpu.memory_space<vmem>> -> memref<128xi32, #tpu.memory_space<vmem>>
        %dma_start3A_784 = arith.constant 0 : i32
        %dma_start3A_785 = arith.constant 0 : i32
        %dma_start3A_786 = tpu.memref_slice %arg12[%dma_start3A_784, %dma_start3A_785] : memref<10240x128xf32, #tpu.memory_space<vmem_shared>> -> memref<10240x128xf32, #tpu.memory_space<vmem_shared>>
        tpu.enqueue_indirect_dma source(%arg11 : memref<128x128xf32, #tpu.memory_space<vmem>>) target(%dma_start3A_786 : memref<10240x128xf32, #tpu.memory_space<vmem_shared>>) offsets(%dma_start3A_783 : memref<128xi32, #tpu.memory_space<vmem>>) semaphore(%run_scoped3A_780 : memref<!tpu.dma_semaphore, #tpu.memory_space<semaphore_mem>>) {add = true}
        %dma_wait3A_787 = arith.constant 0 : i32
        %dma_wait3A_788 = tpu.memref_slice %arg9[%add3A_753, %dma_wait3A_787] : memref<8x128xi32, #tpu.memory_space<vmem>> -> memref<1x128xi32, #tpu.memory_space<vmem>>
        %dma_wait3A_789 = tpu.memref_squeeze %dma_wait3A_788 : memref<1x128xi32, #tpu.memory_space<vmem>> -> memref<128xi32, #tpu.memory_space<vmem>>
        %dma_wait3A_790 = arith.constant 0 : i32
        %dma_wait3A_791 = arith.constant 0 : i32
        %dma_wait3A_792 = tpu.memref_slice %arg12[%dma_wait3A_790, %dma_wait3A_791] : memref<10240x128xf32, #tpu.memory_space<vmem_shared>> -> memref<10240x128xf32, #tpu.memory_space<vmem_shared>>
        tpu.wait_indirect_dma semaphore(%run_scoped3A_780 : memref<!tpu.dma_semaphore, #tpu.memory_space<semaphore_mem>>) src(%arg11 : memref<128x128xf32, #tpu.memory_space<vmem>>) dst(%dma_wait3A_792 : memref<10240x128xf32, #tpu.memory_space<vmem_shared>>)
        tpu.yield
      }) : () -> ()
    }
    %scan3A_162 = arith.constant 3 : i32
    %dma_start3A_163 = arith.constant 7 : i32
    %dma_start3A_164 = arith.constant 0 : i32
    %dma_start3A_165 = tpu.memref_slice %arg7[%dma_start3A_163, %dma_start3A_164] : memref<8x128xi32, #tpu.memory_space<vmem>> -> memref<1x128xi32, #tpu.memory_space<vmem>>
    %dma_start3A_166 = tpu.memref_squeeze %dma_start3A_165 : memref<1x128xi32, #tpu.memory_space<vmem>> -> memref<128xi32, #tpu.memory_space<vmem>>
    %dma_start3A_167 = arith.constant 0 : i32
    %dma_start3A_168 = arith.constant 0 : i32
    %dma_start3A_169 = tpu.memref_slice %arg2[%dma_start3A_167, %dma_start3A_168] : memref<10240x128xf32, #tpu.memory_space<hbm>> -> memref<10240x128xf32, #tpu.memory_space<hbm>>
    tpu.enqueue_indirect_dma source(%dma_start3A_169 : memref<10240x128xf32, #tpu.memory_space<hbm>>) target(%arg11 : memref<128x128xf32, #tpu.memory_space<vmem>>) offsets(%dma_start3A_166 : memref<128xi32, #tpu.memory_space<vmem>>) semaphore(%arg14 : memref<!tpu.dma_semaphore, #tpu.memory_space<semaphore_mem>>)
    %dma_wait3A_170 = arith.constant 6 : i32
    %dma_wait3A_171 = arith.constant 0 : i32
    %dma_wait3A_172 = tpu.memref_slice %arg7[%dma_wait3A_170, %dma_wait3A_171] : memref<8x128xi32, #tpu.memory_space<vmem>> -> memref<1x128xi32, #tpu.memory_space<vmem>>
    %dma_wait3A_173 = tpu.memref_squeeze %dma_wait3A_172 : memref<1x128xi32, #tpu.memory_space<vmem>> -> memref<128xi32, #tpu.memory_space<vmem>>
    %dma_wait3A_174 = arith.constant 0 : i32
    %dma_wait3A_175 = arith.constant 0 : i32
    %dma_wait3A_176 = tpu.memref_slice %arg2[%dma_wait3A_174, %dma_wait3A_175] : memref<10240x128xf32, #tpu.memory_space<hbm>> -> memref<10240x128xf32, #tpu.memory_space<hbm>>
    tpu.wait_indirect_dma semaphore(%arg13 : memref<!tpu.dma_semaphore, #tpu.memory_space<semaphore_mem>>) src(%dma_wait3A_176 : memref<10240x128xf32, #tpu.memory_space<hbm>>) dst(%arg10 : memref<128x128xf32, #tpu.memory_space<vmem>>)
    %run_scoped3A_177 = arith.constant 6 : i32
    "tpu.region"() ({
      %run_scoped3A_749 = tpu.sem_alloc : memref<!tpu.dma_semaphore, #tpu.memory_space<semaphore_mem>>
      %dma_start3A_750 = arith.constant 0 : i32
      %dma_start3A_751 = tpu.memref_slice %arg9[%run_scoped3A_177, %dma_start3A_750] : memref<8x128xi32, #tpu.memory_space<vmem>> -> memref<1x128xi32, #tpu.memory_space<vmem>>
      %dma_start3A_752 = tpu.memref_squeeze %dma_start3A_751 : memref<1x128xi32, #tpu.memory_space<vmem>> -> memref<128xi32, #tpu.memory_space<vmem>>
      %dma_start3A_753 = arith.constant 0 : i32
      %dma_start3A_754 = arith.constant 0 : i32
      %dma_start3A_755 = tpu.memref_slice %arg12[%dma_start3A_753, %dma_start3A_754] : memref<10240x128xf32, #tpu.memory_space<vmem_shared>> -> memref<10240x128xf32, #tpu.memory_space<vmem_shared>>
      tpu.enqueue_indirect_dma source(%arg10 : memref<128x128xf32, #tpu.memory_space<vmem>>) target(%dma_start3A_755 : memref<10240x128xf32, #tpu.memory_space<vmem_shared>>) offsets(%dma_start3A_752 : memref<128xi32, #tpu.memory_space<vmem>>) semaphore(%run_scoped3A_749 : memref<!tpu.dma_semaphore, #tpu.memory_space<semaphore_mem>>) {add = true}
      %dma_wait3A_756 = arith.constant 0 : i32
      %dma_wait3A_757 = tpu.memref_slice %arg9[%run_scoped3A_177, %dma_wait3A_756] : memref<8x128xi32, #tpu.memory_space<vmem>> -> memref<1x128xi32, #tpu.memory_space<vmem>>
      %dma_wait3A_758 = tpu.memref_squeeze %dma_wait3A_757 : memref<1x128xi32, #tpu.memory_space<vmem>> -> memref<128xi32, #tpu.memory_space<vmem>>
      %dma_wait3A_759 = arith.constant 0 : i32
      %dma_wait3A_760 = arith.constant 0 : i32
      %dma_wait3A_761 = tpu.memref_slice %arg12[%dma_wait3A_759, %dma_wait3A_760] : memref<10240x128xf32, #tpu.memory_space<vmem_shared>> -> memref<10240x128xf32, #tpu.memory_space<vmem_shared>>
      tpu.wait_indirect_dma semaphore(%run_scoped3A_749 : memref<!tpu.dma_semaphore, #tpu.memory_space<semaphore_mem>>) src(%arg10 : memref<128x128xf32, #tpu.memory_space<vmem>>) dst(%dma_wait3A_761 : memref<10240x128xf32, #tpu.memory_space<vmem_shared>>)
      tpu.yield
    }) : () -> ()
    %dma_wait3A_178 = arith.constant 2 : i32
    %dma_wait3A_179 = arith.constant 0 : i32
    %dma_wait3A_180 = arith.constant 0 : i32
    %dma_wait3A_181 = tpu.memref_slice %arg3[%add3A, %dma_wait3A_178, %dma_wait3A_179, %dma_wait3A_180] : memref<32x10x8x128xi32, #tpu.memory_space<hbm>> -> memref<1x1x8x128xi32, #tpu.memory_space<hbm>>
    %dma_wait3A_182 = tpu.memref_squeeze %dma_wait3A_181 : memref<1x1x8x128xi32, #tpu.memory_space<hbm>> -> memref<8x128xi32, #tpu.memory_space<hbm>>
    %dma_wait3A_183 = arith.constant 0 : i32
    %dma_wait3A_184 = arith.constant 0 : i32
    %dma_wait3A_185 = tpu.memref_slice %arg3[%add3A, %dma_wait3A_178, %dma_wait3A_183, %dma_wait3A_184] : memref<32x10x8x128xi32, #tpu.memory_space<hbm>> -> memref<1x1x8x128xi32, #tpu.memory_space<hbm>>
    %dma_wait3A_186 = tpu.memref_squeeze %dma_wait3A_185 : memref<1x1x8x128xi32, #tpu.memory_space<hbm>> -> memref<8x128xi32, #tpu.memory_space<hbm>>
    tpu.wait_dma2 semaphore(%arg15 : memref<!tpu.dma_semaphore, #tpu.memory_space<semaphore_mem>>) src(%dma_wait3A_186 : memref<8x128xi32, #tpu.memory_space<hbm>>) dst(%arg6 : memref<8x128xi32, #tpu.memory_space<vmem>>)
    %dma_wait3A_187 = arith.constant 2 : i32
    %dma_wait3A_188 = arith.constant 0 : i32
    %dma_wait3A_189 = arith.constant 0 : i32
    %dma_wait3A_190 = tpu.memref_slice %arg4[%add3A, %dma_wait3A_187, %dma_wait3A_188, %dma_wait3A_189] : memref<32x10x8x128xi32, #tpu.memory_space<hbm>> -> memref<1x1x8x128xi32, #tpu.memory_space<hbm>>
    %dma_wait3A_191 = tpu.memref_squeeze %dma_wait3A_190 : memref<1x1x8x128xi32, #tpu.memory_space<hbm>> -> memref<8x128xi32, #tpu.memory_space<hbm>>
    %dma_wait3A_192 = arith.constant 0 : i32
    %dma_wait3A_193 = arith.constant 0 : i32
    %dma_wait3A_194 = tpu.memref_slice %arg4[%add3A, %dma_wait3A_187, %dma_wait3A_192, %dma_wait3A_193] : memref<32x10x8x128xi32, #tpu.memory_space<hbm>> -> memref<1x1x8x128xi32, #tpu.memory_space<hbm>>
    %dma_wait3A_195 = tpu.memref_squeeze %dma_wait3A_194 : memref<1x1x8x128xi32, #tpu.memory_space<hbm>> -> memref<8x128xi32, #tpu.memory_space<hbm>>
    tpu.wait_dma2 semaphore(%arg15 : memref<!tpu.dma_semaphore, #tpu.memory_space<semaphore_mem>>) src(%dma_wait3A_195 : memref<8x128xi32, #tpu.memory_space<hbm>>) dst(%arg8 : memref<8x128xi32, #tpu.memory_space<vmem>>)
    %dma_start3A_196 = arith.constant 0 : i32
    %dma_start3A_197 = arith.constant 0 : i32
    %dma_start3A_198 = tpu.memref_slice %arg6[%dma_start3A_196, %dma_start3A_197] : memref<8x128xi32, #tpu.memory_space<vmem>> -> memref<1x128xi32, #tpu.memory_space<vmem>>
    %dma_start3A_199 = tpu.memref_squeeze %dma_start3A_198 : memref<1x128xi32, #tpu.memory_space<vmem>> -> memref<128xi32, #tpu.memory_space<vmem>>
    %dma_start3A_200 = arith.constant 0 : i32
    %dma_start3A_201 = arith.constant 0 : i32
    %dma_start3A_202 = tpu.memref_slice %arg2[%dma_start3A_200, %dma_start3A_201] : memref<10240x128xf32, #tpu.memory_space<hbm>> -> memref<10240x128xf32, #tpu.memory_space<hbm>>
    tpu.enqueue_indirect_dma source(%dma_start3A_202 : memref<10240x128xf32, #tpu.memory_space<hbm>>) target(%arg10 : memref<128x128xf32, #tpu.memory_space<vmem>>) offsets(%dma_start3A_199 : memref<128xi32, #tpu.memory_space<vmem>>) semaphore(%arg13 : memref<!tpu.dma_semaphore, #tpu.memory_space<semaphore_mem>>)
    %dma_wait3A_203 = arith.constant 7 : i32
    %dma_wait3A_204 = arith.constant 0 : i32
    %dma_wait3A_205 = tpu.memref_slice %arg7[%dma_wait3A_203, %dma_wait3A_204] : memref<8x128xi32, #tpu.memory_space<vmem>> -> memref<1x128xi32, #tpu.memory_space<vmem>>
    %dma_wait3A_206 = tpu.memref_squeeze %dma_wait3A_205 : memref<1x128xi32, #tpu.memory_space<vmem>> -> memref<128xi32, #tpu.memory_space<vmem>>
    %dma_wait3A_207 = arith.constant 0 : i32
    %dma_wait3A_208 = arith.constant 0 : i32
    %dma_wait3A_209 = tpu.memref_slice %arg2[%dma_wait3A_207, %dma_wait3A_208] : memref<10240x128xf32, #tpu.memory_space<hbm>> -> memref<10240x128xf32, #tpu.memory_space<hbm>>
    tpu.wait_indirect_dma semaphore(%arg14 : memref<!tpu.dma_semaphore, #tpu.memory_space<semaphore_mem>>) src(%dma_wait3A_209 : memref<10240x128xf32, #tpu.memory_space<hbm>>) dst(%arg11 : memref<128x128xf32, #tpu.memory_space<vmem>>)
    %run_scoped3A_210 = arith.constant 7 : i32
    "tpu.region"() ({
      %run_scoped3A_749 = tpu.sem_alloc : memref<!tpu.dma_semaphore, #tpu.memory_space<semaphore_mem>>
      %dma_start3A_750 = arith.constant 0 : i32
      %dma_start3A_751 = tpu.memref_slice %arg9[%run_scoped3A_210, %dma_start3A_750] : memref<8x128xi32, #tpu.memory_space<vmem>> -> memref<1x128xi32, #tpu.memory_space<vmem>>
      %dma_start3A_752 = tpu.memref_squeeze %dma_start3A_751 : memref<1x128xi32, #tpu.memory_space<vmem>> -> memref<128xi32, #tpu.memory_space<vmem>>
      %dma_start3A_753 = arith.constant 0 : i32
      %dma_start3A_754 = arith.constant 0 : i32
      %dma_start3A_755 = tpu.memref_slice %arg12[%dma_start3A_753, %dma_start3A_754] : memref<10240x128xf32, #tpu.memory_space<vmem_shared>> -> memref<10240x128xf32, #tpu.memory_space<vmem_shared>>
      tpu.enqueue_indirect_dma source(%arg11 : memref<128x128xf32, #tpu.memory_space<vmem>>) target(%dma_start3A_755 : memref<10240x128xf32, #tpu.memory_space<vmem_shared>>) offsets(%dma_start3A_752 : memref<128xi32, #tpu.memory_space<vmem>>) semaphore(%run_scoped3A_749 : memref<!tpu.dma_semaphore, #tpu.memory_space<semaphore_mem>>) {add = true}
      %dma_wait3A_756 = arith.constant 0 : i32
      %dma_wait3A_757 = tpu.memref_slice %arg9[%run_scoped3A_210, %dma_wait3A_756] : memref<8x128xi32, #tpu.memory_space<vmem>> -> memref<1x128xi32, #tpu.memory_space<vmem>>
      %dma_wait3A_758 = tpu.memref_squeeze %dma_wait3A_757 : memref<1x128xi32, #tpu.memory_space<vmem>> -> memref<128xi32, #tpu.memory_space<vmem>>
      %dma_wait3A_759 = arith.constant 0 : i32
      %dma_wait3A_760 = arith.constant 0 : i32
      %dma_wait3A_761 = tpu.memref_slice %arg12[%dma_wait3A_759, %dma_wait3A_760] : memref<10240x128xf32, #tpu.memory_space<vmem_shared>> -> memref<10240x128xf32, #tpu.memory_space<vmem_shared>>
      tpu.wait_indirect_dma semaphore(%run_scoped3A_749 : memref<!tpu.dma_semaphore, #tpu.memory_space<semaphore_mem>>) src(%arg11 : memref<128x128xf32, #tpu.memory_space<vmem>>) dst(%dma_wait3A_761 : memref<10240x128xf32, #tpu.memory_space<vmem_shared>>)
      tpu.yield
    }) : () -> ()
    %dma_start3A_211 = arith.constant 3 : i32
    %dma_start3A_212 = arith.constant 0 : i32
    %dma_start3A_213 = arith.constant 0 : i32
    %dma_start3A_214 = tpu.memref_slice %arg3[%add3A, %dma_start3A_211, %dma_start3A_212, %dma_start3A_213] : memref<32x10x8x128xi32, #tpu.memory_space<hbm>> -> memref<1x1x8x128xi32, #tpu.memory_space<hbm>>
    %dma_start3A_215 = tpu.memref_squeeze %dma_start3A_214 : memref<1x1x8x128xi32, #tpu.memory_space<hbm>> -> memref<8x128xi32, #tpu.memory_space<hbm>>
    %dma_start3A_216 = arith.constant 0 : i32
    %dma_start3A_217 = arith.constant 0 : i32
    %dma_start3A_218 = tpu.memref_slice %arg3[%add3A, %dma_start3A_211, %dma_start3A_216, %dma_start3A_217] : memref<32x10x8x128xi32, #tpu.memory_space<hbm>> -> memref<1x1x8x128xi32, #tpu.memory_space<hbm>>
    %dma_start3A_219 = tpu.memref_squeeze %dma_start3A_218 : memref<1x1x8x128xi32, #tpu.memory_space<hbm>> -> memref<8x128xi32, #tpu.memory_space<hbm>>
    tpu.enqueue_dma source(%dma_start3A_219 : memref<8x128xi32, #tpu.memory_space<hbm>>) target(%arg7 : memref<8x128xi32, #tpu.memory_space<vmem>>) target_semaphore(%arg15 : memref<!tpu.dma_semaphore, #tpu.memory_space<semaphore_mem>>)
    %dma_start3A_220 = arith.constant 3 : i32
    %dma_start3A_221 = arith.constant 0 : i32
    %dma_start3A_222 = arith.constant 0 : i32
    %dma_start3A_223 = tpu.memref_slice %arg4[%add3A, %dma_start3A_220, %dma_start3A_221, %dma_start3A_222] : memref<32x10x8x128xi32, #tpu.memory_space<hbm>> -> memref<1x1x8x128xi32, #tpu.memory_space<hbm>>
    %dma_start3A_224 = tpu.memref_squeeze %dma_start3A_223 : memref<1x1x8x128xi32, #tpu.memory_space<hbm>> -> memref<8x128xi32, #tpu.memory_space<hbm>>
    %dma_start3A_225 = arith.constant 0 : i32
    %dma_start3A_226 = arith.constant 0 : i32
    %dma_start3A_227 = tpu.memref_slice %arg4[%add3A, %dma_start3A_220, %dma_start3A_225, %dma_start3A_226] : memref<32x10x8x128xi32, #tpu.memory_space<hbm>> -> memref<1x1x8x128xi32, #tpu.memory_space<hbm>>
    %dma_start3A_228 = tpu.memref_squeeze %dma_start3A_227 : memref<1x1x8x128xi32, #tpu.memory_space<hbm>> -> memref<8x128xi32, #tpu.memory_space<hbm>>
    tpu.enqueue_dma source(%dma_start3A_228 : memref<8x128xi32, #tpu.memory_space<hbm>>) target(%arg9 : memref<8x128xi32, #tpu.memory_space<vmem>>) target_semaphore(%arg15 : memref<!tpu.dma_semaphore, #tpu.memory_space<semaphore_mem>>)
    %scan3A_229 = arith.constant 0 : i32
    %scan3A_230 = arith.constant 0 : i32
    %scan3A_231 = arith.constant 3 : i32
    %scan3A_232 = arith.addi %scan3A_230, %scan3A_231 : i32
    %scan3A_233 = arith.constant 1 : i32
    scf.for %scan3A_749 = %scan3A_230 to %scan3A_232 step %scan3A_233  : i32 {
      %mul3A_750 = arith.constant 2 : i32
      %mul3A_751 = arith.muli %scan3A_749, %mul3A_750 : i32
      %add3A_752 = arith.constant 1 : i32
      %add3A_753 = arith.addi %mul3A_751, %add3A_752 : i32
      %dma_start3A_754 = arith.constant 0 : i32
      %dma_start3A_755 = tpu.memref_slice %arg6[%add3A_753, %dma_start3A_754] : memref<8x128xi32, #tpu.memory_space<vmem>> -> memref<1x128xi32, #tpu.memory_space<vmem>>
      %dma_start3A_756 = tpu.memref_squeeze %dma_start3A_755 : memref<1x128xi32, #tpu.memory_space<vmem>> -> memref<128xi32, #tpu.memory_space<vmem>>
      %dma_start3A_757 = arith.constant 0 : i32
      %dma_start3A_758 = arith.constant 0 : i32
      %dma_start3A_759 = tpu.memref_slice %arg2[%dma_start3A_757, %dma_start3A_758] : memref<10240x128xf32, #tpu.memory_space<hbm>> -> memref<10240x128xf32, #tpu.memory_space<hbm>>
      tpu.enqueue_indirect_dma source(%dma_start3A_759 : memref<10240x128xf32, #tpu.memory_space<hbm>>) target(%arg11 : memref<128x128xf32, #tpu.memory_space<vmem>>) offsets(%dma_start3A_756 : memref<128xi32, #tpu.memory_space<vmem>>) semaphore(%arg14 : memref<!tpu.dma_semaphore, #tpu.memory_space<semaphore_mem>>)
      %dma_wait3A_760 = arith.constant 0 : i32
      %dma_wait3A_761 = tpu.memref_slice %arg6[%mul3A_751, %dma_wait3A_760] : memref<8x128xi32, #tpu.memory_space<vmem>> -> memref<1x128xi32, #tpu.memory_space<vmem>>
      %dma_wait3A_762 = tpu.memref_squeeze %dma_wait3A_761 : memref<1x128xi32, #tpu.memory_space<vmem>> -> memref<128xi32, #tpu.memory_space<vmem>>
      %dma_wait3A_763 = arith.constant 0 : i32
      %dma_wait3A_764 = arith.constant 0 : i32
      %dma_wait3A_765 = tpu.memref_slice %arg2[%dma_wait3A_763, %dma_wait3A_764] : memref<10240x128xf32, #tpu.memory_space<hbm>> -> memref<10240x128xf32, #tpu.memory_space<hbm>>
      tpu.wait_indirect_dma semaphore(%arg13 : memref<!tpu.dma_semaphore, #tpu.memory_space<semaphore_mem>>) src(%dma_wait3A_765 : memref<10240x128xf32, #tpu.memory_space<hbm>>) dst(%arg10 : memref<128x128xf32, #tpu.memory_space<vmem>>)
      "tpu.region"() ({
        %run_scoped3A_780 = tpu.sem_alloc : memref<!tpu.dma_semaphore, #tpu.memory_space<semaphore_mem>>
        %dma_start3A_781 = arith.constant 0 : i32
        %dma_start3A_782 = tpu.memref_slice %arg8[%mul3A_751, %dma_start3A_781] : memref<8x128xi32, #tpu.memory_space<vmem>> -> memref<1x128xi32, #tpu.memory_space<vmem>>
        %dma_start3A_783 = tpu.memref_squeeze %dma_start3A_782 : memref<1x128xi32, #tpu.memory_space<vmem>> -> memref<128xi32, #tpu.memory_space<vmem>>
        %dma_start3A_784 = arith.constant 0 : i32
        %dma_start3A_785 = arith.constant 0 : i32
        %dma_start3A_786 = tpu.memref_slice %arg12[%dma_start3A_784, %dma_start3A_785] : memref<10240x128xf32, #tpu.memory_space<vmem_shared>> -> memref<10240x128xf32, #tpu.memory_space<vmem_shared>>
        tpu.enqueue_indirect_dma source(%arg10 : memref<128x128xf32, #tpu.memory_space<vmem>>) target(%dma_start3A_786 : memref<10240x128xf32, #tpu.memory_space<vmem_shared>>) offsets(%dma_start3A_783 : memref<128xi32, #tpu.memory_space<vmem>>) semaphore(%run_scoped3A_780 : memref<!tpu.dma_semaphore, #tpu.memory_space<semaphore_mem>>) {add = true}
        %dma_wait3A_787 = arith.constant 0 : i32
        %dma_wait3A_788 = tpu.memref_slice %arg8[%mul3A_751, %dma_wait3A_787] : memref<8x128xi32, #tpu.memory_space<vmem>> -> memref<1x128xi32, #tpu.memory_space<vmem>>
        %dma_wait3A_789 = tpu.memref_squeeze %dma_wait3A_788 : memref<1x128xi32, #tpu.memory_space<vmem>> -> memref<128xi32, #tpu.memory_space<vmem>>
        %dma_wait3A_790 = arith.constant 0 : i32
        %dma_wait3A_791 = arith.constant 0 : i32
        %dma_wait3A_792 = tpu.memref_slice %arg12[%dma_wait3A_790, %dma_wait3A_791] : memref<10240x128xf32, #tpu.memory_space<vmem_shared>> -> memref<10240x128xf32, #tpu.memory_space<vmem_shared>>
        tpu.wait_indirect_dma semaphore(%run_scoped3A_780 : memref<!tpu.dma_semaphore, #tpu.memory_space<semaphore_mem>>) src(%arg10 : memref<128x128xf32, #tpu.memory_space<vmem>>) dst(%dma_wait3A_792 : memref<10240x128xf32, #tpu.memory_space<vmem_shared>>)
        tpu.yield
      }) : () -> ()
      %add3A_766 = arith.constant 2 : i32
      %add3A_767 = arith.addi %mul3A_751, %add3A_766 : i32
      %dma_start3A_768 = arith.constant 0 : i32
      %dma_start3A_769 = tpu.memref_slice %arg6[%add3A_767, %dma_start3A_768] : memref<8x128xi32, #tpu.memory_space<vmem>> -> memref<1x128xi32, #tpu.memory_space<vmem>>
      %dma_start3A_770 = tpu.memref_squeeze %dma_start3A_769 : memref<1x128xi32, #tpu.memory_space<vmem>> -> memref<128xi32, #tpu.memory_space<vmem>>
      %dma_start3A_771 = arith.constant 0 : i32
      %dma_start3A_772 = arith.constant 0 : i32
      %dma_start3A_773 = tpu.memref_slice %arg2[%dma_start3A_771, %dma_start3A_772] : memref<10240x128xf32, #tpu.memory_space<hbm>> -> memref<10240x128xf32, #tpu.memory_space<hbm>>
      tpu.enqueue_indirect_dma source(%dma_start3A_773 : memref<10240x128xf32, #tpu.memory_space<hbm>>) target(%arg10 : memref<128x128xf32, #tpu.memory_space<vmem>>) offsets(%dma_start3A_770 : memref<128xi32, #tpu.memory_space<vmem>>) semaphore(%arg13 : memref<!tpu.dma_semaphore, #tpu.memory_space<semaphore_mem>>)
      %dma_wait3A_774 = arith.constant 0 : i32
      %dma_wait3A_775 = tpu.memref_slice %arg6[%add3A_753, %dma_wait3A_774] : memref<8x128xi32, #tpu.memory_space<vmem>> -> memref<1x128xi32, #tpu.memory_space<vmem>>
      %dma_wait3A_776 = tpu.memref_squeeze %dma_wait3A_775 : memref<1x128xi32, #tpu.memory_space<vmem>> -> memref<128xi32, #tpu.memory_space<vmem>>
      %dma_wait3A_777 = arith.constant 0 : i32
      %dma_wait3A_778 = arith.constant 0 : i32
      %dma_wait3A_779 = tpu.memref_slice %arg2[%dma_wait3A_777, %dma_wait3A_778] : memref<10240x128xf32, #tpu.memory_space<hbm>> -> memref<10240x128xf32, #tpu.memory_space<hbm>>
      tpu.wait_indirect_dma semaphore(%arg14 : memref<!tpu.dma_semaphore, #tpu.memory_space<semaphore_mem>>) src(%dma_wait3A_779 : memref<10240x128xf32, #tpu.memory_space<hbm>>) dst(%arg11 : memref<128x128xf32, #tpu.memory_space<vmem>>)
      "tpu.region"() ({
        %run_scoped3A_780 = tpu.sem_alloc : memref<!tpu.dma_semaphore, #tpu.memory_space<semaphore_mem>>
        %dma_start3A_781 = arith.constant 0 : i32
        %dma_start3A_782 = tpu.memref_slice %arg8[%add3A_753, %dma_start3A_781] : memref<8x128xi32, #tpu.memory_space<vmem>> -> memref<1x128xi32, #tpu.memory_space<vmem>>
        %dma_start3A_783 = tpu.memref_squeeze %dma_start3A_782 : memref<1x128xi32, #tpu.memory_space<vmem>> -> memref<128xi32, #tpu.memory_space<vmem>>
        %dma_start3A_784 = arith.constant 0 : i32
        %dma_start3A_785 = arith.constant 0 : i32
        %dma_start3A_786 = tpu.memref_slice %arg12[%dma_start3A_784, %dma_start3A_785] : memref<10240x128xf32, #tpu.memory_space<vmem_shared>> -> memref<10240x128xf32, #tpu.memory_space<vmem_shared>>
        tpu.enqueue_indirect_dma source(%arg11 : memref<128x128xf32, #tpu.memory_space<vmem>>) target(%dma_start3A_786 : memref<10240x128xf32, #tpu.memory_space<vmem_shared>>) offsets(%dma_start3A_783 : memref<128xi32, #tpu.memory_space<vmem>>) semaphore(%run_scoped3A_780 : memref<!tpu.dma_semaphore, #tpu.memory_space<semaphore_mem>>) {add = true}
        %dma_wait3A_787 = arith.constant 0 : i32
        %dma_wait3A_788 = tpu.memref_slice %arg8[%add3A_753, %dma_wait3A_787] : memref<8x128xi32, #tpu.memory_space<vmem>> -> memref<1x128xi32, #tpu.memory_space<vmem>>
        %dma_wait3A_789 = tpu.memref_squeeze %dma_wait3A_788 : memref<1x128xi32, #tpu.memory_space<vmem>> -> memref<128xi32, #tpu.memory_space<vmem>>
        %dma_wait3A_790 = arith.constant 0 : i32
        %dma_wait3A_791 = arith.constant 0 : i32
        %dma_wait3A_792 = tpu.memref_slice %arg12[%dma_wait3A_790, %dma_wait3A_791] : memref<10240x128xf32, #tpu.memory_space<vmem_shared>> -> memref<10240x128xf32, #tpu.memory_space<vmem_shared>>
        tpu.wait_indirect_dma semaphore(%run_scoped3A_780 : memref<!tpu.dma_semaphore, #tpu.memory_space<semaphore_mem>>) src(%arg11 : memref<128x128xf32, #tpu.memory_space<vmem>>) dst(%dma_wait3A_792 : memref<10240x128xf32, #tpu.memory_space<vmem_shared>>)
        tpu.yield
      }) : () -> ()
    }
    %scan3A_234 = arith.constant 3 : i32
    %dma_start3A_235 = arith.constant 7 : i32
    %dma_start3A_236 = arith.constant 0 : i32
    %dma_start3A_237 = tpu.memref_slice %arg6[%dma_start3A_235, %dma_start3A_236] : memref<8x128xi32, #tpu.memory_space<vmem>> -> memref<1x128xi32, #tpu.memory_space<vmem>>
    %dma_start3A_238 = tpu.memref_squeeze %dma_start3A_237 : memref<1x128xi32, #tpu.memory_space<vmem>> -> memref<128xi32, #tpu.memory_space<vmem>>
    %dma_start3A_239 = arith.constant 0 : i32
    %dma_start3A_240 = arith.constant 0 : i32
    %dma_start3A_241 = tpu.memref_slice %arg2[%dma_start3A_239, %dma_start3A_240] : memref<10240x128xf32, #tpu.memory_space<hbm>> -> memref<10240x128xf32, #tpu.memory_space<hbm>>
    tpu.enqueue_indirect_dma source(%dma_start3A_241 : memref<10240x128xf32, #tpu.memory_space<hbm>>) target(%arg11 : memref<128x128xf32, #tpu.memory_space<vmem>>) offsets(%dma_start3A_238 : memref<128xi32, #tpu.memory_space<vmem>>) semaphore(%arg14 : memref<!tpu.dma_semaphore, #tpu.memory_space<semaphore_mem>>)
    %dma_wait3A_242 = arith.constant 6 : i32
    %dma_wait3A_243 = arith.constant 0 : i32
    %dma_wait3A_244 = tpu.memref_slice %arg6[%dma_wait3A_242, %dma_wait3A_243] : memref<8x128xi32, #tpu.memory_space<vmem>> -> memref<1x128xi32, #tpu.memory_space<vmem>>
    %dma_wait3A_245 = tpu.memref_squeeze %dma_wait3A_244 : memref<1x128xi32, #tpu.memory_space<vmem>> -> memref<128xi32, #tpu.memory_space<vmem>>
    %dma_wait3A_246 = arith.constant 0 : i32
    %dma_wait3A_247 = arith.constant 0 : i32
    %dma_wait3A_248 = tpu.memref_slice %arg2[%dma_wait3A_246, %dma_wait3A_247] : memref<10240x128xf32, #tpu.memory_space<hbm>> -> memref<10240x128xf32, #tpu.memory_space<hbm>>
    tpu.wait_indirect_dma semaphore(%arg13 : memref<!tpu.dma_semaphore, #tpu.memory_space<semaphore_mem>>) src(%dma_wait3A_248 : memref<10240x128xf32, #tpu.memory_space<hbm>>) dst(%arg10 : memref<128x128xf32, #tpu.memory_space<vmem>>)
    %run_scoped3A_249 = arith.constant 6 : i32
    "tpu.region"() ({
      %run_scoped3A_749 = tpu.sem_alloc : memref<!tpu.dma_semaphore, #tpu.memory_space<semaphore_mem>>
      %dma_start3A_750 = arith.constant 0 : i32
      %dma_start3A_751 = tpu.memref_slice %arg8[%run_scoped3A_249, %dma_start3A_750] : memref<8x128xi32, #tpu.memory_space<vmem>> -> memref<1x128xi32, #tpu.memory_space<vmem>>
      %dma_start3A_752 = tpu.memref_squeeze %dma_start3A_751 : memref<1x128xi32, #tpu.memory_space<vmem>> -> memref<128xi32, #tpu.memory_space<vmem>>
      %dma_start3A_753 = arith.constant 0 : i32
      %dma_start3A_754 = arith.constant 0 : i32
      %dma_start3A_755 = tpu.memref_slice %arg12[%dma_start3A_753, %dma_start3A_754] : memref<10240x128xf32, #tpu.memory_space<vmem_shared>> -> memref<10240x128xf32, #tpu.memory_space<vmem_shared>>
      tpu.enqueue_indirect_dma source(%arg10 : memref<128x128xf32, #tpu.memory_space<vmem>>) target(%dma_start3A_755 : memref<10240x128xf32, #tpu.memory_space<vmem_shared>>) offsets(%dma_start3A_752 : memref<128xi32, #tpu.memory_space<vmem>>) semaphore(%run_scoped3A_749 : memref<!tpu.dma_semaphore, #tpu.memory_space<semaphore_mem>>) {add = true}
      %dma_wait3A_756 = arith.constant 0 : i32
      %dma_wait3A_757 = tpu.memref_slice %arg8[%run_scoped3A_249, %dma_wait3A_756] : memref<8x128xi32, #tpu.memory_space<vmem>> -> memref<1x128xi32, #tpu.memory_space<vmem>>
      %dma_wait3A_758 = tpu.memref_squeeze %dma_wait3A_757 : memref<1x128xi32, #tpu.memory_space<vmem>> -> memref<128xi32, #tpu.memory_space<vmem>>
      %dma_wait3A_759 = arith.constant 0 : i32
      %dma_wait3A_760 = arith.constant 0 : i32
      %dma_wait3A_761 = tpu.memref_slice %arg12[%dma_wait3A_759, %dma_wait3A_760] : memref<10240x128xf32, #tpu.memory_space<vmem_shared>> -> memref<10240x128xf32, #tpu.memory_space<vmem_shared>>
      tpu.wait_indirect_dma semaphore(%run_scoped3A_749 : memref<!tpu.dma_semaphore, #tpu.memory_space<semaphore_mem>>) src(%arg10 : memref<128x128xf32, #tpu.memory_space<vmem>>) dst(%dma_wait3A_761 : memref<10240x128xf32, #tpu.memory_space<vmem_shared>>)
      tpu.yield
    }) : () -> ()
    %dma_wait3A_250 = arith.constant 3 : i32
    %dma_wait3A_251 = arith.constant 0 : i32
    %dma_wait3A_252 = arith.constant 0 : i32
    %dma_wait3A_253 = tpu.memref_slice %arg3[%add3A, %dma_wait3A_250, %dma_wait3A_251, %dma_wait3A_252] : memref<32x10x8x128xi32, #tpu.memory_space<hbm>> -> memref<1x1x8x128xi32, #tpu.memory_space<hbm>>
    %dma_wait3A_254 = tpu.memref_squeeze %dma_wait3A_253 : memref<1x1x8x128xi32, #tpu.memory_space<hbm>> -> memref<8x128xi32, #tpu.memory_space<hbm>>
    %dma_wait3A_255 = arith.constant 0 : i32
    %dma_wait3A_256 = arith.constant 0 : i32
    %dma_wait3A_257 = tpu.memref_slice %arg3[%add3A, %dma_wait3A_250, %dma_wait3A_255, %dma_wait3A_256] : memref<32x10x8x128xi32, #tpu.memory_space<hbm>> -> memref<1x1x8x128xi32, #tpu.memory_space<hbm>>
    %dma_wait3A_258 = tpu.memref_squeeze %dma_wait3A_257 : memref<1x1x8x128xi32, #tpu.memory_space<hbm>> -> memref<8x128xi32, #tpu.memory_space<hbm>>
    tpu.wait_dma2 semaphore(%arg15 : memref<!tpu.dma_semaphore, #tpu.memory_space<semaphore_mem>>) src(%dma_wait3A_258 : memref<8x128xi32, #tpu.memory_space<hbm>>) dst(%arg7 : memref<8x128xi32, #tpu.memory_space<vmem>>)
    %dma_wait3A_259 = arith.constant 3 : i32
    %dma_wait3A_260 = arith.constant 0 : i32
    %dma_wait3A_261 = arith.constant 0 : i32
    %dma_wait3A_262 = tpu.memref_slice %arg4[%add3A, %dma_wait3A_259, %dma_wait3A_260, %dma_wait3A_261] : memref<32x10x8x128xi32, #tpu.memory_space<hbm>> -> memref<1x1x8x128xi32, #tpu.memory_space<hbm>>
    %dma_wait3A_263 = tpu.memref_squeeze %dma_wait3A_262 : memref<1x1x8x128xi32, #tpu.memory_space<hbm>> -> memref<8x128xi32, #tpu.memory_space<hbm>>
    %dma_wait3A_264 = arith.constant 0 : i32
    %dma_wait3A_265 = arith.constant 0 : i32
    %dma_wait3A_266 = tpu.memref_slice %arg4[%add3A, %dma_wait3A_259, %dma_wait3A_264, %dma_wait3A_265] : memref<32x10x8x128xi32, #tpu.memory_space<hbm>> -> memref<1x1x8x128xi32, #tpu.memory_space<hbm>>
    %dma_wait3A_267 = tpu.memref_squeeze %dma_wait3A_266 : memref<1x1x8x128xi32, #tpu.memory_space<hbm>> -> memref<8x128xi32, #tpu.memory_space<hbm>>
    tpu.wait_dma2 semaphore(%arg15 : memref<!tpu.dma_semaphore, #tpu.memory_space<semaphore_mem>>) src(%dma_wait3A_267 : memref<8x128xi32, #tpu.memory_space<hbm>>) dst(%arg9 : memref<8x128xi32, #tpu.memory_space<vmem>>)
    %dma_start3A_268 = arith.constant 0 : i32
    %dma_start3A_269 = arith.constant 0 : i32
    %dma_start3A_270 = tpu.memref_slice %arg7[%dma_start3A_268, %dma_start3A_269] : memref<8x128xi32, #tpu.memory_space<vmem>> -> memref<1x128xi32, #tpu.memory_space<vmem>>
    %dma_start3A_271 = tpu.memref_squeeze %dma_start3A_270 : memref<1x128xi32, #tpu.memory_space<vmem>> -> memref<128xi32, #tpu.memory_space<vmem>>
    %dma_start3A_272 = arith.constant 0 : i32
    %dma_start3A_273 = arith.constant 0 : i32
    %dma_start3A_274 = tpu.memref_slice %arg2[%dma_start3A_272, %dma_start3A_273] : memref<10240x128xf32, #tpu.memory_space<hbm>> -> memref<10240x128xf32, #tpu.memory_space<hbm>>
    tpu.enqueue_indirect_dma source(%dma_start3A_274 : memref<10240x128xf32, #tpu.memory_space<hbm>>) target(%arg10 : memref<128x128xf32, #tpu.memory_space<vmem>>) offsets(%dma_start3A_271 : memref<128xi32, #tpu.memory_space<vmem>>) semaphore(%arg13 : memref<!tpu.dma_semaphore, #tpu.memory_space<semaphore_mem>>)
    %dma_wait3A_275 = arith.constant 7 : i32
    %dma_wait3A_276 = arith.constant 0 : i32
    %dma_wait3A_277 = tpu.memref_slice %arg6[%dma_wait3A_275, %dma_wait3A_276] : memref<8x128xi32, #tpu.memory_space<vmem>> -> memref<1x128xi32, #tpu.memory_space<vmem>>
    %dma_wait3A_278 = tpu.memref_squeeze %dma_wait3A_277 : memref<1x128xi32, #tpu.memory_space<vmem>> -> memref<128xi32, #tpu.memory_space<vmem>>
    %dma_wait3A_279 = arith.constant 0 : i32
    %dma_wait3A_280 = arith.constant 0 : i32
    %dma_wait3A_281 = tpu.memref_slice %arg2[%dma_wait3A_279, %dma_wait3A_280] : memref<10240x128xf32, #tpu.memory_space<hbm>> -> memref<10240x128xf32, #tpu.memory_space<hbm>>
    tpu.wait_indirect_dma semaphore(%arg14 : memref<!tpu.dma_semaphore, #tpu.memory_space<semaphore_mem>>) src(%dma_wait3A_281 : memref<10240x128xf32, #tpu.memory_space<hbm>>) dst(%arg11 : memref<128x128xf32, #tpu.memory_space<vmem>>)
    %run_scoped3A_282 = arith.constant 7 : i32
    "tpu.region"() ({
      %run_scoped3A_749 = tpu.sem_alloc : memref<!tpu.dma_semaphore, #tpu.memory_space<semaphore_mem>>
      %dma_start3A_750 = arith.constant 0 : i32
      %dma_start3A_751 = tpu.memref_slice %arg8[%run_scoped3A_282, %dma_start3A_750] : memref<8x128xi32, #tpu.memory_space<vmem>> -> memref<1x128xi32, #tpu.memory_space<vmem>>
      %dma_start3A_752 = tpu.memref_squeeze %dma_start3A_751 : memref<1x128xi32, #tpu.memory_space<vmem>> -> memref<128xi32, #tpu.memory_space<vmem>>
      %dma_start3A_753 = arith.constant 0 : i32
      %dma_start3A_754 = arith.constant 0 : i32
      %dma_start3A_755 = tpu.memref_slice %arg12[%dma_start3A_753, %dma_start3A_754] : memref<10240x128xf32, #tpu.memory_space<vmem_shared>> -> memref<10240x128xf32, #tpu.memory_space<vmem_shared>>
      tpu.enqueue_indirect_dma source(%arg11 : memref<128x128xf32, #tpu.memory_space<vmem>>) target(%dma_start3A_755 : memref<10240x128xf32, #tpu.memory_space<vmem_shared>>) offsets(%dma_start3A_752 : memref<128xi32, #tpu.memory_space<vmem>>) semaphore(%run_scoped3A_749 : memref<!tpu.dma_semaphore, #tpu.memory_space<semaphore_mem>>) {add = true}
      %dma_wait3A_756 = arith.constant 0 : i32
      %dma_wait3A_757 = tpu.memref_slice %arg8[%run_scoped3A_282, %dma_wait3A_756] : memref<8x128xi32, #tpu.memory_space<vmem>> -> memref<1x128xi32, #tpu.memory_space<vmem>>
      %dma_wait3A_758 = tpu.memref_squeeze %dma_wait3A_757 : memref<1x128xi32, #tpu.memory_space<vmem>> -> memref<128xi32, #tpu.memory_space<vmem>>
      %dma_wait3A_759 = arith.constant 0 : i32
      %dma_wait3A_760 = arith.constant 0 : i32
      %dma_wait3A_761 = tpu.memref_slice %arg12[%dma_wait3A_759, %dma_wait3A_760] : memref<10240x128xf32, #tpu.memory_space<vmem_shared>> -> memref<10240x128xf32, #tpu.memory_space<vmem_shared>>
      tpu.wait_indirect_dma semaphore(%run_scoped3A_749 : memref<!tpu.dma_semaphore, #tpu.memory_space<semaphore_mem>>) src(%arg11 : memref<128x128xf32, #tpu.memory_space<vmem>>) dst(%dma_wait3A_761 : memref<10240x128xf32, #tpu.memory_space<vmem_shared>>)
      tpu.yield
    }) : () -> ()
    %dma_start3A_283 = arith.constant 4 : i32
    %dma_start3A_284 = arith.constant 0 : i32
    %dma_start3A_285 = arith.constant 0 : i32
    %dma_start3A_286 = tpu.memref_slice %arg3[%add3A, %dma_start3A_283, %dma_start3A_284, %dma_start3A_285] : memref<32x10x8x128xi32, #tpu.memory_space<hbm>> -> memref<1x1x8x128xi32, #tpu.memory_space<hbm>>
    %dma_start3A_287 = tpu.memref_squeeze %dma_start3A_286 : memref<1x1x8x128xi32, #tpu.memory_space<hbm>> -> memref<8x128xi32, #tpu.memory_space<hbm>>
    %dma_start3A_288 = arith.constant 0 : i32
    %dma_start3A_289 = arith.constant 0 : i32
    %dma_start3A_290 = tpu.memref_slice %arg3[%add3A, %dma_start3A_283, %dma_start3A_288, %dma_start3A_289] : memref<32x10x8x128xi32, #tpu.memory_space<hbm>> -> memref<1x1x8x128xi32, #tpu.memory_space<hbm>>
    %dma_start3A_291 = tpu.memref_squeeze %dma_start3A_290 : memref<1x1x8x128xi32, #tpu.memory_space<hbm>> -> memref<8x128xi32, #tpu.memory_space<hbm>>
    tpu.enqueue_dma source(%dma_start3A_291 : memref<8x128xi32, #tpu.memory_space<hbm>>) target(%arg6 : memref<8x128xi32, #tpu.memory_space<vmem>>) target_semaphore(%arg15 : memref<!tpu.dma_semaphore, #tpu.memory_space<semaphore_mem>>)
    %dma_start3A_292 = arith.constant 4 : i32
    %dma_start3A_293 = arith.constant 0 : i32
    %dma_start3A_294 = arith.constant 0 : i32
    %dma_start3A_295 = tpu.memref_slice %arg4[%add3A, %dma_start3A_292, %dma_start3A_293, %dma_start3A_294] : memref<32x10x8x128xi32, #tpu.memory_space<hbm>> -> memref<1x1x8x128xi32, #tpu.memory_space<hbm>>
    %dma_start3A_296 = tpu.memref_squeeze %dma_start3A_295 : memref<1x1x8x128xi32, #tpu.memory_space<hbm>> -> memref<8x128xi32, #tpu.memory_space<hbm>>
    %dma_start3A_297 = arith.constant 0 : i32
    %dma_start3A_298 = arith.constant 0 : i32
    %dma_start3A_299 = tpu.memref_slice %arg4[%add3A, %dma_start3A_292, %dma_start3A_297, %dma_start3A_298] : memref<32x10x8x128xi32, #tpu.memory_space<hbm>> -> memref<1x1x8x128xi32, #tpu.memory_space<hbm>>
    %dma_start3A_300 = tpu.memref_squeeze %dma_start3A_299 : memref<1x1x8x128xi32, #tpu.memory_space<hbm>> -> memref<8x128xi32, #tpu.memory_space<hbm>>
    tpu.enqueue_dma source(%dma_start3A_300 : memref<8x128xi32, #tpu.memory_space<hbm>>) target(%arg8 : memref<8x128xi32, #tpu.memory_space<vmem>>) target_semaphore(%arg15 : memref<!tpu.dma_semaphore, #tpu.memory_space<semaphore_mem>>)
    %scan3A_301 = arith.constant 0 : i32
    %scan3A_302 = arith.constant 0 : i32
    %scan3A_303 = arith.constant 3 : i32
    %scan3A_304 = arith.addi %scan3A_302, %scan3A_303 : i32
    %scan3A_305 = arith.constant 1 : i32
    scf.for %scan3A_749 = %scan3A_302 to %scan3A_304 step %scan3A_305  : i32 {
      %mul3A_750 = arith.constant 2 : i32
      %mul3A_751 = arith.muli %scan3A_749, %mul3A_750 : i32
      %add3A_752 = arith.constant 1 : i32
      %add3A_753 = arith.addi %mul3A_751, %add3A_752 : i32
      %dma_start3A_754 = arith.constant 0 : i32
      %dma_start3A_755 = tpu.memref_slice %arg7[%add3A_753, %dma_start3A_754] : memref<8x128xi32, #tpu.memory_space<vmem>> -> memref<1x128xi32, #tpu.memory_space<vmem>>
      %dma_start3A_756 = tpu.memref_squeeze %dma_start3A_755 : memref<1x128xi32, #tpu.memory_space<vmem>> -> memref<128xi32, #tpu.memory_space<vmem>>
      %dma_start3A_757 = arith.constant 0 : i32
      %dma_start3A_758 = arith.constant 0 : i32
      %dma_start3A_759 = tpu.memref_slice %arg2[%dma_start3A_757, %dma_start3A_758] : memref<10240x128xf32, #tpu.memory_space<hbm>> -> memref<10240x128xf32, #tpu.memory_space<hbm>>
      tpu.enqueue_indirect_dma source(%dma_start3A_759 : memref<10240x128xf32, #tpu.memory_space<hbm>>) target(%arg11 : memref<128x128xf32, #tpu.memory_space<vmem>>) offsets(%dma_start3A_756 : memref<128xi32, #tpu.memory_space<vmem>>) semaphore(%arg14 : memref<!tpu.dma_semaphore, #tpu.memory_space<semaphore_mem>>)
      %dma_wait3A_760 = arith.constant 0 : i32
      %dma_wait3A_761 = tpu.memref_slice %arg7[%mul3A_751, %dma_wait3A_760] : memref<8x128xi32, #tpu.memory_space<vmem>> -> memref<1x128xi32, #tpu.memory_space<vmem>>
      %dma_wait3A_762 = tpu.memref_squeeze %dma_wait3A_761 : memref<1x128xi32, #tpu.memory_space<vmem>> -> memref<128xi32, #tpu.memory_space<vmem>>
      %dma_wait3A_763 = arith.constant 0 : i32
      %dma_wait3A_764 = arith.constant 0 : i32
      %dma_wait3A_765 = tpu.memref_slice %arg2[%dma_wait3A_763, %dma_wait3A_764] : memref<10240x128xf32, #tpu.memory_space<hbm>> -> memref<10240x128xf32, #tpu.memory_space<hbm>>
      tpu.wait_indirect_dma semaphore(%arg13 : memref<!tpu.dma_semaphore, #tpu.memory_space<semaphore_mem>>) src(%dma_wait3A_765 : memref<10240x128xf32, #tpu.memory_space<hbm>>) dst(%arg10 : memref<128x128xf32, #tpu.memory_space<vmem>>)
      "tpu.region"() ({
        %run_scoped3A_780 = tpu.sem_alloc : memref<!tpu.dma_semaphore, #tpu.memory_space<semaphore_mem>>
        %dma_start3A_781 = arith.constant 0 : i32
        %dma_start3A_782 = tpu.memref_slice %arg9[%mul3A_751, %dma_start3A_781] : memref<8x128xi32, #tpu.memory_space<vmem>> -> memref<1x128xi32, #tpu.memory_space<vmem>>
        %dma_start3A_783 = tpu.memref_squeeze %dma_start3A_782 : memref<1x128xi32, #tpu.memory_space<vmem>> -> memref<128xi32, #tpu.memory_space<vmem>>
        %dma_start3A_784 = arith.constant 0 : i32
        %dma_start3A_785 = arith.constant 0 : i32
        %dma_start3A_786 = tpu.memref_slice %arg12[%dma_start3A_784, %dma_start3A_785] : memref<10240x128xf32, #tpu.memory_space<vmem_shared>> -> memref<10240x128xf32, #tpu.memory_space<vmem_shared>>
        tpu.enqueue_indirect_dma source(%arg10 : memref<128x128xf32, #tpu.memory_space<vmem>>) target(%dma_start3A_786 : memref<10240x128xf32, #tpu.memory_space<vmem_shared>>) offsets(%dma_start3A_783 : memref<128xi32, #tpu.memory_space<vmem>>) semaphore(%run_scoped3A_780 : memref<!tpu.dma_semaphore, #tpu.memory_space<semaphore_mem>>) {add = true}
        %dma_wait3A_787 = arith.constant 0 : i32
        %dma_wait3A_788 = tpu.memref_slice %arg9[%mul3A_751, %dma_wait3A_787] : memref<8x128xi32, #tpu.memory_space<vmem>> -> memref<1x128xi32, #tpu.memory_space<vmem>>
        %dma_wait3A_789 = tpu.memref_squeeze %dma_wait3A_788 : memref<1x128xi32, #tpu.memory_space<vmem>> -> memref<128xi32, #tpu.memory_space<vmem>>
        %dma_wait3A_790 = arith.constant 0 : i32
        %dma_wait3A_791 = arith.constant 0 : i32
        %dma_wait3A_792 = tpu.memref_slice %arg12[%dma_wait3A_790, %dma_wait3A_791] : memref<10240x128xf32, #tpu.memory_space<vmem_shared>> -> memref<10240x128xf32, #tpu.memory_space<vmem_shared>>
        tpu.wait_indirect_dma semaphore(%run_scoped3A_780 : memref<!tpu.dma_semaphore, #tpu.memory_space<semaphore_mem>>) src(%arg10 : memref<128x128xf32, #tpu.memory_space<vmem>>) dst(%dma_wait3A_792 : memref<10240x128xf32, #tpu.memory_space<vmem_shared>>)
        tpu.yield
      }) : () -> ()
      %add3A_766 = arith.constant 2 : i32
      %add3A_767 = arith.addi %mul3A_751, %add3A_766 : i32
      %dma_start3A_768 = arith.constant 0 : i32
      %dma_start3A_769 = tpu.memref_slice %arg7[%add3A_767, %dma_start3A_768] : memref<8x128xi32, #tpu.memory_space<vmem>> -> memref<1x128xi32, #tpu.memory_space<vmem>>
      %dma_start3A_770 = tpu.memref_squeeze %dma_start3A_769 : memref<1x128xi32, #tpu.memory_space<vmem>> -> memref<128xi32, #tpu.memory_space<vmem>>
      %dma_start3A_771 = arith.constant 0 : i32
      %dma_start3A_772 = arith.constant 0 : i32
      %dma_start3A_773 = tpu.memref_slice %arg2[%dma_start3A_771, %dma_start3A_772] : memref<10240x128xf32, #tpu.memory_space<hbm>> -> memref<10240x128xf32, #tpu.memory_space<hbm>>
      tpu.enqueue_indirect_dma source(%dma_start3A_773 : memref<10240x128xf32, #tpu.memory_space<hbm>>) target(%arg10 : memref<128x128xf32, #tpu.memory_space<vmem>>) offsets(%dma_start3A_770 : memref<128xi32, #tpu.memory_space<vmem>>) semaphore(%arg13 : memref<!tpu.dma_semaphore, #tpu.memory_space<semaphore_mem>>)
      %dma_wait3A_774 = arith.constant 0 : i32
      %dma_wait3A_775 = tpu.memref_slice %arg7[%add3A_753, %dma_wait3A_774] : memref<8x128xi32, #tpu.memory_space<vmem>> -> memref<1x128xi32, #tpu.memory_space<vmem>>
      %dma_wait3A_776 = tpu.memref_squeeze %dma_wait3A_775 : memref<1x128xi32, #tpu.memory_space<vmem>> -> memref<128xi32, #tpu.memory_space<vmem>>
      %dma_wait3A_777 = arith.constant 0 : i32
      %dma_wait3A_778 = arith.constant 0 : i32
      %dma_wait3A_779 = tpu.memref_slice %arg2[%dma_wait3A_777, %dma_wait3A_778] : memref<10240x128xf32, #tpu.memory_space<hbm>> -> memref<10240x128xf32, #tpu.memory_space<hbm>>
      tpu.wait_indirect_dma semaphore(%arg14 : memref<!tpu.dma_semaphore, #tpu.memory_space<semaphore_mem>>) src(%dma_wait3A_779 : memref<10240x128xf32, #tpu.memory_space<hbm>>) dst(%arg11 : memref<128x128xf32, #tpu.memory_space<vmem>>)
      "tpu.region"() ({
        %run_scoped3A_780 = tpu.sem_alloc : memref<!tpu.dma_semaphore, #tpu.memory_space<semaphore_mem>>
        %dma_start3A_781 = arith.constant 0 : i32
        %dma_start3A_782 = tpu.memref_slice %arg9[%add3A_753, %dma_start3A_781] : memref<8x128xi32, #tpu.memory_space<vmem>> -> memref<1x128xi32, #tpu.memory_space<vmem>>
        %dma_start3A_783 = tpu.memref_squeeze %dma_start3A_782 : memref<1x128xi32, #tpu.memory_space<vmem>> -> memref<128xi32, #tpu.memory_space<vmem>>
        %dma_start3A_784 = arith.constant 0 : i32
        %dma_start3A_785 = arith.constant 0 : i32
        %dma_start3A_786 = tpu.memref_slice %arg12[%dma_start3A_784, %dma_start3A_785] : memref<10240x128xf32, #tpu.memory_space<vmem_shared>> -> memref<10240x128xf32, #tpu.memory_space<vmem_shared>>
        tpu.enqueue_indirect_dma source(%arg11 : memref<128x128xf32, #tpu.memory_space<vmem>>) target(%dma_start3A_786 : memref<10240x128xf32, #tpu.memory_space<vmem_shared>>) offsets(%dma_start3A_783 : memref<128xi32, #tpu.memory_space<vmem>>) semaphore(%run_scoped3A_780 : memref<!tpu.dma_semaphore, #tpu.memory_space<semaphore_mem>>) {add = true}
        %dma_wait3A_787 = arith.constant 0 : i32
        %dma_wait3A_788 = tpu.memref_slice %arg9[%add3A_753, %dma_wait3A_787] : memref<8x128xi32, #tpu.memory_space<vmem>> -> memref<1x128xi32, #tpu.memory_space<vmem>>
        %dma_wait3A_789 = tpu.memref_squeeze %dma_wait3A_788 : memref<1x128xi32, #tpu.memory_space<vmem>> -> memref<128xi32, #tpu.memory_space<vmem>>
        %dma_wait3A_790 = arith.constant 0 : i32
        %dma_wait3A_791 = arith.constant 0 : i32
        %dma_wait3A_792 = tpu.memref_slice %arg12[%dma_wait3A_790, %dma_wait3A_791] : memref<10240x128xf32, #tpu.memory_space<vmem_shared>> -> memref<10240x128xf32, #tpu.memory_space<vmem_shared>>
        tpu.wait_indirect_dma semaphore(%run_scoped3A_780 : memref<!tpu.dma_semaphore, #tpu.memory_space<semaphore_mem>>) src(%arg11 : memref<128x128xf32, #tpu.memory_space<vmem>>) dst(%dma_wait3A_792 : memref<10240x128xf32, #tpu.memory_space<vmem_shared>>)
        tpu.yield
      }) : () -> ()
    }
    %scan3A_306 = arith.constant 3 : i32
    %dma_start3A_307 = arith.constant 7 : i32
    %dma_start3A_308 = arith.constant 0 : i32
    %dma_start3A_309 = tpu.memref_slice %arg7[%dma_start3A_307, %dma_start3A_308] : memref<8x128xi32, #tpu.memory_space<vmem>> -> memref<1x128xi32, #tpu.memory_space<vmem>>
    %dma_start3A_310 = tpu.memref_squeeze %dma_start3A_309 : memref<1x128xi32, #tpu.memory_space<vmem>> -> memref<128xi32, #tpu.memory_space<vmem>>
    %dma_start3A_311 = arith.constant 0 : i32
    %dma_start3A_312 = arith.constant 0 : i32
    %dma_start3A_313 = tpu.memref_slice %arg2[%dma_start3A_311, %dma_start3A_312] : memref<10240x128xf32, #tpu.memory_space<hbm>> -> memref<10240x128xf32, #tpu.memory_space<hbm>>
    tpu.enqueue_indirect_dma source(%dma_start3A_313 : memref<10240x128xf32, #tpu.memory_space<hbm>>) target(%arg11 : memref<128x128xf32, #tpu.memory_space<vmem>>) offsets(%dma_start3A_310 : memref<128xi32, #tpu.memory_space<vmem>>) semaphore(%arg14 : memref<!tpu.dma_semaphore, #tpu.memory_space<semaphore_mem>>)
    %dma_wait3A_314 = arith.constant 6 : i32
    %dma_wait3A_315 = arith.constant 0 : i32
    %dma_wait3A_316 = tpu.memref_slice %arg7[%dma_wait3A_314, %dma_wait3A_315] : memref<8x128xi32, #tpu.memory_space<vmem>> -> memref<1x128xi32, #tpu.memory_space<vmem>>
    %dma_wait3A_317 = tpu.memref_squeeze %dma_wait3A_316 : memref<1x128xi32, #tpu.memory_space<vmem>> -> memref<128xi32, #tpu.memory_space<vmem>>
    %dma_wait3A_318 = arith.constant 0 : i32
    %dma_wait3A_319 = arith.constant 0 : i32
    %dma_wait3A_320 = tpu.memref_slice %arg2[%dma_wait3A_318, %dma_wait3A_319] : memref<10240x128xf32, #tpu.memory_space<hbm>> -> memref<10240x128xf32, #tpu.memory_space<hbm>>
    tpu.wait_indirect_dma semaphore(%arg13 : memref<!tpu.dma_semaphore, #tpu.memory_space<semaphore_mem>>) src(%dma_wait3A_320 : memref<10240x128xf32, #tpu.memory_space<hbm>>) dst(%arg10 : memref<128x128xf32, #tpu.memory_space<vmem>>)
    %run_scoped3A_321 = arith.constant 6 : i32
    "tpu.region"() ({
      %run_scoped3A_749 = tpu.sem_alloc : memref<!tpu.dma_semaphore, #tpu.memory_space<semaphore_mem>>
      %dma_start3A_750 = arith.constant 0 : i32
      %dma_start3A_751 = tpu.memref_slice %arg9[%run_scoped3A_321, %dma_start3A_750] : memref<8x128xi32, #tpu.memory_space<vmem>> -> memref<1x128xi32, #tpu.memory_space<vmem>>
      %dma_start3A_752 = tpu.memref_squeeze %dma_start3A_751 : memref<1x128xi32, #tpu.memory_space<vmem>> -> memref<128xi32, #tpu.memory_space<vmem>>
      %dma_start3A_753 = arith.constant 0 : i32
      %dma_start3A_754 = arith.constant 0 : i32
      %dma_start3A_755 = tpu.memref_slice %arg12[%dma_start3A_753, %dma_start3A_754] : memref<10240x128xf32, #tpu.memory_space<vmem_shared>> -> memref<10240x128xf32, #tpu.memory_space<vmem_shared>>
      tpu.enqueue_indirect_dma source(%arg10 : memref<128x128xf32, #tpu.memory_space<vmem>>) target(%dma_start3A_755 : memref<10240x128xf32, #tpu.memory_space<vmem_shared>>) offsets(%dma_start3A_752 : memref<128xi32, #tpu.memory_space<vmem>>) semaphore(%run_scoped3A_749 : memref<!tpu.dma_semaphore, #tpu.memory_space<semaphore_mem>>) {add = true}
      %dma_wait3A_756 = arith.constant 0 : i32
      %dma_wait3A_757 = tpu.memref_slice %arg9[%run_scoped3A_321, %dma_wait3A_756] : memref<8x128xi32, #tpu.memory_space<vmem>> -> memref<1x128xi32, #tpu.memory_space<vmem>>
      %dma_wait3A_758 = tpu.memref_squeeze %dma_wait3A_757 : memref<1x128xi32, #tpu.memory_space<vmem>> -> memref<128xi32, #tpu.memory_space<vmem>>
      %dma_wait3A_759 = arith.constant 0 : i32
      %dma_wait3A_760 = arith.constant 0 : i32
      %dma_wait3A_761 = tpu.memref_slice %arg12[%dma_wait3A_759, %dma_wait3A_760] : memref<10240x128xf32, #tpu.memory_space<vmem_shared>> -> memref<10240x128xf32, #tpu.memory_space<vmem_shared>>
      tpu.wait_indirect_dma semaphore(%run_scoped3A_749 : memref<!tpu.dma_semaphore, #tpu.memory_space<semaphore_mem>>) src(%arg10 : memref<128x128xf32, #tpu.memory_space<vmem>>) dst(%dma_wait3A_761 : memref<10240x128xf32, #tpu.memory_space<vmem_shared>>)
      tpu.yield
    }) : () -> ()
    %dma_wait3A_322 = arith.constant 4 : i32
    %dma_wait3A_323 = arith.constant 0 : i32
    %dma_wait3A_324 = arith.constant 0 : i32
    %dma_wait3A_325 = tpu.memref_slice %arg3[%add3A, %dma_wait3A_322, %dma_wait3A_323, %dma_wait3A_324] : memref<32x10x8x128xi32, #tpu.memory_space<hbm>> -> memref<1x1x8x128xi32, #tpu.memory_space<hbm>>
    %dma_wait3A_326 = tpu.memref_squeeze %dma_wait3A_325 : memref<1x1x8x128xi32, #tpu.memory_space<hbm>> -> memref<8x128xi32, #tpu.memory_space<hbm>>
    %dma_wait3A_327 = arith.constant 0 : i32
    %dma_wait3A_328 = arith.constant 0 : i32
    %dma_wait3A_329 = tpu.memref_slice %arg3[%add3A, %dma_wait3A_322, %dma_wait3A_327, %dma_wait3A_328] : memref<32x10x8x128xi32, #tpu.memory_space<hbm>> -> memref<1x1x8x128xi32, #tpu.memory_space<hbm>>
    %dma_wait3A_330 = tpu.memref_squeeze %dma_wait3A_329 : memref<1x1x8x128xi32, #tpu.memory_space<hbm>> -> memref<8x128xi32, #tpu.memory_space<hbm>>
    tpu.wait_dma2 semaphore(%arg15 : memref<!tpu.dma_semaphore, #tpu.memory_space<semaphore_mem>>) src(%dma_wait3A_330 : memref<8x128xi32, #tpu.memory_space<hbm>>) dst(%arg6 : memref<8x128xi32, #tpu.memory_space<vmem>>)
    %dma_wait3A_331 = arith.constant 4 : i32
    %dma_wait3A_332 = arith.constant 0 : i32
    %dma_wait3A_333 = arith.constant 0 : i32
    %dma_wait3A_334 = tpu.memref_slice %arg4[%add3A, %dma_wait3A_331, %dma_wait3A_332, %dma_wait3A_333] : memref<32x10x8x128xi32, #tpu.memory_space<hbm>> -> memref<1x1x8x128xi32, #tpu.memory_space<hbm>>
    %dma_wait3A_335 = tpu.memref_squeeze %dma_wait3A_334 : memref<1x1x8x128xi32, #tpu.memory_space<hbm>> -> memref<8x128xi32, #tpu.memory_space<hbm>>
    %dma_wait3A_336 = arith.constant 0 : i32
    %dma_wait3A_337 = arith.constant 0 : i32
    %dma_wait3A_338 = tpu.memref_slice %arg4[%add3A, %dma_wait3A_331, %dma_wait3A_336, %dma_wait3A_337] : memref<32x10x8x128xi32, #tpu.memory_space<hbm>> -> memref<1x1x8x128xi32, #tpu.memory_space<hbm>>
    %dma_wait3A_339 = tpu.memref_squeeze %dma_wait3A_338 : memref<1x1x8x128xi32, #tpu.memory_space<hbm>> -> memref<8x128xi32, #tpu.memory_space<hbm>>
    tpu.wait_dma2 semaphore(%arg15 : memref<!tpu.dma_semaphore, #tpu.memory_space<semaphore_mem>>) src(%dma_wait3A_339 : memref<8x128xi32, #tpu.memory_space<hbm>>) dst(%arg8 : memref<8x128xi32, #tpu.memory_space<vmem>>)
    %dma_start3A_340 = arith.constant 0 : i32
    %dma_start3A_341 = arith.constant 0 : i32
    %dma_start3A_342 = tpu.memref_slice %arg6[%dma_start3A_340, %dma_start3A_341] : memref<8x128xi32, #tpu.memory_space<vmem>> -> memref<1x128xi32, #tpu.memory_space<vmem>>
    %dma_start3A_343 = tpu.memref_squeeze %dma_start3A_342 : memref<1x128xi32, #tpu.memory_space<vmem>> -> memref<128xi32, #tpu.memory_space<vmem>>
    %dma_start3A_344 = arith.constant 0 : i32
    %dma_start3A_345 = arith.constant 0 : i32
    %dma_start3A_346 = tpu.memref_slice %arg2[%dma_start3A_344, %dma_start3A_345] : memref<10240x128xf32, #tpu.memory_space<hbm>> -> memref<10240x128xf32, #tpu.memory_space<hbm>>
    tpu.enqueue_indirect_dma source(%dma_start3A_346 : memref<10240x128xf32, #tpu.memory_space<hbm>>) target(%arg10 : memref<128x128xf32, #tpu.memory_space<vmem>>) offsets(%dma_start3A_343 : memref<128xi32, #tpu.memory_space<vmem>>) semaphore(%arg13 : memref<!tpu.dma_semaphore, #tpu.memory_space<semaphore_mem>>)
    %dma_wait3A_347 = arith.constant 7 : i32
    %dma_wait3A_348 = arith.constant 0 : i32
    %dma_wait3A_349 = tpu.memref_slice %arg7[%dma_wait3A_347, %dma_wait3A_348] : memref<8x128xi32, #tpu.memory_space<vmem>> -> memref<1x128xi32, #tpu.memory_space<vmem>>
    %dma_wait3A_350 = tpu.memref_squeeze %dma_wait3A_349 : memref<1x128xi32, #tpu.memory_space<vmem>> -> memref<128xi32, #tpu.memory_space<vmem>>
    %dma_wait3A_351 = arith.constant 0 : i32
    %dma_wait3A_352 = arith.constant 0 : i32
    %dma_wait3A_353 = tpu.memref_slice %arg2[%dma_wait3A_351, %dma_wait3A_352] : memref<10240x128xf32, #tpu.memory_space<hbm>> -> memref<10240x128xf32, #tpu.memory_space<hbm>>
    tpu.wait_indirect_dma semaphore(%arg14 : memref<!tpu.dma_semaphore, #tpu.memory_space<semaphore_mem>>) src(%dma_wait3A_353 : memref<10240x128xf32, #tpu.memory_space<hbm>>) dst(%arg11 : memref<128x128xf32, #tpu.memory_space<vmem>>)
    %run_scoped3A_354 = arith.constant 7 : i32
    "tpu.region"() ({
      %run_scoped3A_749 = tpu.sem_alloc : memref<!tpu.dma_semaphore, #tpu.memory_space<semaphore_mem>>
      %dma_start3A_750 = arith.constant 0 : i32
      %dma_start3A_751 = tpu.memref_slice %arg9[%run_scoped3A_354, %dma_start3A_750] : memref<8x128xi32, #tpu.memory_space<vmem>> -> memref<1x128xi32, #tpu.memory_space<vmem>>
      %dma_start3A_752 = tpu.memref_squeeze %dma_start3A_751 : memref<1x128xi32, #tpu.memory_space<vmem>> -> memref<128xi32, #tpu.memory_space<vmem>>
      %dma_start3A_753 = arith.constant 0 : i32
      %dma_start3A_754 = arith.constant 0 : i32
      %dma_start3A_755 = tpu.memref_slice %arg12[%dma_start3A_753, %dma_start3A_754] : memref<10240x128xf32, #tpu.memory_space<vmem_shared>> -> memref<10240x128xf32, #tpu.memory_space<vmem_shared>>
      tpu.enqueue_indirect_dma source(%arg11 : memref<128x128xf32, #tpu.memory_space<vmem>>) target(%dma_start3A_755 : memref<10240x128xf32, #tpu.memory_space<vmem_shared>>) offsets(%dma_start3A_752 : memref<128xi32, #tpu.memory_space<vmem>>) semaphore(%run_scoped3A_749 : memref<!tpu.dma_semaphore, #tpu.memory_space<semaphore_mem>>) {add = true}
      %dma_wait3A_756 = arith.constant 0 : i32
      %dma_wait3A_757 = tpu.memref_slice %arg9[%run_scoped3A_354, %dma_wait3A_756] : memref<8x128xi32, #tpu.memory_space<vmem>> -> memref<1x128xi32, #tpu.memory_space<vmem>>
      %dma_wait3A_758 = tpu.memref_squeeze %dma_wait3A_757 : memref<1x128xi32, #tpu.memory_space<vmem>> -> memref<128xi32, #tpu.memory_space<vmem>>
      %dma_wait3A_759 = arith.constant 0 : i32
      %dma_wait3A_760 = arith.constant 0 : i32
      %dma_wait3A_761 = tpu.memref_slice %arg12[%dma_wait3A_759, %dma_wait3A_760] : memref<10240x128xf32, #tpu.memory_space<vmem_shared>> -> memref<10240x128xf32, #tpu.memory_space<vmem_shared>>
      tpu.wait_indirect_dma semaphore(%run_scoped3A_749 : memref<!tpu.dma_semaphore, #tpu.memory_space<semaphore_mem>>) src(%arg11 : memref<128x128xf32, #tpu.memory_space<vmem>>) dst(%dma_wait3A_761 : memref<10240x128xf32, #tpu.memory_space<vmem_shared>>)
      tpu.yield
    }) : () -> ()
    %dma_start3A_355 = arith.constant 5 : i32
    %dma_start3A_356 = arith.constant 0 : i32
    %dma_start3A_357 = arith.constant 0 : i32
    %dma_start3A_358 = tpu.memref_slice %arg3[%add3A, %dma_start3A_355, %dma_start3A_356, %dma_start3A_357] : memref<32x10x8x128xi32, #tpu.memory_space<hbm>> -> memref<1x1x8x128xi32, #tpu.memory_space<hbm>>
    %dma_start3A_359 = tpu.memref_squeeze %dma_start3A_358 : memref<1x1x8x128xi32, #tpu.memory_space<hbm>> -> memref<8x128xi32, #tpu.memory_space<hbm>>
    %dma_start3A_360 = arith.constant 0 : i32
    %dma_start3A_361 = arith.constant 0 : i32
    %dma_start3A_362 = tpu.memref_slice %arg3[%add3A, %dma_start3A_355, %dma_start3A_360, %dma_start3A_361] : memref<32x10x8x128xi32, #tpu.memory_space<hbm>> -> memref<1x1x8x128xi32, #tpu.memory_space<hbm>>
    %dma_start3A_363 = tpu.memref_squeeze %dma_start3A_362 : memref<1x1x8x128xi32, #tpu.memory_space<hbm>> -> memref<8x128xi32, #tpu.memory_space<hbm>>
    tpu.enqueue_dma source(%dma_start3A_363 : memref<8x128xi32, #tpu.memory_space<hbm>>) target(%arg7 : memref<8x128xi32, #tpu.memory_space<vmem>>) target_semaphore(%arg15 : memref<!tpu.dma_semaphore, #tpu.memory_space<semaphore_mem>>)
    %dma_start3A_364 = arith.constant 5 : i32
    %dma_start3A_365 = arith.constant 0 : i32
    %dma_start3A_366 = arith.constant 0 : i32
    %dma_start3A_367 = tpu.memref_slice %arg4[%add3A, %dma_start3A_364, %dma_start3A_365, %dma_start3A_366] : memref<32x10x8x128xi32, #tpu.memory_space<hbm>> -> memref<1x1x8x128xi32, #tpu.memory_space<hbm>>
    %dma_start3A_368 = tpu.memref_squeeze %dma_start3A_367 : memref<1x1x8x128xi32, #tpu.memory_space<hbm>> -> memref<8x128xi32, #tpu.memory_space<hbm>>
    %dma_start3A_369 = arith.constant 0 : i32
    %dma_start3A_370 = arith.constant 0 : i32
    %dma_start3A_371 = tpu.memref_slice %arg4[%add3A, %dma_start3A_364, %dma_start3A_369, %dma_start3A_370] : memref<32x10x8x128xi32, #tpu.memory_space<hbm>> -> memref<1x1x8x128xi32, #tpu.memory_space<hbm>>
    %dma_start3A_372 = tpu.memref_squeeze %dma_start3A_371 : memref<1x1x8x128xi32, #tpu.memory_space<hbm>> -> memref<8x128xi32, #tpu.memory_space<hbm>>
    tpu.enqueue_dma source(%dma_start3A_372 : memref<8x128xi32, #tpu.memory_space<hbm>>) target(%arg9 : memref<8x128xi32, #tpu.memory_space<vmem>>) target_semaphore(%arg15 : memref<!tpu.dma_semaphore, #tpu.memory_space<semaphore_mem>>)
    %scan3A_373 = arith.constant 0 : i32
    %scan3A_374 = arith.constant 0 : i32
    %scan3A_375 = arith.constant 3 : i32
    %scan3A_376 = arith.addi %scan3A_374, %scan3A_375 : i32
    %scan3A_377 = arith.constant 1 : i32
    scf.for %scan3A_749 = %scan3A_374 to %scan3A_376 step %scan3A_377  : i32 {
      %mul3A_750 = arith.constant 2 : i32
      %mul3A_751 = arith.muli %scan3A_749, %mul3A_750 : i32
      %add3A_752 = arith.constant 1 : i32
      %add3A_753 = arith.addi %mul3A_751, %add3A_752 : i32
      %dma_start3A_754 = arith.constant 0 : i32
      %dma_start3A_755 = tpu.memref_slice %arg6[%add3A_753, %dma_start3A_754] : memref<8x128xi32, #tpu.memory_space<vmem>> -> memref<1x128xi32, #tpu.memory_space<vmem>>
      %dma_start3A_756 = tpu.memref_squeeze %dma_start3A_755 : memref<1x128xi32, #tpu.memory_space<vmem>> -> memref<128xi32, #tpu.memory_space<vmem>>
      %dma_start3A_757 = arith.constant 0 : i32
      %dma_start3A_758 = arith.constant 0 : i32
      %dma_start3A_759 = tpu.memref_slice %arg2[%dma_start3A_757, %dma_start3A_758] : memref<10240x128xf32, #tpu.memory_space<hbm>> -> memref<10240x128xf32, #tpu.memory_space<hbm>>
      tpu.enqueue_indirect_dma source(%dma_start3A_759 : memref<10240x128xf32, #tpu.memory_space<hbm>>) target(%arg11 : memref<128x128xf32, #tpu.memory_space<vmem>>) offsets(%dma_start3A_756 : memref<128xi32, #tpu.memory_space<vmem>>) semaphore(%arg14 : memref<!tpu.dma_semaphore, #tpu.memory_space<semaphore_mem>>)
      %dma_wait3A_760 = arith.constant 0 : i32
      %dma_wait3A_761 = tpu.memref_slice %arg6[%mul3A_751, %dma_wait3A_760] : memref<8x128xi32, #tpu.memory_space<vmem>> -> memref<1x128xi32, #tpu.memory_space<vmem>>
      %dma_wait3A_762 = tpu.memref_squeeze %dma_wait3A_761 : memref<1x128xi32, #tpu.memory_space<vmem>> -> memref<128xi32, #tpu.memory_space<vmem>>
      %dma_wait3A_763 = arith.constant 0 : i32
      %dma_wait3A_764 = arith.constant 0 : i32
      %dma_wait3A_765 = tpu.memref_slice %arg2[%dma_wait3A_763, %dma_wait3A_764] : memref<10240x128xf32, #tpu.memory_space<hbm>> -> memref<10240x128xf32, #tpu.memory_space<hbm>>
      tpu.wait_indirect_dma semaphore(%arg13 : memref<!tpu.dma_semaphore, #tpu.memory_space<semaphore_mem>>) src(%dma_wait3A_765 : memref<10240x128xf32, #tpu.memory_space<hbm>>) dst(%arg10 : memref<128x128xf32, #tpu.memory_space<vmem>>)
      "tpu.region"() ({
        %run_scoped3A_780 = tpu.sem_alloc : memref<!tpu.dma_semaphore, #tpu.memory_space<semaphore_mem>>
        %dma_start3A_781 = arith.constant 0 : i32
        %dma_start3A_782 = tpu.memref_slice %arg8[%mul3A_751, %dma_start3A_781] : memref<8x128xi32, #tpu.memory_space<vmem>> -> memref<1x128xi32, #tpu.memory_space<vmem>>
        %dma_start3A_783 = tpu.memref_squeeze %dma_start3A_782 : memref<1x128xi32, #tpu.memory_space<vmem>> -> memref<128xi32, #tpu.memory_space<vmem>>
        %dma_start3A_784 = arith.constant 0 : i32
        %dma_start3A_785 = arith.constant 0 : i32
        %dma_start3A_786 = tpu.memref_slice %arg12[%dma_start3A_784, %dma_start3A_785] : memref<10240x128xf32, #tpu.memory_space<vmem_shared>> -> memref<10240x128xf32, #tpu.memory_space<vmem_shared>>
        tpu.enqueue_indirect_dma source(%arg10 : memref<128x128xf32, #tpu.memory_space<vmem>>) target(%dma_start3A_786 : memref<10240x128xf32, #tpu.memory_space<vmem_shared>>) offsets(%dma_start3A_783 : memref<128xi32, #tpu.memory_space<vmem>>) semaphore(%run_scoped3A_780 : memref<!tpu.dma_semaphore, #tpu.memory_space<semaphore_mem>>) {add = true}
        %dma_wait3A_787 = arith.constant 0 : i32
        %dma_wait3A_788 = tpu.memref_slice %arg8[%mul3A_751, %dma_wait3A_787] : memref<8x128xi32, #tpu.memory_space<vmem>> -> memref<1x128xi32, #tpu.memory_space<vmem>>
        %dma_wait3A_789 = tpu.memref_squeeze %dma_wait3A_788 : memref<1x128xi32, #tpu.memory_space<vmem>> -> memref<128xi32, #tpu.memory_space<vmem>>
        %dma_wait3A_790 = arith.constant 0 : i32
        %dma_wait3A_791 = arith.constant 0 : i32
        %dma_wait3A_792 = tpu.memref_slice %arg12[%dma_wait3A_790, %dma_wait3A_791] : memref<10240x128xf32, #tpu.memory_space<vmem_shared>> -> memref<10240x128xf32, #tpu.memory_space<vmem_shared>>
        tpu.wait_indirect_dma semaphore(%run_scoped3A_780 : memref<!tpu.dma_semaphore, #tpu.memory_space<semaphore_mem>>) src(%arg10 : memref<128x128xf32, #tpu.memory_space<vmem>>) dst(%dma_wait3A_792 : memref<10240x128xf32, #tpu.memory_space<vmem_shared>>)
        tpu.yield
      }) : () -> ()
      %add3A_766 = arith.constant 2 : i32
      %add3A_767 = arith.addi %mul3A_751, %add3A_766 : i32
      %dma_start3A_768 = arith.constant 0 : i32
      %dma_start3A_769 = tpu.memref_slice %arg6[%add3A_767, %dma_start3A_768] : memref<8x128xi32, #tpu.memory_space<vmem>> -> memref<1x128xi32, #tpu.memory_space<vmem>>
      %dma_start3A_770 = tpu.memref_squeeze %dma_start3A_769 : memref<1x128xi32, #tpu.memory_space<vmem>> -> memref<128xi32, #tpu.memory_space<vmem>>
      %dma_start3A_771 = arith.constant 0 : i32
      %dma_start3A_772 = arith.constant 0 : i32
      %dma_start3A_773 = tpu.memref_slice %arg2[%dma_start3A_771, %dma_start3A_772] : memref<10240x128xf32, #tpu.memory_space<hbm>> -> memref<10240x128xf32, #tpu.memory_space<hbm>>
      tpu.enqueue_indirect_dma source(%dma_start3A_773 : memref<10240x128xf32, #tpu.memory_space<hbm>>) target(%arg10 : memref<128x128xf32, #tpu.memory_space<vmem>>) offsets(%dma_start3A_770 : memref<128xi32, #tpu.memory_space<vmem>>) semaphore(%arg13 : memref<!tpu.dma_semaphore, #tpu.memory_space<semaphore_mem>>)
      %dma_wait3A_774 = arith.constant 0 : i32
      %dma_wait3A_775 = tpu.memref_slice %arg6[%add3A_753, %dma_wait3A_774] : memref<8x128xi32, #tpu.memory_space<vmem>> -> memref<1x128xi32, #tpu.memory_space<vmem>>
      %dma_wait3A_776 = tpu.memref_squeeze %dma_wait3A_775 : memref<1x128xi32, #tpu.memory_space<vmem>> -> memref<128xi32, #tpu.memory_space<vmem>>
      %dma_wait3A_777 = arith.constant 0 : i32
      %dma_wait3A_778 = arith.constant 0 : i32
      %dma_wait3A_779 = tpu.memref_slice %arg2[%dma_wait3A_777, %dma_wait3A_778] : memref<10240x128xf32, #tpu.memory_space<hbm>> -> memref<10240x128xf32, #tpu.memory_space<hbm>>
      tpu.wait_indirect_dma semaphore(%arg14 : memref<!tpu.dma_semaphore, #tpu.memory_space<semaphore_mem>>) src(%dma_wait3A_779 : memref<10240x128xf32, #tpu.memory_space<hbm>>) dst(%arg11 : memref<128x128xf32, #tpu.memory_space<vmem>>)
      "tpu.region"() ({
        %run_scoped3A_780 = tpu.sem_alloc : memref<!tpu.dma_semaphore, #tpu.memory_space<semaphore_mem>>
        %dma_start3A_781 = arith.constant 0 : i32
        %dma_start3A_782 = tpu.memref_slice %arg8[%add3A_753, %dma_start3A_781] : memref<8x128xi32, #tpu.memory_space<vmem>> -> memref<1x128xi32, #tpu.memory_space<vmem>>
        %dma_start3A_783 = tpu.memref_squeeze %dma_start3A_782 : memref<1x128xi32, #tpu.memory_space<vmem>> -> memref<128xi32, #tpu.memory_space<vmem>>
        %dma_start3A_784 = arith.constant 0 : i32
        %dma_start3A_785 = arith.constant 0 : i32
        %dma_start3A_786 = tpu.memref_slice %arg12[%dma_start3A_784, %dma_start3A_785] : memref<10240x128xf32, #tpu.memory_space<vmem_shared>> -> memref<10240x128xf32, #tpu.memory_space<vmem_shared>>
        tpu.enqueue_indirect_dma source(%arg11 : memref<128x128xf32, #tpu.memory_space<vmem>>) target(%dma_start3A_786 : memref<10240x128xf32, #tpu.memory_space<vmem_shared>>) offsets(%dma_start3A_783 : memref<128xi32, #tpu.memory_space<vmem>>) semaphore(%run_scoped3A_780 : memref<!tpu.dma_semaphore, #tpu.memory_space<semaphore_mem>>) {add = true}
        %dma_wait3A_787 = arith.constant 0 : i32
        %dma_wait3A_788 = tpu.memref_slice %arg8[%add3A_753, %dma_wait3A_787] : memref<8x128xi32, #tpu.memory_space<vmem>> -> memref<1x128xi32, #tpu.memory_space<vmem>>
        %dma_wait3A_789 = tpu.memref_squeeze %dma_wait3A_788 : memref<1x128xi32, #tpu.memory_space<vmem>> -> memref<128xi32, #tpu.memory_space<vmem>>
        %dma_wait3A_790 = arith.constant 0 : i32
        %dma_wait3A_791 = arith.constant 0 : i32
        %dma_wait3A_792 = tpu.memref_slice %arg12[%dma_wait3A_790, %dma_wait3A_791] : memref<10240x128xf32, #tpu.memory_space<vmem_shared>> -> memref<10240x128xf32, #tpu.memory_space<vmem_shared>>
        tpu.wait_indirect_dma semaphore(%run_scoped3A_780 : memref<!tpu.dma_semaphore, #tpu.memory_space<semaphore_mem>>) src(%arg11 : memref<128x128xf32, #tpu.memory_space<vmem>>) dst(%dma_wait3A_792 : memref<10240x128xf32, #tpu.memory_space<vmem_shared>>)
        tpu.yield
      }) : () -> ()
    }
    %scan3A_378 = arith.constant 3 : i32
    %dma_start3A_379 = arith.constant 7 : i32
    %dma_start3A_380 = arith.constant 0 : i32
    %dma_start3A_381 = tpu.memref_slice %arg6[%dma_start3A_379, %dma_start3A_380] : memref<8x128xi32, #tpu.memory_space<vmem>> -> memref<1x128xi32, #tpu.memory_space<vmem>>
    %dma_start3A_382 = tpu.memref_squeeze %dma_start3A_381 : memref<1x128xi32, #tpu.memory_space<vmem>> -> memref<128xi32, #tpu.memory_space<vmem>>
    %dma_start3A_383 = arith.constant 0 : i32
    %dma_start3A_384 = arith.constant 0 : i32
    %dma_start3A_385 = tpu.memref_slice %arg2[%dma_start3A_383, %dma_start3A_384] : memref<10240x128xf32, #tpu.memory_space<hbm>> -> memref<10240x128xf32, #tpu.memory_space<hbm>>
    tpu.enqueue_indirect_dma source(%dma_start3A_385 : memref<10240x128xf32, #tpu.memory_space<hbm>>) target(%arg11 : memref<128x128xf32, #tpu.memory_space<vmem>>) offsets(%dma_start3A_382 : memref<128xi32, #tpu.memory_space<vmem>>) semaphore(%arg14 : memref<!tpu.dma_semaphore, #tpu.memory_space<semaphore_mem>>)
    %dma_wait3A_386 = arith.constant 6 : i32
    %dma_wait3A_387 = arith.constant 0 : i32
    %dma_wait3A_388 = tpu.memref_slice %arg6[%dma_wait3A_386, %dma_wait3A_387] : memref<8x128xi32, #tpu.memory_space<vmem>> -> memref<1x128xi32, #tpu.memory_space<vmem>>
    %dma_wait3A_389 = tpu.memref_squeeze %dma_wait3A_388 : memref<1x128xi32, #tpu.memory_space<vmem>> -> memref<128xi32, #tpu.memory_space<vmem>>
    %dma_wait3A_390 = arith.constant 0 : i32
    %dma_wait3A_391 = arith.constant 0 : i32
    %dma_wait3A_392 = tpu.memref_slice %arg2[%dma_wait3A_390, %dma_wait3A_391] : memref<10240x128xf32, #tpu.memory_space<hbm>> -> memref<10240x128xf32, #tpu.memory_space<hbm>>
    tpu.wait_indirect_dma semaphore(%arg13 : memref<!tpu.dma_semaphore, #tpu.memory_space<semaphore_mem>>) src(%dma_wait3A_392 : memref<10240x128xf32, #tpu.memory_space<hbm>>) dst(%arg10 : memref<128x128xf32, #tpu.memory_space<vmem>>)
    %run_scoped3A_393 = arith.constant 6 : i32
    "tpu.region"() ({
      %run_scoped3A_749 = tpu.sem_alloc : memref<!tpu.dma_semaphore, #tpu.memory_space<semaphore_mem>>
      %dma_start3A_750 = arith.constant 0 : i32
      %dma_start3A_751 = tpu.memref_slice %arg8[%run_scoped3A_393, %dma_start3A_750] : memref<8x128xi32, #tpu.memory_space<vmem>> -> memref<1x128xi32, #tpu.memory_space<vmem>>
      %dma_start3A_752 = tpu.memref_squeeze %dma_start3A_751 : memref<1x128xi32, #tpu.memory_space<vmem>> -> memref<128xi32, #tpu.memory_space<vmem>>
      %dma_start3A_753 = arith.constant 0 : i32
      %dma_start3A_754 = arith.constant 0 : i32
      %dma_start3A_755 = tpu.memref_slice %arg12[%dma_start3A_753, %dma_start3A_754] : memref<10240x128xf32, #tpu.memory_space<vmem_shared>> -> memref<10240x128xf32, #tpu.memory_space<vmem_shared>>
      tpu.enqueue_indirect_dma source(%arg10 : memref<128x128xf32, #tpu.memory_space<vmem>>) target(%dma_start3A_755 : memref<10240x128xf32, #tpu.memory_space<vmem_shared>>) offsets(%dma_start3A_752 : memref<128xi32, #tpu.memory_space<vmem>>) semaphore(%run_scoped3A_749 : memref<!tpu.dma_semaphore, #tpu.memory_space<semaphore_mem>>) {add = true}
      %dma_wait3A_756 = arith.constant 0 : i32
      %dma_wait3A_757 = tpu.memref_slice %arg8[%run_scoped3A_393, %dma_wait3A_756] : memref<8x128xi32, #tpu.memory_space<vmem>> -> memref<1x128xi32, #tpu.memory_space<vmem>>
      %dma_wait3A_758 = tpu.memref_squeeze %dma_wait3A_757 : memref<1x128xi32, #tpu.memory_space<vmem>> -> memref<128xi32, #tpu.memory_space<vmem>>
      %dma_wait3A_759 = arith.constant 0 : i32
      %dma_wait3A_760 = arith.constant 0 : i32
      %dma_wait3A_761 = tpu.memref_slice %arg12[%dma_wait3A_759, %dma_wait3A_760] : memref<10240x128xf32, #tpu.memory_space<vmem_shared>> -> memref<10240x128xf32, #tpu.memory_space<vmem_shared>>
      tpu.wait_indirect_dma semaphore(%run_scoped3A_749 : memref<!tpu.dma_semaphore, #tpu.memory_space<semaphore_mem>>) src(%arg10 : memref<128x128xf32, #tpu.memory_space<vmem>>) dst(%dma_wait3A_761 : memref<10240x128xf32, #tpu.memory_space<vmem_shared>>)
      tpu.yield
    }) : () -> ()
    %dma_wait3A_394 = arith.constant 5 : i32
    %dma_wait3A_395 = arith.constant 0 : i32
    %dma_wait3A_396 = arith.constant 0 : i32
    %dma_wait3A_397 = tpu.memref_slice %arg3[%add3A, %dma_wait3A_394, %dma_wait3A_395, %dma_wait3A_396] : memref<32x10x8x128xi32, #tpu.memory_space<hbm>> -> memref<1x1x8x128xi32, #tpu.memory_space<hbm>>
    %dma_wait3A_398 = tpu.memref_squeeze %dma_wait3A_397 : memref<1x1x8x128xi32, #tpu.memory_space<hbm>> -> memref<8x128xi32, #tpu.memory_space<hbm>>
    %dma_wait3A_399 = arith.constant 0 : i32
    %dma_wait3A_400 = arith.constant 0 : i32
    %dma_wait3A_401 = tpu.memref_slice %arg3[%add3A, %dma_wait3A_394, %dma_wait3A_399, %dma_wait3A_400] : memref<32x10x8x128xi32, #tpu.memory_space<hbm>> -> memref<1x1x8x128xi32, #tpu.memory_space<hbm>>
    %dma_wait3A_402 = tpu.memref_squeeze %dma_wait3A_401 : memref<1x1x8x128xi32, #tpu.memory_space<hbm>> -> memref<8x128xi32, #tpu.memory_space<hbm>>
    tpu.wait_dma2 semaphore(%arg15 : memref<!tpu.dma_semaphore, #tpu.memory_space<semaphore_mem>>) src(%dma_wait3A_402 : memref<8x128xi32, #tpu.memory_space<hbm>>) dst(%arg7 : memref<8x128xi32, #tpu.memory_space<vmem>>)
    %dma_wait3A_403 = arith.constant 5 : i32
    %dma_wait3A_404 = arith.constant 0 : i32
    %dma_wait3A_405 = arith.constant 0 : i32
    %dma_wait3A_406 = tpu.memref_slice %arg4[%add3A, %dma_wait3A_403, %dma_wait3A_404, %dma_wait3A_405] : memref<32x10x8x128xi32, #tpu.memory_space<hbm>> -> memref<1x1x8x128xi32, #tpu.memory_space<hbm>>
    %dma_wait3A_407 = tpu.memref_squeeze %dma_wait3A_406 : memref<1x1x8x128xi32, #tpu.memory_space<hbm>> -> memref<8x128xi32, #tpu.memory_space<hbm>>
    %dma_wait3A_408 = arith.constant 0 : i32
    %dma_wait3A_409 = arith.constant 0 : i32
    %dma_wait3A_410 = tpu.memref_slice %arg4[%add3A, %dma_wait3A_403, %dma_wait3A_408, %dma_wait3A_409] : memref<32x10x8x128xi32, #tpu.memory_space<hbm>> -> memref<1x1x8x128xi32, #tpu.memory_space<hbm>>
    %dma_wait3A_411 = tpu.memref_squeeze %dma_wait3A_410 : memref<1x1x8x128xi32, #tpu.memory_space<hbm>> -> memref<8x128xi32, #tpu.memory_space<hbm>>
    tpu.wait_dma2 semaphore(%arg15 : memref<!tpu.dma_semaphore, #tpu.memory_space<semaphore_mem>>) src(%dma_wait3A_411 : memref<8x128xi32, #tpu.memory_space<hbm>>) dst(%arg9 : memref<8x128xi32, #tpu.memory_space<vmem>>)
    %dma_start3A_412 = arith.constant 0 : i32
    %dma_start3A_413 = arith.constant 0 : i32
    %dma_start3A_414 = tpu.memref_slice %arg7[%dma_start3A_412, %dma_start3A_413] : memref<8x128xi32, #tpu.memory_space<vmem>> -> memref<1x128xi32, #tpu.memory_space<vmem>>
    %dma_start3A_415 = tpu.memref_squeeze %dma_start3A_414 : memref<1x128xi32, #tpu.memory_space<vmem>> -> memref<128xi32, #tpu.memory_space<vmem>>
    %dma_start3A_416 = arith.constant 0 : i32
    %dma_start3A_417 = arith.constant 0 : i32
    %dma_start3A_418 = tpu.memref_slice %arg2[%dma_start3A_416, %dma_start3A_417] : memref<10240x128xf32, #tpu.memory_space<hbm>> -> memref<10240x128xf32, #tpu.memory_space<hbm>>
    tpu.enqueue_indirect_dma source(%dma_start3A_418 : memref<10240x128xf32, #tpu.memory_space<hbm>>) target(%arg10 : memref<128x128xf32, #tpu.memory_space<vmem>>) offsets(%dma_start3A_415 : memref<128xi32, #tpu.memory_space<vmem>>) semaphore(%arg13 : memref<!tpu.dma_semaphore, #tpu.memory_space<semaphore_mem>>)
    %dma_wait3A_419 = arith.constant 7 : i32
    %dma_wait3A_420 = arith.constant 0 : i32
    %dma_wait3A_421 = tpu.memref_slice %arg6[%dma_wait3A_419, %dma_wait3A_420] : memref<8x128xi32, #tpu.memory_space<vmem>> -> memref<1x128xi32, #tpu.memory_space<vmem>>
    %dma_wait3A_422 = tpu.memref_squeeze %dma_wait3A_421 : memref<1x128xi32, #tpu.memory_space<vmem>> -> memref<128xi32, #tpu.memory_space<vmem>>
    %dma_wait3A_423 = arith.constant 0 : i32
    %dma_wait3A_424 = arith.constant 0 : i32
    %dma_wait3A_425 = tpu.memref_slice %arg2[%dma_wait3A_423, %dma_wait3A_424] : memref<10240x128xf32, #tpu.memory_space<hbm>> -> memref<10240x128xf32, #tpu.memory_space<hbm>>
    tpu.wait_indirect_dma semaphore(%arg14 : memref<!tpu.dma_semaphore, #tpu.memory_space<semaphore_mem>>) src(%dma_wait3A_425 : memref<10240x128xf32, #tpu.memory_space<hbm>>) dst(%arg11 : memref<128x128xf32, #tpu.memory_space<vmem>>)
    %run_scoped3A_426 = arith.constant 7 : i32
    "tpu.region"() ({
      %run_scoped3A_749 = tpu.sem_alloc : memref<!tpu.dma_semaphore, #tpu.memory_space<semaphore_mem>>
      %dma_start3A_750 = arith.constant 0 : i32
      %dma_start3A_751 = tpu.memref_slice %arg8[%run_scoped3A_426, %dma_start3A_750] : memref<8x128xi32, #tpu.memory_space<vmem>> -> memref<1x128xi32, #tpu.memory_space<vmem>>
      %dma_start3A_752 = tpu.memref_squeeze %dma_start3A_751 : memref<1x128xi32, #tpu.memory_space<vmem>> -> memref<128xi32, #tpu.memory_space<vmem>>
      %dma_start3A_753 = arith.constant 0 : i32
      %dma_start3A_754 = arith.constant 0 : i32
      %dma_start3A_755 = tpu.memref_slice %arg12[%dma_start3A_753, %dma_start3A_754] : memref<10240x128xf32, #tpu.memory_space<vmem_shared>> -> memref<10240x128xf32, #tpu.memory_space<vmem_shared>>
      tpu.enqueue_indirect_dma source(%arg11 : memref<128x128xf32, #tpu.memory_space<vmem>>) target(%dma_start3A_755 : memref<10240x128xf32, #tpu.memory_space<vmem_shared>>) offsets(%dma_start3A_752 : memref<128xi32, #tpu.memory_space<vmem>>) semaphore(%run_scoped3A_749 : memref<!tpu.dma_semaphore, #tpu.memory_space<semaphore_mem>>) {add = true}
      %dma_wait3A_756 = arith.constant 0 : i32
      %dma_wait3A_757 = tpu.memref_slice %arg8[%run_scoped3A_426, %dma_wait3A_756] : memref<8x128xi32, #tpu.memory_space<vmem>> -> memref<1x128xi32, #tpu.memory_space<vmem>>
      %dma_wait3A_758 = tpu.memref_squeeze %dma_wait3A_757 : memref<1x128xi32, #tpu.memory_space<vmem>> -> memref<128xi32, #tpu.memory_space<vmem>>
      %dma_wait3A_759 = arith.constant 0 : i32
      %dma_wait3A_760 = arith.constant 0 : i32
      %dma_wait3A_761 = tpu.memref_slice %arg12[%dma_wait3A_759, %dma_wait3A_760] : memref<10240x128xf32, #tpu.memory_space<vmem_shared>> -> memref<10240x128xf32, #tpu.memory_space<vmem_shared>>
      tpu.wait_indirect_dma semaphore(%run_scoped3A_749 : memref<!tpu.dma_semaphore, #tpu.memory_space<semaphore_mem>>) src(%arg11 : memref<128x128xf32, #tpu.memory_space<vmem>>) dst(%dma_wait3A_761 : memref<10240x128xf32, #tpu.memory_space<vmem_shared>>)
      tpu.yield
    }) : () -> ()
    %dma_start3A_427 = arith.constant 6 : i32
    %dma_start3A_428 = arith.constant 0 : i32
    %dma_start3A_429 = arith.constant 0 : i32
    %dma_start3A_430 = tpu.memref_slice %arg3[%add3A, %dma_start3A_427, %dma_start3A_428, %dma_start3A_429] : memref<32x10x8x128xi32, #tpu.memory_space<hbm>> -> memref<1x1x8x128xi32, #tpu.memory_space<hbm>>
    %dma_start3A_431 = tpu.memref_squeeze %dma_start3A_430 : memref<1x1x8x128xi32, #tpu.memory_space<hbm>> -> memref<8x128xi32, #tpu.memory_space<hbm>>
    %dma_start3A_432 = arith.constant 0 : i32
    %dma_start3A_433 = arith.constant 0 : i32
    %dma_start3A_434 = tpu.memref_slice %arg3[%add3A, %dma_start3A_427, %dma_start3A_432, %dma_start3A_433] : memref<32x10x8x128xi32, #tpu.memory_space<hbm>> -> memref<1x1x8x128xi32, #tpu.memory_space<hbm>>
    %dma_start3A_435 = tpu.memref_squeeze %dma_start3A_434 : memref<1x1x8x128xi32, #tpu.memory_space<hbm>> -> memref<8x128xi32, #tpu.memory_space<hbm>>
    tpu.enqueue_dma source(%dma_start3A_435 : memref<8x128xi32, #tpu.memory_space<hbm>>) target(%arg6 : memref<8x128xi32, #tpu.memory_space<vmem>>) target_semaphore(%arg15 : memref<!tpu.dma_semaphore, #tpu.memory_space<semaphore_mem>>)
    %dma_start3A_436 = arith.constant 6 : i32
    %dma_start3A_437 = arith.constant 0 : i32
    %dma_start3A_438 = arith.constant 0 : i32
    %dma_start3A_439 = tpu.memref_slice %arg4[%add3A, %dma_start3A_436, %dma_start3A_437, %dma_start3A_438] : memref<32x10x8x128xi32, #tpu.memory_space<hbm>> -> memref<1x1x8x128xi32, #tpu.memory_space<hbm>>
    %dma_start3A_440 = tpu.memref_squeeze %dma_start3A_439 : memref<1x1x8x128xi32, #tpu.memory_space<hbm>> -> memref<8x128xi32, #tpu.memory_space<hbm>>
    %dma_start3A_441 = arith.constant 0 : i32
    %dma_start3A_442 = arith.constant 0 : i32
    %dma_start3A_443 = tpu.memref_slice %arg4[%add3A, %dma_start3A_436, %dma_start3A_441, %dma_start3A_442] : memref<32x10x8x128xi32, #tpu.memory_space<hbm>> -> memref<1x1x8x128xi32, #tpu.memory_space<hbm>>
    %dma_start3A_444 = tpu.memref_squeeze %dma_start3A_443 : memref<1x1x8x128xi32, #tpu.memory_space<hbm>> -> memref<8x128xi32, #tpu.memory_space<hbm>>
    tpu.enqueue_dma source(%dma_start3A_444 : memref<8x128xi32, #tpu.memory_space<hbm>>) target(%arg8 : memref<8x128xi32, #tpu.memory_space<vmem>>) target_semaphore(%arg15 : memref<!tpu.dma_semaphore, #tpu.memory_space<semaphore_mem>>)
    %scan3A_445 = arith.constant 0 : i32
    %scan3A_446 = arith.constant 0 : i32
    %scan3A_447 = arith.constant 3 : i32
    %scan3A_448 = arith.addi %scan3A_446, %scan3A_447 : i32
    %scan3A_449 = arith.constant 1 : i32
    scf.for %scan3A_749 = %scan3A_446 to %scan3A_448 step %scan3A_449  : i32 {
      %mul3A_750 = arith.constant 2 : i32
      %mul3A_751 = arith.muli %scan3A_749, %mul3A_750 : i32
      %add3A_752 = arith.constant 1 : i32
      %add3A_753 = arith.addi %mul3A_751, %add3A_752 : i32
      %dma_start3A_754 = arith.constant 0 : i32
      %dma_start3A_755 = tpu.memref_slice %arg7[%add3A_753, %dma_start3A_754] : memref<8x128xi32, #tpu.memory_space<vmem>> -> memref<1x128xi32, #tpu.memory_space<vmem>>
      %dma_start3A_756 = tpu.memref_squeeze %dma_start3A_755 : memref<1x128xi32, #tpu.memory_space<vmem>> -> memref<128xi32, #tpu.memory_space<vmem>>
      %dma_start3A_757 = arith.constant 0 : i32
      %dma_start3A_758 = arith.constant 0 : i32
      %dma_start3A_759 = tpu.memref_slice %arg2[%dma_start3A_757, %dma_start3A_758] : memref<10240x128xf32, #tpu.memory_space<hbm>> -> memref<10240x128xf32, #tpu.memory_space<hbm>>
      tpu.enqueue_indirect_dma source(%dma_start3A_759 : memref<10240x128xf32, #tpu.memory_space<hbm>>) target(%arg11 : memref<128x128xf32, #tpu.memory_space<vmem>>) offsets(%dma_start3A_756 : memref<128xi32, #tpu.memory_space<vmem>>) semaphore(%arg14 : memref<!tpu.dma_semaphore, #tpu.memory_space<semaphore_mem>>)
      %dma_wait3A_760 = arith.constant 0 : i32
      %dma_wait3A_761 = tpu.memref_slice %arg7[%mul3A_751, %dma_wait3A_760] : memref<8x128xi32, #tpu.memory_space<vmem>> -> memref<1x128xi32, #tpu.memory_space<vmem>>
      %dma_wait3A_762 = tpu.memref_squeeze %dma_wait3A_761 : memref<1x128xi32, #tpu.memory_space<vmem>> -> memref<128xi32, #tpu.memory_space<vmem>>
      %dma_wait3A_763 = arith.constant 0 : i32
      %dma_wait3A_764 = arith.constant 0 : i32
      %dma_wait3A_765 = tpu.memref_slice %arg2[%dma_wait3A_763, %dma_wait3A_764] : memref<10240x128xf32, #tpu.memory_space<hbm>> -> memref<10240x128xf32, #tpu.memory_space<hbm>>
      tpu.wait_indirect_dma semaphore(%arg13 : memref<!tpu.dma_semaphore, #tpu.memory_space<semaphore_mem>>) src(%dma_wait3A_765 : memref<10240x128xf32, #tpu.memory_space<hbm>>) dst(%arg10 : memref<128x128xf32, #tpu.memory_space<vmem>>)
      "tpu.region"() ({
        %run_scoped3A_780 = tpu.sem_alloc : memref<!tpu.dma_semaphore, #tpu.memory_space<semaphore_mem>>
        %dma_start3A_781 = arith.constant 0 : i32
        %dma_start3A_782 = tpu.memref_slice %arg9[%mul3A_751, %dma_start3A_781] : memref<8x128xi32, #tpu.memory_space<vmem>> -> memref<1x128xi32, #tpu.memory_space<vmem>>
        %dma_start3A_783 = tpu.memref_squeeze %dma_start3A_782 : memref<1x128xi32, #tpu.memory_space<vmem>> -> memref<128xi32, #tpu.memory_space<vmem>>
        %dma_start3A_784 = arith.constant 0 : i32
        %dma_start3A_785 = arith.constant 0 : i32
        %dma_start3A_786 = tpu.memref_slice %arg12[%dma_start3A_784, %dma_start3A_785] : memref<10240x128xf32, #tpu.memory_space<vmem_shared>> -> memref<10240x128xf32, #tpu.memory_space<vmem_shared>>
        tpu.enqueue_indirect_dma source(%arg10 : memref<128x128xf32, #tpu.memory_space<vmem>>) target(%dma_start3A_786 : memref<10240x128xf32, #tpu.memory_space<vmem_shared>>) offsets(%dma_start3A_783 : memref<128xi32, #tpu.memory_space<vmem>>) semaphore(%run_scoped3A_780 : memref<!tpu.dma_semaphore, #tpu.memory_space<semaphore_mem>>) {add = true}
        %dma_wait3A_787 = arith.constant 0 : i32
        %dma_wait3A_788 = tpu.memref_slice %arg9[%mul3A_751, %dma_wait3A_787] : memref<8x128xi32, #tpu.memory_space<vmem>> -> memref<1x128xi32, #tpu.memory_space<vmem>>
        %dma_wait3A_789 = tpu.memref_squeeze %dma_wait3A_788 : memref<1x128xi32, #tpu.memory_space<vmem>> -> memref<128xi32, #tpu.memory_space<vmem>>
        %dma_wait3A_790 = arith.constant 0 : i32
        %dma_wait3A_791 = arith.constant 0 : i32
        %dma_wait3A_792 = tpu.memref_slice %arg12[%dma_wait3A_790, %dma_wait3A_791] : memref<10240x128xf32, #tpu.memory_space<vmem_shared>> -> memref<10240x128xf32, #tpu.memory_space<vmem_shared>>
        tpu.wait_indirect_dma semaphore(%run_scoped3A_780 : memref<!tpu.dma_semaphore, #tpu.memory_space<semaphore_mem>>) src(%arg10 : memref<128x128xf32, #tpu.memory_space<vmem>>) dst(%dma_wait3A_792 : memref<10240x128xf32, #tpu.memory_space<vmem_shared>>)
        tpu.yield
      }) : () -> ()
      %add3A_766 = arith.constant 2 : i32
      %add3A_767 = arith.addi %mul3A_751, %add3A_766 : i32
      %dma_start3A_768 = arith.constant 0 : i32
      %dma_start3A_769 = tpu.memref_slice %arg7[%add3A_767, %dma_start3A_768] : memref<8x128xi32, #tpu.memory_space<vmem>> -> memref<1x128xi32, #tpu.memory_space<vmem>>
      %dma_start3A_770 = tpu.memref_squeeze %dma_start3A_769 : memref<1x128xi32, #tpu.memory_space<vmem>> -> memref<128xi32, #tpu.memory_space<vmem>>
      %dma_start3A_771 = arith.constant 0 : i32
      %dma_start3A_772 = arith.constant 0 : i32
      %dma_start3A_773 = tpu.memref_slice %arg2[%dma_start3A_771, %dma_start3A_772] : memref<10240x128xf32, #tpu.memory_space<hbm>> -> memref<10240x128xf32, #tpu.memory_space<hbm>>
      tpu.enqueue_indirect_dma source(%dma_start3A_773 : memref<10240x128xf32, #tpu.memory_space<hbm>>) target(%arg10 : memref<128x128xf32, #tpu.memory_space<vmem>>) offsets(%dma_start3A_770 : memref<128xi32, #tpu.memory_space<vmem>>) semaphore(%arg13 : memref<!tpu.dma_semaphore, #tpu.memory_space<semaphore_mem>>)
      %dma_wait3A_774 = arith.constant 0 : i32
      %dma_wait3A_775 = tpu.memref_slice %arg7[%add3A_753, %dma_wait3A_774] : memref<8x128xi32, #tpu.memory_space<vmem>> -> memref<1x128xi32, #tpu.memory_space<vmem>>
      %dma_wait3A_776 = tpu.memref_squeeze %dma_wait3A_775 : memref<1x128xi32, #tpu.memory_space<vmem>> -> memref<128xi32, #tpu.memory_space<vmem>>
      %dma_wait3A_777 = arith.constant 0 : i32
      %dma_wait3A_778 = arith.constant 0 : i32
      %dma_wait3A_779 = tpu.memref_slice %arg2[%dma_wait3A_777, %dma_wait3A_778] : memref<10240x128xf32, #tpu.memory_space<hbm>> -> memref<10240x128xf32, #tpu.memory_space<hbm>>
      tpu.wait_indirect_dma semaphore(%arg14 : memref<!tpu.dma_semaphore, #tpu.memory_space<semaphore_mem>>) src(%dma_wait3A_779 : memref<10240x128xf32, #tpu.memory_space<hbm>>) dst(%arg11 : memref<128x128xf32, #tpu.memory_space<vmem>>)
      "tpu.region"() ({
        %run_scoped3A_780 = tpu.sem_alloc : memref<!tpu.dma_semaphore, #tpu.memory_space<semaphore_mem>>
        %dma_start3A_781 = arith.constant 0 : i32
        %dma_start3A_782 = tpu.memref_slice %arg9[%add3A_753, %dma_start3A_781] : memref<8x128xi32, #tpu.memory_space<vmem>> -> memref<1x128xi32, #tpu.memory_space<vmem>>
        %dma_start3A_783 = tpu.memref_squeeze %dma_start3A_782 : memref<1x128xi32, #tpu.memory_space<vmem>> -> memref<128xi32, #tpu.memory_space<vmem>>
        %dma_start3A_784 = arith.constant 0 : i32
        %dma_start3A_785 = arith.constant 0 : i32
        %dma_start3A_786 = tpu.memref_slice %arg12[%dma_start3A_784, %dma_start3A_785] : memref<10240x128xf32, #tpu.memory_space<vmem_shared>> -> memref<10240x128xf32, #tpu.memory_space<vmem_shared>>
        tpu.enqueue_indirect_dma source(%arg11 : memref<128x128xf32, #tpu.memory_space<vmem>>) target(%dma_start3A_786 : memref<10240x128xf32, #tpu.memory_space<vmem_shared>>) offsets(%dma_start3A_783 : memref<128xi32, #tpu.memory_space<vmem>>) semaphore(%run_scoped3A_780 : memref<!tpu.dma_semaphore, #tpu.memory_space<semaphore_mem>>) {add = true}
        %dma_wait3A_787 = arith.constant 0 : i32
        %dma_wait3A_788 = tpu.memref_slice %arg9[%add3A_753, %dma_wait3A_787] : memref<8x128xi32, #tpu.memory_space<vmem>> -> memref<1x128xi32, #tpu.memory_space<vmem>>
        %dma_wait3A_789 = tpu.memref_squeeze %dma_wait3A_788 : memref<1x128xi32, #tpu.memory_space<vmem>> -> memref<128xi32, #tpu.memory_space<vmem>>
        %dma_wait3A_790 = arith.constant 0 : i32
        %dma_wait3A_791 = arith.constant 0 : i32
        %dma_wait3A_792 = tpu.memref_slice %arg12[%dma_wait3A_790, %dma_wait3A_791] : memref<10240x128xf32, #tpu.memory_space<vmem_shared>> -> memref<10240x128xf32, #tpu.memory_space<vmem_shared>>
        tpu.wait_indirect_dma semaphore(%run_scoped3A_780 : memref<!tpu.dma_semaphore, #tpu.memory_space<semaphore_mem>>) src(%arg11 : memref<128x128xf32, #tpu.memory_space<vmem>>) dst(%dma_wait3A_792 : memref<10240x128xf32, #tpu.memory_space<vmem_shared>>)
        tpu.yield
      }) : () -> ()
    }
    %scan3A_450 = arith.constant 3 : i32
    %dma_start3A_451 = arith.constant 7 : i32
    %dma_start3A_452 = arith.constant 0 : i32
    %dma_start3A_453 = tpu.memref_slice %arg7[%dma_start3A_451, %dma_start3A_452] : memref<8x128xi32, #tpu.memory_space<vmem>> -> memref<1x128xi32, #tpu.memory_space<vmem>>
    %dma_start3A_454 = tpu.memref_squeeze %dma_start3A_453 : memref<1x128xi32, #tpu.memory_space<vmem>> -> memref<128xi32, #tpu.memory_space<vmem>>
    %dma_start3A_455 = arith.constant 0 : i32
    %dma_start3A_456 = arith.constant 0 : i32
    %dma_start3A_457 = tpu.memref_slice %arg2[%dma_start3A_455, %dma_start3A_456] : memref<10240x128xf32, #tpu.memory_space<hbm>> -> memref<10240x128xf32, #tpu.memory_space<hbm>>
    tpu.enqueue_indirect_dma source(%dma_start3A_457 : memref<10240x128xf32, #tpu.memory_space<hbm>>) target(%arg11 : memref<128x128xf32, #tpu.memory_space<vmem>>) offsets(%dma_start3A_454 : memref<128xi32, #tpu.memory_space<vmem>>) semaphore(%arg14 : memref<!tpu.dma_semaphore, #tpu.memory_space<semaphore_mem>>)
    %dma_wait3A_458 = arith.constant 6 : i32
    %dma_wait3A_459 = arith.constant 0 : i32
    %dma_wait3A_460 = tpu.memref_slice %arg7[%dma_wait3A_458, %dma_wait3A_459] : memref<8x128xi32, #tpu.memory_space<vmem>> -> memref<1x128xi32, #tpu.memory_space<vmem>>
    %dma_wait3A_461 = tpu.memref_squeeze %dma_wait3A_460 : memref<1x128xi32, #tpu.memory_space<vmem>> -> memref<128xi32, #tpu.memory_space<vmem>>
    %dma_wait3A_462 = arith.constant 0 : i32
    %dma_wait3A_463 = arith.constant 0 : i32
    %dma_wait3A_464 = tpu.memref_slice %arg2[%dma_wait3A_462, %dma_wait3A_463] : memref<10240x128xf32, #tpu.memory_space<hbm>> -> memref<10240x128xf32, #tpu.memory_space<hbm>>
    tpu.wait_indirect_dma semaphore(%arg13 : memref<!tpu.dma_semaphore, #tpu.memory_space<semaphore_mem>>) src(%dma_wait3A_464 : memref<10240x128xf32, #tpu.memory_space<hbm>>) dst(%arg10 : memref<128x128xf32, #tpu.memory_space<vmem>>)
    %run_scoped3A_465 = arith.constant 6 : i32
    "tpu.region"() ({
      %run_scoped3A_749 = tpu.sem_alloc : memref<!tpu.dma_semaphore, #tpu.memory_space<semaphore_mem>>
      %dma_start3A_750 = arith.constant 0 : i32
      %dma_start3A_751 = tpu.memref_slice %arg9[%run_scoped3A_465, %dma_start3A_750] : memref<8x128xi32, #tpu.memory_space<vmem>> -> memref<1x128xi32, #tpu.memory_space<vmem>>
      %dma_start3A_752 = tpu.memref_squeeze %dma_start3A_751 : memref<1x128xi32, #tpu.memory_space<vmem>> -> memref<128xi32, #tpu.memory_space<vmem>>
      %dma_start3A_753 = arith.constant 0 : i32
      %dma_start3A_754 = arith.constant 0 : i32
      %dma_start3A_755 = tpu.memref_slice %arg12[%dma_start3A_753, %dma_start3A_754] : memref<10240x128xf32, #tpu.memory_space<vmem_shared>> -> memref<10240x128xf32, #tpu.memory_space<vmem_shared>>
      tpu.enqueue_indirect_dma source(%arg10 : memref<128x128xf32, #tpu.memory_space<vmem>>) target(%dma_start3A_755 : memref<10240x128xf32, #tpu.memory_space<vmem_shared>>) offsets(%dma_start3A_752 : memref<128xi32, #tpu.memory_space<vmem>>) semaphore(%run_scoped3A_749 : memref<!tpu.dma_semaphore, #tpu.memory_space<semaphore_mem>>) {add = true}
      %dma_wait3A_756 = arith.constant 0 : i32
      %dma_wait3A_757 = tpu.memref_slice %arg9[%run_scoped3A_465, %dma_wait3A_756] : memref<8x128xi32, #tpu.memory_space<vmem>> -> memref<1x128xi32, #tpu.memory_space<vmem>>
      %dma_wait3A_758 = tpu.memref_squeeze %dma_wait3A_757 : memref<1x128xi32, #tpu.memory_space<vmem>> -> memref<128xi32, #tpu.memory_space<vmem>>
      %dma_wait3A_759 = arith.constant 0 : i32
      %dma_wait3A_760 = arith.constant 0 : i32
      %dma_wait3A_761 = tpu.memref_slice %arg12[%dma_wait3A_759, %dma_wait3A_760] : memref<10240x128xf32, #tpu.memory_space<vmem_shared>> -> memref<10240x128xf32, #tpu.memory_space<vmem_shared>>
      tpu.wait_indirect_dma semaphore(%run_scoped3A_749 : memref<!tpu.dma_semaphore, #tpu.memory_space<semaphore_mem>>) src(%arg10 : memref<128x128xf32, #tpu.memory_space<vmem>>) dst(%dma_wait3A_761 : memref<10240x128xf32, #tpu.memory_space<vmem_shared>>)
      tpu.yield
    }) : () -> ()
    %dma_wait3A_466 = arith.constant 6 : i32
    %dma_wait3A_467 = arith.constant 0 : i32
    %dma_wait3A_468 = arith.constant 0 : i32
    %dma_wait3A_469 = tpu.memref_slice %arg3[%add3A, %dma_wait3A_466, %dma_wait3A_467, %dma_wait3A_468] : memref<32x10x8x128xi32, #tpu.memory_space<hbm>> -> memref<1x1x8x128xi32, #tpu.memory_space<hbm>>
    %dma_wait3A_470 = tpu.memref_squeeze %dma_wait3A_469 : memref<1x1x8x128xi32, #tpu.memory_space<hbm>> -> memref<8x128xi32, #tpu.memory_space<hbm>>
    %dma_wait3A_471 = arith.constant 0 : i32
    %dma_wait3A_472 = arith.constant 0 : i32
    %dma_wait3A_473 = tpu.memref_slice %arg3[%add3A, %dma_wait3A_466, %dma_wait3A_471, %dma_wait3A_472] : memref<32x10x8x128xi32, #tpu.memory_space<hbm>> -> memref<1x1x8x128xi32, #tpu.memory_space<hbm>>
    %dma_wait3A_474 = tpu.memref_squeeze %dma_wait3A_473 : memref<1x1x8x128xi32, #tpu.memory_space<hbm>> -> memref<8x128xi32, #tpu.memory_space<hbm>>
    tpu.wait_dma2 semaphore(%arg15 : memref<!tpu.dma_semaphore, #tpu.memory_space<semaphore_mem>>) src(%dma_wait3A_474 : memref<8x128xi32, #tpu.memory_space<hbm>>) dst(%arg6 : memref<8x128xi32, #tpu.memory_space<vmem>>)
    %dma_wait3A_475 = arith.constant 6 : i32
    %dma_wait3A_476 = arith.constant 0 : i32
    %dma_wait3A_477 = arith.constant 0 : i32
    %dma_wait3A_478 = tpu.memref_slice %arg4[%add3A, %dma_wait3A_475, %dma_wait3A_476, %dma_wait3A_477] : memref<32x10x8x128xi32, #tpu.memory_space<hbm>> -> memref<1x1x8x128xi32, #tpu.memory_space<hbm>>
    %dma_wait3A_479 = tpu.memref_squeeze %dma_wait3A_478 : memref<1x1x8x128xi32, #tpu.memory_space<hbm>> -> memref<8x128xi32, #tpu.memory_space<hbm>>
    %dma_wait3A_480 = arith.constant 0 : i32
    %dma_wait3A_481 = arith.constant 0 : i32
    %dma_wait3A_482 = tpu.memref_slice %arg4[%add3A, %dma_wait3A_475, %dma_wait3A_480, %dma_wait3A_481] : memref<32x10x8x128xi32, #tpu.memory_space<hbm>> -> memref<1x1x8x128xi32, #tpu.memory_space<hbm>>
    %dma_wait3A_483 = tpu.memref_squeeze %dma_wait3A_482 : memref<1x1x8x128xi32, #tpu.memory_space<hbm>> -> memref<8x128xi32, #tpu.memory_space<hbm>>
    tpu.wait_dma2 semaphore(%arg15 : memref<!tpu.dma_semaphore, #tpu.memory_space<semaphore_mem>>) src(%dma_wait3A_483 : memref<8x128xi32, #tpu.memory_space<hbm>>) dst(%arg8 : memref<8x128xi32, #tpu.memory_space<vmem>>)
    %dma_start3A_484 = arith.constant 0 : i32
    %dma_start3A_485 = arith.constant 0 : i32
    %dma_start3A_486 = tpu.memref_slice %arg6[%dma_start3A_484, %dma_start3A_485] : memref<8x128xi32, #tpu.memory_space<vmem>> -> memref<1x128xi32, #tpu.memory_space<vmem>>
    %dma_start3A_487 = tpu.memref_squeeze %dma_start3A_486 : memref<1x128xi32, #tpu.memory_space<vmem>> -> memref<128xi32, #tpu.memory_space<vmem>>
    %dma_start3A_488 = arith.constant 0 : i32
    %dma_start3A_489 = arith.constant 0 : i32
    %dma_start3A_490 = tpu.memref_slice %arg2[%dma_start3A_488, %dma_start3A_489] : memref<10240x128xf32, #tpu.memory_space<hbm>> -> memref<10240x128xf32, #tpu.memory_space<hbm>>
    tpu.enqueue_indirect_dma source(%dma_start3A_490 : memref<10240x128xf32, #tpu.memory_space<hbm>>) target(%arg10 : memref<128x128xf32, #tpu.memory_space<vmem>>) offsets(%dma_start3A_487 : memref<128xi32, #tpu.memory_space<vmem>>) semaphore(%arg13 : memref<!tpu.dma_semaphore, #tpu.memory_space<semaphore_mem>>)
    %dma_wait3A_491 = arith.constant 7 : i32
    %dma_wait3A_492 = arith.constant 0 : i32
    %dma_wait3A_493 = tpu.memref_slice %arg7[%dma_wait3A_491, %dma_wait3A_492] : memref<8x128xi32, #tpu.memory_space<vmem>> -> memref<1x128xi32, #tpu.memory_space<vmem>>
    %dma_wait3A_494 = tpu.memref_squeeze %dma_wait3A_493 : memref<1x128xi32, #tpu.memory_space<vmem>> -> memref<128xi32, #tpu.memory_space<vmem>>
    %dma_wait3A_495 = arith.constant 0 : i32
    %dma_wait3A_496 = arith.constant 0 : i32
    %dma_wait3A_497 = tpu.memref_slice %arg2[%dma_wait3A_495, %dma_wait3A_496] : memref<10240x128xf32, #tpu.memory_space<hbm>> -> memref<10240x128xf32, #tpu.memory_space<hbm>>
    tpu.wait_indirect_dma semaphore(%arg14 : memref<!tpu.dma_semaphore, #tpu.memory_space<semaphore_mem>>) src(%dma_wait3A_497 : memref<10240x128xf32, #tpu.memory_space<hbm>>) dst(%arg11 : memref<128x128xf32, #tpu.memory_space<vmem>>)
    %run_scoped3A_498 = arith.constant 7 : i32
    "tpu.region"() ({
      %run_scoped3A_749 = tpu.sem_alloc : memref<!tpu.dma_semaphore, #tpu.memory_space<semaphore_mem>>
      %dma_start3A_750 = arith.constant 0 : i32
      %dma_start3A_751 = tpu.memref_slice %arg9[%run_scoped3A_498, %dma_start3A_750] : memref<8x128xi32, #tpu.memory_space<vmem>> -> memref<1x128xi32, #tpu.memory_space<vmem>>
      %dma_start3A_752 = tpu.memref_squeeze %dma_start3A_751 : memref<1x128xi32, #tpu.memory_space<vmem>> -> memref<128xi32, #tpu.memory_space<vmem>>
      %dma_start3A_753 = arith.constant 0 : i32
      %dma_start3A_754 = arith.constant 0 : i32
      %dma_start3A_755 = tpu.memref_slice %arg12[%dma_start3A_753, %dma_start3A_754] : memref<10240x128xf32, #tpu.memory_space<vmem_shared>> -> memref<10240x128xf32, #tpu.memory_space<vmem_shared>>
      tpu.enqueue_indirect_dma source(%arg11 : memref<128x128xf32, #tpu.memory_space<vmem>>) target(%dma_start3A_755 : memref<10240x128xf32, #tpu.memory_space<vmem_shared>>) offsets(%dma_start3A_752 : memref<128xi32, #tpu.memory_space<vmem>>) semaphore(%run_scoped3A_749 : memref<!tpu.dma_semaphore, #tpu.memory_space<semaphore_mem>>) {add = true}
      %dma_wait3A_756 = arith.constant 0 : i32
      %dma_wait3A_757 = tpu.memref_slice %arg9[%run_scoped3A_498, %dma_wait3A_756] : memref<8x128xi32, #tpu.memory_space<vmem>> -> memref<1x128xi32, #tpu.memory_space<vmem>>
      %dma_wait3A_758 = tpu.memref_squeeze %dma_wait3A_757 : memref<1x128xi32, #tpu.memory_space<vmem>> -> memref<128xi32, #tpu.memory_space<vmem>>
      %dma_wait3A_759 = arith.constant 0 : i32
      %dma_wait3A_760 = arith.constant 0 : i32
      %dma_wait3A_761 = tpu.memref_slice %arg12[%dma_wait3A_759, %dma_wait3A_760] : memref<10240x128xf32, #tpu.memory_space<vmem_shared>> -> memref<10240x128xf32, #tpu.memory_space<vmem_shared>>
      tpu.wait_indirect_dma semaphore(%run_scoped3A_749 : memref<!tpu.dma_semaphore, #tpu.memory_space<semaphore_mem>>) src(%arg11 : memref<128x128xf32, #tpu.memory_space<vmem>>) dst(%dma_wait3A_761 : memref<10240x128xf32, #tpu.memory_space<vmem_shared>>)
      tpu.yield
    }) : () -> ()
    %dma_start3A_499 = arith.constant 7 : i32
    %dma_start3A_500 = arith.constant 0 : i32
    %dma_start3A_501 = arith.constant 0 : i32
    %dma_start3A_502 = tpu.memref_slice %arg3[%add3A, %dma_start3A_499, %dma_start3A_500, %dma_start3A_501] : memref<32x10x8x128xi32, #tpu.memory_space<hbm>> -> memref<1x1x8x128xi32, #tpu.memory_space<hbm>>
    %dma_start3A_503 = tpu.memref_squeeze %dma_start3A_502 : memref<1x1x8x128xi32, #tpu.memory_space<hbm>> -> memref<8x128xi32, #tpu.memory_space<hbm>>
    %dma_start3A_504 = arith.constant 0 : i32
    %dma_start3A_505 = arith.constant 0 : i32
    %dma_start3A_506 = tpu.memref_slice %arg3[%add3A, %dma_start3A_499, %dma_start3A_504, %dma_start3A_505] : memref<32x10x8x128xi32, #tpu.memory_space<hbm>> -> memref<1x1x8x128xi32, #tpu.memory_space<hbm>>
    %dma_start3A_507 = tpu.memref_squeeze %dma_start3A_506 : memref<1x1x8x128xi32, #tpu.memory_space<hbm>> -> memref<8x128xi32, #tpu.memory_space<hbm>>
    tpu.enqueue_dma source(%dma_start3A_507 : memref<8x128xi32, #tpu.memory_space<hbm>>) target(%arg7 : memref<8x128xi32, #tpu.memory_space<vmem>>) target_semaphore(%arg15 : memref<!tpu.dma_semaphore, #tpu.memory_space<semaphore_mem>>)
    %dma_start3A_508 = arith.constant 7 : i32
    %dma_start3A_509 = arith.constant 0 : i32
    %dma_start3A_510 = arith.constant 0 : i32
    %dma_start3A_511 = tpu.memref_slice %arg4[%add3A, %dma_start3A_508, %dma_start3A_509, %dma_start3A_510] : memref<32x10x8x128xi32, #tpu.memory_space<hbm>> -> memref<1x1x8x128xi32, #tpu.memory_space<hbm>>
    %dma_start3A_512 = tpu.memref_squeeze %dma_start3A_511 : memref<1x1x8x128xi32, #tpu.memory_space<hbm>> -> memref<8x128xi32, #tpu.memory_space<hbm>>
    %dma_start3A_513 = arith.constant 0 : i32
    %dma_start3A_514 = arith.constant 0 : i32
    %dma_start3A_515 = tpu.memref_slice %arg4[%add3A, %dma_start3A_508, %dma_start3A_513, %dma_start3A_514] : memref<32x10x8x128xi32, #tpu.memory_space<hbm>> -> memref<1x1x8x128xi32, #tpu.memory_space<hbm>>
    %dma_start3A_516 = tpu.memref_squeeze %dma_start3A_515 : memref<1x1x8x128xi32, #tpu.memory_space<hbm>> -> memref<8x128xi32, #tpu.memory_space<hbm>>
    tpu.enqueue_dma source(%dma_start3A_516 : memref<8x128xi32, #tpu.memory_space<hbm>>) target(%arg9 : memref<8x128xi32, #tpu.memory_space<vmem>>) target_semaphore(%arg15 : memref<!tpu.dma_semaphore, #tpu.memory_space<semaphore_mem>>)
    %scan3A_517 = arith.constant 0 : i32
    %scan3A_518 = arith.constant 0 : i32
    %scan3A_519 = arith.constant 3 : i32
    %scan3A_520 = arith.addi %scan3A_518, %scan3A_519 : i32
    %scan3A_521 = arith.constant 1 : i32
    scf.for %scan3A_749 = %scan3A_518 to %scan3A_520 step %scan3A_521  : i32 {
      %mul3A_750 = arith.constant 2 : i32
      %mul3A_751 = arith.muli %scan3A_749, %mul3A_750 : i32
      %add3A_752 = arith.constant 1 : i32
      %add3A_753 = arith.addi %mul3A_751, %add3A_752 : i32
      %dma_start3A_754 = arith.constant 0 : i32
      %dma_start3A_755 = tpu.memref_slice %arg6[%add3A_753, %dma_start3A_754] : memref<8x128xi32, #tpu.memory_space<vmem>> -> memref<1x128xi32, #tpu.memory_space<vmem>>
      %dma_start3A_756 = tpu.memref_squeeze %dma_start3A_755 : memref<1x128xi32, #tpu.memory_space<vmem>> -> memref<128xi32, #tpu.memory_space<vmem>>
      %dma_start3A_757 = arith.constant 0 : i32
      %dma_start3A_758 = arith.constant 0 : i32
      %dma_start3A_759 = tpu.memref_slice %arg2[%dma_start3A_757, %dma_start3A_758] : memref<10240x128xf32, #tpu.memory_space<hbm>> -> memref<10240x128xf32, #tpu.memory_space<hbm>>
      tpu.enqueue_indirect_dma source(%dma_start3A_759 : memref<10240x128xf32, #tpu.memory_space<hbm>>) target(%arg11 : memref<128x128xf32, #tpu.memory_space<vmem>>) offsets(%dma_start3A_756 : memref<128xi32, #tpu.memory_space<vmem>>) semaphore(%arg14 : memref<!tpu.dma_semaphore, #tpu.memory_space<semaphore_mem>>)
      %dma_wait3A_760 = arith.constant 0 : i32
      %dma_wait3A_761 = tpu.memref_slice %arg6[%mul3A_751, %dma_wait3A_760] : memref<8x128xi32, #tpu.memory_space<vmem>> -> memref<1x128xi32, #tpu.memory_space<vmem>>
      %dma_wait3A_762 = tpu.memref_squeeze %dma_wait3A_761 : memref<1x128xi32, #tpu.memory_space<vmem>> -> memref<128xi32, #tpu.memory_space<vmem>>
      %dma_wait3A_763 = arith.constant 0 : i32
      %dma_wait3A_764 = arith.constant 0 : i32
      %dma_wait3A_765 = tpu.memref_slice %arg2[%dma_wait3A_763, %dma_wait3A_764] : memref<10240x128xf32, #tpu.memory_space<hbm>> -> memref<10240x128xf32, #tpu.memory_space<hbm>>
      tpu.wait_indirect_dma semaphore(%arg13 : memref<!tpu.dma_semaphore, #tpu.memory_space<semaphore_mem>>) src(%dma_wait3A_765 : memref<10240x128xf32, #tpu.memory_space<hbm>>) dst(%arg10 : memref<128x128xf32, #tpu.memory_space<vmem>>)
      "tpu.region"() ({
        %run_scoped3A_780 = tpu.sem_alloc : memref<!tpu.dma_semaphore, #tpu.memory_space<semaphore_mem>>
        %dma_start3A_781 = arith.constant 0 : i32
        %dma_start3A_782 = tpu.memref_slice %arg8[%mul3A_751, %dma_start3A_781] : memref<8x128xi32, #tpu.memory_space<vmem>> -> memref<1x128xi32, #tpu.memory_space<vmem>>
        %dma_start3A_783 = tpu.memref_squeeze %dma_start3A_782 : memref<1x128xi32, #tpu.memory_space<vmem>> -> memref<128xi32, #tpu.memory_space<vmem>>
        %dma_start3A_784 = arith.constant 0 : i32
        %dma_start3A_785 = arith.constant 0 : i32
        %dma_start3A_786 = tpu.memref_slice %arg12[%dma_start3A_784, %dma_start3A_785] : memref<10240x128xf32, #tpu.memory_space<vmem_shared>> -> memref<10240x128xf32, #tpu.memory_space<vmem_shared>>
        tpu.enqueue_indirect_dma source(%arg10 : memref<128x128xf32, #tpu.memory_space<vmem>>) target(%dma_start3A_786 : memref<10240x128xf32, #tpu.memory_space<vmem_shared>>) offsets(%dma_start3A_783 : memref<128xi32, #tpu.memory_space<vmem>>) semaphore(%run_scoped3A_780 : memref<!tpu.dma_semaphore, #tpu.memory_space<semaphore_mem>>) {add = true}
        %dma_wait3A_787 = arith.constant 0 : i32
        %dma_wait3A_788 = tpu.memref_slice %arg8[%mul3A_751, %dma_wait3A_787] : memref<8x128xi32, #tpu.memory_space<vmem>> -> memref<1x128xi32, #tpu.memory_space<vmem>>
        %dma_wait3A_789 = tpu.memref_squeeze %dma_wait3A_788 : memref<1x128xi32, #tpu.memory_space<vmem>> -> memref<128xi32, #tpu.memory_space<vmem>>
        %dma_wait3A_790 = arith.constant 0 : i32
        %dma_wait3A_791 = arith.constant 0 : i32
        %dma_wait3A_792 = tpu.memref_slice %arg12[%dma_wait3A_790, %dma_wait3A_791] : memref<10240x128xf32, #tpu.memory_space<vmem_shared>> -> memref<10240x128xf32, #tpu.memory_space<vmem_shared>>
        tpu.wait_indirect_dma semaphore(%run_scoped3A_780 : memref<!tpu.dma_semaphore, #tpu.memory_space<semaphore_mem>>) src(%arg10 : memref<128x128xf32, #tpu.memory_space<vmem>>) dst(%dma_wait3A_792 : memref<10240x128xf32, #tpu.memory_space<vmem_shared>>)
        tpu.yield
      }) : () -> ()
      %add3A_766 = arith.constant 2 : i32
      %add3A_767 = arith.addi %mul3A_751, %add3A_766 : i32
      %dma_start3A_768 = arith.constant 0 : i32
      %dma_start3A_769 = tpu.memref_slice %arg6[%add3A_767, %dma_start3A_768] : memref<8x128xi32, #tpu.memory_space<vmem>> -> memref<1x128xi32, #tpu.memory_space<vmem>>
      %dma_start3A_770 = tpu.memref_squeeze %dma_start3A_769 : memref<1x128xi32, #tpu.memory_space<vmem>> -> memref<128xi32, #tpu.memory_space<vmem>>
      %dma_start3A_771 = arith.constant 0 : i32
      %dma_start3A_772 = arith.constant 0 : i32
      %dma_start3A_773 = tpu.memref_slice %arg2[%dma_start3A_771, %dma_start3A_772] : memref<10240x128xf32, #tpu.memory_space<hbm>> -> memref<10240x128xf32, #tpu.memory_space<hbm>>
      tpu.enqueue_indirect_dma source(%dma_start3A_773 : memref<10240x128xf32, #tpu.memory_space<hbm>>) target(%arg10 : memref<128x128xf32, #tpu.memory_space<vmem>>) offsets(%dma_start3A_770 : memref<128xi32, #tpu.memory_space<vmem>>) semaphore(%arg13 : memref<!tpu.dma_semaphore, #tpu.memory_space<semaphore_mem>>)
      %dma_wait3A_774 = arith.constant 0 : i32
      %dma_wait3A_775 = tpu.memref_slice %arg6[%add3A_753, %dma_wait3A_774] : memref<8x128xi32, #tpu.memory_space<vmem>> -> memref<1x128xi32, #tpu.memory_space<vmem>>
      %dma_wait3A_776 = tpu.memref_squeeze %dma_wait3A_775 : memref<1x128xi32, #tpu.memory_space<vmem>> -> memref<128xi32, #tpu.memory_space<vmem>>
      %dma_wait3A_777 = arith.constant 0 : i32
      %dma_wait3A_778 = arith.constant 0 : i32
      %dma_wait3A_779 = tpu.memref_slice %arg2[%dma_wait3A_777, %dma_wait3A_778] : memref<10240x128xf32, #tpu.memory_space<hbm>> -> memref<10240x128xf32, #tpu.memory_space<hbm>>
      tpu.wait_indirect_dma semaphore(%arg14 : memref<!tpu.dma_semaphore, #tpu.memory_space<semaphore_mem>>) src(%dma_wait3A_779 : memref<10240x128xf32, #tpu.memory_space<hbm>>) dst(%arg11 : memref<128x128xf32, #tpu.memory_space<vmem>>)
      "tpu.region"() ({
        %run_scoped3A_780 = tpu.sem_alloc : memref<!tpu.dma_semaphore, #tpu.memory_space<semaphore_mem>>
        %dma_start3A_781 = arith.constant 0 : i32
        %dma_start3A_782 = tpu.memref_slice %arg8[%add3A_753, %dma_start3A_781] : memref<8x128xi32, #tpu.memory_space<vmem>> -> memref<1x128xi32, #tpu.memory_space<vmem>>
        %dma_start3A_783 = tpu.memref_squeeze %dma_start3A_782 : memref<1x128xi32, #tpu.memory_space<vmem>> -> memref<128xi32, #tpu.memory_space<vmem>>
        %dma_start3A_784 = arith.constant 0 : i32
        %dma_start3A_785 = arith.constant 0 : i32
        %dma_start3A_786 = tpu.memref_slice %arg12[%dma_start3A_784, %dma_start3A_785] : memref<10240x128xf32, #tpu.memory_space<vmem_shared>> -> memref<10240x128xf32, #tpu.memory_space<vmem_shared>>
        tpu.enqueue_indirect_dma source(%arg11 : memref<128x128xf32, #tpu.memory_space<vmem>>) target(%dma_start3A_786 : memref<10240x128xf32, #tpu.memory_space<vmem_shared>>) offsets(%dma_start3A_783 : memref<128xi32, #tpu.memory_space<vmem>>) semaphore(%run_scoped3A_780 : memref<!tpu.dma_semaphore, #tpu.memory_space<semaphore_mem>>) {add = true}
        %dma_wait3A_787 = arith.constant 0 : i32
        %dma_wait3A_788 = tpu.memref_slice %arg8[%add3A_753, %dma_wait3A_787] : memref<8x128xi32, #tpu.memory_space<vmem>> -> memref<1x128xi32, #tpu.memory_space<vmem>>
        %dma_wait3A_789 = tpu.memref_squeeze %dma_wait3A_788 : memref<1x128xi32, #tpu.memory_space<vmem>> -> memref<128xi32, #tpu.memory_space<vmem>>
        %dma_wait3A_790 = arith.constant 0 : i32
        %dma_wait3A_791 = arith.constant 0 : i32
        %dma_wait3A_792 = tpu.memref_slice %arg12[%dma_wait3A_790, %dma_wait3A_791] : memref<10240x128xf32, #tpu.memory_space<vmem_shared>> -> memref<10240x128xf32, #tpu.memory_space<vmem_shared>>
        tpu.wait_indirect_dma semaphore(%run_scoped3A_780 : memref<!tpu.dma_semaphore, #tpu.memory_space<semaphore_mem>>) src(%arg11 : memref<128x128xf32, #tpu.memory_space<vmem>>) dst(%dma_wait3A_792 : memref<10240x128xf32, #tpu.memory_space<vmem_shared>>)
        tpu.yield
      }) : () -> ()
    }
    %scan3A_522 = arith.constant 3 : i32
    %dma_start3A_523 = arith.constant 7 : i32
    %dma_start3A_524 = arith.constant 0 : i32
    %dma_start3A_525 = tpu.memref_slice %arg6[%dma_start3A_523, %dma_start3A_524] : memref<8x128xi32, #tpu.memory_space<vmem>> -> memref<1x128xi32, #tpu.memory_space<vmem>>
    %dma_start3A_526 = tpu.memref_squeeze %dma_start3A_525 : memref<1x128xi32, #tpu.memory_space<vmem>> -> memref<128xi32, #tpu.memory_space<vmem>>
    %dma_start3A_527 = arith.constant 0 : i32
    %dma_start3A_528 = arith.constant 0 : i32
    %dma_start3A_529 = tpu.memref_slice %arg2[%dma_start3A_527, %dma_start3A_528] : memref<10240x128xf32, #tpu.memory_space<hbm>> -> memref<10240x128xf32, #tpu.memory_space<hbm>>
    tpu.enqueue_indirect_dma source(%dma_start3A_529 : memref<10240x128xf32, #tpu.memory_space<hbm>>) target(%arg11 : memref<128x128xf32, #tpu.memory_space<vmem>>) offsets(%dma_start3A_526 : memref<128xi32, #tpu.memory_space<vmem>>) semaphore(%arg14 : memref<!tpu.dma_semaphore, #tpu.memory_space<semaphore_mem>>)
    %dma_wait3A_530 = arith.constant 6 : i32
    %dma_wait3A_531 = arith.constant 0 : i32
    %dma_wait3A_532 = tpu.memref_slice %arg6[%dma_wait3A_530, %dma_wait3A_531] : memref<8x128xi32, #tpu.memory_space<vmem>> -> memref<1x128xi32, #tpu.memory_space<vmem>>
    %dma_wait3A_533 = tpu.memref_squeeze %dma_wait3A_532 : memref<1x128xi32, #tpu.memory_space<vmem>> -> memref<128xi32, #tpu.memory_space<vmem>>
    %dma_wait3A_534 = arith.constant 0 : i32
    %dma_wait3A_535 = arith.constant 0 : i32
    %dma_wait3A_536 = tpu.memref_slice %arg2[%dma_wait3A_534, %dma_wait3A_535] : memref<10240x128xf32, #tpu.memory_space<hbm>> -> memref<10240x128xf32, #tpu.memory_space<hbm>>
    tpu.wait_indirect_dma semaphore(%arg13 : memref<!tpu.dma_semaphore, #tpu.memory_space<semaphore_mem>>) src(%dma_wait3A_536 : memref<10240x128xf32, #tpu.memory_space<hbm>>) dst(%arg10 : memref<128x128xf32, #tpu.memory_space<vmem>>)
    %run_scoped3A_537 = arith.constant 6 : i32
    "tpu.region"() ({
      %run_scoped3A_749 = tpu.sem_alloc : memref<!tpu.dma_semaphore, #tpu.memory_space<semaphore_mem>>
      %dma_start3A_750 = arith.constant 0 : i32
      %dma_start3A_751 = tpu.memref_slice %arg8[%run_scoped3A_537, %dma_start3A_750] : memref<8x128xi32, #tpu.memory_space<vmem>> -> memref<1x128xi32, #tpu.memory_space<vmem>>
      %dma_start3A_752 = tpu.memref_squeeze %dma_start3A_751 : memref<1x128xi32, #tpu.memory_space<vmem>> -> memref<128xi32, #tpu.memory_space<vmem>>
      %dma_start3A_753 = arith.constant 0 : i32
      %dma_start3A_754 = arith.constant 0 : i32
      %dma_start3A_755 = tpu.memref_slice %arg12[%dma_start3A_753, %dma_start3A_754] : memref<10240x128xf32, #tpu.memory_space<vmem_shared>> -> memref<10240x128xf32, #tpu.memory_space<vmem_shared>>
      tpu.enqueue_indirect_dma source(%arg10 : memref<128x128xf32, #tpu.memory_space<vmem>>) target(%dma_start3A_755 : memref<10240x128xf32, #tpu.memory_space<vmem_shared>>) offsets(%dma_start3A_752 : memref<128xi32, #tpu.memory_space<vmem>>) semaphore(%run_scoped3A_749 : memref<!tpu.dma_semaphore, #tpu.memory_space<semaphore_mem>>) {add = true}
      %dma_wait3A_756 = arith.constant 0 : i32
      %dma_wait3A_757 = tpu.memref_slice %arg8[%run_scoped3A_537, %dma_wait3A_756] : memref<8x128xi32, #tpu.memory_space<vmem>> -> memref<1x128xi32, #tpu.memory_space<vmem>>
      %dma_wait3A_758 = tpu.memref_squeeze %dma_wait3A_757 : memref<1x128xi32, #tpu.memory_space<vmem>> -> memref<128xi32, #tpu.memory_space<vmem>>
      %dma_wait3A_759 = arith.constant 0 : i32
      %dma_wait3A_760 = arith.constant 0 : i32
      %dma_wait3A_761 = tpu.memref_slice %arg12[%dma_wait3A_759, %dma_wait3A_760] : memref<10240x128xf32, #tpu.memory_space<vmem_shared>> -> memref<10240x128xf32, #tpu.memory_space<vmem_shared>>
      tpu.wait_indirect_dma semaphore(%run_scoped3A_749 : memref<!tpu.dma_semaphore, #tpu.memory_space<semaphore_mem>>) src(%arg10 : memref<128x128xf32, #tpu.memory_space<vmem>>) dst(%dma_wait3A_761 : memref<10240x128xf32, #tpu.memory_space<vmem_shared>>)
      tpu.yield
    }) : () -> ()
    %dma_wait3A_538 = arith.constant 7 : i32
    %dma_wait3A_539 = arith.constant 0 : i32
    %dma_wait3A_540 = arith.constant 0 : i32
    %dma_wait3A_541 = tpu.memref_slice %arg3[%add3A, %dma_wait3A_538, %dma_wait3A_539, %dma_wait3A_540] : memref<32x10x8x128xi32, #tpu.memory_space<hbm>> -> memref<1x1x8x128xi32, #tpu.memory_space<hbm>>
    %dma_wait3A_542 = tpu.memref_squeeze %dma_wait3A_541 : memref<1x1x8x128xi32, #tpu.memory_space<hbm>> -> memref<8x128xi32, #tpu.memory_space<hbm>>
    %dma_wait3A_543 = arith.constant 0 : i32
    %dma_wait3A_544 = arith.constant 0 : i32
    %dma_wait3A_545 = tpu.memref_slice %arg3[%add3A, %dma_wait3A_538, %dma_wait3A_543, %dma_wait3A_544] : memref<32x10x8x128xi32, #tpu.memory_space<hbm>> -> memref<1x1x8x128xi32, #tpu.memory_space<hbm>>
    %dma_wait3A_546 = tpu.memref_squeeze %dma_wait3A_545 : memref<1x1x8x128xi32, #tpu.memory_space<hbm>> -> memref<8x128xi32, #tpu.memory_space<hbm>>
    tpu.wait_dma2 semaphore(%arg15 : memref<!tpu.dma_semaphore, #tpu.memory_space<semaphore_mem>>) src(%dma_wait3A_546 : memref<8x128xi32, #tpu.memory_space<hbm>>) dst(%arg7 : memref<8x128xi32, #tpu.memory_space<vmem>>)
    %dma_wait3A_547 = arith.constant 7 : i32
    %dma_wait3A_548 = arith.constant 0 : i32
    %dma_wait3A_549 = arith.constant 0 : i32
    %dma_wait3A_550 = tpu.memref_slice %arg4[%add3A, %dma_wait3A_547, %dma_wait3A_548, %dma_wait3A_549] : memref<32x10x8x128xi32, #tpu.memory_space<hbm>> -> memref<1x1x8x128xi32, #tpu.memory_space<hbm>>
    %dma_wait3A_551 = tpu.memref_squeeze %dma_wait3A_550 : memref<1x1x8x128xi32, #tpu.memory_space<hbm>> -> memref<8x128xi32, #tpu.memory_space<hbm>>
    %dma_wait3A_552 = arith.constant 0 : i32
    %dma_wait3A_553 = arith.constant 0 : i32
    %dma_wait3A_554 = tpu.memref_slice %arg4[%add3A, %dma_wait3A_547, %dma_wait3A_552, %dma_wait3A_553] : memref<32x10x8x128xi32, #tpu.memory_space<hbm>> -> memref<1x1x8x128xi32, #tpu.memory_space<hbm>>
    %dma_wait3A_555 = tpu.memref_squeeze %dma_wait3A_554 : memref<1x1x8x128xi32, #tpu.memory_space<hbm>> -> memref<8x128xi32, #tpu.memory_space<hbm>>
    tpu.wait_dma2 semaphore(%arg15 : memref<!tpu.dma_semaphore, #tpu.memory_space<semaphore_mem>>) src(%dma_wait3A_555 : memref<8x128xi32, #tpu.memory_space<hbm>>) dst(%arg9 : memref<8x128xi32, #tpu.memory_space<vmem>>)
    %dma_start3A_556 = arith.constant 0 : i32
    %dma_start3A_557 = arith.constant 0 : i32
    %dma_start3A_558 = tpu.memref_slice %arg7[%dma_start3A_556, %dma_start3A_557] : memref<8x128xi32, #tpu.memory_space<vmem>> -> memref<1x128xi32, #tpu.memory_space<vmem>>
    %dma_start3A_559 = tpu.memref_squeeze %dma_start3A_558 : memref<1x128xi32, #tpu.memory_space<vmem>> -> memref<128xi32, #tpu.memory_space<vmem>>
    %dma_start3A_560 = arith.constant 0 : i32
    %dma_start3A_561 = arith.constant 0 : i32
    %dma_start3A_562 = tpu.memref_slice %arg2[%dma_start3A_560, %dma_start3A_561] : memref<10240x128xf32, #tpu.memory_space<hbm>> -> memref<10240x128xf32, #tpu.memory_space<hbm>>
    tpu.enqueue_indirect_dma source(%dma_start3A_562 : memref<10240x128xf32, #tpu.memory_space<hbm>>) target(%arg10 : memref<128x128xf32, #tpu.memory_space<vmem>>) offsets(%dma_start3A_559 : memref<128xi32, #tpu.memory_space<vmem>>) semaphore(%arg13 : memref<!tpu.dma_semaphore, #tpu.memory_space<semaphore_mem>>)
    %dma_wait3A_563 = arith.constant 7 : i32
    %dma_wait3A_564 = arith.constant 0 : i32
    %dma_wait3A_565 = tpu.memref_slice %arg6[%dma_wait3A_563, %dma_wait3A_564] : memref<8x128xi32, #tpu.memory_space<vmem>> -> memref<1x128xi32, #tpu.memory_space<vmem>>
    %dma_wait3A_566 = tpu.memref_squeeze %dma_wait3A_565 : memref<1x128xi32, #tpu.memory_space<vmem>> -> memref<128xi32, #tpu.memory_space<vmem>>
    %dma_wait3A_567 = arith.constant 0 : i32
    %dma_wait3A_568 = arith.constant 0 : i32
    %dma_wait3A_569 = tpu.memref_slice %arg2[%dma_wait3A_567, %dma_wait3A_568] : memref<10240x128xf32, #tpu.memory_space<hbm>> -> memref<10240x128xf32, #tpu.memory_space<hbm>>
    tpu.wait_indirect_dma semaphore(%arg14 : memref<!tpu.dma_semaphore, #tpu.memory_space<semaphore_mem>>) src(%dma_wait3A_569 : memref<10240x128xf32, #tpu.memory_space<hbm>>) dst(%arg11 : memref<128x128xf32, #tpu.memory_space<vmem>>)
    %run_scoped3A_570 = arith.constant 7 : i32
    "tpu.region"() ({
      %run_scoped3A_749 = tpu.sem_alloc : memref<!tpu.dma_semaphore, #tpu.memory_space<semaphore_mem>>
      %dma_start3A_750 = arith.constant 0 : i32
      %dma_start3A_751 = tpu.memref_slice %arg8[%run_scoped3A_570, %dma_start3A_750] : memref<8x128xi32, #tpu.memory_space<vmem>> -> memref<1x128xi32, #tpu.memory_space<vmem>>
      %dma_start3A_752 = tpu.memref_squeeze %dma_start3A_751 : memref<1x128xi32, #tpu.memory_space<vmem>> -> memref<128xi32, #tpu.memory_space<vmem>>
      %dma_start3A_753 = arith.constant 0 : i32
      %dma_start3A_754 = arith.constant 0 : i32
      %dma_start3A_755 = tpu.memref_slice %arg12[%dma_start3A_753, %dma_start3A_754] : memref<10240x128xf32, #tpu.memory_space<vmem_shared>> -> memref<10240x128xf32, #tpu.memory_space<vmem_shared>>
      tpu.enqueue_indirect_dma source(%arg11 : memref<128x128xf32, #tpu.memory_space<vmem>>) target(%dma_start3A_755 : memref<10240x128xf32, #tpu.memory_space<vmem_shared>>) offsets(%dma_start3A_752 : memref<128xi32, #tpu.memory_space<vmem>>) semaphore(%run_scoped3A_749 : memref<!tpu.dma_semaphore, #tpu.memory_space<semaphore_mem>>) {add = true}
      %dma_wait3A_756 = arith.constant 0 : i32
      %dma_wait3A_757 = tpu.memref_slice %arg8[%run_scoped3A_570, %dma_wait3A_756] : memref<8x128xi32, #tpu.memory_space<vmem>> -> memref<1x128xi32, #tpu.memory_space<vmem>>
      %dma_wait3A_758 = tpu.memref_squeeze %dma_wait3A_757 : memref<1x128xi32, #tpu.memory_space<vmem>> -> memref<128xi32, #tpu.memory_space<vmem>>
      %dma_wait3A_759 = arith.constant 0 : i32
      %dma_wait3A_760 = arith.constant 0 : i32
      %dma_wait3A_761 = tpu.memref_slice %arg12[%dma_wait3A_759, %dma_wait3A_760] : memref<10240x128xf32, #tpu.memory_space<vmem_shared>> -> memref<10240x128xf32, #tpu.memory_space<vmem_shared>>
      tpu.wait_indirect_dma semaphore(%run_scoped3A_749 : memref<!tpu.dma_semaphore, #tpu.memory_space<semaphore_mem>>) src(%arg11 : memref<128x128xf32, #tpu.memory_space<vmem>>) dst(%dma_wait3A_761 : memref<10240x128xf32, #tpu.memory_space<vmem_shared>>)
      tpu.yield
    }) : () -> ()
    %dma_start3A_571 = arith.constant 8 : i32
    %dma_start3A_572 = arith.constant 0 : i32
    %dma_start3A_573 = arith.constant 0 : i32
    %dma_start3A_574 = tpu.memref_slice %arg3[%add3A, %dma_start3A_571, %dma_start3A_572, %dma_start3A_573] : memref<32x10x8x128xi32, #tpu.memory_space<hbm>> -> memref<1x1x8x128xi32, #tpu.memory_space<hbm>>
    %dma_start3A_575 = tpu.memref_squeeze %dma_start3A_574 : memref<1x1x8x128xi32, #tpu.memory_space<hbm>> -> memref<8x128xi32, #tpu.memory_space<hbm>>
    %dma_start3A_576 = arith.constant 0 : i32
    %dma_start3A_577 = arith.constant 0 : i32
    %dma_start3A_578 = tpu.memref_slice %arg3[%add3A, %dma_start3A_571, %dma_start3A_576, %dma_start3A_577] : memref<32x10x8x128xi32, #tpu.memory_space<hbm>> -> memref<1x1x8x128xi32, #tpu.memory_space<hbm>>
    %dma_start3A_579 = tpu.memref_squeeze %dma_start3A_578 : memref<1x1x8x128xi32, #tpu.memory_space<hbm>> -> memref<8x128xi32, #tpu.memory_space<hbm>>
    tpu.enqueue_dma source(%dma_start3A_579 : memref<8x128xi32, #tpu.memory_space<hbm>>) target(%arg6 : memref<8x128xi32, #tpu.memory_space<vmem>>) target_semaphore(%arg15 : memref<!tpu.dma_semaphore, #tpu.memory_space<semaphore_mem>>)
    %dma_start3A_580 = arith.constant 8 : i32
    %dma_start3A_581 = arith.constant 0 : i32
    %dma_start3A_582 = arith.constant 0 : i32
    %dma_start3A_583 = tpu.memref_slice %arg4[%add3A, %dma_start3A_580, %dma_start3A_581, %dma_start3A_582] : memref<32x10x8x128xi32, #tpu.memory_space<hbm>> -> memref<1x1x8x128xi32, #tpu.memory_space<hbm>>
    %dma_start3A_584 = tpu.memref_squeeze %dma_start3A_583 : memref<1x1x8x128xi32, #tpu.memory_space<hbm>> -> memref<8x128xi32, #tpu.memory_space<hbm>>
    %dma_start3A_585 = arith.constant 0 : i32
    %dma_start3A_586 = arith.constant 0 : i32
    %dma_start3A_587 = tpu.memref_slice %arg4[%add3A, %dma_start3A_580, %dma_start3A_585, %dma_start3A_586] : memref<32x10x8x128xi32, #tpu.memory_space<hbm>> -> memref<1x1x8x128xi32, #tpu.memory_space<hbm>>
    %dma_start3A_588 = tpu.memref_squeeze %dma_start3A_587 : memref<1x1x8x128xi32, #tpu.memory_space<hbm>> -> memref<8x128xi32, #tpu.memory_space<hbm>>
    tpu.enqueue_dma source(%dma_start3A_588 : memref<8x128xi32, #tpu.memory_space<hbm>>) target(%arg8 : memref<8x128xi32, #tpu.memory_space<vmem>>) target_semaphore(%arg15 : memref<!tpu.dma_semaphore, #tpu.memory_space<semaphore_mem>>)
    %scan3A_589 = arith.constant 0 : i32
    %scan3A_590 = arith.constant 0 : i32
    %scan3A_591 = arith.constant 3 : i32
    %scan3A_592 = arith.addi %scan3A_590, %scan3A_591 : i32
    %scan3A_593 = arith.constant 1 : i32
    scf.for %scan3A_749 = %scan3A_590 to %scan3A_592 step %scan3A_593  : i32 {
      %mul3A_750 = arith.constant 2 : i32
      %mul3A_751 = arith.muli %scan3A_749, %mul3A_750 : i32
      %add3A_752 = arith.constant 1 : i32
      %add3A_753 = arith.addi %mul3A_751, %add3A_752 : i32
      %dma_start3A_754 = arith.constant 0 : i32
      %dma_start3A_755 = tpu.memref_slice %arg7[%add3A_753, %dma_start3A_754] : memref<8x128xi32, #tpu.memory_space<vmem>> -> memref<1x128xi32, #tpu.memory_space<vmem>>
      %dma_start3A_756 = tpu.memref_squeeze %dma_start3A_755 : memref<1x128xi32, #tpu.memory_space<vmem>> -> memref<128xi32, #tpu.memory_space<vmem>>
      %dma_start3A_757 = arith.constant 0 : i32
      %dma_start3A_758 = arith.constant 0 : i32
      %dma_start3A_759 = tpu.memref_slice %arg2[%dma_start3A_757, %dma_start3A_758] : memref<10240x128xf32, #tpu.memory_space<hbm>> -> memref<10240x128xf32, #tpu.memory_space<hbm>>
      tpu.enqueue_indirect_dma source(%dma_start3A_759 : memref<10240x128xf32, #tpu.memory_space<hbm>>) target(%arg11 : memref<128x128xf32, #tpu.memory_space<vmem>>) offsets(%dma_start3A_756 : memref<128xi32, #tpu.memory_space<vmem>>) semaphore(%arg14 : memref<!tpu.dma_semaphore, #tpu.memory_space<semaphore_mem>>)
      %dma_wait3A_760 = arith.constant 0 : i32
      %dma_wait3A_761 = tpu.memref_slice %arg7[%mul3A_751, %dma_wait3A_760] : memref<8x128xi32, #tpu.memory_space<vmem>> -> memref<1x128xi32, #tpu.memory_space<vmem>>
      %dma_wait3A_762 = tpu.memref_squeeze %dma_wait3A_761 : memref<1x128xi32, #tpu.memory_space<vmem>> -> memref<128xi32, #tpu.memory_space<vmem>>
      %dma_wait3A_763 = arith.constant 0 : i32
      %dma_wait3A_764 = arith.constant 0 : i32
      %dma_wait3A_765 = tpu.memref_slice %arg2[%dma_wait3A_763, %dma_wait3A_764] : memref<10240x128xf32, #tpu.memory_space<hbm>> -> memref<10240x128xf32, #tpu.memory_space<hbm>>
      tpu.wait_indirect_dma semaphore(%arg13 : memref<!tpu.dma_semaphore, #tpu.memory_space<semaphore_mem>>) src(%dma_wait3A_765 : memref<10240x128xf32, #tpu.memory_space<hbm>>) dst(%arg10 : memref<128x128xf32, #tpu.memory_space<vmem>>)
      "tpu.region"() ({
        %run_scoped3A_780 = tpu.sem_alloc : memref<!tpu.dma_semaphore, #tpu.memory_space<semaphore_mem>>
        %dma_start3A_781 = arith.constant 0 : i32
        %dma_start3A_782 = tpu.memref_slice %arg9[%mul3A_751, %dma_start3A_781] : memref<8x128xi32, #tpu.memory_space<vmem>> -> memref<1x128xi32, #tpu.memory_space<vmem>>
        %dma_start3A_783 = tpu.memref_squeeze %dma_start3A_782 : memref<1x128xi32, #tpu.memory_space<vmem>> -> memref<128xi32, #tpu.memory_space<vmem>>
        %dma_start3A_784 = arith.constant 0 : i32
        %dma_start3A_785 = arith.constant 0 : i32
        %dma_start3A_786 = tpu.memref_slice %arg12[%dma_start3A_784, %dma_start3A_785] : memref<10240x128xf32, #tpu.memory_space<vmem_shared>> -> memref<10240x128xf32, #tpu.memory_space<vmem_shared>>
        tpu.enqueue_indirect_dma source(%arg10 : memref<128x128xf32, #tpu.memory_space<vmem>>) target(%dma_start3A_786 : memref<10240x128xf32, #tpu.memory_space<vmem_shared>>) offsets(%dma_start3A_783 : memref<128xi32, #tpu.memory_space<vmem>>) semaphore(%run_scoped3A_780 : memref<!tpu.dma_semaphore, #tpu.memory_space<semaphore_mem>>) {add = true}
        %dma_wait3A_787 = arith.constant 0 : i32
        %dma_wait3A_788 = tpu.memref_slice %arg9[%mul3A_751, %dma_wait3A_787] : memref<8x128xi32, #tpu.memory_space<vmem>> -> memref<1x128xi32, #tpu.memory_space<vmem>>
        %dma_wait3A_789 = tpu.memref_squeeze %dma_wait3A_788 : memref<1x128xi32, #tpu.memory_space<vmem>> -> memref<128xi32, #tpu.memory_space<vmem>>
        %dma_wait3A_790 = arith.constant 0 : i32
        %dma_wait3A_791 = arith.constant 0 : i32
        %dma_wait3A_792 = tpu.memref_slice %arg12[%dma_wait3A_790, %dma_wait3A_791] : memref<10240x128xf32, #tpu.memory_space<vmem_shared>> -> memref<10240x128xf32, #tpu.memory_space<vmem_shared>>
        tpu.wait_indirect_dma semaphore(%run_scoped3A_780 : memref<!tpu.dma_semaphore, #tpu.memory_space<semaphore_mem>>) src(%arg10 : memref<128x128xf32, #tpu.memory_space<vmem>>) dst(%dma_wait3A_792 : memref<10240x128xf32, #tpu.memory_space<vmem_shared>>)
        tpu.yield
      }) : () -> ()
      %add3A_766 = arith.constant 2 : i32
      %add3A_767 = arith.addi %mul3A_751, %add3A_766 : i32
      %dma_start3A_768 = arith.constant 0 : i32
      %dma_start3A_769 = tpu.memref_slice %arg7[%add3A_767, %dma_start3A_768] : memref<8x128xi32, #tpu.memory_space<vmem>> -> memref<1x128xi32, #tpu.memory_space<vmem>>
      %dma_start3A_770 = tpu.memref_squeeze %dma_start3A_769 : memref<1x128xi32, #tpu.memory_space<vmem>> -> memref<128xi32, #tpu.memory_space<vmem>>
      %dma_start3A_771 = arith.constant 0 : i32
      %dma_start3A_772 = arith.constant 0 : i32
      %dma_start3A_773 = tpu.memref_slice %arg2[%dma_start3A_771, %dma_start3A_772] : memref<10240x128xf32, #tpu.memory_space<hbm>> -> memref<10240x128xf32, #tpu.memory_space<hbm>>
      tpu.enqueue_indirect_dma source(%dma_start3A_773 : memref<10240x128xf32, #tpu.memory_space<hbm>>) target(%arg10 : memref<128x128xf32, #tpu.memory_space<vmem>>) offsets(%dma_start3A_770 : memref<128xi32, #tpu.memory_space<vmem>>) semaphore(%arg13 : memref<!tpu.dma_semaphore, #tpu.memory_space<semaphore_mem>>)
      %dma_wait3A_774 = arith.constant 0 : i32
      %dma_wait3A_775 = tpu.memref_slice %arg7[%add3A_753, %dma_wait3A_774] : memref<8x128xi32, #tpu.memory_space<vmem>> -> memref<1x128xi32, #tpu.memory_space<vmem>>
      %dma_wait3A_776 = tpu.memref_squeeze %dma_wait3A_775 : memref<1x128xi32, #tpu.memory_space<vmem>> -> memref<128xi32, #tpu.memory_space<vmem>>
      %dma_wait3A_777 = arith.constant 0 : i32
      %dma_wait3A_778 = arith.constant 0 : i32
      %dma_wait3A_779 = tpu.memref_slice %arg2[%dma_wait3A_777, %dma_wait3A_778] : memref<10240x128xf32, #tpu.memory_space<hbm>> -> memref<10240x128xf32, #tpu.memory_space<hbm>>
      tpu.wait_indirect_dma semaphore(%arg14 : memref<!tpu.dma_semaphore, #tpu.memory_space<semaphore_mem>>) src(%dma_wait3A_779 : memref<10240x128xf32, #tpu.memory_space<hbm>>) dst(%arg11 : memref<128x128xf32, #tpu.memory_space<vmem>>)
      "tpu.region"() ({
        %run_scoped3A_780 = tpu.sem_alloc : memref<!tpu.dma_semaphore, #tpu.memory_space<semaphore_mem>>
        %dma_start3A_781 = arith.constant 0 : i32
        %dma_start3A_782 = tpu.memref_slice %arg9[%add3A_753, %dma_start3A_781] : memref<8x128xi32, #tpu.memory_space<vmem>> -> memref<1x128xi32, #tpu.memory_space<vmem>>
        %dma_start3A_783 = tpu.memref_squeeze %dma_start3A_782 : memref<1x128xi32, #tpu.memory_space<vmem>> -> memref<128xi32, #tpu.memory_space<vmem>>
        %dma_start3A_784 = arith.constant 0 : i32
        %dma_start3A_785 = arith.constant 0 : i32
        %dma_start3A_786 = tpu.memref_slice %arg12[%dma_start3A_784, %dma_start3A_785] : memref<10240x128xf32, #tpu.memory_space<vmem_shared>> -> memref<10240x128xf32, #tpu.memory_space<vmem_shared>>
        tpu.enqueue_indirect_dma source(%arg11 : memref<128x128xf32, #tpu.memory_space<vmem>>) target(%dma_start3A_786 : memref<10240x128xf32, #tpu.memory_space<vmem_shared>>) offsets(%dma_start3A_783 : memref<128xi32, #tpu.memory_space<vmem>>) semaphore(%run_scoped3A_780 : memref<!tpu.dma_semaphore, #tpu.memory_space<semaphore_mem>>) {add = true}
        %dma_wait3A_787 = arith.constant 0 : i32
        %dma_wait3A_788 = tpu.memref_slice %arg9[%add3A_753, %dma_wait3A_787] : memref<8x128xi32, #tpu.memory_space<vmem>> -> memref<1x128xi32, #tpu.memory_space<vmem>>
        %dma_wait3A_789 = tpu.memref_squeeze %dma_wait3A_788 : memref<1x128xi32, #tpu.memory_space<vmem>> -> memref<128xi32, #tpu.memory_space<vmem>>
        %dma_wait3A_790 = arith.constant 0 : i32
        %dma_wait3A_791 = arith.constant 0 : i32
        %dma_wait3A_792 = tpu.memref_slice %arg12[%dma_wait3A_790, %dma_wait3A_791] : memref<10240x128xf32, #tpu.memory_space<vmem_shared>> -> memref<10240x128xf32, #tpu.memory_space<vmem_shared>>
        tpu.wait_indirect_dma semaphore(%run_scoped3A_780 : memref<!tpu.dma_semaphore, #tpu.memory_space<semaphore_mem>>) src(%arg11 : memref<128x128xf32, #tpu.memory_space<vmem>>) dst(%dma_wait3A_792 : memref<10240x128xf32, #tpu.memory_space<vmem_shared>>)
        tpu.yield
      }) : () -> ()
    }
    %scan3A_594 = arith.constant 3 : i32
    %dma_start3A_595 = arith.constant 7 : i32
    %dma_start3A_596 = arith.constant 0 : i32
    %dma_start3A_597 = tpu.memref_slice %arg7[%dma_start3A_595, %dma_start3A_596] : memref<8x128xi32, #tpu.memory_space<vmem>> -> memref<1x128xi32, #tpu.memory_space<vmem>>
    %dma_start3A_598 = tpu.memref_squeeze %dma_start3A_597 : memref<1x128xi32, #tpu.memory_space<vmem>> -> memref<128xi32, #tpu.memory_space<vmem>>
    %dma_start3A_599 = arith.constant 0 : i32
    %dma_start3A_600 = arith.constant 0 : i32
    %dma_start3A_601 = tpu.memref_slice %arg2[%dma_start3A_599, %dma_start3A_600] : memref<10240x128xf32, #tpu.memory_space<hbm>> -> memref<10240x128xf32, #tpu.memory_space<hbm>>
    tpu.enqueue_indirect_dma source(%dma_start3A_601 : memref<10240x128xf32, #tpu.memory_space<hbm>>) target(%arg11 : memref<128x128xf32, #tpu.memory_space<vmem>>) offsets(%dma_start3A_598 : memref<128xi32, #tpu.memory_space<vmem>>) semaphore(%arg14 : memref<!tpu.dma_semaphore, #tpu.memory_space<semaphore_mem>>)
    %dma_wait3A_602 = arith.constant 6 : i32
    %dma_wait3A_603 = arith.constant 0 : i32
    %dma_wait3A_604 = tpu.memref_slice %arg7[%dma_wait3A_602, %dma_wait3A_603] : memref<8x128xi32, #tpu.memory_space<vmem>> -> memref<1x128xi32, #tpu.memory_space<vmem>>
    %dma_wait3A_605 = tpu.memref_squeeze %dma_wait3A_604 : memref<1x128xi32, #tpu.memory_space<vmem>> -> memref<128xi32, #tpu.memory_space<vmem>>
    %dma_wait3A_606 = arith.constant 0 : i32
    %dma_wait3A_607 = arith.constant 0 : i32
    %dma_wait3A_608 = tpu.memref_slice %arg2[%dma_wait3A_606, %dma_wait3A_607] : memref<10240x128xf32, #tpu.memory_space<hbm>> -> memref<10240x128xf32, #tpu.memory_space<hbm>>
    tpu.wait_indirect_dma semaphore(%arg13 : memref<!tpu.dma_semaphore, #tpu.memory_space<semaphore_mem>>) src(%dma_wait3A_608 : memref<10240x128xf32, #tpu.memory_space<hbm>>) dst(%arg10 : memref<128x128xf32, #tpu.memory_space<vmem>>)
    %run_scoped3A_609 = arith.constant 6 : i32
    "tpu.region"() ({
      %run_scoped3A_749 = tpu.sem_alloc : memref<!tpu.dma_semaphore, #tpu.memory_space<semaphore_mem>>
      %dma_start3A_750 = arith.constant 0 : i32
      %dma_start3A_751 = tpu.memref_slice %arg9[%run_scoped3A_609, %dma_start3A_750] : memref<8x128xi32, #tpu.memory_space<vmem>> -> memref<1x128xi32, #tpu.memory_space<vmem>>
      %dma_start3A_752 = tpu.memref_squeeze %dma_start3A_751 : memref<1x128xi32, #tpu.memory_space<vmem>> -> memref<128xi32, #tpu.memory_space<vmem>>
      %dma_start3A_753 = arith.constant 0 : i32
      %dma_start3A_754 = arith.constant 0 : i32
      %dma_start3A_755 = tpu.memref_slice %arg12[%dma_start3A_753, %dma_start3A_754] : memref<10240x128xf32, #tpu.memory_space<vmem_shared>> -> memref<10240x128xf32, #tpu.memory_space<vmem_shared>>
      tpu.enqueue_indirect_dma source(%arg10 : memref<128x128xf32, #tpu.memory_space<vmem>>) target(%dma_start3A_755 : memref<10240x128xf32, #tpu.memory_space<vmem_shared>>) offsets(%dma_start3A_752 : memref<128xi32, #tpu.memory_space<vmem>>) semaphore(%run_scoped3A_749 : memref<!tpu.dma_semaphore, #tpu.memory_space<semaphore_mem>>) {add = true}
      %dma_wait3A_756 = arith.constant 0 : i32
      %dma_wait3A_757 = tpu.memref_slice %arg9[%run_scoped3A_609, %dma_wait3A_756] : memref<8x128xi32, #tpu.memory_space<vmem>> -> memref<1x128xi32, #tpu.memory_space<vmem>>
      %dma_wait3A_758 = tpu.memref_squeeze %dma_wait3A_757 : memref<1x128xi32, #tpu.memory_space<vmem>> -> memref<128xi32, #tpu.memory_space<vmem>>
      %dma_wait3A_759 = arith.constant 0 : i32
      %dma_wait3A_760 = arith.constant 0 : i32
      %dma_wait3A_761 = tpu.memref_slice %arg12[%dma_wait3A_759, %dma_wait3A_760] : memref<10240x128xf32, #tpu.memory_space<vmem_shared>> -> memref<10240x128xf32, #tpu.memory_space<vmem_shared>>
      tpu.wait_indirect_dma semaphore(%run_scoped3A_749 : memref<!tpu.dma_semaphore, #tpu.memory_space<semaphore_mem>>) src(%arg10 : memref<128x128xf32, #tpu.memory_space<vmem>>) dst(%dma_wait3A_761 : memref<10240x128xf32, #tpu.memory_space<vmem_shared>>)
      tpu.yield
    }) : () -> ()
    %dma_wait3A_610 = arith.constant 8 : i32
    %dma_wait3A_611 = arith.constant 0 : i32
    %dma_wait3A_612 = arith.constant 0 : i32
    %dma_wait3A_613 = tpu.memref_slice %arg3[%add3A, %dma_wait3A_610, %dma_wait3A_611, %dma_wait3A_612] : memref<32x10x8x128xi32, #tpu.memory_space<hbm>> -> memref<1x1x8x128xi32, #tpu.memory_space<hbm>>
    %dma_wait3A_614 = tpu.memref_squeeze %dma_wait3A_613 : memref<1x1x8x128xi32, #tpu.memory_space<hbm>> -> memref<8x128xi32, #tpu.memory_space<hbm>>
    %dma_wait3A_615 = arith.constant 0 : i32
    %dma_wait3A_616 = arith.constant 0 : i32
    %dma_wait3A_617 = tpu.memref_slice %arg3[%add3A, %dma_wait3A_610, %dma_wait3A_615, %dma_wait3A_616] : memref<32x10x8x128xi32, #tpu.memory_space<hbm>> -> memref<1x1x8x128xi32, #tpu.memory_space<hbm>>
    %dma_wait3A_618 = tpu.memref_squeeze %dma_wait3A_617 : memref<1x1x8x128xi32, #tpu.memory_space<hbm>> -> memref<8x128xi32, #tpu.memory_space<hbm>>
    tpu.wait_dma2 semaphore(%arg15 : memref<!tpu.dma_semaphore, #tpu.memory_space<semaphore_mem>>) src(%dma_wait3A_618 : memref<8x128xi32, #tpu.memory_space<hbm>>) dst(%arg6 : memref<8x128xi32, #tpu.memory_space<vmem>>)
    %dma_wait3A_619 = arith.constant 8 : i32
    %dma_wait3A_620 = arith.constant 0 : i32
    %dma_wait3A_621 = arith.constant 0 : i32
    %dma_wait3A_622 = tpu.memref_slice %arg4[%add3A, %dma_wait3A_619, %dma_wait3A_620, %dma_wait3A_621] : memref<32x10x8x128xi32, #tpu.memory_space<hbm>> -> memref<1x1x8x128xi32, #tpu.memory_space<hbm>>
    %dma_wait3A_623 = tpu.memref_squeeze %dma_wait3A_622 : memref<1x1x8x128xi32, #tpu.memory_space<hbm>> -> memref<8x128xi32, #tpu.memory_space<hbm>>
    %dma_wait3A_624 = arith.constant 0 : i32
    %dma_wait3A_625 = arith.constant 0 : i32
    %dma_wait3A_626 = tpu.memref_slice %arg4[%add3A, %dma_wait3A_619, %dma_wait3A_624, %dma_wait3A_625] : memref<32x10x8x128xi32, #tpu.memory_space<hbm>> -> memref<1x1x8x128xi32, #tpu.memory_space<hbm>>
    %dma_wait3A_627 = tpu.memref_squeeze %dma_wait3A_626 : memref<1x1x8x128xi32, #tpu.memory_space<hbm>> -> memref<8x128xi32, #tpu.memory_space<hbm>>
    tpu.wait_dma2 semaphore(%arg15 : memref<!tpu.dma_semaphore, #tpu.memory_space<semaphore_mem>>) src(%dma_wait3A_627 : memref<8x128xi32, #tpu.memory_space<hbm>>) dst(%arg8 : memref<8x128xi32, #tpu.memory_space<vmem>>)
    %dma_start3A_628 = arith.constant 0 : i32
    %dma_start3A_629 = arith.constant 0 : i32
    %dma_start3A_630 = tpu.memref_slice %arg6[%dma_start3A_628, %dma_start3A_629] : memref<8x128xi32, #tpu.memory_space<vmem>> -> memref<1x128xi32, #tpu.memory_space<vmem>>
    %dma_start3A_631 = tpu.memref_squeeze %dma_start3A_630 : memref<1x128xi32, #tpu.memory_space<vmem>> -> memref<128xi32, #tpu.memory_space<vmem>>
    %dma_start3A_632 = arith.constant 0 : i32
    %dma_start3A_633 = arith.constant 0 : i32
    %dma_start3A_634 = tpu.memref_slice %arg2[%dma_start3A_632, %dma_start3A_633] : memref<10240x128xf32, #tpu.memory_space<hbm>> -> memref<10240x128xf32, #tpu.memory_space<hbm>>
    tpu.enqueue_indirect_dma source(%dma_start3A_634 : memref<10240x128xf32, #tpu.memory_space<hbm>>) target(%arg10 : memref<128x128xf32, #tpu.memory_space<vmem>>) offsets(%dma_start3A_631 : memref<128xi32, #tpu.memory_space<vmem>>) semaphore(%arg13 : memref<!tpu.dma_semaphore, #tpu.memory_space<semaphore_mem>>)
    %dma_wait3A_635 = arith.constant 7 : i32
    %dma_wait3A_636 = arith.constant 0 : i32
    %dma_wait3A_637 = tpu.memref_slice %arg7[%dma_wait3A_635, %dma_wait3A_636] : memref<8x128xi32, #tpu.memory_space<vmem>> -> memref<1x128xi32, #tpu.memory_space<vmem>>
    %dma_wait3A_638 = tpu.memref_squeeze %dma_wait3A_637 : memref<1x128xi32, #tpu.memory_space<vmem>> -> memref<128xi32, #tpu.memory_space<vmem>>
    %dma_wait3A_639 = arith.constant 0 : i32
    %dma_wait3A_640 = arith.constant 0 : i32
    %dma_wait3A_641 = tpu.memref_slice %arg2[%dma_wait3A_639, %dma_wait3A_640] : memref<10240x128xf32, #tpu.memory_space<hbm>> -> memref<10240x128xf32, #tpu.memory_space<hbm>>
    tpu.wait_indirect_dma semaphore(%arg14 : memref<!tpu.dma_semaphore, #tpu.memory_space<semaphore_mem>>) src(%dma_wait3A_641 : memref<10240x128xf32, #tpu.memory_space<hbm>>) dst(%arg11 : memref<128x128xf32, #tpu.memory_space<vmem>>)
    %run_scoped3A_642 = arith.constant 7 : i32
    "tpu.region"() ({
      %run_scoped3A_749 = tpu.sem_alloc : memref<!tpu.dma_semaphore, #tpu.memory_space<semaphore_mem>>
      %dma_start3A_750 = arith.constant 0 : i32
      %dma_start3A_751 = tpu.memref_slice %arg9[%run_scoped3A_642, %dma_start3A_750] : memref<8x128xi32, #tpu.memory_space<vmem>> -> memref<1x128xi32, #tpu.memory_space<vmem>>
      %dma_start3A_752 = tpu.memref_squeeze %dma_start3A_751 : memref<1x128xi32, #tpu.memory_space<vmem>> -> memref<128xi32, #tpu.memory_space<vmem>>
      %dma_start3A_753 = arith.constant 0 : i32
      %dma_start3A_754 = arith.constant 0 : i32
      %dma_start3A_755 = tpu.memref_slice %arg12[%dma_start3A_753, %dma_start3A_754] : memref<10240x128xf32, #tpu.memory_space<vmem_shared>> -> memref<10240x128xf32, #tpu.memory_space<vmem_shared>>
      tpu.enqueue_indirect_dma source(%arg11 : memref<128x128xf32, #tpu.memory_space<vmem>>) target(%dma_start3A_755 : memref<10240x128xf32, #tpu.memory_space<vmem_shared>>) offsets(%dma_start3A_752 : memref<128xi32, #tpu.memory_space<vmem>>) semaphore(%run_scoped3A_749 : memref<!tpu.dma_semaphore, #tpu.memory_space<semaphore_mem>>) {add = true}
      %dma_wait3A_756 = arith.constant 0 : i32
      %dma_wait3A_757 = tpu.memref_slice %arg9[%run_scoped3A_642, %dma_wait3A_756] : memref<8x128xi32, #tpu.memory_space<vmem>> -> memref<1x128xi32, #tpu.memory_space<vmem>>
      %dma_wait3A_758 = tpu.memref_squeeze %dma_wait3A_757 : memref<1x128xi32, #tpu.memory_space<vmem>> -> memref<128xi32, #tpu.memory_space<vmem>>
      %dma_wait3A_759 = arith.constant 0 : i32
      %dma_wait3A_760 = arith.constant 0 : i32
      %dma_wait3A_761 = tpu.memref_slice %arg12[%dma_wait3A_759, %dma_wait3A_760] : memref<10240x128xf32, #tpu.memory_space<vmem_shared>> -> memref<10240x128xf32, #tpu.memory_space<vmem_shared>>
      tpu.wait_indirect_dma semaphore(%run_scoped3A_749 : memref<!tpu.dma_semaphore, #tpu.memory_space<semaphore_mem>>) src(%arg11 : memref<128x128xf32, #tpu.memory_space<vmem>>) dst(%dma_wait3A_761 : memref<10240x128xf32, #tpu.memory_space<vmem_shared>>)
      tpu.yield
    }) : () -> ()
    %dma_start3A_643 = arith.constant 9 : i32
    %dma_start3A_644 = arith.constant 0 : i32
    %dma_start3A_645 = arith.constant 0 : i32
    %dma_start3A_646 = tpu.memref_slice %arg3[%add3A, %dma_start3A_643, %dma_start3A_644, %dma_start3A_645] : memref<32x10x8x128xi32, #tpu.memory_space<hbm>> -> memref<1x1x8x128xi32, #tpu.memory_space<hbm>>
    %dma_start3A_647 = tpu.memref_squeeze %dma_start3A_646 : memref<1x1x8x128xi32, #tpu.memory_space<hbm>> -> memref<8x128xi32, #tpu.memory_space<hbm>>
    %dma_start3A_648 = arith.constant 0 : i32
    %dma_start3A_649 = arith.constant 0 : i32
    %dma_start3A_650 = tpu.memref_slice %arg3[%add3A, %dma_start3A_643, %dma_start3A_648, %dma_start3A_649] : memref<32x10x8x128xi32, #tpu.memory_space<hbm>> -> memref<1x1x8x128xi32, #tpu.memory_space<hbm>>
    %dma_start3A_651 = tpu.memref_squeeze %dma_start3A_650 : memref<1x1x8x128xi32, #tpu.memory_space<hbm>> -> memref<8x128xi32, #tpu.memory_space<hbm>>
    tpu.enqueue_dma source(%dma_start3A_651 : memref<8x128xi32, #tpu.memory_space<hbm>>) target(%arg7 : memref<8x128xi32, #tpu.memory_space<vmem>>) target_semaphore(%arg15 : memref<!tpu.dma_semaphore, #tpu.memory_space<semaphore_mem>>)
    %dma_start3A_652 = arith.constant 9 : i32
    %dma_start3A_653 = arith.constant 0 : i32
    %dma_start3A_654 = arith.constant 0 : i32
    %dma_start3A_655 = tpu.memref_slice %arg4[%add3A, %dma_start3A_652, %dma_start3A_653, %dma_start3A_654] : memref<32x10x8x128xi32, #tpu.memory_space<hbm>> -> memref<1x1x8x128xi32, #tpu.memory_space<hbm>>
    %dma_start3A_656 = tpu.memref_squeeze %dma_start3A_655 : memref<1x1x8x128xi32, #tpu.memory_space<hbm>> -> memref<8x128xi32, #tpu.memory_space<hbm>>
    %dma_start3A_657 = arith.constant 0 : i32
    %dma_start3A_658 = arith.constant 0 : i32
    %dma_start3A_659 = tpu.memref_slice %arg4[%add3A, %dma_start3A_652, %dma_start3A_657, %dma_start3A_658] : memref<32x10x8x128xi32, #tpu.memory_space<hbm>> -> memref<1x1x8x128xi32, #tpu.memory_space<hbm>>
    %dma_start3A_660 = tpu.memref_squeeze %dma_start3A_659 : memref<1x1x8x128xi32, #tpu.memory_space<hbm>> -> memref<8x128xi32, #tpu.memory_space<hbm>>
    tpu.enqueue_dma source(%dma_start3A_660 : memref<8x128xi32, #tpu.memory_space<hbm>>) target(%arg9 : memref<8x128xi32, #tpu.memory_space<vmem>>) target_semaphore(%arg15 : memref<!tpu.dma_semaphore, #tpu.memory_space<semaphore_mem>>)
    %scan3A_661 = arith.constant 0 : i32
    %scan3A_662 = arith.constant 0 : i32
    %scan3A_663 = arith.constant 3 : i32
    %scan3A_664 = arith.addi %scan3A_662, %scan3A_663 : i32
    %scan3A_665 = arith.constant 1 : i32
    scf.for %scan3A_749 = %scan3A_662 to %scan3A_664 step %scan3A_665  : i32 {
      %mul3A_750 = arith.constant 2 : i32
      %mul3A_751 = arith.muli %scan3A_749, %mul3A_750 : i32
      %add3A_752 = arith.constant 1 : i32
      %add3A_753 = arith.addi %mul3A_751, %add3A_752 : i32
      %dma_start3A_754 = arith.constant 0 : i32
      %dma_start3A_755 = tpu.memref_slice %arg6[%add3A_753, %dma_start3A_754] : memref<8x128xi32, #tpu.memory_space<vmem>> -> memref<1x128xi32, #tpu.memory_space<vmem>>
      %dma_start3A_756 = tpu.memref_squeeze %dma_start3A_755 : memref<1x128xi32, #tpu.memory_space<vmem>> -> memref<128xi32, #tpu.memory_space<vmem>>
      %dma_start3A_757 = arith.constant 0 : i32
      %dma_start3A_758 = arith.constant 0 : i32
      %dma_start3A_759 = tpu.memref_slice %arg2[%dma_start3A_757, %dma_start3A_758] : memref<10240x128xf32, #tpu.memory_space<hbm>> -> memref<10240x128xf32, #tpu.memory_space<hbm>>
      tpu.enqueue_indirect_dma source(%dma_start3A_759 : memref<10240x128xf32, #tpu.memory_space<hbm>>) target(%arg11 : memref<128x128xf32, #tpu.memory_space<vmem>>) offsets(%dma_start3A_756 : memref<128xi32, #tpu.memory_space<vmem>>) semaphore(%arg14 : memref<!tpu.dma_semaphore, #tpu.memory_space<semaphore_mem>>)
      %dma_wait3A_760 = arith.constant 0 : i32
      %dma_wait3A_761 = tpu.memref_slice %arg6[%mul3A_751, %dma_wait3A_760] : memref<8x128xi32, #tpu.memory_space<vmem>> -> memref<1x128xi32, #tpu.memory_space<vmem>>
      %dma_wait3A_762 = tpu.memref_squeeze %dma_wait3A_761 : memref<1x128xi32, #tpu.memory_space<vmem>> -> memref<128xi32, #tpu.memory_space<vmem>>
      %dma_wait3A_763 = arith.constant 0 : i32
      %dma_wait3A_764 = arith.constant 0 : i32
      %dma_wait3A_765 = tpu.memref_slice %arg2[%dma_wait3A_763, %dma_wait3A_764] : memref<10240x128xf32, #tpu.memory_space<hbm>> -> memref<10240x128xf32, #tpu.memory_space<hbm>>
      tpu.wait_indirect_dma semaphore(%arg13 : memref<!tpu.dma_semaphore, #tpu.memory_space<semaphore_mem>>) src(%dma_wait3A_765 : memref<10240x128xf32, #tpu.memory_space<hbm>>) dst(%arg10 : memref<128x128xf32, #tpu.memory_space<vmem>>)
      "tpu.region"() ({
        %run_scoped3A_780 = tpu.sem_alloc : memref<!tpu.dma_semaphore, #tpu.memory_space<semaphore_mem>>
        %dma_start3A_781 = arith.constant 0 : i32
        %dma_start3A_782 = tpu.memref_slice %arg8[%mul3A_751, %dma_start3A_781] : memref<8x128xi32, #tpu.memory_space<vmem>> -> memref<1x128xi32, #tpu.memory_space<vmem>>
        %dma_start3A_783 = tpu.memref_squeeze %dma_start3A_782 : memref<1x128xi32, #tpu.memory_space<vmem>> -> memref<128xi32, #tpu.memory_space<vmem>>
        %dma_start3A_784 = arith.constant 0 : i32
        %dma_start3A_785 = arith.constant 0 : i32
        %dma_start3A_786 = tpu.memref_slice %arg12[%dma_start3A_784, %dma_start3A_785] : memref<10240x128xf32, #tpu.memory_space<vmem_shared>> -> memref<10240x128xf32, #tpu.memory_space<vmem_shared>>
        tpu.enqueue_indirect_dma source(%arg10 : memref<128x128xf32, #tpu.memory_space<vmem>>) target(%dma_start3A_786 : memref<10240x128xf32, #tpu.memory_space<vmem_shared>>) offsets(%dma_start3A_783 : memref<128xi32, #tpu.memory_space<vmem>>) semaphore(%run_scoped3A_780 : memref<!tpu.dma_semaphore, #tpu.memory_space<semaphore_mem>>) {add = true}
        %dma_wait3A_787 = arith.constant 0 : i32
        %dma_wait3A_788 = tpu.memref_slice %arg8[%mul3A_751, %dma_wait3A_787] : memref<8x128xi32, #tpu.memory_space<vmem>> -> memref<1x128xi32, #tpu.memory_space<vmem>>
        %dma_wait3A_789 = tpu.memref_squeeze %dma_wait3A_788 : memref<1x128xi32, #tpu.memory_space<vmem>> -> memref<128xi32, #tpu.memory_space<vmem>>
        %dma_wait3A_790 = arith.constant 0 : i32
        %dma_wait3A_791 = arith.constant 0 : i32
        %dma_wait3A_792 = tpu.memref_slice %arg12[%dma_wait3A_790, %dma_wait3A_791] : memref<10240x128xf32, #tpu.memory_space<vmem_shared>> -> memref<10240x128xf32, #tpu.memory_space<vmem_shared>>
        tpu.wait_indirect_dma semaphore(%run_scoped3A_780 : memref<!tpu.dma_semaphore, #tpu.memory_space<semaphore_mem>>) src(%arg10 : memref<128x128xf32, #tpu.memory_space<vmem>>) dst(%dma_wait3A_792 : memref<10240x128xf32, #tpu.memory_space<vmem_shared>>)
        tpu.yield
      }) : () -> ()
      %add3A_766 = arith.constant 2 : i32
      %add3A_767 = arith.addi %mul3A_751, %add3A_766 : i32
      %dma_start3A_768 = arith.constant 0 : i32
      %dma_start3A_769 = tpu.memref_slice %arg6[%add3A_767, %dma_start3A_768] : memref<8x128xi32, #tpu.memory_space<vmem>> -> memref<1x128xi32, #tpu.memory_space<vmem>>
      %dma_start3A_770 = tpu.memref_squeeze %dma_start3A_769 : memref<1x128xi32, #tpu.memory_space<vmem>> -> memref<128xi32, #tpu.memory_space<vmem>>
      %dma_start3A_771 = arith.constant 0 : i32
      %dma_start3A_772 = arith.constant 0 : i32
      %dma_start3A_773 = tpu.memref_slice %arg2[%dma_start3A_771, %dma_start3A_772] : memref<10240x128xf32, #tpu.memory_space<hbm>> -> memref<10240x128xf32, #tpu.memory_space<hbm>>
      tpu.enqueue_indirect_dma source(%dma_start3A_773 : memref<10240x128xf32, #tpu.memory_space<hbm>>) target(%arg10 : memref<128x128xf32, #tpu.memory_space<vmem>>) offsets(%dma_start3A_770 : memref<128xi32, #tpu.memory_space<vmem>>) semaphore(%arg13 : memref<!tpu.dma_semaphore, #tpu.memory_space<semaphore_mem>>)
      %dma_wait3A_774 = arith.constant 0 : i32
      %dma_wait3A_775 = tpu.memref_slice %arg6[%add3A_753, %dma_wait3A_774] : memref<8x128xi32, #tpu.memory_space<vmem>> -> memref<1x128xi32, #tpu.memory_space<vmem>>
      %dma_wait3A_776 = tpu.memref_squeeze %dma_wait3A_775 : memref<1x128xi32, #tpu.memory_space<vmem>> -> memref<128xi32, #tpu.memory_space<vmem>>
      %dma_wait3A_777 = arith.constant 0 : i32
      %dma_wait3A_778 = arith.constant 0 : i32
      %dma_wait3A_779 = tpu.memref_slice %arg2[%dma_wait3A_777, %dma_wait3A_778] : memref<10240x128xf32, #tpu.memory_space<hbm>> -> memref<10240x128xf32, #tpu.memory_space<hbm>>
      tpu.wait_indirect_dma semaphore(%arg14 : memref<!tpu.dma_semaphore, #tpu.memory_space<semaphore_mem>>) src(%dma_wait3A_779 : memref<10240x128xf32, #tpu.memory_space<hbm>>) dst(%arg11 : memref<128x128xf32, #tpu.memory_space<vmem>>)
      "tpu.region"() ({
        %run_scoped3A_780 = tpu.sem_alloc : memref<!tpu.dma_semaphore, #tpu.memory_space<semaphore_mem>>
        %dma_start3A_781 = arith.constant 0 : i32
        %dma_start3A_782 = tpu.memref_slice %arg8[%add3A_753, %dma_start3A_781] : memref<8x128xi32, #tpu.memory_space<vmem>> -> memref<1x128xi32, #tpu.memory_space<vmem>>
        %dma_start3A_783 = tpu.memref_squeeze %dma_start3A_782 : memref<1x128xi32, #tpu.memory_space<vmem>> -> memref<128xi32, #tpu.memory_space<vmem>>
        %dma_start3A_784 = arith.constant 0 : i32
        %dma_start3A_785 = arith.constant 0 : i32
        %dma_start3A_786 = tpu.memref_slice %arg12[%dma_start3A_784, %dma_start3A_785] : memref<10240x128xf32, #tpu.memory_space<vmem_shared>> -> memref<10240x128xf32, #tpu.memory_space<vmem_shared>>
        tpu.enqueue_indirect_dma source(%arg11 : memref<128x128xf32, #tpu.memory_space<vmem>>) target(%dma_start3A_786 : memref<10240x128xf32, #tpu.memory_space<vmem_shared>>) offsets(%dma_start3A_783 : memref<128xi32, #tpu.memory_space<vmem>>) semaphore(%run_scoped3A_780 : memref<!tpu.dma_semaphore, #tpu.memory_space<semaphore_mem>>) {add = true}
        %dma_wait3A_787 = arith.constant 0 : i32
        %dma_wait3A_788 = tpu.memref_slice %arg8[%add3A_753, %dma_wait3A_787] : memref<8x128xi32, #tpu.memory_space<vmem>> -> memref<1x128xi32, #tpu.memory_space<vmem>>
        %dma_wait3A_789 = tpu.memref_squeeze %dma_wait3A_788 : memref<1x128xi32, #tpu.memory_space<vmem>> -> memref<128xi32, #tpu.memory_space<vmem>>
        %dma_wait3A_790 = arith.constant 0 : i32
        %dma_wait3A_791 = arith.constant 0 : i32
        %dma_wait3A_792 = tpu.memref_slice %arg12[%dma_wait3A_790, %dma_wait3A_791] : memref<10240x128xf32, #tpu.memory_space<vmem_shared>> -> memref<10240x128xf32, #tpu.memory_space<vmem_shared>>
        tpu.wait_indirect_dma semaphore(%run_scoped3A_780 : memref<!tpu.dma_semaphore, #tpu.memory_space<semaphore_mem>>) src(%arg11 : memref<128x128xf32, #tpu.memory_space<vmem>>) dst(%dma_wait3A_792 : memref<10240x128xf32, #tpu.memory_space<vmem_shared>>)
        tpu.yield
      }) : () -> ()
    }
    %scan3A_666 = arith.constant 3 : i32
    %dma_start3A_667 = arith.constant 7 : i32
    %dma_start3A_668 = arith.constant 0 : i32
    %dma_start3A_669 = tpu.memref_slice %arg6[%dma_start3A_667, %dma_start3A_668] : memref<8x128xi32, #tpu.memory_space<vmem>> -> memref<1x128xi32, #tpu.memory_space<vmem>>
    %dma_start3A_670 = tpu.memref_squeeze %dma_start3A_669 : memref<1x128xi32, #tpu.memory_space<vmem>> -> memref<128xi32, #tpu.memory_space<vmem>>
    %dma_start3A_671 = arith.constant 0 : i32
    %dma_start3A_672 = arith.constant 0 : i32
    %dma_start3A_673 = tpu.memref_slice %arg2[%dma_start3A_671, %dma_start3A_672] : memref<10240x128xf32, #tpu.memory_space<hbm>> -> memref<10240x128xf32, #tpu.memory_space<hbm>>
    tpu.enqueue_indirect_dma source(%dma_start3A_673 : memref<10240x128xf32, #tpu.memory_space<hbm>>) target(%arg11 : memref<128x128xf32, #tpu.memory_space<vmem>>) offsets(%dma_start3A_670 : memref<128xi32, #tpu.memory_space<vmem>>) semaphore(%arg14 : memref<!tpu.dma_semaphore, #tpu.memory_space<semaphore_mem>>)
    %dma_wait3A_674 = arith.constant 6 : i32
    %dma_wait3A_675 = arith.constant 0 : i32
    %dma_wait3A_676 = tpu.memref_slice %arg6[%dma_wait3A_674, %dma_wait3A_675] : memref<8x128xi32, #tpu.memory_space<vmem>> -> memref<1x128xi32, #tpu.memory_space<vmem>>
    %dma_wait3A_677 = tpu.memref_squeeze %dma_wait3A_676 : memref<1x128xi32, #tpu.memory_space<vmem>> -> memref<128xi32, #tpu.memory_space<vmem>>
    %dma_wait3A_678 = arith.constant 0 : i32
    %dma_wait3A_679 = arith.constant 0 : i32
    %dma_wait3A_680 = tpu.memref_slice %arg2[%dma_wait3A_678, %dma_wait3A_679] : memref<10240x128xf32, #tpu.memory_space<hbm>> -> memref<10240x128xf32, #tpu.memory_space<hbm>>
    tpu.wait_indirect_dma semaphore(%arg13 : memref<!tpu.dma_semaphore, #tpu.memory_space<semaphore_mem>>) src(%dma_wait3A_680 : memref<10240x128xf32, #tpu.memory_space<hbm>>) dst(%arg10 : memref<128x128xf32, #tpu.memory_space<vmem>>)
    %run_scoped3A_681 = arith.constant 6 : i32
    "tpu.region"() ({
      %run_scoped3A_749 = tpu.sem_alloc : memref<!tpu.dma_semaphore, #tpu.memory_space<semaphore_mem>>
      %dma_start3A_750 = arith.constant 0 : i32
      %dma_start3A_751 = tpu.memref_slice %arg8[%run_scoped3A_681, %dma_start3A_750] : memref<8x128xi32, #tpu.memory_space<vmem>> -> memref<1x128xi32, #tpu.memory_space<vmem>>
      %dma_start3A_752 = tpu.memref_squeeze %dma_start3A_751 : memref<1x128xi32, #tpu.memory_space<vmem>> -> memref<128xi32, #tpu.memory_space<vmem>>
      %dma_start3A_753 = arith.constant 0 : i32
      %dma_start3A_754 = arith.constant 0 : i32
      %dma_start3A_755 = tpu.memref_slice %arg12[%dma_start3A_753, %dma_start3A_754] : memref<10240x128xf32, #tpu.memory_space<vmem_shared>> -> memref<10240x128xf32, #tpu.memory_space<vmem_shared>>
      tpu.enqueue_indirect_dma source(%arg10 : memref<128x128xf32, #tpu.memory_space<vmem>>) target(%dma_start3A_755 : memref<10240x128xf32, #tpu.memory_space<vmem_shared>>) offsets(%dma_start3A_752 : memref<128xi32, #tpu.memory_space<vmem>>) semaphore(%run_scoped3A_749 : memref<!tpu.dma_semaphore, #tpu.memory_space<semaphore_mem>>) {add = true}
      %dma_wait3A_756 = arith.constant 0 : i32
      %dma_wait3A_757 = tpu.memref_slice %arg8[%run_scoped3A_681, %dma_wait3A_756] : memref<8x128xi32, #tpu.memory_space<vmem>> -> memref<1x128xi32, #tpu.memory_space<vmem>>
      %dma_wait3A_758 = tpu.memref_squeeze %dma_wait3A_757 : memref<1x128xi32, #tpu.memory_space<vmem>> -> memref<128xi32, #tpu.memory_space<vmem>>
      %dma_wait3A_759 = arith.constant 0 : i32
      %dma_wait3A_760 = arith.constant 0 : i32
      %dma_wait3A_761 = tpu.memref_slice %arg12[%dma_wait3A_759, %dma_wait3A_760] : memref<10240x128xf32, #tpu.memory_space<vmem_shared>> -> memref<10240x128xf32, #tpu.memory_space<vmem_shared>>
      tpu.wait_indirect_dma semaphore(%run_scoped3A_749 : memref<!tpu.dma_semaphore, #tpu.memory_space<semaphore_mem>>) src(%arg10 : memref<128x128xf32, #tpu.memory_space<vmem>>) dst(%dma_wait3A_761 : memref<10240x128xf32, #tpu.memory_space<vmem_shared>>)
      tpu.yield
    }) : () -> ()
    %dma_wait3A_682 = arith.constant 9 : i32
    %dma_wait3A_683 = arith.constant 0 : i32
    %dma_wait3A_684 = arith.constant 0 : i32
    %dma_wait3A_685 = tpu.memref_slice %arg3[%add3A, %dma_wait3A_682, %dma_wait3A_683, %dma_wait3A_684] : memref<32x10x8x128xi32, #tpu.memory_space<hbm>> -> memref<1x1x8x128xi32, #tpu.memory_space<hbm>>
    %dma_wait3A_686 = tpu.memref_squeeze %dma_wait3A_685 : memref<1x1x8x128xi32, #tpu.memory_space<hbm>> -> memref<8x128xi32, #tpu.memory_space<hbm>>
    %dma_wait3A_687 = arith.constant 0 : i32
    %dma_wait3A_688 = arith.constant 0 : i32
    %dma_wait3A_689 = tpu.memref_slice %arg3[%add3A, %dma_wait3A_682, %dma_wait3A_687, %dma_wait3A_688] : memref<32x10x8x128xi32, #tpu.memory_space<hbm>> -> memref<1x1x8x128xi32, #tpu.memory_space<hbm>>
    %dma_wait3A_690 = tpu.memref_squeeze %dma_wait3A_689 : memref<1x1x8x128xi32, #tpu.memory_space<hbm>> -> memref<8x128xi32, #tpu.memory_space<hbm>>
    tpu.wait_dma2 semaphore(%arg15 : memref<!tpu.dma_semaphore, #tpu.memory_space<semaphore_mem>>) src(%dma_wait3A_690 : memref<8x128xi32, #tpu.memory_space<hbm>>) dst(%arg7 : memref<8x128xi32, #tpu.memory_space<vmem>>)
    %dma_wait3A_691 = arith.constant 9 : i32
    %dma_wait3A_692 = arith.constant 0 : i32
    %dma_wait3A_693 = arith.constant 0 : i32
    %dma_wait3A_694 = tpu.memref_slice %arg4[%add3A, %dma_wait3A_691, %dma_wait3A_692, %dma_wait3A_693] : memref<32x10x8x128xi32, #tpu.memory_space<hbm>> -> memref<1x1x8x128xi32, #tpu.memory_space<hbm>>
    %dma_wait3A_695 = tpu.memref_squeeze %dma_wait3A_694 : memref<1x1x8x128xi32, #tpu.memory_space<hbm>> -> memref<8x128xi32, #tpu.memory_space<hbm>>
    %dma_wait3A_696 = arith.constant 0 : i32
    %dma_wait3A_697 = arith.constant 0 : i32
    %dma_wait3A_698 = tpu.memref_slice %arg4[%add3A, %dma_wait3A_691, %dma_wait3A_696, %dma_wait3A_697] : memref<32x10x8x128xi32, #tpu.memory_space<hbm>> -> memref<1x1x8x128xi32, #tpu.memory_space<hbm>>
    %dma_wait3A_699 = tpu.memref_squeeze %dma_wait3A_698 : memref<1x1x8x128xi32, #tpu.memory_space<hbm>> -> memref<8x128xi32, #tpu.memory_space<hbm>>
    tpu.wait_dma2 semaphore(%arg15 : memref<!tpu.dma_semaphore, #tpu.memory_space<semaphore_mem>>) src(%dma_wait3A_699 : memref<8x128xi32, #tpu.memory_space<hbm>>) dst(%arg9 : memref<8x128xi32, #tpu.memory_space<vmem>>)
    %dma_start3A_700 = arith.constant 0 : i32
    %dma_start3A_701 = arith.constant 0 : i32
    %dma_start3A_702 = tpu.memref_slice %arg7[%dma_start3A_700, %dma_start3A_701] : memref<8x128xi32, #tpu.memory_space<vmem>> -> memref<1x128xi32, #tpu.memory_space<vmem>>
    %dma_start3A_703 = tpu.memref_squeeze %dma_start3A_702 : memref<1x128xi32, #tpu.memory_space<vmem>> -> memref<128xi32, #tpu.memory_space<vmem>>
    %dma_start3A_704 = arith.constant 0 : i32
    %dma_start3A_705 = arith.constant 0 : i32
    %dma_start3A_706 = tpu.memref_slice %arg2[%dma_start3A_704, %dma_start3A_705] : memref<10240x128xf32, #tpu.memory_space<hbm>> -> memref<10240x128xf32, #tpu.memory_space<hbm>>
    tpu.enqueue_indirect_dma source(%dma_start3A_706 : memref<10240x128xf32, #tpu.memory_space<hbm>>) target(%arg10 : memref<128x128xf32, #tpu.memory_space<vmem>>) offsets(%dma_start3A_703 : memref<128xi32, #tpu.memory_space<vmem>>) semaphore(%arg13 : memref<!tpu.dma_semaphore, #tpu.memory_space<semaphore_mem>>)
    %dma_wait3A_707 = arith.constant 7 : i32
    %dma_wait3A_708 = arith.constant 0 : i32
    %dma_wait3A_709 = tpu.memref_slice %arg6[%dma_wait3A_707, %dma_wait3A_708] : memref<8x128xi32, #tpu.memory_space<vmem>> -> memref<1x128xi32, #tpu.memory_space<vmem>>
    %dma_wait3A_710 = tpu.memref_squeeze %dma_wait3A_709 : memref<1x128xi32, #tpu.memory_space<vmem>> -> memref<128xi32, #tpu.memory_space<vmem>>
    %dma_wait3A_711 = arith.constant 0 : i32
    %dma_wait3A_712 = arith.constant 0 : i32
    %dma_wait3A_713 = tpu.memref_slice %arg2[%dma_wait3A_711, %dma_wait3A_712] : memref<10240x128xf32, #tpu.memory_space<hbm>> -> memref<10240x128xf32, #tpu.memory_space<hbm>>
    tpu.wait_indirect_dma semaphore(%arg14 : memref<!tpu.dma_semaphore, #tpu.memory_space<semaphore_mem>>) src(%dma_wait3A_713 : memref<10240x128xf32, #tpu.memory_space<hbm>>) dst(%arg11 : memref<128x128xf32, #tpu.memory_space<vmem>>)
    %run_scoped3A_714 = arith.constant 7 : i32
    "tpu.region"() ({
      %run_scoped3A_749 = tpu.sem_alloc : memref<!tpu.dma_semaphore, #tpu.memory_space<semaphore_mem>>
      %dma_start3A_750 = arith.constant 0 : i32
      %dma_start3A_751 = tpu.memref_slice %arg8[%run_scoped3A_714, %dma_start3A_750] : memref<8x128xi32, #tpu.memory_space<vmem>> -> memref<1x128xi32, #tpu.memory_space<vmem>>
      %dma_start3A_752 = tpu.memref_squeeze %dma_start3A_751 : memref<1x128xi32, #tpu.memory_space<vmem>> -> memref<128xi32, #tpu.memory_space<vmem>>
      %dma_start3A_753 = arith.constant 0 : i32
      %dma_start3A_754 = arith.constant 0 : i32
      %dma_start3A_755 = tpu.memref_slice %arg12[%dma_start3A_753, %dma_start3A_754] : memref<10240x128xf32, #tpu.memory_space<vmem_shared>> -> memref<10240x128xf32, #tpu.memory_space<vmem_shared>>
      tpu.enqueue_indirect_dma source(%arg11 : memref<128x128xf32, #tpu.memory_space<vmem>>) target(%dma_start3A_755 : memref<10240x128xf32, #tpu.memory_space<vmem_shared>>) offsets(%dma_start3A_752 : memref<128xi32, #tpu.memory_space<vmem>>) semaphore(%run_scoped3A_749 : memref<!tpu.dma_semaphore, #tpu.memory_space<semaphore_mem>>) {add = true}
      %dma_wait3A_756 = arith.constant 0 : i32
      %dma_wait3A_757 = tpu.memref_slice %arg8[%run_scoped3A_714, %dma_wait3A_756] : memref<8x128xi32, #tpu.memory_space<vmem>> -> memref<1x128xi32, #tpu.memory_space<vmem>>
      %dma_wait3A_758 = tpu.memref_squeeze %dma_wait3A_757 : memref<1x128xi32, #tpu.memory_space<vmem>> -> memref<128xi32, #tpu.memory_space<vmem>>
      %dma_wait3A_759 = arith.constant 0 : i32
      %dma_wait3A_760 = arith.constant 0 : i32
      %dma_wait3A_761 = tpu.memref_slice %arg12[%dma_wait3A_759, %dma_wait3A_760] : memref<10240x128xf32, #tpu.memory_space<vmem_shared>> -> memref<10240x128xf32, #tpu.memory_space<vmem_shared>>
      tpu.wait_indirect_dma semaphore(%run_scoped3A_749 : memref<!tpu.dma_semaphore, #tpu.memory_space<semaphore_mem>>) src(%arg11 : memref<128x128xf32, #tpu.memory_space<vmem>>) dst(%dma_wait3A_761 : memref<10240x128xf32, #tpu.memory_space<vmem_shared>>)
      tpu.yield
    }) : () -> ()
    %scan3A_715 = arith.constant 0 : i32
    %scan3A_716 = arith.constant 0 : i32
    %scan3A_717 = arith.constant 3 : i32
    %scan3A_718 = arith.addi %scan3A_716, %scan3A_717 : i32
    %scan3A_719 = arith.constant 1 : i32
    scf.for %scan3A_749 = %scan3A_716 to %scan3A_718 step %scan3A_719  : i32 {
      %mul3A_750 = arith.constant 2 : i32
      %mul3A_751 = arith.muli %scan3A_749, %mul3A_750 : i32
      %add3A_752 = arith.constant 1 : i32
      %add3A_753 = arith.addi %mul3A_751, %add3A_752 : i32
      %dma_start3A_754 = arith.constant 0 : i32
      %dma_start3A_755 = tpu.memref_slice %arg7[%add3A_753, %dma_start3A_754] : memref<8x128xi32, #tpu.memory_space<vmem>> -> memref<1x128xi32, #tpu.memory_space<vmem>>
      %dma_start3A_756 = tpu.memref_squeeze %dma_start3A_755 : memref<1x128xi32, #tpu.memory_space<vmem>> -> memref<128xi32, #tpu.memory_space<vmem>>
      %dma_start3A_757 = arith.constant 0 : i32
      %dma_start3A_758 = arith.constant 0 : i32
      %dma_start3A_759 = tpu.memref_slice %arg2[%dma_start3A_757, %dma_start3A_758] : memref<10240x128xf32, #tpu.memory_space<hbm>> -> memref<10240x128xf32, #tpu.memory_space<hbm>>
      tpu.enqueue_indirect_dma source(%dma_start3A_759 : memref<10240x128xf32, #tpu.memory_space<hbm>>) target(%arg11 : memref<128x128xf32, #tpu.memory_space<vmem>>) offsets(%dma_start3A_756 : memref<128xi32, #tpu.memory_space<vmem>>) semaphore(%arg14 : memref<!tpu.dma_semaphore, #tpu.memory_space<semaphore_mem>>)
      %dma_wait3A_760 = arith.constant 0 : i32
      %dma_wait3A_761 = tpu.memref_slice %arg7[%mul3A_751, %dma_wait3A_760] : memref<8x128xi32, #tpu.memory_space<vmem>> -> memref<1x128xi32, #tpu.memory_space<vmem>>
      %dma_wait3A_762 = tpu.memref_squeeze %dma_wait3A_761 : memref<1x128xi32, #tpu.memory_space<vmem>> -> memref<128xi32, #tpu.memory_space<vmem>>
      %dma_wait3A_763 = arith.constant 0 : i32
      %dma_wait3A_764 = arith.constant 0 : i32
      %dma_wait3A_765 = tpu.memref_slice %arg2[%dma_wait3A_763, %dma_wait3A_764] : memref<10240x128xf32, #tpu.memory_space<hbm>> -> memref<10240x128xf32, #tpu.memory_space<hbm>>
      tpu.wait_indirect_dma semaphore(%arg13 : memref<!tpu.dma_semaphore, #tpu.memory_space<semaphore_mem>>) src(%dma_wait3A_765 : memref<10240x128xf32, #tpu.memory_space<hbm>>) dst(%arg10 : memref<128x128xf32, #tpu.memory_space<vmem>>)
      "tpu.region"() ({
        %run_scoped3A_780 = tpu.sem_alloc : memref<!tpu.dma_semaphore, #tpu.memory_space<semaphore_mem>>
        %dma_start3A_781 = arith.constant 0 : i32
        %dma_start3A_782 = tpu.memref_slice %arg9[%mul3A_751, %dma_start3A_781] : memref<8x128xi32, #tpu.memory_space<vmem>> -> memref<1x128xi32, #tpu.memory_space<vmem>>
        %dma_start3A_783 = tpu.memref_squeeze %dma_start3A_782 : memref<1x128xi32, #tpu.memory_space<vmem>> -> memref<128xi32, #tpu.memory_space<vmem>>
        %dma_start3A_784 = arith.constant 0 : i32
        %dma_start3A_785 = arith.constant 0 : i32
        %dma_start3A_786 = tpu.memref_slice %arg12[%dma_start3A_784, %dma_start3A_785] : memref<10240x128xf32, #tpu.memory_space<vmem_shared>> -> memref<10240x128xf32, #tpu.memory_space<vmem_shared>>
        tpu.enqueue_indirect_dma source(%arg10 : memref<128x128xf32, #tpu.memory_space<vmem>>) target(%dma_start3A_786 : memref<10240x128xf32, #tpu.memory_space<vmem_shared>>) offsets(%dma_start3A_783 : memref<128xi32, #tpu.memory_space<vmem>>) semaphore(%run_scoped3A_780 : memref<!tpu.dma_semaphore, #tpu.memory_space<semaphore_mem>>) {add = true}
        %dma_wait3A_787 = arith.constant 0 : i32
        %dma_wait3A_788 = tpu.memref_slice %arg9[%mul3A_751, %dma_wait3A_787] : memref<8x128xi32, #tpu.memory_space<vmem>> -> memref<1x128xi32, #tpu.memory_space<vmem>>
        %dma_wait3A_789 = tpu.memref_squeeze %dma_wait3A_788 : memref<1x128xi32, #tpu.memory_space<vmem>> -> memref<128xi32, #tpu.memory_space<vmem>>
        %dma_wait3A_790 = arith.constant 0 : i32
        %dma_wait3A_791 = arith.constant 0 : i32
        %dma_wait3A_792 = tpu.memref_slice %arg12[%dma_wait3A_790, %dma_wait3A_791] : memref<10240x128xf32, #tpu.memory_space<vmem_shared>> -> memref<10240x128xf32, #tpu.memory_space<vmem_shared>>
        tpu.wait_indirect_dma semaphore(%run_scoped3A_780 : memref<!tpu.dma_semaphore, #tpu.memory_space<semaphore_mem>>) src(%arg10 : memref<128x128xf32, #tpu.memory_space<vmem>>) dst(%dma_wait3A_792 : memref<10240x128xf32, #tpu.memory_space<vmem_shared>>)
        tpu.yield
      }) : () -> ()
      %add3A_766 = arith.constant 2 : i32
      %add3A_767 = arith.addi %mul3A_751, %add3A_766 : i32
      %dma_start3A_768 = arith.constant 0 : i32
      %dma_start3A_769 = tpu.memref_slice %arg7[%add3A_767, %dma_start3A_768] : memref<8x128xi32, #tpu.memory_space<vmem>> -> memref<1x128xi32, #tpu.memory_space<vmem>>
      %dma_start3A_770 = tpu.memref_squeeze %dma_start3A_769 : memref<1x128xi32, #tpu.memory_space<vmem>> -> memref<128xi32, #tpu.memory_space<vmem>>
      %dma_start3A_771 = arith.constant 0 : i32
      %dma_start3A_772 = arith.constant 0 : i32
      %dma_start3A_773 = tpu.memref_slice %arg2[%dma_start3A_771, %dma_start3A_772] : memref<10240x128xf32, #tpu.memory_space<hbm>> -> memref<10240x128xf32, #tpu.memory_space<hbm>>
      tpu.enqueue_indirect_dma source(%dma_start3A_773 : memref<10240x128xf32, #tpu.memory_space<hbm>>) target(%arg10 : memref<128x128xf32, #tpu.memory_space<vmem>>) offsets(%dma_start3A_770 : memref<128xi32, #tpu.memory_space<vmem>>) semaphore(%arg13 : memref<!tpu.dma_semaphore, #tpu.memory_space<semaphore_mem>>)
      %dma_wait3A_774 = arith.constant 0 : i32
      %dma_wait3A_775 = tpu.memref_slice %arg7[%add3A_753, %dma_wait3A_774] : memref<8x128xi32, #tpu.memory_space<vmem>> -> memref<1x128xi32, #tpu.memory_space<vmem>>
      %dma_wait3A_776 = tpu.memref_squeeze %dma_wait3A_775 : memref<1x128xi32, #tpu.memory_space<vmem>> -> memref<128xi32, #tpu.memory_space<vmem>>
      %dma_wait3A_777 = arith.constant 0 : i32
      %dma_wait3A_778 = arith.constant 0 : i32
      %dma_wait3A_779 = tpu.memref_slice %arg2[%dma_wait3A_777, %dma_wait3A_778] : memref<10240x128xf32, #tpu.memory_space<hbm>> -> memref<10240x128xf32, #tpu.memory_space<hbm>>
      tpu.wait_indirect_dma semaphore(%arg14 : memref<!tpu.dma_semaphore, #tpu.memory_space<semaphore_mem>>) src(%dma_wait3A_779 : memref<10240x128xf32, #tpu.memory_space<hbm>>) dst(%arg11 : memref<128x128xf32, #tpu.memory_space<vmem>>)
      "tpu.region"() ({
        %run_scoped3A_780 = tpu.sem_alloc : memref<!tpu.dma_semaphore, #tpu.memory_space<semaphore_mem>>
        %dma_start3A_781 = arith.constant 0 : i32
        %dma_start3A_782 = tpu.memref_slice %arg9[%add3A_753, %dma_start3A_781] : memref<8x128xi32, #tpu.memory_space<vmem>> -> memref<1x128xi32, #tpu.memory_space<vmem>>
        %dma_start3A_783 = tpu.memref_squeeze %dma_start3A_782 : memref<1x128xi32, #tpu.memory_space<vmem>> -> memref<128xi32, #tpu.memory_space<vmem>>
        %dma_start3A_784 = arith.constant 0 : i32
        %dma_start3A_785 = arith.constant 0 : i32
        %dma_start3A_786 = tpu.memref_slice %arg12[%dma_start3A_784, %dma_start3A_785] : memref<10240x128xf32, #tpu.memory_space<vmem_shared>> -> memref<10240x128xf32, #tpu.memory_space<vmem_shared>>
        tpu.enqueue_indirect_dma source(%arg11 : memref<128x128xf32, #tpu.memory_space<vmem>>) target(%dma_start3A_786 : memref<10240x128xf32, #tpu.memory_space<vmem_shared>>) offsets(%dma_start3A_783 : memref<128xi32, #tpu.memory_space<vmem>>) semaphore(%run_scoped3A_780 : memref<!tpu.dma_semaphore, #tpu.memory_space<semaphore_mem>>) {add = true}
        %dma_wait3A_787 = arith.constant 0 : i32
        %dma_wait3A_788 = tpu.memref_slice %arg9[%add3A_753, %dma_wait3A_787] : memref<8x128xi32, #tpu.memory_space<vmem>> -> memref<1x128xi32, #tpu.memory_space<vmem>>
        %dma_wait3A_789 = tpu.memref_squeeze %dma_wait3A_788 : memref<1x128xi32, #tpu.memory_space<vmem>> -> memref<128xi32, #tpu.memory_space<vmem>>
        %dma_wait3A_790 = arith.constant 0 : i32
        %dma_wait3A_791 = arith.constant 0 : i32
        %dma_wait3A_792 = tpu.memref_slice %arg12[%dma_wait3A_790, %dma_wait3A_791] : memref<10240x128xf32, #tpu.memory_space<vmem_shared>> -> memref<10240x128xf32, #tpu.memory_space<vmem_shared>>
        tpu.wait_indirect_dma semaphore(%run_scoped3A_780 : memref<!tpu.dma_semaphore, #tpu.memory_space<semaphore_mem>>) src(%arg11 : memref<128x128xf32, #tpu.memory_space<vmem>>) dst(%dma_wait3A_792 : memref<10240x128xf32, #tpu.memory_space<vmem_shared>>)
        tpu.yield
      }) : () -> ()
    }
    %scan3A_720 = arith.constant 3 : i32
    %dma_start3A_721 = arith.constant 7 : i32
    %dma_start3A_722 = arith.constant 0 : i32
    %dma_start3A_723 = tpu.memref_slice %arg7[%dma_start3A_721, %dma_start3A_722] : memref<8x128xi32, #tpu.memory_space<vmem>> -> memref<1x128xi32, #tpu.memory_space<vmem>>
    %dma_start3A_724 = tpu.memref_squeeze %dma_start3A_723 : memref<1x128xi32, #tpu.memory_space<vmem>> -> memref<128xi32, #tpu.memory_space<vmem>>
    %dma_start3A_725 = arith.constant 0 : i32
    %dma_start3A_726 = arith.constant 0 : i32
    %dma_start3A_727 = tpu.memref_slice %arg2[%dma_start3A_725, %dma_start3A_726] : memref<10240x128xf32, #tpu.memory_space<hbm>> -> memref<10240x128xf32, #tpu.memory_space<hbm>>
    tpu.enqueue_indirect_dma source(%dma_start3A_727 : memref<10240x128xf32, #tpu.memory_space<hbm>>) target(%arg11 : memref<128x128xf32, #tpu.memory_space<vmem>>) offsets(%dma_start3A_724 : memref<128xi32, #tpu.memory_space<vmem>>) semaphore(%arg14 : memref<!tpu.dma_semaphore, #tpu.memory_space<semaphore_mem>>)
    %dma_wait3A_728 = arith.constant 6 : i32
    %dma_wait3A_729 = arith.constant 0 : i32
    %dma_wait3A_730 = tpu.memref_slice %arg7[%dma_wait3A_728, %dma_wait3A_729] : memref<8x128xi32, #tpu.memory_space<vmem>> -> memref<1x128xi32, #tpu.memory_space<vmem>>
    %dma_wait3A_731 = tpu.memref_squeeze %dma_wait3A_730 : memref<1x128xi32, #tpu.memory_space<vmem>> -> memref<128xi32, #tpu.memory_space<vmem>>
    %dma_wait3A_732 = arith.constant 0 : i32
    %dma_wait3A_733 = arith.constant 0 : i32
    %dma_wait3A_734 = tpu.memref_slice %arg2[%dma_wait3A_732, %dma_wait3A_733] : memref<10240x128xf32, #tpu.memory_space<hbm>> -> memref<10240x128xf32, #tpu.memory_space<hbm>>
    tpu.wait_indirect_dma semaphore(%arg13 : memref<!tpu.dma_semaphore, #tpu.memory_space<semaphore_mem>>) src(%dma_wait3A_734 : memref<10240x128xf32, #tpu.memory_space<hbm>>) dst(%arg10 : memref<128x128xf32, #tpu.memory_space<vmem>>)
    %run_scoped3A_735 = arith.constant 6 : i32
    "tpu.region"() ({
      %run_scoped3A_749 = tpu.sem_alloc : memref<!tpu.dma_semaphore, #tpu.memory_space<semaphore_mem>>
      %dma_start3A_750 = arith.constant 0 : i32
      %dma_start3A_751 = tpu.memref_slice %arg9[%run_scoped3A_735, %dma_start3A_750] : memref<8x128xi32, #tpu.memory_space<vmem>> -> memref<1x128xi32, #tpu.memory_space<vmem>>
      %dma_start3A_752 = tpu.memref_squeeze %dma_start3A_751 : memref<1x128xi32, #tpu.memory_space<vmem>> -> memref<128xi32, #tpu.memory_space<vmem>>
      %dma_start3A_753 = arith.constant 0 : i32
      %dma_start3A_754 = arith.constant 0 : i32
      %dma_start3A_755 = tpu.memref_slice %arg12[%dma_start3A_753, %dma_start3A_754] : memref<10240x128xf32, #tpu.memory_space<vmem_shared>> -> memref<10240x128xf32, #tpu.memory_space<vmem_shared>>
      tpu.enqueue_indirect_dma source(%arg10 : memref<128x128xf32, #tpu.memory_space<vmem>>) target(%dma_start3A_755 : memref<10240x128xf32, #tpu.memory_space<vmem_shared>>) offsets(%dma_start3A_752 : memref<128xi32, #tpu.memory_space<vmem>>) semaphore(%run_scoped3A_749 : memref<!tpu.dma_semaphore, #tpu.memory_space<semaphore_mem>>) {add = true}
      %dma_wait3A_756 = arith.constant 0 : i32
      %dma_wait3A_757 = tpu.memref_slice %arg9[%run_scoped3A_735, %dma_wait3A_756] : memref<8x128xi32, #tpu.memory_space<vmem>> -> memref<1x128xi32, #tpu.memory_space<vmem>>
      %dma_wait3A_758 = tpu.memref_squeeze %dma_wait3A_757 : memref<1x128xi32, #tpu.memory_space<vmem>> -> memref<128xi32, #tpu.memory_space<vmem>>
      %dma_wait3A_759 = arith.constant 0 : i32
      %dma_wait3A_760 = arith.constant 0 : i32
      %dma_wait3A_761 = tpu.memref_slice %arg12[%dma_wait3A_759, %dma_wait3A_760] : memref<10240x128xf32, #tpu.memory_space<vmem_shared>> -> memref<10240x128xf32, #tpu.memory_space<vmem_shared>>
      tpu.wait_indirect_dma semaphore(%run_scoped3A_749 : memref<!tpu.dma_semaphore, #tpu.memory_space<semaphore_mem>>) src(%arg10 : memref<128x128xf32, #tpu.memory_space<vmem>>) dst(%dma_wait3A_761 : memref<10240x128xf32, #tpu.memory_space<vmem_shared>>)
      tpu.yield
    }) : () -> ()
    %dma_wait3A_736 = arith.constant 7 : i32
    %dma_wait3A_737 = arith.constant 0 : i32
    %dma_wait3A_738 = tpu.memref_slice %arg7[%dma_wait3A_736, %dma_wait3A_737] : memref<8x128xi32, #tpu.memory_space<vmem>> -> memref<1x128xi32, #tpu.memory_space<vmem>>
    %dma_wait3A_739 = tpu.memref_squeeze %dma_wait3A_738 : memref<1x128xi32, #tpu.memory_space<vmem>> -> memref<128xi32, #tpu.memory_space<vmem>>
    %dma_wait3A_740 = arith.constant 0 : i32
    %dma_wait3A_741 = arith.constant 0 : i32
    %dma_wait3A_742 = tpu.memref_slice %arg2[%dma_wait3A_740, %dma_wait3A_741] : memref<10240x128xf32, #tpu.memory_space<hbm>> -> memref<10240x128xf32, #tpu.memory_space<hbm>>
    tpu.wait_indirect_dma semaphore(%arg14 : memref<!tpu.dma_semaphore, #tpu.memory_space<semaphore_mem>>) src(%dma_wait3A_742 : memref<10240x128xf32, #tpu.memory_space<hbm>>) dst(%arg11 : memref<128x128xf32, #tpu.memory_space<vmem>>)
    %run_scoped3A_743 = arith.constant 7 : i32
    "tpu.region"() ({
      %run_scoped3A_749 = tpu.sem_alloc : memref<!tpu.dma_semaphore, #tpu.memory_space<semaphore_mem>>
      %dma_start3A_750 = arith.constant 0 : i32
      %dma_start3A_751 = tpu.memref_slice %arg9[%run_scoped3A_743, %dma_start3A_750] : memref<8x128xi32, #tpu.memory_space<vmem>> -> memref<1x128xi32, #tpu.memory_space<vmem>>
      %dma_start3A_752 = tpu.memref_squeeze %dma_start3A_751 : memref<1x128xi32, #tpu.memory_space<vmem>> -> memref<128xi32, #tpu.memory_space<vmem>>
      %dma_start3A_753 = arith.constant 0 : i32
      %dma_start3A_754 = arith.constant 0 : i32
      %dma_start3A_755 = tpu.memref_slice %arg12[%dma_start3A_753, %dma_start3A_754] : memref<10240x128xf32, #tpu.memory_space<vmem_shared>> -> memref<10240x128xf32, #tpu.memory_space<vmem_shared>>
      tpu.enqueue_indirect_dma source(%arg11 : memref<128x128xf32, #tpu.memory_space<vmem>>) target(%dma_start3A_755 : memref<10240x128xf32, #tpu.memory_space<vmem_shared>>) offsets(%dma_start3A_752 : memref<128xi32, #tpu.memory_space<vmem>>) semaphore(%run_scoped3A_749 : memref<!tpu.dma_semaphore, #tpu.memory_space<semaphore_mem>>) {add = true}
      %dma_wait3A_756 = arith.constant 0 : i32
      %dma_wait3A_757 = tpu.memref_slice %arg9[%run_scoped3A_743, %dma_wait3A_756] : memref<8x128xi32, #tpu.memory_space<vmem>> -> memref<1x128xi32, #tpu.memory_space<vmem>>
      %dma_wait3A_758 = tpu.memref_squeeze %dma_wait3A_757 : memref<1x128xi32, #tpu.memory_space<vmem>> -> memref<128xi32, #tpu.memory_space<vmem>>
      %dma_wait3A_759 = arith.constant 0 : i32
      %dma_wait3A_760 = arith.constant 0 : i32
      %dma_wait3A_761 = tpu.memref_slice %arg12[%dma_wait3A_759, %dma_wait3A_760] : memref<10240x128xf32, #tpu.memory_space<vmem_shared>> -> memref<10240x128xf32, #tpu.memory_space<vmem_shared>>
      tpu.wait_indirect_dma semaphore(%run_scoped3A_749 : memref<!tpu.dma_semaphore, #tpu.memory_space<semaphore_mem>>) src(%arg11 : memref<128x128xf32, #tpu.memory_space<vmem>>) dst(%dma_wait3A_761 : memref<10240x128xf32, #tpu.memory_space<vmem_shared>>)
      tpu.yield
    }) : () -> ()
    %barrier3A_744 = arith.constant 0 : index
    tpu.barrier barrier_id(%barrier3A_744)
    %mul3A_745 = arith.constant 640 : i32
    %mul3A_746 = arith.muli %arg1, %mul3A_745 : i32
    %mul3A_747 = arith.constant 640 : i32
    %mul3A_748 = arith.muli %arg1, %mul3A_747 : i32
    "tpu.region"() ({
      %run_scoped3A_749 = tpu.sem_alloc : memref<!tpu.dma_semaphore, #tpu.memory_space<semaphore_mem>>
      %dma_start3A_750 = arith.constant 0 : i32
      %dma_start3A_751 = tpu.memref_slice %arg5[%arg0, %mul3A_748, %dma_start3A_750] : memref<2x10240x128xf32, #tpu.memory_space<hbm>> -> memref<1x640x128xf32, #tpu.memory_space<hbm>>
      %dma_start3A_752 = tpu.memref_squeeze %dma_start3A_751 : memref<1x640x128xf32, #tpu.memory_space<hbm>> -> memref<640x128xf32, #tpu.memory_space<hbm>>
      %dma_start3A_753 = arith.constant 0 : i32
      %dma_start3A_754 = tpu.memref_slice %arg12[%mul3A_746, %dma_start3A_753] : memref<10240x128xf32, #tpu.memory_space<vmem_shared>> -> memref<640x128xf32, #tpu.memory_space<vmem_shared>>
      tpu.enqueue_dma source(%dma_start3A_754 : memref<640x128xf32, #tpu.memory_space<vmem_shared>>) target(%dma_start3A_752 : memref<640x128xf32, #tpu.memory_space<hbm>>) target_semaphore(%run_scoped3A_749 : memref<!tpu.dma_semaphore, #tpu.memory_space<semaphore_mem>>)
      %dma_wait3A_755 = arith.constant 0 : i32
      %dma_wait3A_756 = tpu.memref_slice %arg5[%arg0, %mul3A_748, %dma_wait3A_755] : memref<2x10240x128xf32, #tpu.memory_space<hbm>> -> memref<1x640x128xf32, #tpu.memory_space<hbm>>
      %dma_wait3A_757 = tpu.memref_squeeze %dma_wait3A_756 : memref<1x640x128xf32, #tpu.memory_space<hbm>> -> memref<640x128xf32, #tpu.memory_space<hbm>>
      %dma_wait3A_758 = arith.constant 0 : i32
      %dma_wait3A_759 = tpu.memref_slice %arg12[%mul3A_746, %dma_wait3A_758] : memref<10240x128xf32, #tpu.memory_space<vmem_shared>> -> memref<640x128xf32, #tpu.memory_space<vmem_shared>>
      tpu.wait_dma2 semaphore(%run_scoped3A_749 : memref<!tpu.dma_semaphore, #tpu.memory_space<semaphore_mem>>) src(%dma_wait3A_759 : memref<640x128xf32, #tpu.memory_space<vmem_shared>>) dst(%dma_wait3A_757 : memref<640x128xf32, #tpu.memory_space<hbm>>)
      tpu.yield
    }) : () -> ()
    return
  }
}

module attributes {stable_mosaic.version = 14 : i64} {
  func.func @_scale_body(%arg0: i32, %arg1: memref<2560x128xf32, #tpu.memory_space<vmem>>, %arg2: memref<2x2560x1xf32, #tpu.memory_space<vmem>>, %arg3: memref<2560x128xf32, #tpu.memory_space<vmem>>) attributes {dimension_semantics = [#tpu.dimension_semantics<arbitrary>], iteration_bounds = array<i64: 4>, scalar_prefetch = 0 : i64, scratch_operands = 0 : i64, tpu.core_type = #tpu.core_type<tc>, window_params = [{transform_indices = @transform_0, window_bounds = array<i64: 2560, 128>}, {transform_indices = @transform_1, window_bounds = array<i64: 2, 2560, 1>}, {transform_indices = @transform_2, window_bounds = array<i64: 2560, 128>}]} {
    %get3A = arith.constant 0 : index
    %get3A_0 = arith.constant 0 : index
    %get3A_1 = arith.constant 0 : index
    %get3A_2 = vector.load %arg2[%get3A, %get3A_0, %get3A_1] : memref<2x2560x1xf32, #tpu.memory_space<vmem>>, vector<1x2560x1xf32>
    %get3A_3 = vector.shape_cast %get3A_2 : vector<1x2560x1xf32> to vector<2560x1xf32>
    %get3A_4 = arith.constant 1 : index
    %get3A_5 = arith.constant 0 : index
    %get3A_6 = arith.constant 0 : index
    %get3A_7 = vector.load %arg2[%get3A_4, %get3A_5, %get3A_6] : memref<2x2560x1xf32, #tpu.memory_space<vmem>>, vector<1x2560x1xf32>
    %get3A_8 = vector.shape_cast %get3A_7 : vector<1x2560x1xf32> to vector<2560x1xf32>
    %add3A = arith.addf %get3A_3, %get3A_8 : vector<2560x1xf32>
    %add3A_9 = arith.constant 1.000000e+00 : f32
    %add3A_10 = vector.broadcast %add3A_9 : f32 to vector<2560x1xf32>
    %add3A_11 = arith.addf %add3A, %add3A_10 : vector<2560x1xf32>
    %rsqrt3A = math.rsqrt %add3A_11 : vector<2560x1xf32>
    %mul3A = arith.constant 2560 : i32
    %mul3A_12 = arith.muli %arg0, %mul3A : i32
    %iota3A = tpu.iota {dimensions = array<i32: 0>} : vector<2560x1xi32>
    %add3A_13 = vector.broadcast %mul3A_12 : i32 to vector<2560x1xi32>
    %add3A_14 = arith.addi %add3A_13, %iota3A : vector<2560x1xi32>
    %lt3A = arith.constant 10000 : i32
    %lt3A_15 = vector.broadcast %lt3A : i32 to vector<2560x1xi32>
    %lt3A_16 = arith.cmpi slt, %add3A_14, %lt3A_15 : vector<2560x1xi32>
    %get3A_17 = arith.constant 0 : index
    %get3A_18 = arith.constant 0 : index
    %get3A_19 = vector.load %arg1[%get3A_17, %get3A_18] : memref<2560x128xf32, #tpu.memory_space<vmem>>, vector<2560x128xf32>
    %mul3A_20 = vector.broadcast %rsqrt3A : vector<2560x1xf32> to vector<2560x128xf32>
    %mul3A_21 = arith.mulf %get3A_19, %mul3A_20 : vector<2560x128xf32>
    %jit3A = arith.constant 0.000000e+00 : f32
    %broadcast_in_dim3A = vector.shape_cast %lt3A_16 : vector<2560x1xi1> to vector<2560x1xi1>
    %broadcast_in_dim3A_22 = vector.broadcast %broadcast_in_dim3A : vector<2560x1xi1> to vector<2560x128xi1>
    %broadcast_in_dim3A_23 = vector.broadcast %jit3A : f32 to vector<2560x128xf32>
    %select_n3A = arith.select %broadcast_in_dim3A_22, %mul3A_21, %broadcast_in_dim3A_23 : vector<2560x128xi1>, vector<2560x128xf32>
    %swap3A = arith.constant 0 : index
    %swap3A_24 = arith.constant 0 : index
    %swap3A_25 = vector.load %arg3[%swap3A, %swap3A_24] : memref<2560x128xf32, #tpu.memory_space<vmem>>, vector<2560x128xf32>
    tpu.vector_store %arg3[%swap3A, %swap3A_24], %select_n3A {strides = array<i32>} : memref<2560x128xf32, #tpu.memory_space<vmem>>, vector<2560x128xf32>,
    return
  }
  func.func @transform_0(%arg0: i32) -> (i32, i32) {
    %c0_i32 = arith.constant 0 : i32
    %c0_i32_0 = arith.constant 0 : i32
    return %arg0, %c0_i32 : i32, i32
  }
  func.func @transform_1(%arg0: i32) -> (i32, i32, i32) {
    %c0_i32 = arith.constant 0 : i32
    %c0_i32_0 = arith.constant 0 : i32
    %c0_i32_1 = arith.constant 0 : i32
    return %c0_i32, %arg0, %c0_i32_0 : i32, i32, i32
  }
  func.func @transform_2(%arg0: i32) -> (i32, i32) {
    %c0_i32 = arith.constant 0 : i32
    %c0_i32_0 = arith.constant 0 : i32
    return %arg0, %c0_i32 : i32, i32
  }
}

module attributes {stable_mosaic.version = 14 : i64} {
  func.func @_out_body(%arg0: i32, %arg1: memref<2x2000x128xf32, #tpu.memory_space<vmem>>, %arg2: memref<2000x128xf32, #tpu.memory_space<vmem>>, %arg3: memref<2x2000x1xf32, #tpu.memory_space<vmem>>, %arg4: memref<128x128xf32, #tpu.memory_space<vmem>>, %arg5: memref<1x128xf32, #tpu.memory_space<vmem>>, %arg6: memref<128x128xf32, #tpu.memory_space<vmem>>, %arg7: memref<1x128xf32, #tpu.memory_space<vmem>>, %arg8: memref<2000x128xf32, #tpu.memory_space<vmem>>, %arg9: memref<2000x128xf32, #tpu.memory_space<vmem>>) attributes {dimension_semantics = [#tpu.dimension_semantics<arbitrary>], iteration_bounds = array<i64: 5>, scalar_prefetch = 0 : i64, scratch_operands = 0 : i64, tpu.core_type = #tpu.core_type<tc>, window_params = [{transform_indices = @transform_0, window_bounds = array<i64: 2, 2000, 128>}, {transform_indices = @transform_1, window_bounds = array<i64: 2000, 128>}, {transform_indices = @transform_2, window_bounds = array<i64: 2, 2000, 1>}, {pipeline_mode = #tpu.pipeline_mode<synchronous>, transform_indices = @transform_3, window_bounds = array<i64: 128, 128>}, {pipeline_mode = #tpu.pipeline_mode<synchronous>, transform_indices = @transform_4, window_bounds = array<i64: 1, 128>}, {pipeline_mode = #tpu.pipeline_mode<synchronous>, transform_indices = @transform_5, window_bounds = array<i64: 128, 128>}, {pipeline_mode = #tpu.pipeline_mode<synchronous>, transform_indices = @transform_6, window_bounds = array<i64: 1, 128>}, {transform_indices = @transform_7, window_bounds = array<i64: 2000, 128>}, {transform_indices = @transform_8, window_bounds = array<i64: 2000, 128>}]} {
    %get3A = arith.constant 0 : index
    %get3A_0 = arith.constant 0 : index
    %get3A_1 = arith.constant 0 : index
    %get3A_2 = vector.load %arg3[%get3A, %get3A_0, %get3A_1] : memref<2x2000x1xf32, #tpu.memory_space<vmem>>, vector<1x2000x1xf32>
    %get3A_3 = vector.shape_cast %get3A_2 : vector<1x2000x1xf32> to vector<2000x1xf32>
    %get3A_4 = arith.constant 1 : index
    %get3A_5 = arith.constant 0 : index
    %get3A_6 = arith.constant 0 : index
    %get3A_7 = vector.load %arg3[%get3A_4, %get3A_5, %get3A_6] : memref<2x2000x1xf32, #tpu.memory_space<vmem>>, vector<1x2000x1xf32>
    %get3A_8 = vector.shape_cast %get3A_7 : vector<1x2000x1xf32> to vector<2000x1xf32>
    %add3A = arith.addf %get3A_3, %get3A_8 : vector<2000x1xf32>
    %add3A_9 = arith.constant 1.000000e+00 : f32
    %add3A_10 = vector.broadcast %add3A_9 : f32 to vector<2000x1xf32>
    %add3A_11 = arith.addf %add3A, %add3A_10 : vector<2000x1xf32>
    %rsqrt3A = math.rsqrt %add3A_11 : vector<2000x1xf32>
    %get3A_12 = arith.constant 0 : index
    %get3A_13 = arith.constant 0 : index
    %get3A_14 = arith.constant 0 : index
    %get3A_15 = vector.load %arg1[%get3A_12, %get3A_13, %get3A_14] : memref<2x2000x128xf32, #tpu.memory_space<vmem>>, vector<1x2000x128xf32>
    %get3A_16 = vector.shape_cast %get3A_15 : vector<1x2000x128xf32> to vector<2000x128xf32>
    %get3A_17 = arith.constant 1 : index
    %get3A_18 = arith.constant 0 : index
    %get3A_19 = arith.constant 0 : index
    %get3A_20 = vector.load %arg1[%get3A_17, %get3A_18, %get3A_19] : memref<2x2000x128xf32, #tpu.memory_space<vmem>>, vector<1x2000x128xf32>
    %get3A_21 = vector.shape_cast %get3A_20 : vector<1x2000x128xf32> to vector<2000x128xf32>
    %add3A_22 = arith.addf %get3A_16, %get3A_21 : vector<2000x128xf32>
    %get3A_23 = arith.constant 0 : index
    %get3A_24 = arith.constant 0 : index
    %get3A_25 = vector.load %arg2[%get3A_23, %get3A_24] : memref<2000x128xf32, #tpu.memory_space<vmem>>, vector<2000x128xf32>
    %add3A_26 = arith.addf %add3A_22, %get3A_25 : vector<2000x128xf32>
    %mul3A = vector.broadcast %rsqrt3A : vector<2000x1xf32> to vector<2000x128xf32>
    %mul3A_27 = arith.mulf %add3A_26, %mul3A : vector<2000x128xf32>
    %get3A_28 = arith.constant 0 : index
    %get3A_29 = arith.constant 0 : index
    %get3A_30 = vector.load %arg4[%get3A_28, %get3A_29] : memref<128x128xf32, #tpu.memory_space<vmem>>, vector<128x128xf32>
    %dot_general3A = arith.constant dense<0.000000e+00> : vector<2000x128xf32>
    %dot_general3A_31 = tpu.matmul %mul3A_27, %get3A_30, %dot_general3A {dimension_numbers = #tpu.dot_dimension_numbers<[1], [0], [0], [1], [0, 0, 1, 1], [], []>, transpose_lhs_hint = false} : vector<2000x128xf32>, vector<128x128xf32>, vector<2000x128xf32> -> vector<2000x128xf32>
    %get3A_32 = arith.constant 0 : index
    %get3A_33 = arith.constant 0 : index
    %get3A_34 = vector.load %arg5[%get3A_32, %get3A_33] : memref<1x128xf32, #tpu.memory_space<vmem>>, vector<1x128xf32>
    %add3A_35 = vector.broadcast %get3A_34 : vector<1x128xf32> to vector<2000x128xf32>
    %add3A_36 = arith.addf %dot_general3A_31, %add3A_35 : vector<2000x128xf32>
    %swap3A = arith.constant 0 : index
    %swap3A_37 = arith.constant 0 : index
    %swap3A_38 = vector.load %arg8[%swap3A, %swap3A_37] : memref<2000x128xf32, #tpu.memory_space<vmem>>, vector<2000x128xf32>
    tpu.vector_store %arg8[%swap3A, %swap3A_37], %add3A_36 {strides = array<i32>} : memref<2000x128xf32, #tpu.memory_space<vmem>>, vector<2000x128xf32>,
    %get3A_39 = arith.constant 0 : index
    %get3A_40 = arith.constant 0 : index
    %get3A_41 = vector.load %arg6[%get3A_39, %get3A_40] : memref<128x128xf32, #tpu.memory_space<vmem>>, vector<128x128xf32>
    %dot_general3A_42 = arith.constant dense<0.000000e+00> : vector<2000x128xf32>
    %dot_general3A_43 = tpu.matmul %mul3A_27, %get3A_41, %dot_general3A_42 {dimension_numbers = #tpu.dot_dimension_numbers<[1], [0], [0], [1], [0, 0, 1, 1], [], []>, transpose_lhs_hint = false} : vector<2000x128xf32>, vector<128x128xf32>, vector<2000x128xf32> -> vector<2000x128xf32>
    %get3A_44 = arith.constant 0 : index
    %get3A_45 = arith.constant 0 : index
    %get3A_46 = vector.load %arg7[%get3A_44, %get3A_45] : memref<1x128xf32, #tpu.memory_space<vmem>>, vector<1x128xf32>
    %add3A_47 = vector.broadcast %get3A_46 : vector<1x128xf32> to vector<2000x128xf32>
    %add3A_48 = arith.addf %dot_general3A_43, %add3A_47 : vector<2000x128xf32>
    %swap3A_49 = arith.constant 0 : index
    %swap3A_50 = arith.constant 0 : index
    %swap3A_51 = vector.load %arg9[%swap3A_49, %swap3A_50] : memref<2000x128xf32, #tpu.memory_space<vmem>>, vector<2000x128xf32>
    tpu.vector_store %arg9[%swap3A_49, %swap3A_50], %add3A_48 {strides = array<i32>} : memref<2000x128xf32, #tpu.memory_space<vmem>>, vector<2000x128xf32>,
    return
  }
  func.func @transform_0(%arg0: i32) -> (i32, i32, i32) {
    %c0_i32 = arith.constant 0 : i32
    %c0_i32_0 = arith.constant 0 : i32
    %c0_i32_1 = arith.constant 0 : i32
    return %c0_i32, %arg0, %c0_i32_0 : i32, i32, i32
  }
  func.func @transform_1(%arg0: i32) -> (i32, i32) {
    %c0_i32 = arith.constant 0 : i32
    %c0_i32_0 = arith.constant 0 : i32
    return %arg0, %c0_i32 : i32, i32
  }
  func.func @transform_2(%arg0: i32) -> (i32, i32, i32) {
    %c0_i32 = arith.constant 0 : i32
    %c0_i32_0 = arith.constant 0 : i32
    %c0_i32_1 = arith.constant 0 : i32
    return %c0_i32, %arg0, %c0_i32_0 : i32, i32, i32
  }
  func.func @transform_3(%arg0: i32) -> (i32, i32) {
    %c0_i32 = arith.constant 0 : i32
    %c0_i32_0 = arith.constant 0 : i32
    %c0_i32_1 = arith.constant 0 : i32
    return %c0_i32, %c0_i32_0 : i32, i32
  }
  func.func @transform_4(%arg0: i32) -> (i32, i32) {
    %c0_i32 = arith.constant 0 : i32
    %c0_i32_0 = arith.constant 0 : i32
    %c0_i32_1 = arith.constant 0 : i32
    return %c0_i32, %c0_i32_0 : i32, i32
  }
  func.func @transform_5(%arg0: i32) -> (i32, i32) {
    %c0_i32 = arith.constant 0 : i32
    %c0_i32_0 = arith.constant 0 : i32
    %c0_i32_1 = arith.constant 0 : i32
    return %c0_i32, %c0_i32_0 : i32, i32
  }
  func.func @transform_6(%arg0: i32) -> (i32, i32) {
    %c0_i32 = arith.constant 0 : i32
    %c0_i32_0 = arith.constant 0 : i32
    %c0_i32_1 = arith.constant 0 : i32
    return %c0_i32, %c0_i32_0 : i32, i32
  }
  func.func @transform_7(%arg0: i32) -> (i32, i32) {
    %c0_i32 = arith.constant 0 : i32
    %c0_i32_0 = arith.constant 0 : i32
    return %arg0, %c0_i32 : i32, i32
  }
  func.func @transform_8(%arg0: i32) -> (i32, i32) {
    %c0_i32 = arith.constant 0 : i32
    %c0_i32_0 = arith.constant 0 : i32
    return %arg0, %c0_i32 : i32, i32
  }
}

</mosaic_0001>

<sc_bundles>
// kernel: kernel.6.cloned.1.call-start
scs
__scs_entry_jumppad:
0x0: {  	(pc) =	sbr.rel $0x88, $3  }
0x1: {  	(tag) =	ssettag $0x0;
	lr =	simm.s32 $0x1  }
0x2: {  	[smem:$0x3F9B] =	sst lr;
	_ =	strace $0xD0000000  }
0x3: {  	_ = 	snop  }
0x4: {  	_ = 	snop  }
0x5: {  	_ = 	snop  }
0x6: {  	_ = 	snop  }
0x7: {  	_ = 	snop  }
__scs_overlays_trampoline_lowered:
0x8: {  	[smem:$0x3FAA] =	sst s0  }
0x9: {  	[smem:$0x3FAB] =	sst s1  }
0xa: {  	[smem:$0x3FAC] =	sst s2  }
0xb: {  	[smem:$0x3FAD] =	sst s3  }
0xc: {  	[smem:$0x3FAE] =	sst s4  }
0xd: {  	[smem:$0x3FAF] =	sst s5  }
0xe: {  	[smem:$0x3FB0] =	sst s6  }
0xf: {  	[smem:$0x3FB1] =	sst s7  }
0x10: {  	[smem:$0x3FB2] =	sst s8  }
0x11: {  	[smem:$0x3FB3] =	sst s9;
	s0 =	simm.s32 @!p0 $0x0  }
0x12: {  	s1 =	sld [smem:$0x3F99];
	s0 =	simm.s32 @p0 $0x1  }
0x13: {  	[smem:$0x3FB4] =	sst s0;
	s0 =	simm.s32 @!p1 $0x0  }
0x14: {  	s2 =	sld [smem:$0x3F98];
	s0 =	simm.s32 @p1 $0x1  }
0x15: {  	[smem:$0x3FB5] =	sst s0;
	s0 =	simm.s32 @!p2 $0x0  }
0x16: {  	s3 =	sld [smem:$0x3FDB];
	s0 =	simm.s32 @p2 $0x1  }
0x17: {  	s4 =	simm.s32 $0x1BF5;
	[smem:$0x3FB7] =	sst s0  }
0x18: {  	s0 =	sld [smem:$0x3F9A];
	_ =	swait.ge [sflag:s4], $0x0  }
0x19: {  	s7 =	sld [smem:$0x3F9B]  }
0x1a: {  	s8 =	sadd.s32 $0xFFFFE003, lr  }
0x1b: {  	s9 =	sadd.s32 $0xFFFFFEF7, lr;
	s5 =	simm.s32 $0xFFFFFFFF;
	p2 =	slt.u32 s8, $0xFFFFF086  }
0x1c: {  	p1 =	slt.u32 s9, $0xF7A;
	s5 =	simm.s32 @!p2 $0x0  }
0x1d: {  	s5 =	simm.s32 @p1 $0x1;
	p0 =	seq.s32 s7, s2  }
0x1e: {  	s7 =	smul.u32 @!p0 $0xF7A, s2;
	p2 =	seq.s32 @!p0 s5, $0x0  }
0x1f: {  	s9 =	smul.u32 $0xF7A, s1;
	s8 =	simm.s32 @!p0 $0x1BF5;
	p2 =	por !p2, p0  }
0x20: {  	[sflag:s8] =	ssyncset.s32 @!p0 $0xFFFFF086;
	s6 =	sadd.s32 @!p0 s3, s7;
	s7 =	simm.s32 @!p0 $0x108  }
0x21: {  	s3 =	sadd.s32 s3, s9;
	s6 =	sadd.s32 @!p0 $0x88, s6;
	s7 =	simm.s32 @p2 $0x1082  }
0x22: {  	[simem:s7], [sflag:s8] =	dma.local @!p0 [hbm:s6], $0xF7A  }
0x23: {  	s9 =	sor.u32 $0xD0000000, s2;
	s6 =	simm.s32 $0x108;
	_ =	swait.ge @!p0 [sflag:s8], $0x0  }
0x24: {  	s3 =	sadd.s32 $0x88, s3;
	s6 =	simm.s32 @!p1 $0x1082;
	[sflag:s4] =	ssyncset.s32 $0xFFFFF086  }
0x25: {  	[simem:s6], [sflag:s4] =	dma.local [hbm:s3], $0xF7A  }
0x26: {  	[smem:$0x3F9B] =	sst s1;
	(tag) =	ssettag s2;
	_ =	strace s9  }
0x27: {  	s1 =	sld [smem:$0x3FAB]  }
0x28: {  	s2 =	sld [smem:$0x3FAC]  }
0x29: {  	s4 =	sld [smem:$0x3FAE]  }
0x2a: {  	p0 =	seq.s32 s5, $0x0;
	s5 =	sld [smem:$0x3FAF]  }
0x2b: {  	s6 =	sld [smem:$0x3FB0]  }
0x2c: {  	s7 =	sld [smem:$0x3FB1]  }
0x2d: {  	s3 =	simm.s32 $0x108;
	s8 =	sld [smem:$0x3FB2]  }
0x2e: {  	s3 =	simm.s32 @!p0 $0x1082;
	s9 =	sld [smem:$0x3FB3]  }
0x2f: {  	lr =	sadd.s32 s0, s3;
	s0 =	sld [smem:$0x3FAA]  }
0x30: {  	s3 =	sld [smem:$0x3FAD]  }
0x31: {  	[smem:$0x3FB6] =	sst s10  }
0x32: {  	s10 =	sld [smem:$0x3FB4];
	_ =	sdelay $0x3  }
0x33: {  	p0 =	seq.s32 s10, $0x1;
	s10 =	sld [smem:$0x3FB6];
	_ =	sdelay $0x3  }
0x34: {  	[smem:$0x3FB6] =	sst s10  }
0x35: {  	s10 =	sld [smem:$0x3FB5];
	_ =	sdelay $0x3  }
0x36: {  	p1 =	seq.s32 s10, $0x1;
	s10 =	sld [smem:$0x3FB6];
	_ =	sdelay $0x3  }
0x37: {  	[smem:$0x3FB6] =	sst s10  }
0x38: {  	s10 =	sld [smem:$0x3FB7]  }
0x39: {  	_ = 	snop;
	(pc) =	sbr.ind lr, $3  }
0x3a: {  	_ = 	snop  }
0x3b: {  	_ = 	snop  }
0x3c: {  	p2 =	seq.s32 s10, $0x1;
	s10 =	sld [smem:$0x3FB6]  }
0x3d: {  	_ =	shalt  }
0x3e: {  	_ =	shalt  }
0x3f: {  	_ =	shalt  }
0x40: {  	_ =	shalt  }
0x41: {  	_ =	shalt  }
0x42: {  	_ =	shalt  }
0x43: {  	_ =	shalt  }
0x44: {  	_ =	shalt  }
0x45: {  	_ =	shalt  }
0x46: {  	_ =	shalt  }
0x47: {  	_ =	shalt  }
0x48: {  	_ =	shalt  }
0x49: {  	_ =	shalt  }
0x4a: {  	_ =	shalt  }
0x4b: {  	_ =	shalt  }
0x4c: {  	_ =	shalt  }
0x4d: {  	_ =	shalt  }
0x4e: {  	_ =	shalt  }
0x4f: {  	_ =	shalt  }
0x50: {  	_ =	shalt  }
0x51: {  	_ =	shalt  }
0x52: {  	_ =	shalt  }
0x53: {  	_ =	shalt  }
0x54: {  	_ =	shalt  }
0x55: {  	_ =	shalt  }
0x56: {  	_ =	shalt  }
0x57: {  	_ =	shalt  }
0x58: {  	_ =	shalt  }
0x59: {  	_ =	shalt  }
0x5a: {  	_ =	shalt  }
0x5b: {  	_ =	shalt  }
0x5c: {  	_ =	shalt  }
0x5d: {  	_ =	shalt  }
0x5e: {  	_ =	shalt  }
0x5f: {  	_ =	shalt  }
0x60: {  	_ =	shalt  }
0x61: {  	_ =	shalt  }
0x62: {  	_ =	shalt  }
0x63: {  	_ =	shalt  }
0x64: {  	_ =	shalt  }
0x65: {  	_ =	shalt  }
0x66: {  	_ =	shalt  }
0x67: {  	_ =	shalt  }
0x68: {  	_ =	shalt  }
0x69: {  	_ =	shalt  }
0x6a: {  	_ =	shalt  }
0x6b: {  	_ =	shalt  }
0x6c: {  	_ =	shalt  }
0x6d: {  	_ =	shalt  }
0x6e: {  	_ =	shalt  }
0x6f: {  	_ =	shalt  }
0x70: {  	_ =	shalt  }
0x71: {  	_ =	shalt  }
0x72: {  	_ =	shalt  }
0x73: {  	_ =	shalt  }
0x74: {  	_ =	shalt  }
0x75: {  	_ =	shalt  }
0x76: {  	_ =	shalt  }
0x77: {  	_ =	shalt  }
0x78: {  	_ =	shalt  }
0x79: {  	_ =	shalt  }
0x7a: {  	_ =	shalt  }
0x7b: {  	_ =	shalt  }
0x7c: {  	_ =	shalt  }
0x7d: {  	_ =	shalt  }
0x7e: {  	_ =	shalt  }
0x7f: {  	_ =	shalt  }
0x80: {  	_ =	shalt  }
0x81: {  	_ =	shalt  }
0x82: {  	_ =	shalt  }
0x83: {  	_ =	shalt  }
0x84: {  	_ =	shalt  }
0x85: {  	_ =	shalt  }
0x86: {  	_ =	shalt  }
0x87: {  	_ =	shalt  }
.Lfunc_end0:
.L_simem_size_0:
called_computation_lowered:
.L_overlay_start_0:
0x88: {  	s2 =	sld [smem:$0x3FD9]  }
0x89: {  	s3 =	sld [smem:$0x3FFE];
	_ =	sdelay $0x1  }
0x8a: {  	s1 =	srdreg.scid  }
0x8b: {  	s0 =	sand.u32 $0x1, s1  }
0x8c: {  	s14 =	sshll.u32 s0, $0xA;
	s2 =	sadd.s32 s3, s2  }
0x8d: {  	s2 =	sadd.s32 s2, s14  }
0x8e: {  	[smem:$0x3FC2] =	sst s2  }
0x8f: {  	_ = 	snop  }
0x90: {  	s2 =	sld [smem:$0x3FD0];
	_ =	sdelay $0x2  }
0x91: {  	s15 =	simm.s32 $0xA;
	s4 =	simm.s32 $0x10  }
0x92: {  	[smem:s4], [sflag:s15] =	dma.local [hbm:s2], $0x1  }
0x93: {  	_ =	swait.eq [sflag:s15], $0x1  }
0x94: {  	[sflag:s15] =	ssyncset.done $0x0  }
0x95: {  	[sflag:s15] =	ssyncadd.s32 $0xFFFFFFFF  }
0x96: {  	s16 =	sld [smem:$0x10];
	(tm) =	ssettm $0x1  }
0x97: {  	s17 =	sld [smem:$0x3FFB];
	_ =	sdelay $0x3  }
0x98: {  	_ =	strace s17  }
0x99: {  	s3 =	sld [smem:$0x3FFC];
	_ =	sdelay $0x3  }
0x9a: {  	_ =	strace s3  }
0x9b: {  	s3 =	sld [smem:$0x3FFD];
	_ =	sdelay $0x3  }
0x9c: {  	_ =	strace s3  }
0x9d: {  	_ =	strace $0x8FFFFFFF  }
0x9e: {  	s18 =	sld [smem:$0x3FDB];
	_ =	sdelay $0x1  }
0x9f: {  	s19 =	simm.s32 $_scs_section_size  }
0xa0: {  	s5 =	simm.s32 $_size__tile_overlayer_lowered;
	s6 =	simm.s32 $_tile_overlayer_lowered  }
0xa1: {  	s22 =	simm.s32 $0x1BFF;
	s21 =	sshll.u32 s6, $0x1;
	s3 =	sadd.s32 s19, s18  }
0xa2: {  	s7 =	simm.s32 $0x0;
	s20 =	sshll.u32 s5, $0x1;
	s5 =	sadd.s32 s21, s3  }
0xa3: {  	[timem:s7], [sflag:s22] =	dma.local [hbm:s5], s20  }
0xa4: {  	_ =	swait.ge [sflag:s22], s20  }
0xa5: {  	s4 =	ssub.s32 $0x0, s20;
	[sflag:s22] =	ssyncset.done $0x0  }
0xa6: {  	[sflag:s22] =	ssyncadd.s32 s4;
	_ =	sdelay $0x1  }
0xa7: {  	s23 =	simm.s32 $0x1B8B  }
0xa8: {  	_ =	swait.ge [sflag:s23], $0x1  }
0xa9: {  	[sflag:s23] =	ssyncset.done $0x0  }
0xaa: {  	s25 =	simm.s32 $0x1B8E;
	s24 =	sld [smem:$0x3FFE];
	[sflag:s23] =	ssyncadd.s32 $0xFFFFFFFF  }
0xab: {  	s26 =	simm.s32 $execute0_lowered;
	[smem:$0x3FD2] =	sst s25  }
0xac: {  	s5 =	sshll.u32 s26, $0x1;
	_ =	strace $0x80000046;
	[dreg:$0x1] =	wrdreg $0xFFFFFFFF  }
0xad: {  	s28 =	simm.s32 $_size_execute0_lowered;
	s3 =	sadd.s32 s3, s5;
	[dreg:$0x0] =	wrdreg $0x0  }
0xae: {  	s5 =	sshll.u32 s28, $0x1;
	[dreg:$0x2] =	wrdreg s3  }
0xaf: {  	[dreg:$0x3] =	wrdreg s5  }
0xb0: {  	[dreg:$0x4] =	wrdreg $0xC0  }
0xb1: {  	_ =	task [dreg:s7], $0x5FFFF  }
0xb2: {  	[dreg:$0x1] =	wrdreg $0xFFFFFFFF  }
0xb3: {  	[dreg:$0x0] =	wrdreg $0x60  }
0xb4: {  	[dreg:$0x2] =	wrdreg s16  }
0xb5: {  	[dreg:$0x3] =	wrdreg s24  }
0xb6: {  	[dreg:$0x4] =	wrdreg $0x2B000  }
0xb7: {  	[dreg:$0x5] =	wrdreg $0x9  }
0xb8: {  	_ =	task.clear_ibuf [dreg:s7], $0x6FFFF;
	_ =	strace $0x90000046  }
0xb9: {  	s29 =	simm.s32 $0x9;
	_ =	strace $0x80000048  }
0xba: {  	_ =	swait.ge [sflag:s29], $0x1  }
0xbb: {  	[sflag:s29] =	ssyncadd.s32 $0xFFFFFFFF  }
0xbc: {  	_ =	strace $0x90000048  }
0xbd: {  	_ =	sfence  }
0xbe: {  	s30 =	sld [smem:$0x0];
	_ =	sdelay $0x2  }
0xbf: {  	s31 =	sshll.u32 s1, $0xD;
	s1 =	sshrl.u32 s1, $0x2  }
0xc0: {  	s3 =	sand.u32 $0x4000, s31;
	s1 =	sadd.s32 s1, s30  }
0xc1: {  	s0 =	sor.u32 s3, s0;
	s1 =	sshll.u32 s1, $0x11  }
0xc2: {  	s0 =	sor.u32 s1, s0  }
0xc3: {  	s0 =	sadd.s32 $0x8F2B, s0  }
0xc4: {  	[sflag:s0] =	ssyncadd.remote.s32 $0x1  }
0xc5: {  	_ =	sfence.sel $0xFFFF  }
0xc6: {  	[dreg:$0x0] =	wrdreg $0xFFFFFFFF;
	(pc) =	sbr.abs _section_cstart, $3  }
0xc7: {  	[dreg:$0x1] =	wrdreg $0xFFFFFFFF  }
0xc8: {  	_ =	task.clear_ibuf [dreg:s7], $0x2FFFF;
	_ =	strace $0x9FFFFFFF  }
0xc9: {  	(tm) =	ssettm $0x7FFFFFFF  }
tec
execute0_lowered:
.L_overlay_start_1:
0x0: {  	(tag) =	ssettag $0x1  }
0x1: {  	s4 =	rddreg [dreg:$0x0]  }
0x2: {  	s5 =	rddreg [dreg:$0x1];
	s0 =	srdreg.scid  }
0x3: {  	s2 =	rddreg [dreg:$0x2];
	s1 =	stileid.u32;
	s3 =	simm.s32 $0x0  }
0x4: {  	s11 =	simm.s32 $0x80;
	s12 =	simm.s32 $0x2800;
	s13 =	simm.s32 $0x1  }
0x5: {  	s16 =	simm.s32 $0x20;
	s17 =	simm.s32 $0x10;
	s18 =	simm.s32 $0x0  }
0x6: {  	s6 =	sand.u32 $0x1, s0;
	s0 =	rddreg [dreg:$0x3];
	s7 =	smul.u32 $0x500, s1  }
0x7: {  	[smem:$0x7FF] =	sst s3;
	s29 =	smul.u32 $0xA00, s1;
	s14 =	sshll.u32 s1, $0x6  }
0x8: {  	s8 =	sshll.u32 s6, $0x4;
	s9 =	sshll.u32 s6, $0x7;
	s6 =	ssub.s32 $0x2, s6  }
0x9: {  	_ =	strace $0x80000047;
	s14 =	sor.u32 $0x1C03, s14;
	s8 =	sor.u32 s1, s8  }
0xa: {  	s7 =	sor.u32 s9, s7;
	s30 =	sshrl.u32 s6, $0x1;
	s31 =	sshrl.u32 s29, $0x2  }
0xb: {  	s9 =	simm.s32 $0x3;
	s8 =	smul.u32 $0x500, s8;
	s7 =	sshrl.u32 s7, $0x3  }
0xc: {  	s10 =	ssub.s32 s6, s30;
	s7 =	sadd.s32 s7, s5;
	s5 =	sadd.s32 s31, s2  }
0xd: {  	s4 =	sadd.s32 s4, s8;
	s6 =	sadd.s32 $0x2000, s7;
	s7 =	smax.u32 s10, $0x1  }
0xe: {  	v0 =	vimm.f32 $0.0e+00;
	v1 =	vimm.f32 $1.000000000e+00;
	s8 =	simm.s32 $0x2880;
	s10 =	simm.s32 $0x2;
	s15 =	sshrl.u32 s5, $0x3  }
.LBB2_1:
0xf: {  	[tilespmem:s3], [sflag:$0x2] =	stream.linear.gather [hbm4b:s4+s3], $0x2800, $0x38;
	[tilespmem:$0x2D80] =	vst v63  }
0x10: {  	[tilespmem:$0x2880] =	vst v0  }
0x11: {  	[tilespmem:$0x2890] =	vst v0  }
0x12: {  	[tilespmem:$0x28A0] =	vst v0  }
0x13: {  	[tilespmem:$0x28B0] =	vst v0  }
0x14: {  	[tilespmem:$0x28C0] =	vst v0  }
0x15: {  	[tilespmem:$0x28D0] =	vst v0  }
0x16: {  	[tilespmem:$0x28E0] =	vst v0  }
0x17: {  	[tilespmem:$0x28F0] =	vst v0  }
0x18: {  	[tilespmem:$0x2900] =	vst v0  }
0x19: {  	[tilespmem:$0x2910] =	vst v0  }
0x1a: {  	[tilespmem:$0x2920] =	vst v0  }
0x1b: {  	[tilespmem:$0x2930] =	vst v0  }
0x1c: {  	[tilespmem:$0x2940] =	vst v0  }
0x1d: {  	[tilespmem:$0x2950] =	vst v0  }
0x1e: {  	[tilespmem:$0x2960] =	vst v0  }
0x1f: {  	[tilespmem:$0x2970] =	vst v0  }
0x20: {  	[tilespmem:$0x2980] =	vst v0  }
0x21: {  	[tilespmem:$0x2990] =	vst v0  }
0x22: {  	[tilespmem:$0x29A0] =	vst v0  }
0x23: {  	[tilespmem:$0x29B0] =	vst v0  }
0x24: {  	[tilespmem:$0x29C0] =	vst v0  }
0x25: {  	[tilespmem:$0x29D0] =	vst v0  }
0x26: {  	[tilespmem:$0x29E0] =	vst v0  }
0x27: {  	[tilespmem:$0x29F0] =	vst v0  }
0x28: {  	[tilespmem:$0x2A00] =	vst v0  }
0x29: {  	[tilespmem:$0x2A10] =	vst v0  }
0x2a: {  	[tilespmem:$0x2A20] =	vst v0  }
0x2b: {  	[tilespmem:$0x2A30] =	vst v0  }
0x2c: {  	[tilespmem:$0x2A40] =	vst v0  }
0x2d: {  	[tilespmem:$0x2A50] =	vst v0  }
0x2e: {  	[tilespmem:$0x2A60] =	vst v0  }
0x2f: {  	[tilespmem:$0x2A70] =	vst v0  }
0x30: {  	[tilespmem:$0x2A80] =	vst v0  }
0x31: {  	[tilespmem:$0x2A90] =	vst v0  }
0x32: {  	[tilespmem:$0x2AA0] =	vst v0  }
0x33: {  	[tilespmem:$0x2AB0] =	vst v0  }
0x34: {  	[tilespmem:$0x2AC0] =	vst v0  }
0x35: {  	[tilespmem:$0x2AD0] =	vst v0  }
0x36: {  	[tilespmem:$0x2AE0] =	vst v0  }
0x37: {  	[tilespmem:$0x2AF0] =	vst v0  }
0x38: {  	[tilespmem:$0x2800] =	vst v1  }
0x39: {  	[tilespmem:$0x2810] =	vst v1  }
0x3a: {  	[tilespmem:$0x2820] =	vst v1  }
0x3b: {  	[tilespmem:$0x2830] =	vst v1  }
0x3c: {  	[tilespmem:$0x2840] =	vst v1  }
0x3d: {  	[tilespmem:$0x2850] =	vst v1  }
0x3e: {  	[tilespmem:$0x2860] =	vst v1  }
0x3f: {  	[tilespmem:$0x2870] =	vst v1  }
0x40: {  	[spmem:s5] =	stream.linear.scatter [tilespmem:s8], [sflag:$0x3], $0x280, $0x38;
	[tilespmem:$0x2D80] =	vst v63  }
0x41: {  	_ =	swait.ge [sflag:s9], $0x280  }
0x42: {  	[sflag:s9] =	ssyncset.done $0x0  }
0x43: {  	[sflag:s9] =	ssyncadd.s32 $0xFFFFFD80  }
0x44: {  	_ =	swait.ge [sflag:s10], $0x2800  }
0x45: {  	[sflag:s10] =	ssyncset.done $0x0  }
0x46: {  	[sflag:s10] =	ssyncadd.s32 $0xFFFFD800  }
0x47: {  	s19 =	simm.s32 $0x0;
	[bflag:$0x0] =	sbarrier.arrive $0xFFFF  }
.LBB2_2:
0x48: {  	p0 =	sne.s32 s19, $0x9E00  }
.Ltmp0:
0x49: {  	_ = 	snop;
	(pc) =	sbr.rel @p0 .LBB2_2-.Ltmp0, $3  }
0x4a: {  	_ =	sdelay $0x1  }
0x4b: {  	s20 =	sshra.s32 s19, $0x2;
	s19 =	sadd.s32 $0x200, s19  }
0x4c: {  	[spmem:s2] =	stream.indirect.scatter.add.f32 [tilespmem:s12], [sflag:$0x1], $0x1, s20, s11, $0xb8;
	[tilespmem:$0x2D80] =	vst v63  }
0x4d: {  	_ =	swait.ge [sflag:s13], $0x80  }
0x4e: {  	s19 =	simm.s32 $0x4F;
	[sflag:s13] =	ssyncset.done $0x0  }
.LBB2_4:
0x4f: {  	p0 =	sne.s32 s19, $0x1;
	s19 =	sadd.s32 $0xFFFFFFFF, s19;
	[sflag:s13] =	ssyncadd.s32 $0xFFFFFF80  }
.Ltmp1:
0x50: {  	(pc) =	sbr.rel @p0 .LBB2_4-.Ltmp1, $3  }
0x51: {  	_ =	sdelay $0x1  }
0x52: {  	_ =	swait.ge [sflag:s13], $0x80  }
0x53: {  	[sflag:s13] =	ssyncset.done $0x0  }
0x54: {  	s18 =	sadd.s32 $0x1, s18  }
0x55: {  	[sflag:s13] =	ssyncadd.s32 $0xFFFFFF80;
	p0 =	sne.s32 s18, s7  }
.Ltmp2:
0x56: {  	[bflag:$0x0] =	sbarrier.arrive $0xFFFF;
	(pc) =	sbr.rel @p0 .LBB2_1-.Ltmp2, $4  }
0x57: {  	[hbm:s6@s16], [sflag:s14] =	dma.strided [spmem:s15@s17], $0x50, s13, $0x10   }
0x58: {  	_ =	swait.ge [sflag:s9], $0x50  }
0x59: {  	[sflag:s9] =	ssyncset.done $0x0  }
0x5a: {  	[sflag:s9] =	ssyncadd.s32 $0xFFFFFFB0  }
0x5b: {  	_ =	sfence.sel $0x180000  }
0x5c: {  	[bflag:$0x0] =	sbarrier.arrive $0xFFFF  }
0x5d: {  	p0 =	sne.s32 s1, $0x0;
	_ =	strace $0x90000047  }
0x5e: {  	s0 =	sadd.s32 @!p0 $0x100000, s0;
	[bflag:$0x2] =	sbarrier.arrive $0xFFFF  }
0x5f: {  	[sflag:s0] =	ssyncadd.tile.s32 @!p0 $0x1;
	_ =	shalt  }
.Lfunc_end2:
_tile_overlayer_lowered:
.L_overlay_start_2:
0x60: {  	(tag) =	ssettag $0x2  }
0x61: {  	s0 =	rddreg [dreg:$0x0];
	s2 =	stileid.u32  }
0x62: {  	s1 =	rddreg [dreg:$0x1];
	p0 =	sne.s32 s2, $0x0  }
0x63: {  	s3 =	rddreg [dreg:$0x2];
	[bflag:$0x3] =	sbarrier.arrive $0xFFFF;
	s2 =	simm.s32 @!p0 $0x1C03  }
0x64: {  	[timem:s3], [sflag:s2] =	dma.local @!p0 [hbm:s0], s1  }
0x65: {  	s0 =	simm.s32 @!p0 $0x3  }
0x66: {  	_ =	swait.ge @!p0 [sflag:s0], s1  }
0x67: {  	s1 =	ssub.s32 @!p0 $0x0, s1;
	[sflag:s0] =	ssyncset.done @!p0 $0x0  }
0x68: {  	[sflag:s0] =	ssyncadd.s32 @!p0 s1  }
0x69: {  	[bflag:$0x3] =	sbarrier.arrive $0xFFFF  }
0x6a: {  	_ =	shalt  }

// kernel: kernel.9.cloned.1.call-start
scs
__scs_entry_jumppad:
0x0: {  	(pc) =	sbr.rel $0x88, $3  }
0x1: {  	(tag) =	ssettag $0x0;
	lr =	simm.s32 $0x1  }
0x2: {  	[smem:$0x3F9B] =	sst lr;
	_ =	strace $0xD0000000  }
0x3: {  	_ = 	snop  }
0x4: {  	_ = 	snop  }
0x5: {  	_ = 	snop  }
0x6: {  	_ = 	snop  }
0x7: {  	_ = 	snop  }
__scs_overlays_trampoline_lowered:
0x8: {  	[smem:$0x3FAA] =	sst s0  }
0x9: {  	[smem:$0x3FAB] =	sst s1  }
0xa: {  	[smem:$0x3FAC] =	sst s2  }
0xb: {  	[smem:$0x3FAD] =	sst s3  }
0xc: {  	[smem:$0x3FAE] =	sst s4  }
0xd: {  	[smem:$0x3FAF] =	sst s5  }
0xe: {  	[smem:$0x3FB0] =	sst s6  }
0xf: {  	[smem:$0x3FB1] =	sst s7  }
0x10: {  	[smem:$0x3FB2] =	sst s8  }
0x11: {  	[smem:$0x3FB3] =	sst s9;
	s0 =	simm.s32 @!p0 $0x0  }
0x12: {  	s1 =	sld [smem:$0x3F99];
	s0 =	simm.s32 @p0 $0x1  }
0x13: {  	[smem:$0x3FB4] =	sst s0;
	s0 =	simm.s32 @!p1 $0x0  }
0x14: {  	s2 =	sld [smem:$0x3F98];
	s0 =	simm.s32 @p1 $0x1  }
0x15: {  	[smem:$0x3FB5] =	sst s0;
	s0 =	simm.s32 @!p2 $0x0  }
0x16: {  	s3 =	sld [smem:$0x3FDB];
	s0 =	simm.s32 @p2 $0x1  }
0x17: {  	s4 =	simm.s32 $0x1BF5;
	[smem:$0x3FB7] =	sst s0  }
0x18: {  	s0 =	sld [smem:$0x3F9A];
	_ =	swait.ge [sflag:s4], $0x0  }
0x19: {  	s7 =	sld [smem:$0x3F9B]  }
0x1a: {  	s8 =	sadd.s32 $0xFFFFE003, lr  }
0x1b: {  	s9 =	sadd.s32 $0xFFFFFEF7, lr;
	s5 =	simm.s32 $0xFFFFFFFF;
	p2 =	slt.u32 s8, $0xFFFFF086  }
0x1c: {  	p1 =	slt.u32 s9, $0xF7A;
	s5 =	simm.s32 @!p2 $0x0  }
0x1d: {  	s5 =	simm.s32 @p1 $0x1;
	p0 =	seq.s32 s7, s2  }
0x1e: {  	s7 =	smul.u32 @!p0 $0xF7A, s2;
	p2 =	seq.s32 @!p0 s5, $0x0  }
0x1f: {  	s9 =	smul.u32 $0xF7A, s1;
	s8 =	simm.s32 @!p0 $0x1BF5;
	p2 =	por !p2, p0  }
0x20: {  	[sflag:s8] =	ssyncset.s32 @!p0 $0xFFFFF086;
	s6 =	sadd.s32 @!p0 s3, s7;
	s7 =	simm.s32 @!p0 $0x108  }
0x21: {  	s3 =	sadd.s32 s3, s9;
	s6 =	sadd.s32 @!p0 $0x88, s6;
	s7 =	simm.s32 @p2 $0x1082  }
0x22: {  	[simem:s7], [sflag:s8] =	dma.local @!p0 [hbm:s6], $0xF7A  }
0x23: {  	s9 =	sor.u32 $0xD0000000, s2;
	s6 =	simm.s32 $0x108;
	_ =	swait.ge @!p0 [sflag:s8], $0x0  }
0x24: {  	s3 =	sadd.s32 $0x88, s3;
	s6 =	simm.s32 @!p1 $0x1082;
	[sflag:s4] =	ssyncset.s32 $0xFFFFF086  }
0x25: {  	[simem:s6], [sflag:s4] =	dma.local [hbm:s3], $0xF7A  }
0x26: {  	[smem:$0x3F9B] =	sst s1;
	(tag) =	ssettag s2;
	_ =	strace s9  }
0x27: {  	s1 =	sld [smem:$0x3FAB]  }
0x28: {  	s2 =	sld [smem:$0x3FAC]  }
0x29: {  	s4 =	sld [smem:$0x3FAE]  }
0x2a: {  	p0 =	seq.s32 s5, $0x0;
	s5 =	sld [smem:$0x3FAF]  }
0x2b: {  	s6 =	sld [smem:$0x3FB0]  }
0x2c: {  	s7 =	sld [smem:$0x3FB1]  }
0x2d: {  	s3 =	simm.s32 $0x108;
	s8 =	sld [smem:$0x3FB2]  }
0x2e: {  	s3 =	simm.s32 @!p0 $0x1082;
	s9 =	sld [smem:$0x3FB3]  }
0x2f: {  	lr =	sadd.s32 s0, s3;
	s0 =	sld [smem:$0x3FAA]  }
0x30: {  	s3 =	sld [smem:$0x3FAD]  }
0x31: {  	[smem:$0x3FB6] =	sst s10  }
0x32: {  	s10 =	sld [smem:$0x3FB4];
	_ =	sdelay $0x3  }
0x33: {  	p0 =	seq.s32 s10, $0x1;
	s10 =	sld [smem:$0x3FB6];
	_ =	sdelay $0x3  }
0x34: {  	[smem:$0x3FB6] =	sst s10  }
0x35: {  	s10 =	sld [smem:$0x3FB5];
	_ =	sdelay $0x3  }
0x36: {  	p1 =	seq.s32 s10, $0x1;
	s10 =	sld [smem:$0x3FB6];
	_ =	sdelay $0x3  }
0x37: {  	[smem:$0x3FB6] =	sst s10  }
0x38: {  	s10 =	sld [smem:$0x3FB7]  }
0x39: {  	_ = 	snop;
	(pc) =	sbr.ind lr, $3  }
0x3a: {  	_ = 	snop  }
0x3b: {  	_ = 	snop  }
0x3c: {  	p2 =	seq.s32 s10, $0x1;
	s10 =	sld [smem:$0x3FB6]  }
0x3d: {  	_ =	shalt  }
0x3e: {  	_ =	shalt  }
0x3f: {  	_ =	shalt  }
0x40: {  	_ =	shalt  }
0x41: {  	_ =	shalt  }
0x42: {  	_ =	shalt  }
0x43: {  	_ =	shalt  }
0x44: {  	_ =	shalt  }
0x45: {  	_ =	shalt  }
0x46: {  	_ =	shalt  }
0x47: {  	_ =	shalt  }
0x48: {  	_ =	shalt  }
0x49: {  	_ =	shalt  }
0x4a: {  	_ =	shalt  }
0x4b: {  	_ =	shalt  }
0x4c: {  	_ =	shalt  }
0x4d: {  	_ =	shalt  }
0x4e: {  	_ =	shalt  }
0x4f: {  	_ =	shalt  }
0x50: {  	_ =	shalt  }
0x51: {  	_ =	shalt  }
0x52: {  	_ =	shalt  }
0x53: {  	_ =	shalt  }
0x54: {  	_ =	shalt  }
0x55: {  	_ =	shalt  }
0x56: {  	_ =	shalt  }
0x57: {  	_ =	shalt  }
0x58: {  	_ =	shalt  }
0x59: {  	_ =	shalt  }
0x5a: {  	_ =	shalt  }
0x5b: {  	_ =	shalt  }
0x5c: {  	_ =	shalt  }
0x5d: {  	_ =	shalt  }
0x5e: {  	_ =	shalt  }
0x5f: {  	_ =	shalt  }
0x60: {  	_ =	shalt  }
0x61: {  	_ =	shalt  }
0x62: {  	_ =	shalt  }
0x63: {  	_ =	shalt  }
0x64: {  	_ =	shalt  }
0x65: {  	_ =	shalt  }
0x66: {  	_ =	shalt  }
0x67: {  	_ =	shalt  }
0x68: {  	_ =	shalt  }
0x69: {  	_ =	shalt  }
0x6a: {  	_ =	shalt  }
0x6b: {  	_ =	shalt  }
0x6c: {  	_ =	shalt  }
0x6d: {  	_ =	shalt  }
0x6e: {  	_ =	shalt  }
0x6f: {  	_ =	shalt  }
0x70: {  	_ =	shalt  }
0x71: {  	_ =	shalt  }
0x72: {  	_ =	shalt  }
0x73: {  	_ =	shalt  }
0x74: {  	_ =	shalt  }
0x75: {  	_ =	shalt  }
0x76: {  	_ =	shalt  }
0x77: {  	_ =	shalt  }
0x78: {  	_ =	shalt  }
0x79: {  	_ =	shalt  }
0x7a: {  	_ =	shalt  }
0x7b: {  	_ =	shalt  }
0x7c: {  	_ =	shalt  }
0x7d: {  	_ =	shalt  }
0x7e: {  	_ =	shalt  }
0x7f: {  	_ =	shalt  }
0x80: {  	_ =	shalt  }
0x81: {  	_ =	shalt  }
0x82: {  	_ =	shalt  }
0x83: {  	_ =	shalt  }
0x84: {  	_ =	shalt  }
0x85: {  	_ =	shalt  }
0x86: {  	_ =	shalt  }
0x87: {  	_ =	shalt  }
.Lfunc_end0:
.L_simem_size_0:
called_computation.1_lowered:
.L_overlay_start_0:
0x88: {  	s2 =	sld [smem:$0x3FD9]  }
0x89: {  	s3 =	sld [smem:$0x3FFE];
	_ =	sdelay $0x1  }
0x8a: {  	s1 =	srdreg.scid  }
0x8b: {  	s0 =	sand.u32 $0x1, s1  }
0x8c: {  	s14 =	sshll.u32 s0, $0xA;
	s2 =	sadd.s32 s3, s2  }
0x8d: {  	s2 =	sadd.s32 s2, s14  }
0x8e: {  	[smem:$0x3FC2] =	sst s2  }
0x8f: {  	_ = 	snop  }
0x90: {  	s2 =	sld [smem:$0x3FD0];
	_ =	sdelay $0x2  }
0x91: {  	s15 =	simm.s32 $0xA;
	s4 =	simm.s32 $0x10  }
0x92: {  	[smem:s4], [sflag:s15] =	dma.local [hbm:s2], $0x1  }
0x93: {  	_ =	swait.eq [sflag:s15], $0x1  }
0x94: {  	[sflag:s15] =	ssyncset.done $0x0  }
0x95: {  	s16 =	sld [smem:$0x10];
	[sflag:s15] =	ssyncadd.s32 $0xFFFFFFFF  }
0x96: {  	s17 =	sld [smem:$0x11];
	(tm) =	ssettm $0x1  }
0x97: {  	s18 =	sld [smem:$0x3FFB];
	_ =	sdelay $0x3  }
0x98: {  	_ =	strace s18  }
0x99: {  	s4 =	sld [smem:$0x3FFC];
	_ =	sdelay $0x3  }
0x9a: {  	_ =	strace s4  }
0x9b: {  	s4 =	sld [smem:$0x3FFD];
	_ =	sdelay $0x3  }
0x9c: {  	_ =	strace s4  }
0x9d: {  	_ =	strace $0x8FFFFFFF  }
0x9e: {  	s19 =	sld [smem:$0x3FDB];
	_ =	sdelay $0x1  }
0x9f: {  	s5 =	simm.s32 $_scs_section_size  }
0xa0: {  	s6 =	simm.s32 $_size__tile_overlayer_lowered;
	s7 =	simm.s32 $_tile_overlayer_lowered  }
0xa1: {  	s22 =	simm.s32 $0x1BFF;
	s21 =	sshll.u32 s7, $0x1;
	s4 =	sadd.s32 s5, s19  }
0xa2: {  	s8 =	simm.s32 $0x0;
	s20 =	sshll.u32 s6, $0x1;
	s6 =	sadd.s32 s21, s4  }
0xa3: {  	[timem:s8], [sflag:s22] =	dma.local [hbm:s6], s20  }
0xa4: {  	_ =	swait.ge [sflag:s22], s20  }
0xa5: {  	s5 =	ssub.s32 $0x0, s20;
	[sflag:s22] =	ssyncset.done $0x0  }
0xa6: {  	[sflag:s22] =	ssyncadd.s32 s5;
	_ =	sdelay $0x1  }
0xa7: {  	s23 =	simm.s32 $0x1B8B  }
0xa8: {  	_ =	swait.ge [sflag:s23], $0x1  }
0xa9: {  	[sflag:s23] =	ssyncset.done $0x0  }
0xaa: {  	s25 =	simm.s32 $0x1B8E;
	s24 =	sld [smem:$0x3FFE];
	[sflag:s23] =	ssyncadd.s32 $0xFFFFFFFF  }
0xab: {  	s26 =	simm.s32 $execute0_lowered;
	[smem:$0x3FD2] =	sst s25  }
0xac: {  	s6 =	sshll.u32 s26, $0x1;
	_ =	strace $0x80000049;
	[dreg:$0x1] =	wrdreg $0xFFFFFFFF  }
0xad: {  	s28 =	simm.s32 $_size_execute0_lowered;
	s4 =	sadd.s32 s4, s6;
	[dreg:$0x0] =	wrdreg $0x0  }
0xae: {  	s6 =	sshll.u32 s28, $0x1;
	[dreg:$0x2] =	wrdreg s4  }
0xaf: {  	[dreg:$0x3] =	wrdreg s6  }
0xb0: {  	[dreg:$0x4] =	wrdreg $0xC0  }
0xb1: {  	_ =	task [dreg:s8], $0x5FFFF  }
0xb2: {  	[dreg:$0x1] =	wrdreg $0xFFFFFFFF  }
0xb3: {  	[dreg:$0x0] =	wrdreg $0x60  }
0xb4: {  	[dreg:$0x2] =	wrdreg s24  }
0xb5: {  	[dreg:$0x3] =	wrdreg s17  }
0xb6: {  	[dreg:$0x4] =	wrdreg s16  }
0xb7: {  	[dreg:$0x5] =	wrdreg $0x90000  }
0xb8: {  	[dreg:$0x6] =	wrdreg $0x9  }
0xb9: {  	_ =	task.clear_ibuf [dreg:s8], $0x7FFFF;
	_ =	strace $0x90000049  }
0xba: {  	s29 =	simm.s32 $0x9;
	_ =	strace $0x8000004B  }
0xbb: {  	_ =	swait.ge [sflag:s29], $0x1  }
0xbc: {  	[sflag:s29] =	ssyncadd.s32 $0xFFFFFFFF  }
0xbd: {  	_ =	strace $0x9000004B  }
0xbe: {  	_ =	sfence  }
0xbf: {  	s30 =	sld [smem:$0x0];
	_ =	sdelay $0x2  }
0xc0: {  	s31 =	sshll.u32 s1, $0xD;
	s1 =	sshrl.u32 s1, $0x2  }
0xc1: {  	s3 =	sand.u32 $0x4000, s31;
	s1 =	sadd.s32 s1, s30  }
0xc2: {  	s0 =	sor.u32 s3, s0;
	s1 =	sshll.u32 s1, $0x11  }
0xc3: {  	s0 =	sor.u32 s1, s0  }
0xc4: {  	s0 =	sadd.s32 $0x8F2B, s0  }
0xc5: {  	[sflag:s0] =	ssyncadd.remote.s32 $0x1  }
0xc6: {  	_ =	sfence.sel $0xFFFF  }
0xc7: {  	[dreg:$0x0] =	wrdreg $0xFFFFFFFF;
	(pc) =	sbr.abs _section_cstart, $3  }
0xc8: {  	[dreg:$0x1] =	wrdreg $0xFFFFFFFF  }
0xc9: {  	_ =	task.clear_ibuf [dreg:s8], $0x2FFFF;
	_ =	strace $0x9FFFFFFF  }
0xca: {  	(tm) =	ssettm $0x7FFFFFFF  }
0xcb: {  	_ =	shalt  }
tec
execute0_lowered:
.L_overlay_start_1:
0x0: {  	(tag) =	ssettag $0x1  }
0x1: {  	s0 =	srdreg.scid  }
0x2: {  	s0 =	sand.u32 $0x1, s0  }
0x3: {  	s9 =	stileid.u32;
	s1 =	sshll.u32 s0, $0x4  }
0x4: {  	s2 =	rddreg [dreg:$0x0];
	s6 =	sor.u32 s9, s1  }
0x5: {  	s4 =	rddreg [dreg:$0x1];
	s6 =	smul.u32 $0x2800, s6  }
0x6: {  	s7 =	rddreg [dreg:$0x2]  }
0x7: {  	s28 =	simm.s32 $0x3;
	s1 =	simm.s32 $0x0;
	s6 =	sshrl.u32 s6, $0x3  }
0x8: {  	s5 =	smul.u32 $0x14000, s9;
	[smem:$0x7FF] =	sst s1;
	s21 =	sadd.s32 s4, s6  }
0x9: {  	s3 =	smul.u32 $0x140000, s0;
	s8 =	sadd.s32 s7, s6;
	[dreg:$0x5] =	wrdreg s21  }
0xa: {  	s0 =	ssub.s32 $0x2, s0;
	s22 =	sor.u32 $0x80, s6;
	[dreg:$0x6] =	wrdreg s8  }
0xb: {  	s3 =	sadd.s32 s5, s3;
	s23 =	sadd.s32 s4, s22;
	s21 =	rddreg [dreg:$0x3]  }
0xc: {  	s24 =	sadd.s32 $0x100, s6;
	s5 =	sadd.s32 s7, s22;
	[dreg:$0x7] =	wrdreg s23  }
0xd: {  	s20 =	sshrl.u32 s0, $0x1;
	s25 =	sadd.s32 s4, s24;
	[dreg:$0x8] =	wrdreg s5  }
0xe: {  	s26 =	sadd.s32 $0x180, s6;
	s8 =	sadd.s32 s7, s24;
	[dreg:$0x9] =	wrdreg s25  }
0xf: {  	s30 =	sadd.s32 $0x200, s6;
	s29 =	sadd.s32 s4, s26;
	[dreg:$0xa] =	wrdreg s8  }
0x10: {  	s10 =	sadd.s32 $0x280, s6;
	s31 =	sadd.s32 s4, s30;
	[dreg:$0xb] =	wrdreg s29  }
0x11: {  	s12 =	sadd.s32 $0x300, s6;
	s11 =	sadd.s32 s4, s10;
	[dreg:$0xd] =	wrdreg s31  }
0x12: {  	s14 =	sadd.s32 $0x380, s6;
	s13 =	sadd.s32 s4, s12;
	[dreg:$0xf] =	wrdreg s11  }
0x13: {  	s16 =	sadd.s32 $0x400, s6;
	s15 =	sadd.s32 s4, s14;
	[dreg:$0x11] =	wrdreg s13  }
0x14: {  	s0 =	ssub.s32 s0, s20;
	s17 =	sadd.s32 s4, s16;
	[dreg:$0x13] =	wrdreg s15  }
0x15: {  	s19 =	sadd.s32 $0x480, s6;
	s18 =	sadd.s32 s7, s16;
	[dreg:$0x15] =	wrdreg s17  }
0x16: {  	s20 =	smul.u32 $0x50000, s9;
	s4 =	sadd.s32 s4, s19;
	[dreg:$0x16] =	wrdreg s18  }
0x17: {  	s9 =	simm.s32 $0x1;
	s22 =	sadd.s32 s7, s19;
	[dreg:$0x17] =	wrdreg s4  }
0x18: {  	s3 =	sshrl.u32 s3, $0x3;
	s5 =	sadd.s32 s7, s26;
	[dreg:$0x18] =	wrdreg s22  }
0x19: {  	s0 =	smax.u32 s0, $0x1;
	s8 =	sadd.s32 s7, s30;
	[dreg:$0xc] =	wrdreg s5  }
0x1a: {  	s3 =	sadd.s32 s3, s2;
	[dreg:$0xe] =	wrdreg s8;
	s5 =	sadd.s32 s7, s10  }
0x1b: {  	s3 =	sadd.s32 $0x7A000, s3;
	s8 =	sadd.s32 s7, s12;
	[dreg:$0x10] =	wrdreg s5  }
0x1c: {  	s24 =	sadd.s32 $0x52000, s2;
	[dreg:$0x12] =	wrdreg s8;
	s5 =	sadd.s32 s7, s14  }
0x1d: {  	s2 =	simm.s32 $0x400;
	s23 =	sshrl.u32 s20, $0x2;
	[dreg:$0x14] =	wrdreg s5  }
0x1e: {  	s25 =	sadd.s32 s23, s21;
	_ =	strace $0x8000004A;
	[dreg:$0x1a] =	wrdreg s3  }
0x1f: {  	s20 =	simm.s32 $0x800;
	s26 =	sadd.s32 $0x4000, s25;
	[dreg:$0x1b] =	wrdreg s0  }
0x20: {  	s4 =	simm.s32 $0x1000;
	s29 =	sadd.s32 $0x8000, s25;
	[dreg:$0x1c] =	wrdreg s26  }
0x21: {  	s11 =	simm.s32 $0x2;
	s30 =	sadd.s32 $0xC000, s25;
	[dreg:$0x1d] =	wrdreg s29  }
0x22: {  	s31 =	sadd.s32 $0x10000, s25;
	s7 =	simm.s32 $0x80;
	[dreg:$0x1e] =	wrdreg s30  }
0x23: {  	s8 =	simm.s32 $0x5000;
	s5 =	simm.s32 $0x5;
	[dreg:$0x19] =	wrdreg s25  }
0x24: {  	v0 =	vimm.f32 $0.0e+00;
	[dreg:$0x1f] =	wrdreg s31;
	s3 =	simm.s32 $0xC00;
	s0 =	simm.s32 $0x0  }
.LBB2_1:
0x25: {  	s19 =	rddreg [dreg:$0x5]  }
0x26: {  	[tilespmem:s1], [sflag:$0x4] =	stream.linear.gather [hbm4b:s19+s1], $0x400, $0x38;
	[tilespmem:$0x1D000] =	vst v63  }
0x27: {  	s25 =	rddreg [dreg:$0x6]  }
0x28: {  	[tilespmem:s20], [sflag:$0x4] =	stream.linear.gather [hbm4b:s25+s1], $0x400, $0x38;
	[tilespmem:$0x1D000] =	vst v63  }
0x29: {  	s26 =	rddreg [dreg:$0x7]  }
0x2a: {  	[tilespmem:s2], [sflag:$0x3] =	stream.linear.gather [hbm4b:s26+s1], $0x400, $0x38;
	[tilespmem:$0x1D000] =	vst v63  }
0x2b: {  	s26 =	simm.s32 $0x0  }
0x2c: {  	s31 =	rddreg [dreg:$0x8];
	s29 =	sand.u32 $0xFFFFFF80, s26  }
0x2d: {  	[tilespmem:s3], [sflag:$0x3] =	stream.linear.gather [hbm4b:s31+s1], $0x400, $0x38;
	[tilespmem:$0x1D000] =	vst v63  }
0x2e: {  	s29 =	ssub.s32 $0x0, s29  }
0x2f: {  	s26 =	sand.u32 $0x3FFFFF80, s26;
	s29 =	sand.u32 $0xFFFFFF80, s29  }
0x30: {  	[smem:$0x7FD] =	sst s0;
	s30 =	sand.u32 $0x70, s1;
	s29 =	sadd.s32 s29, s26  }
0x31: {  	s26 =	simm.s32 $0x1;
	s30 =	sor.u32 s30, s29;
	s29 =	simm.s32 $0x0  }
.LBB2_2:
0x32: {  	s31 =	sshll.u32 s26, $0x4;
	p0 =	sne.s32 s26, $0x3FF;
	s26 =	sadd.s32 $0x1, s26;
	[tilespmem:s30+$0x1000] =	vst v0  }
.Ltmp0:
0x33: {  	s29 =	sadd.s32 $0x10, s29;
	s30 =	sand.u32 $0xFFFFFF80, s31;
	(pc) =	sbr.rel @p0 .LBB2_2-.Ltmp0, $4  }
0x34: {  	s30 =	ssub.s32 s29, s30  }
0x35: {  	s31 =	sand.u32 $0x3FFFFF80, s31;
	s30 =	sand.u32 $0xFFFFFF80, s30  }
0x36: {  	s19 =	sand.u32 $0x70, s29;
	s30 =	sadd.s32 s30, s31  }
0x37: {  	s30 =	sor.u32 s19, s30  }
0x38: {  	[tilespmem:s30+$0x1000] =	vst v0;
	s6 =	rddreg [dreg:$0x19]  }
0x39: {  	[spmem:s6] =	stream.linear.scatter [tilespmem:s4], [sflag:$0x5], $0x4000, $0x38;
	[tilespmem:$0x1D000] =	vst v63  }
0x3a: {  	_ =	swait.ge [sflag:s5], $0x4000  }
0x3b: {  	[sflag:s5] =	ssyncset.done $0x0  }
0x3c: {  	s19 =	rddreg [dreg:$0x1c];
	[sflag:s5] =	ssyncadd.s32 $0xFFFFC000  }
0x3d: {  	[spmem:s19] =	stream.linear.scatter [tilespmem:s4], [sflag:$0x5], $0x4000, $0x38;
	[tilespmem:$0x1D000] =	vst v63  }
0x3e: {  	_ =	swait.ge [sflag:s5], $0x4000  }
0x3f: {  	[sflag:s5] =	ssyncset.done $0x0  }
0x40: {  	s16 =	rddreg [dreg:$0x1d];
	[sflag:s5] =	ssyncadd.s32 $0xFFFFC000  }
0x41: {  	[spmem:s16] =	stream.linear.scatter [tilespmem:s4], [sflag:$0x5], $0x4000, $0x38;
	[tilespmem:$0x1D000] =	vst v63  }
0x42: {  	_ =	swait.ge [sflag:s5], $0x4000  }
0x43: {  	[sflag:s5] =	ssyncset.done $0x0  }
0x44: {  	s17 =	rddreg [dreg:$0x1e];
	[sflag:s5] =	ssyncadd.s32 $0xFFFFC000  }
0x45: {  	[spmem:s17] =	stream.linear.scatter [tilespmem:s4], [sflag:$0x5], $0x4000, $0x38;
	[tilespmem:$0x1D000] =	vst v63  }
0x46: {  	_ =	swait.ge [sflag:s5], $0x4000  }
0x47: {  	[sflag:s5] =	ssyncset.done $0x0  }
0x48: {  	s18 =	rddreg [dreg:$0x1f];
	[sflag:s5] =	ssyncadd.s32 $0xFFFFC000  }
0x49: {  	[spmem:s18] =	stream.linear.scatter [tilespmem:s4], [sflag:$0x5], $0x4000, $0x38;
	[tilespmem:$0x1D000] =	vst v63  }
0x4a: {  	_ =	swait.ge [sflag:s5], $0x4000  }
0x4b: {  	[sflag:s5] =	ssyncset.done $0x0  }
0x4c: {  	s19 =	simm.s32 $0x4;
	[sflag:s5] =	ssyncadd.s32 $0xFFFFC000  }
0x4d: {  	_ =	swait.ge [sflag:s19], $0x400  }
0x4e: {  	[sflag:s19] =	ssyncset.done $0x0  }
0x4f: {  	[sflag:s19] =	ssyncadd.s32 $0xFFFFFC00  }
0x50: {  	_ =	swait.ge [sflag:s19], $0x400  }
0x51: {  	[sflag:s19] =	ssyncset.done $0x0  }
0x52: {  	[sflag:s19] =	ssyncadd.s32 $0xFFFFFC00  }
0x53: {  	[tilespmem:s4], [sflag:$0x1] =	stream.indirect.gather [hbm4b:s24+s7], $0x80, s1, s7, $0xb8;
	[tilespmem:$0x1D000] =	vst v63  }
0x54: {  	[bflag:$0x0] =	sbarrier.arrive $0xFFFF  }
0x55: {  	[tilespmem:s8], [sflag:$0x2] =	stream.indirect.gather [hbm4b:s24+s7], $0x80, s7, s7, $0xb8;
	[tilespmem:$0x1D000] =	vst v63  }
0x56: {  	_ =	swait.ge [sflag:s9], $0x4000  }
0x57: {  	[sflag:s9] =	ssyncset.done $0x0  }
0x58: {  	[sflag:s9] =	ssyncadd.s32 $0xFFFFC000  }
0x59: {  	[spmem:s21] =	stream.indirect.scatter.add.f32 [tilespmem:s4], [sflag:$0x5], $0x80, s20, s7, $0xb8;
	[tilespmem:$0x1D000] =	vst v63  }
0x5a: {  	_ =	swait.ge [sflag:s5], $0x4000  }
0x5b: {  	[sflag:s5] =	ssyncset.done $0x0  }
0x5c: {  	s22 =	simm.s32 $0x100;
	[sflag:s5] =	ssyncadd.s32 $0xFFFFC000  }
0x5d: {  	[tilespmem:s4], [sflag:$0x1] =	stream.indirect.gather [hbm4b:s24+s7], $0x80, s22, s7, $0xb8;
	[tilespmem:$0x1D000] =	vst v63  }
0x5e: {  	_ =	swait.ge [sflag:s11], $0x4000  }
0x5f: {  	[sflag:s11] =	ssyncset.done $0x0  }
0x60: {  	s0 =	simm.s32 $0x880;
	[sflag:s11] =	ssyncadd.s32 $0xFFFFC000  }
0x61: {  	[spmem:s21] =	stream.indirect.scatter.add.f32 [tilespmem:s8], [sflag:$0x5], $0x80, s0, s7, $0xb8;
	[tilespmem:$0x1D000] =	vst v63  }
0x62: {  	_ =	swait.ge [sflag:s5], $0x4000  }
0x63: {  	[sflag:s5] =	ssyncset.done $0x0  }
0x64: {  	s23 =	simm.s32 $0x180;
	[sflag:s5] =	ssyncadd.s32 $0xFFFFC000  }
0x65: {  	[tilespmem:s8], [sflag:$0x2] =	stream.indirect.gather [hbm4b:s24+s7], $0x80, s23, s7, $0xb8;
	[tilespmem:$0x1D000] =	vst v63  }
0x66: {  	_ =	swait.ge [sflag:s9], $0x4000  }
0x67: {  	[sflag:s9] =	ssyncset.done $0x0  }
0x68: {  	s25 =	simm.s32 $0x900;
	[sflag:s9] =	ssyncadd.s32 $0xFFFFC000  }
0x69: {  	[spmem:s21] =	stream.indirect.scatter.add.f32 [tilespmem:s4], [sflag:$0x5], $0x80, s25, s7, $0xb8;
	[tilespmem:$0x1D000] =	vst v63  }
0x6a: {  	_ =	swait.ge [sflag:s5], $0x4000  }
0x6b: {  	[sflag:s5] =	ssyncset.done $0x0  }
0x6c: {  	s26 =	simm.s32 $0x200;
	[sflag:s5] =	ssyncadd.s32 $0xFFFFC000  }
0x6d: {  	[tilespmem:s4], [sflag:$0x1] =	stream.indirect.gather [hbm4b:s24+s7], $0x80, s26, s7, $0xb8;
	[tilespmem:$0x1D000] =	vst v63  }
0x6e: {  	_ =	swait.ge [sflag:s11], $0x4000  }
0x6f: {  	[sflag:s11] =	ssyncset.done $0x0  }
0x70: {  	s29 =	simm.s32 $0x980;
	[sflag:s11] =	ssyncadd.s32 $0xFFFFC000  }
0x71: {  	[spmem:s21] =	stream.indirect.scatter.add.f32 [tilespmem:s8], [sflag:$0x5], $0x80, s29, s7, $0xb8;
	[tilespmem:$0x1D000] =	vst v63  }
0x72: {  	_ =	swait.ge [sflag:s5], $0x4000  }
0x73: {  	[sflag:s5] =	ssyncset.done $0x0  }
0x74: {  	s30 =	simm.s32 $0x280;
	[sflag:s5] =	ssyncadd.s32 $0xFFFFC000  }
0x75: {  	[tilespmem:s8], [sflag:$0x2] =	stream.indirect.gather [hbm4b:s24+s7], $0x80, s30, s7, $0xb8;
	[tilespmem:$0x1D000] =	vst v63  }
0x76: {  	_ =	swait.ge [sflag:s9], $0x4000  }
0x77: {  	[sflag:s9] =	ssyncset.done $0x0  }
0x78: {  	s31 =	simm.s32 $0xA00;
	[sflag:s9] =	ssyncadd.s32 $0xFFFFC000  }
0x79: {  	[spmem:s21] =	stream.indirect.scatter.add.f32 [tilespmem:s4], [sflag:$0x5], $0x80, s31, s7, $0xb8;
	[tilespmem:$0x1D000] =	vst v63  }
0x7a: {  	_ =	swait.ge [sflag:s5], $0x4000  }
0x7b: {  	[sflag:s5] =	ssyncset.done $0x0  }
0x7c: {  	s0 =	simm.s32 $0x300;
	[sflag:s5] =	ssyncadd.s32 $0xFFFFC000  }
0x7d: {  	[tilespmem:s4], [sflag:$0x1] =	stream.indirect.gather [hbm4b:s24+s7], $0x80, s0, s7, $0xb8;
	[tilespmem:$0x1D000] =	vst v63  }
0x7e: {  	_ =	swait.ge [sflag:s11], $0x4000  }
0x7f: {  	[sflag:s11] =	ssyncset.done $0x0  }
0x80: {  	s12 =	simm.s32 $0xA80;
	[sflag:s11] =	ssyncadd.s32 $0xFFFFC000  }
0x81: {  	[spmem:s21] =	stream.indirect.scatter.add.f32 [tilespmem:s8], [sflag:$0x5], $0x80, s12, s7, $0xb8;
	[tilespmem:$0x1D000] =	vst v63  }
0x82: {  	_ =	swait.ge [sflag:s5], $0x4000  }
0x83: {  	[sflag:s5] =	ssyncset.done $0x0  }
0x84: {  	s13 =	simm.s32 $0x380;
	[sflag:s5] =	ssyncadd.s32 $0xFFFFC000  }
0x85: {  	[tilespmem:s8], [sflag:$0x2] =	stream.indirect.gather [hbm4b:s24+s7], $0x80, s13, s7, $0xb8;
	[tilespmem:$0x1D000] =	vst v63  }
0x86: {  	_ =	swait.ge [sflag:s9], $0x4000  }
0x87: {  	[sflag:s9] =	ssyncset.done $0x0  }
0x88: {  	s14 =	simm.s32 $0xB00;
	[sflag:s9] =	ssyncadd.s32 $0xFFFFC000  }
0x89: {  	[spmem:s21] =	stream.indirect.scatter.add.f32 [tilespmem:s4], [sflag:$0x5], $0x80, s14, s7, $0xb8;
	[tilespmem:$0x1D000] =	vst v63  }
0x8a: {  	_ =	swait.ge [sflag:s5], $0x4000  }
0x8b: {  	[sflag:s5] =	ssyncset.done $0x0  }
0x8c: {  	[sflag:s5] =	ssyncadd.s32 $0xFFFFC000  }
0x8d: {  	_ =	swait.ge [sflag:s28], $0x400  }
0x8e: {  	[sflag:s28] =	ssyncset.done $0x0  }
0x8f: {  	[sflag:s28] =	ssyncadd.s32 $0xFFFFFC00  }
0x90: {  	_ =	swait.ge [sflag:s28], $0x400  }
0x91: {  	[sflag:s28] =	ssyncset.done $0x0  }
0x92: {  	[sflag:s28] =	ssyncadd.s32 $0xFFFFFC00  }
0x93: {  	[tilespmem:s4], [sflag:$0x1] =	stream.indirect.gather [hbm4b:s24+s7], $0x80, s2, s7, $0xb8;
	[tilespmem:$0x1D000] =	vst v63  }
0x94: {  	_ =	swait.ge [sflag:s11], $0x4000  }
0x95: {  	[sflag:s11] =	ssyncset.done $0x0  }
0x96: {  	s15 =	simm.s32 $0xB80;
	[sflag:s11] =	ssyncadd.s32 $0xFFFFC000  }
0x97: {  	[spmem:s21] =	stream.indirect.scatter.add.f32 [tilespmem:s8], [sflag:$0x5], $0x80, s15, s7, $0xb8;
	[tilespmem:$0x1D000] =	vst v63  }
0x98: {  	_ =	swait.ge [sflag:s5], $0x4000  }
0x99: {  	[sflag:s5] =	ssyncset.done $0x0  }
0x9a: {  	s16 =	rddreg [dreg:$0x9];
	[sflag:s5] =	ssyncadd.s32 $0xFFFFC000  }
0x9b: {  	[tilespmem:s1], [sflag:$0x3] =	stream.linear.gather [hbm4b:s16+s1], $0x400, $0x38;
	[tilespmem:$0x1D000] =	vst v63  }
0x9c: {  	s19 =	rddreg [dreg:$0xa]  }
0x9d: {  	[tilespmem:s20], [sflag:$0x3] =	stream.linear.gather [hbm4b:s19+s1], $0x400, $0x38;
	[tilespmem:$0x1D000] =	vst v63  }
0x9e: {  	s17 =	simm.s32 $0x480  }
0x9f: {  	[tilespmem:s8], [sflag:$0x2] =	stream.indirect.gather [hbm4b:s24+s7], $0x80, s17, s7, $0xb8;
	[tilespmem:$0x1D000] =	vst v63  }
0xa0: {  	_ =	swait.ge [sflag:s9], $0x4000  }
0xa1: {  	[sflag:s9] =	ssyncset.done $0x0  }
0xa2: {  	[sflag:s9] =	ssyncadd.s32 $0xFFFFC000  }
0xa3: {  	[spmem:s21] =	stream.indirect.scatter.add.f32 [tilespmem:s4], [sflag:$0x5], $0x80, s3, s7, $0xb8;
	[tilespmem:$0x1D000] =	vst v63  }
0xa4: {  	_ =	swait.ge [sflag:s5], $0x4000  }
0xa5: {  	[sflag:s5] =	ssyncset.done $0x0  }
0xa6: {  	s18 =	simm.s32 $0x500;
	[sflag:s5] =	ssyncadd.s32 $0xFFFFC000  }
0xa7: {  	[tilespmem:s4], [sflag:$0x1] =	stream.indirect.gather [hbm4b:s24+s7], $0x80, s18, s7, $0xb8;
	[tilespmem:$0x1D000] =	vst v63  }
0xa8: {  	_ =	swait.ge [sflag:s11], $0x4000  }
0xa9: {  	[sflag:s11] =	ssyncset.done $0x0  }
0xaa: {  	s19 =	simm.s32 $0xC80;
	[sflag:s11] =	ssyncadd.s32 $0xFFFFC000  }
0xab: {  	[spmem:s21] =	stream.indirect.scatter.add.f32 [tilespmem:s8], [sflag:$0x5], $0x80, s19, s7, $0xb8;
	[tilespmem:$0x1D000] =	vst v63  }
0xac: {  	_ =	swait.ge [sflag:s5], $0x4000  }
0xad: {  	[sflag:s5] =	ssyncset.done $0x0  }
0xae: {  	s23 =	simm.s32 $0x580;
	[sflag:s5] =	ssyncadd.s32 $0xFFFFC000  }
0xaf: {  	[tilespmem:s8], [sflag:$0x2] =	stream.indirect.gather [hbm4b:s24+s7], $0x80, s23, s7, $0xb8;
	[tilespmem:$0x1D000] =	vst v63  }
0xb0: {  	_ =	swait.ge [sflag:s9], $0x4000  }
0xb1: {  	[sflag:s9] =	ssyncset.done $0x0  }
0xb2: {  	s25 =	simm.s32 $0xD00;
	[sflag:s9] =	ssyncadd.s32 $0xFFFFC000  }
0xb3: {  	[spmem:s21] =	stream.indirect.scatter.add.f32 [tilespmem:s4], [sflag:$0x5], $0x80, s25, s7, $0xb8;
	[tilespmem:$0x1D000] =	vst v63  }
0xb4: {  	_ =	swait.ge [sflag:s5], $0x4000  }
0xb5: {  	[sflag:s5] =	ssyncset.done $0x0  }
0xb6: {  	s31 =	simm.s32 $0x600;
	[sflag:s5] =	ssyncadd.s32 $0xFFFFC000  }
0xb7: {  	[tilespmem:s4], [sflag:$0x1] =	stream.indirect.gather [hbm4b:s24+s7], $0x80, s31, s7, $0xb8;
	[tilespmem:$0x1D000] =	vst v63  }
0xb8: {  	_ =	swait.ge [sflag:s11], $0x4000  }
0xb9: {  	[sflag:s11] =	ssyncset.done $0x0  }
0xba: {  	s12 =	simm.s32 $0xD80;
	[sflag:s11] =	ssyncadd.s32 $0xFFFFC000  }
0xbb: {  	[spmem:s21] =	stream.indirect.scatter.add.f32 [tilespmem:s8], [sflag:$0x5], $0x80, s12, s7, $0xb8;
	[tilespmem:$0x1D000] =	vst v63  }
0xbc: {  	_ =	swait.ge [sflag:s5], $0x4000  }
0xbd: {  	[sflag:s5] =	ssyncset.done $0x0  }
0xbe: {  	s13 =	simm.s32 $0x680;
	[sflag:s5] =	ssyncadd.s32 $0xFFFFC000  }
0xbf: {  	[tilespmem:s8], [sflag:$0x2] =	stream.indirect.gather [hbm4b:s24+s7], $0x80, s13, s7, $0xb8;
	[tilespmem:$0x1D000] =	vst v63  }
0xc0: {  	_ =	swait.ge [sflag:s9], $0x4000  }
0xc1: {  	[sflag:s9] =	ssyncset.done $0x0  }
0xc2: {  	s14 =	simm.s32 $0xE00;
	[sflag:s9] =	ssyncadd.s32 $0xFFFFC000  }
0xc3: {  	[spmem:s21] =	stream.indirect.scatter.add.f32 [tilespmem:s4], [sflag:$0x5], $0x80, s14, s7, $0xb8;
	[tilespmem:$0x1D000] =	vst v63  }
0xc4: {  	_ =	swait.ge [sflag:s5], $0x4000  }
0xc5: {  	[sflag:s5] =	ssyncset.done $0x0  }
0xc6: {  	s15 =	simm.s32 $0x700;
	[sflag:s5] =	ssyncadd.s32 $0xFFFFC000  }
0xc7: {  	[tilespmem:s4], [sflag:$0x1] =	stream.indirect.gather [hbm4b:s24+s7], $0x80, s15, s7, $0xb8;
	[tilespmem:$0x1D000] =	vst v63  }
0xc8: {  	_ =	swait.ge [sflag:s11], $0x4000  }
0xc9: {  	[sflag:s11] =	ssyncset.done $0x0  }
0xca: {  	s16 =	simm.s32 $0xE80;
	[sflag:s11] =	ssyncadd.s32 $0xFFFFC000  }
0xcb: {  	[spmem:s21] =	stream.indirect.scatter.add.f32 [tilespmem:s8], [sflag:$0x5], $0x80, s16, s7, $0xb8;
	[tilespmem:$0x1D000] =	vst v63  }
0xcc: {  	_ =	swait.ge [sflag:s5], $0x4000  }
0xcd: {  	[sflag:s5] =	ssyncset.done $0x0  }
0xce: {  	s17 =	simm.s32 $0x780;
	[sflag:s5] =	ssyncadd.s32 $0xFFFFC000  }
0xcf: {  	[tilespmem:s8], [sflag:$0x2] =	stream.indirect.gather [hbm4b:s24+s7], $0x80, s17, s7, $0xb8;
	[tilespmem:$0x1D000] =	vst v63  }
0xd0: {  	_ =	swait.ge [sflag:s9], $0x4000  }
0xd1: {  	[sflag:s9] =	ssyncset.done $0x0  }
0xd2: {  	s18 =	simm.s32 $0xF00;
	[sflag:s9] =	ssyncadd.s32 $0xFFFFC000  }
0xd3: {  	[spmem:s21] =	stream.indirect.scatter.add.f32 [tilespmem:s4], [sflag:$0x5], $0x80, s18, s7, $0xb8;
	[tilespmem:$0x1D000] =	vst v63  }
0xd4: {  	_ =	swait.ge [sflag:s5], $0x4000  }
0xd5: {  	[sflag:s5] =	ssyncset.done $0x0  }
0xd6: {  	[sflag:s5] =	ssyncadd.s32 $0xFFFFC000  }
0xd7: {  	_ =	swait.ge [sflag:s28], $0x400  }
0xd8: {  	[sflag:s28] =	ssyncset.done $0x0  }
0xd9: {  	[sflag:s28] =	ssyncadd.s32 $0xFFFFFC00  }
0xda: {  	_ =	swait.ge [sflag:s28], $0x400  }
0xdb: {  	[sflag:s28] =	ssyncset.done $0x0  }
0xdc: {  	[sflag:s28] =	ssyncadd.s32 $0xFFFFFC00  }
0xdd: {  	[tilespmem:s4], [sflag:$0x1] =	stream.indirect.gather [hbm4b:s24+s7], $0x80, s1, s7, $0xb8;
	[tilespmem:$0x1D000] =	vst v63  }
0xde: {  	_ =	swait.ge [sflag:s11], $0x4000  }
0xdf: {  	[sflag:s11] =	ssyncset.done $0x0  }
0xe0: {  	s19 =	simm.s32 $0xF80;
	[sflag:s11] =	ssyncadd.s32 $0xFFFFC000  }
0xe1: {  	[spmem:s21] =	stream.indirect.scatter.add.f32 [tilespmem:s8], [sflag:$0x5], $0x80, s19, s7, $0xb8;
	[tilespmem:$0x1D000] =	vst v63  }
0xe2: {  	_ =	swait.ge [sflag:s5], $0x4000  }
0xe3: {  	[sflag:s5] =	ssyncset.done $0x0  }
0xe4: {  	s23 =	rddreg [dreg:$0xb];
	[sflag:s5] =	ssyncadd.s32 $0xFFFFC000  }
0xe5: {  	[tilespmem:s2], [sflag:$0x3] =	stream.linear.gather [hbm4b:s23+s1], $0x400, $0x38;
	[tilespmem:$0x1D000] =	vst v63  }
0xe6: {  	s25 =	rddreg [dreg:$0xc]  }
0xe7: {  	[tilespmem:s3], [sflag:$0x3] =	stream.linear.gather [hbm4b:s25+s1], $0x400, $0x38;
	[tilespmem:$0x1D000] =	vst v63  }
0xe8: {  	_ = 	snop  }
0xe9: {  	[tilespmem:s8], [sflag:$0x2] =	stream.indirect.gather [hbm4b:s24+s7], $0x80, s7, s7, $0xb8;
	[tilespmem:$0x1D000] =	vst v63  }
0xea: {  	_ =	swait.ge [sflag:s9], $0x4000  }
0xeb: {  	[sflag:s9] =	ssyncset.done $0x0  }
0xec: {  	[sflag:s9] =	ssyncadd.s32 $0xFFFFC000  }
0xed: {  	[spmem:s21] =	stream.indirect.scatter.add.f32 [tilespmem:s4], [sflag:$0x5], $0x80, s20, s7, $0xb8;
	[tilespmem:$0x1D000] =	vst v63  }
0xee: {  	_ =	swait.ge [sflag:s5], $0x4000  }
0xef: {  	[sflag:s5] =	ssyncset.done $0x0  }
0xf0: {  	s0 =	simm.s32 $0x100;
	[sflag:s5] =	ssyncadd.s32 $0xFFFFC000  }
0xf1: {  	[tilespmem:s4], [sflag:$0x1] =	stream.indirect.gather [hbm4b:s24+s7], $0x80, s0, s7, $0xb8;
	[tilespmem:$0x1D000] =	vst v63  }
0xf2: {  	_ =	swait.ge [sflag:s11], $0x4000  }
0xf3: {  	[sflag:s11] =	ssyncset.done $0x0  }
0xf4: {  	s25 =	simm.s32 $0x880;
	[sflag:s11] =	ssyncadd.s32 $0xFFFFC000  }
0xf5: {  	[spmem:s21] =	stream.indirect.scatter.add.f32 [tilespmem:s8], [sflag:$0x5], $0x80, s25, s7, $0xb8;
	[tilespmem:$0x1D000] =	vst v63  }
0xf6: {  	_ =	swait.ge [sflag:s5], $0x4000  }
0xf7: {  	[sflag:s5] =	ssyncset.done $0x0  }
0xf8: {  	s10 =	simm.s32 $0x180;
	[sflag:s5] =	ssyncadd.s32 $0xFFFFC000  }
0xf9: {  	[tilespmem:s8], [sflag:$0x2] =	stream.indirect.gather [hbm4b:s24+s7], $0x80, s10, s7, $0xb8;
	[tilespmem:$0x1D000] =	vst v63  }
0xfa: {  	_ =	swait.ge [sflag:s9], $0x4000  }
0xfb: {  	[sflag:s9] =	ssyncset.done $0x0  }
0xfc: {  	s10 =	simm.s32 $0x900;
	[sflag:s9] =	ssyncadd.s32 $0xFFFFC000  }
0xfd: {  	[spmem:s21] =	stream.indirect.scatter.add.f32 [tilespmem:s4], [sflag:$0x5], $0x80, s10, s7, $0xb8;
	[tilespmem:$0x1D000] =	vst v63  }
0xfe: {  	_ =	swait.ge [sflag:s5], $0x4000  }
0xff: {  	[sflag:s5] =	ssyncset.done $0x0  }
0x100: {  	s12 =	simm.s32 $0x200;
	[sflag:s5] =	ssyncadd.s32 $0xFFFFC000  }
0x101: {  	[tilespmem:s4], [sflag:$0x1] =	stream.indirect.gather [hbm4b:s24+s7], $0x80, s12, s7, $0xb8;
	[tilespmem:$0x1D000] =	vst v63  }
0x102: {  	_ =	swait.ge [sflag:s11], $0x4000  }
0x103: {  	[sflag:s11] =	ssyncset.done $0x0  }
0x104: {  	s13 =	simm.s32 $0x980;
	[sflag:s11] =	ssyncadd.s32 $0xFFFFC000  }
0x105: {  	[spmem:s21] =	stream.indirect.scatter.add.f32 [tilespmem:s8], [sflag:$0x5], $0x80, s13, s7, $0xb8;
	[tilespmem:$0x1D000] =	vst v63  }
0x106: {  	_ =	swait.ge [sflag:s5], $0x4000  }
0x107: {  	[sflag:s5] =	ssyncset.done $0x0  }
0x108: {  	s14 =	simm.s32 $0x280;
	[sflag:s5] =	ssyncadd.s32 $0xFFFFC000  }
0x109: {  	[tilespmem:s8], [sflag:$0x2] =	stream.indirect.gather [hbm4b:s24+s7], $0x80, s14, s7, $0xb8;
	[tilespmem:$0x1D000] =	vst v63  }
0x10a: {  	_ =	swait.ge [sflag:s9], $0x4000  }
0x10b: {  	[sflag:s9] =	ssyncset.done $0x0  }
0x10c: {  	s15 =	simm.s32 $0xA00;
	[sflag:s9] =	ssyncadd.s32 $0xFFFFC000  }
0x10d: {  	[spmem:s21] =	stream.indirect.scatter.add.f32 [tilespmem:s4], [sflag:$0x5], $0x80, s15, s7, $0xb8;
	[tilespmem:$0x1D000] =	vst v63  }
0x10e: {  	_ =	swait.ge [sflag:s5], $0x4000  }
0x10f: {  	[sflag:s5] =	ssyncset.done $0x0  }
0x110: {  	s16 =	simm.s32 $0x300;
	[sflag:s5] =	ssyncadd.s32 $0xFFFFC000  }
0x111: {  	[tilespmem:s4], [sflag:$0x1] =	stream.indirect.gather [hbm4b:s24+s7], $0x80, s16, s7, $0xb8;
	[tilespmem:$0x1D000] =	vst v63  }
0x112: {  	_ =	swait.ge [sflag:s11], $0x4000  }
0x113: {  	[sflag:s11] =	ssyncset.done $0x0  }
0x114: {  	s17 =	simm.s32 $0xA80;
	[sflag:s11] =	ssyncadd.s32 $0xFFFFC000  }
0x115: {  	[spmem:s21] =	stream.indirect.scatter.add.f32 [tilespmem:s8], [sflag:$0x5], $0x80, s17, s7, $0xb8;
	[tilespmem:$0x1D000] =	vst v63  }
0x116: {  	_ =	swait.ge [sflag:s5], $0x4000  }
0x117: {  	[sflag:s5] =	ssyncset.done $0x0  }
0x118: {  	s18 =	simm.s32 $0x380;
	[sflag:s5] =	ssyncadd.s32 $0xFFFFC000  }
0x119: {  	[tilespmem:s8], [sflag:$0x2] =	stream.indirect.gather [hbm4b:s24+s7], $0x80, s18, s7, $0xb8;
	[tilespmem:$0x1D000] =	vst v63  }
0x11a: {  	_ =	swait.ge [sflag:s9], $0x4000  }
0x11b: {  	[sflag:s9] =	ssyncset.done $0x0  }
0x11c: {  	s20 =	simm.s32 $0xB00;
	[sflag:s9] =	ssyncadd.s32 $0xFFFFC000  }
0x11d: {  	[spmem:s21] =	stream.indirect.scatter.add.f32 [tilespmem:s4], [sflag:$0x5], $0x80, s20, s7, $0xb8;
	[tilespmem:$0x1D000] =	vst v63  }
0x11e: {  	_ =	swait.ge [sflag:s5], $0x4000  }
0x11f: {  	[sflag:s5] =	ssyncset.done $0x0  }
0x120: {  	[sflag:s5] =	ssyncadd.s32 $0xFFFFC000  }
0x121: {  	_ =	swait.ge [sflag:s28], $0x400  }
0x122: {  	[sflag:s28] =	ssyncset.done $0x0  }
0x123: {  	[sflag:s28] =	ssyncadd.s32 $0xFFFFFC00  }
0x124: {  	_ =	swait.ge [sflag:s28], $0x400  }
0x125: {  	[sflag:s28] =	ssyncset.done $0x0  }
0x126: {  	s3 =	simm.s32 $0x400;
	[sflag:s28] =	ssyncadd.s32 $0xFFFFFC00  }
0x127: {  	[tilespmem:s4], [sflag:$0x1] =	stream.indirect.gather [hbm4b:s24+s7], $0x80, s3, s7, $0xb8;
	[tilespmem:$0x1D000] =	vst v63  }
0x128: {  	_ =	swait.ge [sflag:s11], $0x4000  }
0x129: {  	[sflag:s11] =	ssyncset.done $0x0  }
0x12a: {  	s6 =	simm.s32 $0xB80;
	[sflag:s11] =	ssyncadd.s32 $0xFFFFC000  }
0x12b: {  	[spmem:s21] =	stream.indirect.scatter.add.f32 [tilespmem:s8], [sflag:$0x5], $0x80, s6, s7, $0xb8;
	[tilespmem:$0x1D000] =	vst v63  }
0x12c: {  	_ =	swait.ge [sflag:s5], $0x4000  }
0x12d: {  	[sflag:s5] =	ssyncset.done $0x0  }
0x12e: {  	s31 =	rddreg [dreg:$0xd];
	[sflag:s5] =	ssyncadd.s32 $0xFFFFC000  }
0x12f: {  	[tilespmem:s1], [sflag:$0x3] =	stream.linear.gather [hbm4b:s31+s1], $0x400, $0x38;
	[tilespmem:$0x1D000] =	vst v63  }
0x130: {  	s2 =	simm.s32 $0x800;
	s6 =	rddreg [dreg:$0xe]  }
0x131: {  	[tilespmem:s2], [sflag:$0x3] =	stream.linear.gather [hbm4b:s6+s1], $0x400, $0x38;
	[tilespmem:$0x1D000] =	vst v63  }
0x132: {  	s26 =	simm.s32 $0x480  }
0x133: {  	[tilespmem:s8], [sflag:$0x2] =	stream.indirect.gather [hbm4b:s24+s7], $0x80, s26, s7, $0xb8;
	[tilespmem:$0x1D000] =	vst v63  }
0x134: {  	_ =	swait.ge [sflag:s9], $0x4000  }
0x135: {  	[sflag:s9] =	ssyncset.done $0x0  }
0x136: {  	s23 =	simm.s32 $0xC00;
	[sflag:s9] =	ssyncadd.s32 $0xFFFFC000  }
0x137: {  	[spmem:s21] =	stream.indirect.scatter.add.f32 [tilespmem:s4], [sflag:$0x5], $0x80, s23, s7, $0xb8;
	[tilespmem:$0x1D000] =	vst v63  }
0x138: {  	_ =	swait.ge [sflag:s5], $0x4000  }
0x139: {  	[sflag:s5] =	ssyncset.done $0x0  }
0x13a: {  	s22 =	simm.s32 $0x500;
	[sflag:s5] =	ssyncadd.s32 $0xFFFFC000  }
0x13b: {  	[tilespmem:s4], [sflag:$0x1] =	stream.indirect.gather [hbm4b:s24+s7], $0x80, s22, s7, $0xb8;
	[tilespmem:$0x1D000] =	vst v63  }
0x13c: {  	_ =	swait.ge [sflag:s11], $0x4000  }
0x13d: {  	[sflag:s11] =	ssyncset.done $0x0  }
0x13e: {  	s29 =	simm.s32 $0xC80;
	[sflag:s11] =	ssyncadd.s32 $0xFFFFC000  }
0x13f: {  	[spmem:s21] =	stream.indirect.scatter.add.f32 [tilespmem:s8], [sflag:$0x5], $0x80, s29, s7, $0xb8;
	[tilespmem:$0x1D000] =	vst v63  }
0x140: {  	_ =	swait.ge [sflag:s5], $0x4000  }
0x141: {  	[sflag:s5] =	ssyncset.done $0x0  }
0x142: {  	s30 =	simm.s32 $0x580;
	[sflag:s5] =	ssyncadd.s32 $0xFFFFC000  }
0x143: {  	[tilespmem:s8], [sflag:$0x2] =	stream.indirect.gather [hbm4b:s24+s7], $0x80, s30, s7, $0xb8;
	[tilespmem:$0x1D000] =	vst v63  }
0x144: {  	_ =	swait.ge [sflag:s9], $0x4000  }
0x145: {  	[sflag:s9] =	ssyncset.done $0x0  }
0x146: {  	s26 =	simm.s32 $0xD00;
	[sflag:s9] =	ssyncadd.s32 $0xFFFFC000  }
0x147: {  	[spmem:s21] =	stream.indirect.scatter.add.f32 [tilespmem:s4], [sflag:$0x5], $0x80, s26, s7, $0xb8;
	[tilespmem:$0x1D000] =	vst v63  }
0x148: {  	_ =	swait.ge [sflag:s5], $0x4000  }
0x149: {  	[sflag:s5] =	ssyncset.done $0x0  }
0x14a: {  	s22 =	simm.s32 $0x600;
	[sflag:s5] =	ssyncadd.s32 $0xFFFFC000  }
0x14b: {  	[tilespmem:s4], [sflag:$0x1] =	stream.indirect.gather [hbm4b:s24+s7], $0x80, s22, s7, $0xb8;
	[tilespmem:$0x1D000] =	vst v63  }
0x14c: {  	_ =	swait.ge [sflag:s11], $0x4000  }
0x14d: {  	[sflag:s11] =	ssyncset.done $0x0  }
0x14e: {  	s23 =	simm.s32 $0xD80;
	[sflag:s11] =	ssyncadd.s32 $0xFFFFC000  }
0x14f: {  	[spmem:s21] =	stream.indirect.scatter.add.f32 [tilespmem:s8], [sflag:$0x5], $0x80, s23, s7, $0xb8;
	[tilespmem:$0x1D000] =	vst v63  }
0x150: {  	_ =	swait.ge [sflag:s5], $0x4000  }
0x151: {  	[sflag:s5] =	ssyncset.done $0x0  }
0x152: {  	s29 =	simm.s32 $0x680;
	[sflag:s5] =	ssyncadd.s32 $0xFFFFC000  }
0x153: {  	[tilespmem:s8], [sflag:$0x2] =	stream.indirect.gather [hbm4b:s24+s7], $0x80, s29, s7, $0xb8;
	[tilespmem:$0x1D000] =	vst v63  }
0x154: {  	_ =	swait.ge [sflag:s9], $0x4000  }
0x155: {  	[sflag:s9] =	ssyncset.done $0x0  }
0x156: {  	s30 =	simm.s32 $0xE00;
	[sflag:s9] =	ssyncadd.s32 $0xFFFFC000  }
0x157: {  	[spmem:s21] =	stream.indirect.scatter.add.f32 [tilespmem:s4], [sflag:$0x5], $0x80, s30, s7, $0xb8;
	[tilespmem:$0x1D000] =	vst v63  }
0x158: {  	_ =	swait.ge [sflag:s5], $0x4000  }
0x159: {  	[sflag:s5] =	ssyncset.done $0x0  }
0x15a: {  	s31 =	simm.s32 $0x700;
	[sflag:s5] =	ssyncadd.s32 $0xFFFFC000  }
0x15b: {  	[tilespmem:s4], [sflag:$0x1] =	stream.indirect.gather [hbm4b:s24+s7], $0x80, s31, s7, $0xb8;
	[tilespmem:$0x1D000] =	vst v63  }
0x15c: {  	_ =	swait.ge [sflag:s11], $0x4000  }
0x15d: {  	[sflag:s11] =	ssyncset.done $0x0  }
0x15e: {  	s19 =	simm.s32 $0xE80;
	[sflag:s11] =	ssyncadd.s32 $0xFFFFC000  }
0x15f: {  	[spmem:s21] =	stream.indirect.scatter.add.f32 [tilespmem:s8], [sflag:$0x5], $0x80, s19, s7, $0xb8;
	[tilespmem:$0x1D000] =	vst v63  }
0x160: {  	_ =	swait.ge [sflag:s5], $0x4000  }
0x161: {  	[sflag:s5] =	ssyncset.done $0x0  }
0x162: {  	s19 =	simm.s32 $0x780;
	[sflag:s5] =	ssyncadd.s32 $0xFFFFC000  }
0x163: {  	[tilespmem:s8], [sflag:$0x2] =	stream.indirect.gather [hbm4b:s24+s7], $0x80, s19, s7, $0xb8;
	[tilespmem:$0x1D000] =	vst v63  }
0x164: {  	_ =	swait.ge [sflag:s9], $0x4000  }
0x165: {  	[sflag:s9] =	ssyncset.done $0x0  }
0x166: {  	s19 =	simm.s32 $0xF00;
	[sflag:s9] =	ssyncadd.s32 $0xFFFFC000  }
0x167: {  	[spmem:s21] =	stream.indirect.scatter.add.f32 [tilespmem:s4], [sflag:$0x5], $0x80, s19, s7, $0xb8;
	[tilespmem:$0x1D000] =	vst v63  }
0x168: {  	_ =	swait.ge [sflag:s5], $0x4000  }
0x169: {  	[sflag:s5] =	ssyncset.done $0x0  }
0x16a: {  	[sflag:s5] =	ssyncadd.s32 $0xFFFFC000  }
0x16b: {  	_ =	swait.ge [sflag:s28], $0x400  }
0x16c: {  	[sflag:s28] =	ssyncset.done $0x0  }
0x16d: {  	[sflag:s28] =	ssyncadd.s32 $0xFFFFFC00  }
0x16e: {  	_ =	swait.ge [sflag:s28], $0x400  }
0x16f: {  	[sflag:s28] =	ssyncset.done $0x0  }
0x170: {  	[sflag:s28] =	ssyncadd.s32 $0xFFFFFC00  }
0x171: {  	[tilespmem:s4], [sflag:$0x1] =	stream.indirect.gather [hbm4b:s24+s7], $0x80, s1, s7, $0xb8;
	[tilespmem:$0x1D000] =	vst v63  }
0x172: {  	_ =	swait.ge [sflag:s11], $0x4000  }
0x173: {  	[sflag:s11] =	ssyncset.done $0x0  }
0x174: {  	s19 =	simm.s32 $0xF80;
	[sflag:s11] =	ssyncadd.s32 $0xFFFFC000  }
0x175: {  	[spmem:s21] =	stream.indirect.scatter.add.f32 [tilespmem:s8], [sflag:$0x5], $0x80, s19, s7, $0xb8;
	[tilespmem:$0x1D000] =	vst v63  }
0x176: {  	_ =	swait.ge [sflag:s5], $0x4000  }
0x177: {  	[sflag:s5] =	ssyncset.done $0x0  }
0x178: {  	s6 =	rddreg [dreg:$0xf];
	[sflag:s5] =	ssyncadd.s32 $0xFFFFC000  }
0x179: {  	[tilespmem:s3], [sflag:$0x3] =	stream.linear.gather [hbm4b:s6+s1], $0x400, $0x38;
	[tilespmem:$0x1D000] =	vst v63  }
0x17a: {  	s3 =	simm.s32 $0xC00;
	s6 =	rddreg [dreg:$0x10]  }
0x17b: {  	[tilespmem:s3], [sflag:$0x3] =	stream.linear.gather [hbm4b:s6+s1], $0x400, $0x38;
	[tilespmem:$0x1D000] =	vst v63  }
0x17c: {  	_ = 	snop  }
0x17d: {  	[tilespmem:s8], [sflag:$0x2] =	stream.indirect.gather [hbm4b:s24+s7], $0x80, s7, s7, $0xb8;
	[tilespmem:$0x1D000] =	vst v63  }
0x17e: {  	_ =	swait.ge [sflag:s9], $0x4000  }
0x17f: {  	[sflag:s9] =	ssyncset.done $0x0  }
0x180: {  	[sflag:s9] =	ssyncadd.s32 $0xFFFFC000  }
0x181: {  	[spmem:s21] =	stream.indirect.scatter.add.f32 [tilespmem:s4], [sflag:$0x5], $0x80, s2, s7, $0xb8;
	[tilespmem:$0x1D000] =	vst v63  }
0x182: {  	_ =	swait.ge [sflag:s5], $0x4000  }
0x183: {  	[sflag:s5] =	ssyncset.done $0x0  }
0x184: {  	[sflag:s5] =	ssyncadd.s32 $0xFFFFC000  }
0x185: {  	[tilespmem:s4], [sflag:$0x1] =	stream.indirect.gather [hbm4b:s24+s7], $0x80, s0, s7, $0xb8;
	[tilespmem:$0x1D000] =	vst v63  }
0x186: {  	_ =	swait.ge [sflag:s11], $0x4000  }
0x187: {  	[sflag:s11] =	ssyncset.done $0x0  }
0x188: {  	[sflag:s11] =	ssyncadd.s32 $0xFFFFC000  }
0x189: {  	[spmem:s21] =	stream.indirect.scatter.add.f32 [tilespmem:s8], [sflag:$0x5], $0x80, s25, s7, $0xb8;
	[tilespmem:$0x1D000] =	vst v63  }
0x18a: {  	_ =	swait.ge [sflag:s5], $0x4000  }
0x18b: {  	[sflag:s5] =	ssyncset.done $0x0  }
0x18c: {  	s6 =	simm.s32 $0x180;
	[sflag:s5] =	ssyncadd.s32 $0xFFFFC000  }
0x18d: {  	[tilespmem:s8], [sflag:$0x2] =	stream.indirect.gather [hbm4b:s24+s7], $0x80, s6, s7, $0xb8;
	[tilespmem:$0x1D000] =	vst v63  }
0x18e: {  	_ =	swait.ge [sflag:s9], $0x4000  }
0x18f: {  	[sflag:s9] =	ssyncset.done $0x0  }
0x190: {  	[sflag:s9] =	ssyncadd.s32 $0xFFFFC000  }
0x191: {  	[spmem:s21] =	stream.indirect.scatter.add.f32 [tilespmem:s4], [sflag:$0x5], $0x80, s10, s7, $0xb8;
	[tilespmem:$0x1D000] =	vst v63  }
0x192: {  	_ =	swait.ge [sflag:s5], $0x4000  }
0x193: {  	[sflag:s5] =	ssyncset.done $0x0  }
0x194: {  	[sflag:s5] =	ssyncadd.s32 $0xFFFFC000  }
0x195: {  	[tilespmem:s4], [sflag:$0x1] =	stream.indirect.gather [hbm4b:s24+s7], $0x80, s12, s7, $0xb8;
	[tilespmem:$0x1D000] =	vst v63  }
0x196: {  	_ =	swait.ge [sflag:s11], $0x4000  }
0x197: {  	[sflag:s11] =	ssyncset.done $0x0  }
0x198: {  	[sflag:s11] =	ssyncadd.s32 $0xFFFFC000  }
0x199: {  	[spmem:s21] =	stream.indirect.scatter.add.f32 [tilespmem:s8], [sflag:$0x5], $0x80, s13, s7, $0xb8;
	[tilespmem:$0x1D000] =	vst v63  }
0x19a: {  	_ =	swait.ge [sflag:s5], $0x4000  }
0x19b: {  	[sflag:s5] =	ssyncset.done $0x0  }
0x19c: {  	[sflag:s5] =	ssyncadd.s32 $0xFFFFC000  }
0x19d: {  	[tilespmem:s8], [sflag:$0x2] =	stream.indirect.gather [hbm4b:s24+s7], $0x80, s14, s7, $0xb8;
	[tilespmem:$0x1D000] =	vst v63  }
0x19e: {  	_ =	swait.ge [sflag:s9], $0x4000  }
0x19f: {  	[sflag:s9] =	ssyncset.done $0x0  }
0x1a0: {  	[sflag:s9] =	ssyncadd.s32 $0xFFFFC000  }
0x1a1: {  	[spmem:s21] =	stream.indirect.scatter.add.f32 [tilespmem:s4], [sflag:$0x5], $0x80, s15, s7, $0xb8;
	[tilespmem:$0x1D000] =	vst v63  }
0x1a2: {  	_ =	swait.ge [sflag:s5], $0x4000  }
0x1a3: {  	[sflag:s5] =	ssyncset.done $0x0  }
0x1a4: {  	[sflag:s5] =	ssyncadd.s32 $0xFFFFC000  }
0x1a5: {  	[tilespmem:s4], [sflag:$0x1] =	stream.indirect.gather [hbm4b:s24+s7], $0x80, s16, s7, $0xb8;
	[tilespmem:$0x1D000] =	vst v63  }
0x1a6: {  	_ =	swait.ge [sflag:s11], $0x4000  }
0x1a7: {  	[sflag:s11] =	ssyncset.done $0x0  }
0x1a8: {  	[sflag:s11] =	ssyncadd.s32 $0xFFFFC000  }
0x1a9: {  	[spmem:s21] =	stream.indirect.scatter.add.f32 [tilespmem:s8], [sflag:$0x5], $0x80, s17, s7, $0xb8;
	[tilespmem:$0x1D000] =	vst v63  }
0x1aa: {  	_ =	swait.ge [sflag:s5], $0x4000  }
0x1ab: {  	[sflag:s5] =	ssyncset.done $0x0  }
0x1ac: {  	[sflag:s5] =	ssyncadd.s32 $0xFFFFC000  }
0x1ad: {  	[tilespmem:s8], [sflag:$0x2] =	stream.indirect.gather [hbm4b:s24+s7], $0x80, s18, s7, $0xb8;
	[tilespmem:$0x1D000] =	vst v63  }
0x1ae: {  	_ =	swait.ge [sflag:s9], $0x4000  }
0x1af: {  	[sflag:s9] =	ssyncset.done $0x0  }
0x1b0: {  	[sflag:s9] =	ssyncadd.s32 $0xFFFFC000  }
0x1b1: {  	[spmem:s21] =	stream.indirect.scatter.add.f32 [tilespmem:s4], [sflag:$0x5], $0x80, s20, s7, $0xb8;
	[tilespmem:$0x1D000] =	vst v63  }
0x1b2: {  	_ =	swait.ge [sflag:s5], $0x4000  }
0x1b3: {  	[sflag:s5] =	ssyncset.done $0x0  }
0x1b4: {  	[sflag:s5] =	ssyncadd.s32 $0xFFFFC000  }
0x1b5: {  	_ =	swait.ge [sflag:s28], $0x400  }
0x1b6: {  	[sflag:s28] =	ssyncset.done $0x0  }
0x1b7: {  	[sflag:s28] =	ssyncadd.s32 $0xFFFFFC00  }
0x1b8: {  	_ =	swait.ge [sflag:s28], $0x400  }
0x1b9: {  	[sflag:s28] =	ssyncset.done $0x0  }
0x1ba: {  	s2 =	simm.s32 $0x400;
	[sflag:s28] =	ssyncadd.s32 $0xFFFFFC00  }
0x1bb: {  	[tilespmem:s4], [sflag:$0x1] =	stream.indirect.gather [hbm4b:s24+s7], $0x80, s2, s7, $0xb8;
	[tilespmem:$0x1D000] =	vst v63  }
0x1bc: {  	_ =	swait.ge [sflag:s11], $0x4000  }
0x1bd: {  	[sflag:s11] =	ssyncset.done $0x0  }
0x1be: {  	s0 =	simm.s32 $0xB80;
	[sflag:s11] =	ssyncadd.s32 $0xFFFFC000  }
0x1bf: {  	[spmem:s21] =	stream.indirect.scatter.add.f32 [tilespmem:s8], [sflag:$0x5], $0x80, s0, s7, $0xb8;
	[tilespmem:$0x1D000] =	vst v63  }
0x1c0: {  	_ =	swait.ge [sflag:s5], $0x4000  }
0x1c1: {  	[sflag:s5] =	ssyncset.done $0x0  }
0x1c2: {  	s15 =	rddreg [dreg:$0x11];
	[sflag:s5] =	ssyncadd.s32 $0xFFFFC000  }
0x1c3: {  	[tilespmem:s1], [sflag:$0x3] =	stream.linear.gather [hbm4b:s15+s1], $0x400, $0x38;
	[tilespmem:$0x1D000] =	vst v63  }
0x1c4: {  	s20 =	simm.s32 $0x800;
	s16 =	rddreg [dreg:$0x12]  }
0x1c5: {  	[tilespmem:s20], [sflag:$0x3] =	stream.linear.gather [hbm4b:s16+s1], $0x400, $0x38;
	[tilespmem:$0x1D000] =	vst v63  }
0x1c6: {  	s25 =	simm.s32 $0x480  }
0x1c7: {  	[tilespmem:s8], [sflag:$0x2] =	stream.indirect.gather [hbm4b:s24+s7], $0x80, s25, s7, $0xb8;
	[tilespmem:$0x1D000] =	vst v63  }
0x1c8: {  	_ =	swait.ge [sflag:s9], $0x4000  }
0x1c9: {  	[sflag:s9] =	ssyncset.done $0x0  }
0x1ca: {  	[sflag:s9] =	ssyncadd.s32 $0xFFFFC000  }
0x1cb: {  	[spmem:s21] =	stream.indirect.scatter.add.f32 [tilespmem:s4], [sflag:$0x5], $0x80, s3, s7, $0xb8;
	[tilespmem:$0x1D000] =	vst v63  }
0x1cc: {  	_ =	swait.ge [sflag:s5], $0x4000  }
0x1cd: {  	[sflag:s5] =	ssyncset.done $0x0  }
0x1ce: {  	s17 =	simm.s32 $0x500;
	[sflag:s5] =	ssyncadd.s32 $0xFFFFC000  }
0x1cf: {  	[tilespmem:s4], [sflag:$0x1] =	stream.indirect.gather [hbm4b:s24+s7], $0x80, s17, s7, $0xb8;
	[tilespmem:$0x1D000] =	vst v63  }
0x1d0: {  	_ =	swait.ge [sflag:s11], $0x4000  }
0x1d1: {  	[sflag:s11] =	ssyncset.done $0x0  }
0x1d2: {  	s18 =	simm.s32 $0xC80;
	[sflag:s11] =	ssyncadd.s32 $0xFFFFC000  }
0x1d3: {  	[spmem:s21] =	stream.indirect.scatter.add.f32 [tilespmem:s8], [sflag:$0x5], $0x80, s18, s7, $0xb8;
	[tilespmem:$0x1D000] =	vst v63  }
0x1d4: {  	_ =	swait.ge [sflag:s5], $0x4000  }
0x1d5: {  	[sflag:s5] =	ssyncset.done $0x0  }
0x1d6: {  	s19 =	simm.s32 $0x580;
	[sflag:s5] =	ssyncadd.s32 $0xFFFFC000  }
0x1d7: {  	[tilespmem:s8], [sflag:$0x2] =	stream.indirect.gather [hbm4b:s24+s7], $0x80, s19, s7, $0xb8;
	[tilespmem:$0x1D000] =	vst v63  }
0x1d8: {  	_ =	swait.ge [sflag:s9], $0x4000  }
0x1d9: {  	[sflag:s9] =	ssyncset.done $0x0  }
0x1da: {  	[sflag:s9] =	ssyncadd.s32 $0xFFFFC000  }
0x1db: {  	[spmem:s21] =	stream.indirect.scatter.add.f32 [tilespmem:s4], [sflag:$0x5], $0x80, s26, s7, $0xb8;
	[tilespmem:$0x1D000] =	vst v63  }
0x1dc: {  	_ =	swait.ge [sflag:s5], $0x4000  }
0x1dd: {  	[sflag:s5] =	ssyncset.done $0x0  }
0x1de: {  	[sflag:s5] =	ssyncadd.s32 $0xFFFFC000  }
0x1df: {  	[tilespmem:s4], [sflag:$0x1] =	stream.indirect.gather [hbm4b:s24+s7], $0x80, s22, s7, $0xb8;
	[tilespmem:$0x1D000] =	vst v63  }
0x1e0: {  	_ =	swait.ge [sflag:s11], $0x4000  }
0x1e1: {  	[sflag:s11] =	ssyncset.done $0x0  }
0x1e2: {  	[sflag:s11] =	ssyncadd.s32 $0xFFFFC000  }
0x1e3: {  	[spmem:s21] =	stream.indirect.scatter.add.f32 [tilespmem:s8], [sflag:$0x5], $0x80, s23, s7, $0xb8;
	[tilespmem:$0x1D000] =	vst v63  }
0x1e4: {  	_ =	swait.ge [sflag:s5], $0x4000  }
0x1e5: {  	[sflag:s5] =	ssyncset.done $0x0  }
0x1e6: {  	[sflag:s5] =	ssyncadd.s32 $0xFFFFC000  }
0x1e7: {  	[tilespmem:s8], [sflag:$0x2] =	stream.indirect.gather [hbm4b:s24+s7], $0x80, s29, s7, $0xb8;
	[tilespmem:$0x1D000] =	vst v63  }
0x1e8: {  	_ =	swait.ge [sflag:s9], $0x4000  }
0x1e9: {  	[sflag:s9] =	ssyncset.done $0x0  }
0x1ea: {  	[sflag:s9] =	ssyncadd.s32 $0xFFFFC000  }
0x1eb: {  	[spmem:s21] =	stream.indirect.scatter.add.f32 [tilespmem:s4], [sflag:$0x5], $0x80, s30, s7, $0xb8;
	[tilespmem:$0x1D000] =	vst v63  }
0x1ec: {  	_ =	swait.ge [sflag:s5], $0x4000  }
0x1ed: {  	[sflag:s5] =	ssyncset.done $0x0  }
0x1ee: {  	[sflag:s5] =	ssyncadd.s32 $0xFFFFC000  }
0x1ef: {  	[tilespmem:s4], [sflag:$0x1] =	stream.indirect.gather [hbm4b:s24+s7], $0x80, s31, s7, $0xb8;
	[tilespmem:$0x1D000] =	vst v63  }
0x1f0: {  	_ =	swait.ge [sflag:s11], $0x4000  }
0x1f1: {  	[sflag:s11] =	ssyncset.done $0x0  }
0x1f2: {  	s29 =	simm.s32 $0xE80;
	[sflag:s11] =	ssyncadd.s32 $0xFFFFC000  }
0x1f3: {  	[spmem:s21] =	stream.indirect.scatter.add.f32 [tilespmem:s8], [sflag:$0x5], $0x80, s29, s7, $0xb8;
	[tilespmem:$0x1D000] =	vst v63  }
0x1f4: {  	_ =	swait.ge [sflag:s5], $0x4000  }
0x1f5: {  	[sflag:s5] =	ssyncset.done $0x0  }
0x1f6: {  	s30 =	simm.s32 $0x780;
	[sflag:s5] =	ssyncadd.s32 $0xFFFFC000  }
0x1f7: {  	[tilespmem:s8], [sflag:$0x2] =	stream.indirect.gather [hbm4b:s24+s7], $0x80, s30, s7, $0xb8;
	[tilespmem:$0x1D000] =	vst v63  }
0x1f8: {  	_ =	swait.ge [sflag:s9], $0x4000  }
0x1f9: {  	[sflag:s9] =	ssyncset.done $0x0  }
0x1fa: {  	s31 =	simm.s32 $0xF00;
	[sflag:s9] =	ssyncadd.s32 $0xFFFFC000  }
0x1fb: {  	[spmem:s21] =	stream.indirect.scatter.add.f32 [tilespmem:s4], [sflag:$0x5], $0x80, s31, s7, $0xb8;
	[tilespmem:$0x1D000] =	vst v63  }
0x1fc: {  	_ =	swait.ge [sflag:s5], $0x4000  }
0x1fd: {  	[sflag:s5] =	ssyncset.done $0x0  }
0x1fe: {  	[sflag:s5] =	ssyncadd.s32 $0xFFFFC000  }
0x1ff: {  	_ =	swait.ge [sflag:s28], $0x400  }
0x200: {  	[sflag:s28] =	ssyncset.done $0x0  }
0x201: {  	[sflag:s28] =	ssyncadd.s32 $0xFFFFFC00  }
0x202: {  	_ =	swait.ge [sflag:s28], $0x400  }
0x203: {  	[sflag:s28] =	ssyncset.done $0x0  }
0x204: {  	[sflag:s28] =	ssyncadd.s32 $0xFFFFFC00  }
0x205: {  	[tilespmem:s4], [sflag:$0x1] =	stream.indirect.gather [hbm4b:s24+s7], $0x80, s1, s7, $0xb8;
	[tilespmem:$0x1D000] =	vst v63  }
0x206: {  	_ =	swait.ge [sflag:s11], $0x4000  }
0x207: {  	[sflag:s11] =	ssyncset.done $0x0  }
0x208: {  	s12 =	simm.s32 $0xF80;
	[sflag:s11] =	ssyncadd.s32 $0xFFFFC000  }
0x209: {  	[spmem:s21] =	stream.indirect.scatter.add.f32 [tilespmem:s8], [sflag:$0x5], $0x80, s12, s7, $0xb8;
	[tilespmem:$0x1D000] =	vst v63  }
0x20a: {  	_ =	swait.ge [sflag:s5], $0x4000  }
0x20b: {  	[sflag:s5] =	ssyncset.done $0x0  }
0x20c: {  	s13 =	rddreg [dreg:$0x13];
	[sflag:s5] =	ssyncadd.s32 $0xFFFFC000  }
0x20d: {  	[tilespmem:s2], [sflag:$0x3] =	stream.linear.gather [hbm4b:s13+s1], $0x400, $0x38;
	[tilespmem:$0x1D000] =	vst v63  }
0x20e: {  	s15 =	rddreg [dreg:$0x14]  }
0x20f: {  	[tilespmem:s3], [sflag:$0x3] =	stream.linear.gather [hbm4b:s15+s1], $0x400, $0x38;
	[tilespmem:$0x1D000] =	vst v63  }
0x210: {  	_ = 	snop  }
0x211: {  	[tilespmem:s8], [sflag:$0x2] =	stream.indirect.gather [hbm4b:s24+s7], $0x80, s7, s7, $0xb8;
	[tilespmem:$0x1D000] =	vst v63  }
0x212: {  	_ =	swait.ge [sflag:s9], $0x4000  }
0x213: {  	[sflag:s9] =	ssyncset.done $0x0  }
0x214: {  	[sflag:s9] =	ssyncadd.s32 $0xFFFFC000  }
0x215: {  	[spmem:s21] =	stream.indirect.scatter.add.f32 [tilespmem:s4], [sflag:$0x5], $0x80, s20, s7, $0xb8;
	[tilespmem:$0x1D000] =	vst v63  }
0x216: {  	_ =	swait.ge [sflag:s5], $0x4000  }
0x217: {  	[sflag:s5] =	ssyncset.done $0x0  }
0x218: {  	s17 =	simm.s32 $0x100;
	[sflag:s5] =	ssyncadd.s32 $0xFFFFC000  }
0x219: {  	[tilespmem:s4], [sflag:$0x1] =	stream.indirect.gather [hbm4b:s24+s7], $0x80, s17, s7, $0xb8;
	[tilespmem:$0x1D000] =	vst v63  }
0x21a: {  	_ =	swait.ge [sflag:s11], $0x4000  }
0x21b: {  	[sflag:s11] =	ssyncset.done $0x0  }
0x21c: {  	s19 =	simm.s32 $0x880;
	[sflag:s11] =	ssyncadd.s32 $0xFFFFC000  }
0x21d: {  	[spmem:s21] =	stream.indirect.scatter.add.f32 [tilespmem:s8], [sflag:$0x5], $0x80, s19, s7, $0xb8;
	[tilespmem:$0x1D000] =	vst v63  }
0x21e: {  	_ =	swait.ge [sflag:s5], $0x4000  }
0x21f: {  	[sflag:s5] =	ssyncset.done $0x0  }
0x220: {  	[sflag:s5] =	ssyncadd.s32 $0xFFFFC000  }
0x221: {  	[tilespmem:s8], [sflag:$0x2] =	stream.indirect.gather [hbm4b:s24+s7], $0x80, s6, s7, $0xb8;
	[tilespmem:$0x1D000] =	vst v63  }
0x222: {  	_ =	swait.ge [sflag:s9], $0x4000  }
0x223: {  	[sflag:s9] =	ssyncset.done $0x0  }
0x224: {  	s6 =	simm.s32 $0x900;
	[sflag:s9] =	ssyncadd.s32 $0xFFFFC000  }
0x225: {  	[spmem:s21] =	stream.indirect.scatter.add.f32 [tilespmem:s4], [sflag:$0x5], $0x80, s6, s7, $0xb8;
	[tilespmem:$0x1D000] =	vst v63  }
0x226: {  	_ =	swait.ge [sflag:s5], $0x4000  }
0x227: {  	[sflag:s5] =	ssyncset.done $0x0  }
0x228: {  	s22 =	simm.s32 $0x200;
	[sflag:s5] =	ssyncadd.s32 $0xFFFFC000  }
0x229: {  	[tilespmem:s4], [sflag:$0x1] =	stream.indirect.gather [hbm4b:s24+s7], $0x80, s22, s7, $0xb8;
	[tilespmem:$0x1D000] =	vst v63  }
0x22a: {  	_ =	swait.ge [sflag:s11], $0x4000  }
0x22b: {  	[sflag:s11] =	ssyncset.done $0x0  }
0x22c: {  	s10 =	simm.s32 $0x980;
	[sflag:s11] =	ssyncadd.s32 $0xFFFFC000  }
0x22d: {  	[spmem:s21] =	stream.indirect.scatter.add.f32 [tilespmem:s8], [sflag:$0x5], $0x80, s10, s7, $0xb8;
	[tilespmem:$0x1D000] =	vst v63  }
0x22e: {  	_ =	swait.ge [sflag:s5], $0x4000  }
0x22f: {  	[sflag:s5] =	ssyncset.done $0x0  }
0x230: {  	s23 =	simm.s32 $0x280;
	[sflag:s5] =	ssyncadd.s32 $0xFFFFC000  }
0x231: {  	[tilespmem:s8], [sflag:$0x2] =	stream.indirect.gather [hbm4b:s24+s7], $0x80, s23, s7, $0xb8;
	[tilespmem:$0x1D000] =	vst v63  }
0x232: {  	_ =	swait.ge [sflag:s9], $0x4000  }
0x233: {  	[sflag:s9] =	ssyncset.done $0x0  }
0x234: {  	s12 =	simm.s32 $0xA00;
	[sflag:s9] =	ssyncadd.s32 $0xFFFFC000  }
0x235: {  	[spmem:s21] =	stream.indirect.scatter.add.f32 [tilespmem:s4], [sflag:$0x5], $0x80, s12, s7, $0xb8;
	[tilespmem:$0x1D000] =	vst v63  }
0x236: {  	_ =	swait.ge [sflag:s5], $0x4000  }
0x237: {  	[sflag:s5] =	ssyncset.done $0x0  }
0x238: {  	s26 =	simm.s32 $0x300;
	[sflag:s5] =	ssyncadd.s32 $0xFFFFC000  }
0x239: {  	[tilespmem:s4], [sflag:$0x1] =	stream.indirect.gather [hbm4b:s24+s7], $0x80, s26, s7, $0xb8;
	[tilespmem:$0x1D000] =	vst v63  }
0x23a: {  	_ =	swait.ge [sflag:s11], $0x4000  }
0x23b: {  	[sflag:s11] =	ssyncset.done $0x0  }
0x23c: {  	s13 =	simm.s32 $0xA80;
	[sflag:s11] =	ssyncadd.s32 $0xFFFFC000  }
0x23d: {  	[spmem:s21] =	stream.indirect.scatter.add.f32 [tilespmem:s8], [sflag:$0x5], $0x80, s13, s7, $0xb8;
	[tilespmem:$0x1D000] =	vst v63  }
0x23e: {  	_ =	swait.ge [sflag:s5], $0x4000  }
0x23f: {  	[sflag:s5] =	ssyncset.done $0x0  }
0x240: {  	s29 =	simm.s32 $0x380;
	[sflag:s5] =	ssyncadd.s32 $0xFFFFC000  }
0x241: {  	[tilespmem:s8], [sflag:$0x2] =	stream.indirect.gather [hbm4b:s24+s7], $0x80, s29, s7, $0xb8;
	[tilespmem:$0x1D000] =	vst v63  }
0x242: {  	_ =	swait.ge [sflag:s9], $0x4000  }
0x243: {  	[sflag:s9] =	ssyncset.done $0x0  }
0x244: {  	s30 =	simm.s32 $0xB00;
	[sflag:s9] =	ssyncadd.s32 $0xFFFFC000  }
0x245: {  	[spmem:s21] =	stream.indirect.scatter.add.f32 [tilespmem:s4], [sflag:$0x5], $0x80, s30, s7, $0xb8;
	[tilespmem:$0x1D000] =	vst v63  }
0x246: {  	_ =	swait.ge [sflag:s5], $0x4000  }
0x247: {  	[sflag:s5] =	ssyncset.done $0x0  }
0x248: {  	[sflag:s5] =	ssyncadd.s32 $0xFFFFC000  }
0x249: {  	_ =	swait.ge [sflag:s28], $0x400  }
0x24a: {  	[sflag:s28] =	ssyncset.done $0x0  }
0x24b: {  	[sflag:s28] =	ssyncadd.s32 $0xFFFFFC00  }
0x24c: {  	_ =	swait.ge [sflag:s28], $0x400  }
0x24d: {  	[sflag:s28] =	ssyncset.done $0x0  }
0x24e: {  	[sflag:s28] =	ssyncadd.s32 $0xFFFFFC00  }
0x24f: {  	[tilespmem:s4], [sflag:$0x1] =	stream.indirect.gather [hbm4b:s24+s7], $0x80, s2, s7, $0xb8;
	[tilespmem:$0x1D000] =	vst v63  }
0x250: {  	_ =	swait.ge [sflag:s11], $0x4000  }
0x251: {  	[sflag:s11] =	ssyncset.done $0x0  }
0x252: {  	[sflag:s11] =	ssyncadd.s32 $0xFFFFC000  }
0x253: {  	[spmem:s21] =	stream.indirect.scatter.add.f32 [tilespmem:s8], [sflag:$0x5], $0x80, s0, s7, $0xb8;
	[tilespmem:$0x1D000] =	vst v63  }
0x254: {  	_ =	swait.ge [sflag:s5], $0x4000  }
0x255: {  	[sflag:s5] =	ssyncset.done $0x0  }
0x256: {  	s31 =	rddreg [dreg:$0x15];
	[sflag:s5] =	ssyncadd.s32 $0xFFFFC000  }
0x257: {  	[tilespmem:s1], [sflag:$0x3] =	stream.linear.gather [hbm4b:s31+s1], $0x400, $0x38;
	[tilespmem:$0x1D000] =	vst v63  }
0x258: {  	s0 =	rddreg [dreg:$0x16]  }
0x259: {  	[tilespmem:s20], [sflag:$0x3] =	stream.linear.gather [hbm4b:s0+s1], $0x400, $0x38;
	[tilespmem:$0x1D000] =	vst v63  }
0x25a: {  	_ = 	snop  }
0x25b: {  	[tilespmem:s8], [sflag:$0x2] =	stream.indirect.gather [hbm4b:s24+s7], $0x80, s25, s7, $0xb8;
	[tilespmem:$0x1D000] =	vst v63  }
0x25c: {  	_ =	swait.ge [sflag:s9], $0x4000  }
0x25d: {  	[sflag:s9] =	ssyncset.done $0x0  }
0x25e: {  	[sflag:s9] =	ssyncadd.s32 $0xFFFFC000  }
0x25f: {  	[spmem:s21] =	stream.indirect.scatter.add.f32 [tilespmem:s4], [sflag:$0x5], $0x80, s3, s7, $0xb8;
	[tilespmem:$0x1D000] =	vst v63  }
0x260: {  	_ =	swait.ge [sflag:s5], $0x4000  }
0x261: {  	[sflag:s5] =	ssyncset.done $0x0  }
0x262: {  	s14 =	simm.s32 $0x500;
	[sflag:s5] =	ssyncadd.s32 $0xFFFFC000  }
0x263: {  	[tilespmem:s4], [sflag:$0x1] =	stream.indirect.gather [hbm4b:s24+s7], $0x80, s14, s7, $0xb8;
	[tilespmem:$0x1D000] =	vst v63  }
0x264: {  	_ =	swait.ge [sflag:s11], $0x4000  }
0x265: {  	[sflag:s11] =	ssyncset.done $0x0  }
0x266: {  	s16 =	simm.s32 $0xC80;
	[sflag:s11] =	ssyncadd.s32 $0xFFFFC000  }
0x267: {  	[spmem:s21] =	stream.indirect.scatter.add.f32 [tilespmem:s8], [sflag:$0x5], $0x80, s16, s7, $0xb8;
	[tilespmem:$0x1D000] =	vst v63  }
0x268: {  	_ =	swait.ge [sflag:s5], $0x4000  }
0x269: {  	[sflag:s5] =	ssyncset.done $0x0  }
0x26a: {  	s18 =	simm.s32 $0x580;
	[sflag:s5] =	ssyncadd.s32 $0xFFFFC000  }
0x26b: {  	[tilespmem:s8], [sflag:$0x2] =	stream.indirect.gather [hbm4b:s24+s7], $0x80, s18, s7, $0xb8;
	[tilespmem:$0x1D000] =	vst v63  }
0x26c: {  	_ =	swait.ge [sflag:s9], $0x4000  }
0x26d: {  	[sflag:s9] =	ssyncset.done $0x0  }
0x26e: {  	s15 =	simm.s32 $0xD00;
	[sflag:s9] =	ssyncadd.s32 $0xFFFFC000  }
0x26f: {  	[spmem:s21] =	stream.indirect.scatter.add.f32 [tilespmem:s4], [sflag:$0x5], $0x80, s15, s7, $0xb8;
	[tilespmem:$0x1D000] =	vst v63  }
0x270: {  	_ =	swait.ge [sflag:s5], $0x4000  }
0x271: {  	[sflag:s5] =	ssyncset.done $0x0  }
0x272: {  	s16 =	simm.s32 $0x600;
	[sflag:s5] =	ssyncadd.s32 $0xFFFFC000  }
0x273: {  	[tilespmem:s4], [sflag:$0x1] =	stream.indirect.gather [hbm4b:s24+s7], $0x80, s16, s7, $0xb8;
	[tilespmem:$0x1D000] =	vst v63  }
0x274: {  	_ =	swait.ge [sflag:s11], $0x4000  }
0x275: {  	[sflag:s11] =	ssyncset.done $0x0  }
0x276: {  	s17 =	simm.s32 $0xD80;
	[sflag:s11] =	ssyncadd.s32 $0xFFFFC000  }
0x277: {  	[spmem:s21] =	stream.indirect.scatter.add.f32 [tilespmem:s8], [sflag:$0x5], $0x80, s17, s7, $0xb8;
	[tilespmem:$0x1D000] =	vst v63  }
0x278: {  	_ =	swait.ge [sflag:s5], $0x4000  }
0x279: {  	[sflag:s5] =	ssyncset.done $0x0  }
0x27a: {  	s18 =	simm.s32 $0x680;
	[sflag:s5] =	ssyncadd.s32 $0xFFFFC000  }
0x27b: {  	[tilespmem:s8], [sflag:$0x2] =	stream.indirect.gather [hbm4b:s24+s7], $0x80, s18, s7, $0xb8;
	[tilespmem:$0x1D000] =	vst v63  }
0x27c: {  	_ =	swait.ge [sflag:s9], $0x4000  }
0x27d: {  	[sflag:s9] =	ssyncset.done $0x0  }
0x27e: {  	s19 =	simm.s32 $0xE00;
	[sflag:s9] =	ssyncadd.s32 $0xFFFFC000  }
0x27f: {  	[spmem:s21] =	stream.indirect.scatter.add.f32 [tilespmem:s4], [sflag:$0x5], $0x80, s19, s7, $0xb8;
	[tilespmem:$0x1D000] =	vst v63  }
0x280: {  	_ =	swait.ge [sflag:s5], $0x4000  }
0x281: {  	[sflag:s5] =	ssyncset.done $0x0  }
0x282: {  	s22 =	simm.s32 $0x700;
	[sflag:s5] =	ssyncadd.s32 $0xFFFFC000  }
0x283: {  	[tilespmem:s4], [sflag:$0x1] =	stream.indirect.gather [hbm4b:s24+s7], $0x80, s22, s7, $0xb8;
	[tilespmem:$0x1D000] =	vst v63  }
0x284: {  	_ =	swait.ge [sflag:s11], $0x4000  }
0x285: {  	[sflag:s11] =	ssyncset.done $0x0  }
0x286: {  	s23 =	simm.s32 $0xE80;
	[sflag:s11] =	ssyncadd.s32 $0xFFFFC000  }
0x287: {  	[spmem:s21] =	stream.indirect.scatter.add.f32 [tilespmem:s8], [sflag:$0x5], $0x80, s23, s7, $0xb8;
	[tilespmem:$0x1D000] =	vst v63  }
0x288: {  	_ =	swait.ge [sflag:s5], $0x4000  }
0x289: {  	[sflag:s5] =	ssyncset.done $0x0  }
0x28a: {  	s26 =	simm.s32 $0x780;
	[sflag:s5] =	ssyncadd.s32 $0xFFFFC000  }
0x28b: {  	[tilespmem:s8], [sflag:$0x2] =	stream.indirect.gather [hbm4b:s24+s7], $0x80, s26, s7, $0xb8;
	[tilespmem:$0x1D000] =	vst v63  }
0x28c: {  	_ =	swait.ge [sflag:s9], $0x4000  }
0x28d: {  	[sflag:s9] =	ssyncset.done $0x0  }
0x28e: {  	s0 =	simm.s32 $0xF00;
	[sflag:s9] =	ssyncadd.s32 $0xFFFFC000  }
0x28f: {  	[spmem:s21] =	stream.indirect.scatter.add.f32 [tilespmem:s4], [sflag:$0x5], $0x80, s0, s7, $0xb8;
	[tilespmem:$0x1D000] =	vst v63  }
0x290: {  	_ =	swait.ge [sflag:s5], $0x4000  }
0x291: {  	[sflag:s5] =	ssyncset.done $0x0  }
0x292: {  	[sflag:s5] =	ssyncadd.s32 $0xFFFFC000  }
0x293: {  	_ =	swait.ge [sflag:s28], $0x400  }
0x294: {  	[sflag:s28] =	ssyncset.done $0x0  }
0x295: {  	[sflag:s28] =	ssyncadd.s32 $0xFFFFFC00  }
0x296: {  	_ =	swait.ge [sflag:s28], $0x400  }
0x297: {  	[sflag:s28] =	ssyncset.done $0x0  }
0x298: {  	[sflag:s28] =	ssyncadd.s32 $0xFFFFFC00  }
0x299: {  	[tilespmem:s4], [sflag:$0x1] =	stream.indirect.gather [hbm4b:s24+s7], $0x80, s1, s7, $0xb8;
	[tilespmem:$0x1D000] =	vst v63  }
0x29a: {  	_ =	swait.ge [sflag:s11], $0x4000  }
0x29b: {  	[sflag:s11] =	ssyncset.done $0x0  }
0x29c: {  	s0 =	simm.s32 $0xF80;
	[sflag:s11] =	ssyncadd.s32 $0xFFFFC000  }
0x29d: {  	[spmem:s21] =	stream.indirect.scatter.add.f32 [tilespmem:s8], [sflag:$0x5], $0x80, s0, s7, $0xb8;
	[tilespmem:$0x1D000] =	vst v63  }
0x29e: {  	_ =	swait.ge [sflag:s5], $0x4000  }
0x29f: {  	[sflag:s5] =	ssyncset.done $0x0  }
0x2a0: {  	s19 =	rddreg [dreg:$0x17];
	[sflag:s5] =	ssyncadd.s32 $0xFFFFC000  }
0x2a1: {  	[tilespmem:s2], [sflag:$0x3] =	stream.linear.gather [hbm4b:s19+s1], $0x400, $0x38;
	[tilespmem:$0x1D000] =	vst v63  }
0x2a2: {  	s19 =	rddreg [dreg:$0x18]  }
0x2a3: {  	[tilespmem:s3], [sflag:$0x3] =	stream.linear.gather [hbm4b:s19+s1], $0x400, $0x38;
	[tilespmem:$0x1D000] =	vst v63  }
0x2a4: {  	_ = 	snop  }
0x2a5: {  	[tilespmem:s8], [sflag:$0x2] =	stream.indirect.gather [hbm4b:s24+s7], $0x80, s7, s7, $0xb8;
	[tilespmem:$0x1D000] =	vst v63  }
0x2a6: {  	_ =	swait.ge [sflag:s9], $0x4000  }
0x2a7: {  	[sflag:s9] =	ssyncset.done $0x0  }
0x2a8: {  	[sflag:s9] =	ssyncadd.s32 $0xFFFFC000  }
0x2a9: {  	[spmem:s21] =	stream.indirect.scatter.add.f32 [tilespmem:s4], [sflag:$0x5], $0x80, s20, s7, $0xb8;
	[tilespmem:$0x1D000] =	vst v63  }
0x2aa: {  	_ =	swait.ge [sflag:s5], $0x4000  }
0x2ab: {  	[sflag:s5] =	ssyncset.done $0x0  }
0x2ac: {  	s19 =	simm.s32 $0x100;
	[sflag:s5] =	ssyncadd.s32 $0xFFFFC000  }
0x2ad: {  	[tilespmem:s4], [sflag:$0x1] =	stream.indirect.gather [hbm4b:s24+s7], $0x80, s19, s7, $0xb8;
	[tilespmem:$0x1D000] =	vst v63  }
0x2ae: {  	_ =	swait.ge [sflag:s11], $0x4000  }
0x2af: {  	[sflag:s11] =	ssyncset.done $0x0  }
0x2b0: {  	s19 =	simm.s32 $0x880;
	[sflag:s11] =	ssyncadd.s32 $0xFFFFC000  }
0x2b1: {  	[spmem:s21] =	stream.indirect.scatter.add.f32 [tilespmem:s8], [sflag:$0x5], $0x80, s19, s7, $0xb8;
	[tilespmem:$0x1D000] =	vst v63  }
0x2b2: {  	_ =	swait.ge [sflag:s5], $0x4000  }
0x2b3: {  	[sflag:s5] =	ssyncset.done $0x0  }
0x2b4: {  	s19 =	simm.s32 $0x180;
	[sflag:s5] =	ssyncadd.s32 $0xFFFFC000  }
0x2b5: {  	[tilespmem:s8], [sflag:$0x2] =	stream.indirect.gather [hbm4b:s24+s7], $0x80, s19, s7, $0xb8;
	[tilespmem:$0x1D000] =	vst v63  }
0x2b6: {  	_ =	swait.ge [sflag:s9], $0x4000  }
0x2b7: {  	[sflag:s9] =	ssyncset.done $0x0  }
0x2b8: {  	[sflag:s9] =	ssyncadd.s32 $0xFFFFC000  }
0x2b9: {  	[spmem:s21] =	stream.indirect.scatter.add.f32 [tilespmem:s4], [sflag:$0x5], $0x80, s6, s7, $0xb8;
	[tilespmem:$0x1D000] =	vst v63  }
0x2ba: {  	_ =	swait.ge [sflag:s5], $0x4000  }
0x2bb: {  	[sflag:s5] =	ssyncset.done $0x0  }
0x2bc: {  	s19 =	simm.s32 $0x200;
	[sflag:s5] =	ssyncadd.s32 $0xFFFFC000  }
0x2bd: {  	[tilespmem:s4], [sflag:$0x1] =	stream.indirect.gather [hbm4b:s24+s7], $0x80, s19, s7, $0xb8;
	[tilespmem:$0x1D000] =	vst v63  }
0x2be: {  	_ =	swait.ge [sflag:s11], $0x4000  }
0x2bf: {  	[sflag:s11] =	ssyncset.done $0x0  }
0x2c0: {  	[sflag:s11] =	ssyncadd.s32 $0xFFFFC000  }
0x2c1: {  	[spmem:s21] =	stream.indirect.scatter.add.f32 [tilespmem:s8], [sflag:$0x5], $0x80, s10, s7, $0xb8;
	[tilespmem:$0x1D000] =	vst v63  }
0x2c2: {  	_ =	swait.ge [sflag:s5], $0x4000  }
0x2c3: {  	[sflag:s5] =	ssyncset.done $0x0  }
0x2c4: {  	s10 =	simm.s32 $0x280;
	[sflag:s5] =	ssyncadd.s32 $0xFFFFC000  }
0x2c5: {  	[tilespmem:s8], [sflag:$0x2] =	stream.indirect.gather [hbm4b:s24+s7], $0x80, s10, s7, $0xb8;
	[tilespmem:$0x1D000] =	vst v63  }
0x2c6: {  	_ =	swait.ge [sflag:s9], $0x4000  }
0x2c7: {  	[sflag:s9] =	ssyncset.done $0x0  }
0x2c8: {  	[sflag:s9] =	ssyncadd.s32 $0xFFFFC000  }
0x2c9: {  	[spmem:s21] =	stream.indirect.scatter.add.f32 [tilespmem:s4], [sflag:$0x5], $0x80, s12, s7, $0xb8;
	[tilespmem:$0x1D000] =	vst v63  }
0x2ca: {  	_ =	swait.ge [sflag:s5], $0x4000  }
0x2cb: {  	[sflag:s5] =	ssyncset.done $0x0  }
0x2cc: {  	s12 =	simm.s32 $0x300;
	[sflag:s5] =	ssyncadd.s32 $0xFFFFC000  }
0x2cd: {  	[tilespmem:s4], [sflag:$0x1] =	stream.indirect.gather [hbm4b:s24+s7], $0x80, s12, s7, $0xb8;
	[tilespmem:$0x1D000] =	vst v63  }
0x2ce: {  	_ =	swait.ge [sflag:s11], $0x4000  }
0x2cf: {  	[sflag:s11] =	ssyncset.done $0x0  }
0x2d0: {  	[sflag:s11] =	ssyncadd.s32 $0xFFFFC000  }
0x2d1: {  	[spmem:s21] =	stream.indirect.scatter.add.f32 [tilespmem:s8], [sflag:$0x5], $0x80, s13, s7, $0xb8;
	[tilespmem:$0x1D000] =	vst v63  }
0x2d2: {  	_ =	swait.ge [sflag:s5], $0x4000  }
0x2d3: {  	[sflag:s5] =	ssyncset.done $0x0  }
0x2d4: {  	s19 =	simm.s32 $0x380;
	[sflag:s5] =	ssyncadd.s32 $0xFFFFC000  }
0x2d5: {  	[tilespmem:s8], [sflag:$0x2] =	stream.indirect.gather [hbm4b:s24+s7], $0x80, s19, s7, $0xb8;
	[tilespmem:$0x1D000] =	vst v63  }
0x2d6: {  	_ =	swait.ge [sflag:s9], $0x4000  }
0x2d7: {  	[sflag:s9] =	ssyncset.done $0x0  }
0x2d8: {  	s10 =	simm.s32 $0xB00;
	[sflag:s9] =	ssyncadd.s32 $0xFFFFC000  }
0x2d9: {  	[spmem:s21] =	stream.indirect.scatter.add.f32 [tilespmem:s4], [sflag:$0x5], $0x80, s10, s7, $0xb8;
	[tilespmem:$0x1D000] =	vst v63  }
0x2da: {  	_ =	swait.ge [sflag:s5], $0x4000  }
0x2db: {  	[sflag:s5] =	ssyncset.done $0x0  }
0x2dc: {  	[sflag:s5] =	ssyncadd.s32 $0xFFFFC000  }
0x2dd: {  	_ =	swait.ge [sflag:s28], $0x400  }
0x2de: {  	[sflag:s28] =	ssyncset.done $0x0  }
0x2df: {  	[sflag:s28] =	ssyncadd.s32 $0xFFFFFC00  }
0x2e0: {  	_ =	swait.ge [sflag:s28], $0x400  }
0x2e1: {  	[sflag:s28] =	ssyncset.done $0x0  }
0x2e2: {  	[sflag:s28] =	ssyncadd.s32 $0xFFFFFC00  }
0x2e3: {  	[tilespmem:s4], [sflag:$0x1] =	stream.indirect.gather [hbm4b:s24+s7], $0x80, s2, s7, $0xb8;
	[tilespmem:$0x1D000] =	vst v63  }
0x2e4: {  	_ =	swait.ge [sflag:s11], $0x4000  }
0x2e5: {  	[sflag:s11] =	ssyncset.done $0x0  }
0x2e6: {  	s12 =	simm.s32 $0xB80;
	[sflag:s11] =	ssyncadd.s32 $0xFFFFC000  }
0x2e7: {  	[spmem:s21] =	stream.indirect.scatter.add.f32 [tilespmem:s8], [sflag:$0x5], $0x80, s12, s7, $0xb8;
	[tilespmem:$0x1D000] =	vst v63  }
0x2e8: {  	_ =	swait.ge [sflag:s5], $0x4000  }
0x2e9: {  	[sflag:s5] =	ssyncset.done $0x0  }
0x2ea: {  	s25 =	simm.s32 $0x480;
	[sflag:s5] =	ssyncadd.s32 $0xFFFFC000  }
0x2eb: {  	[tilespmem:s8], [sflag:$0x2] =	stream.indirect.gather [hbm4b:s24+s7], $0x80, s25, s7, $0xb8;
	[tilespmem:$0x1D000] =	vst v63  }
0x2ec: {  	_ =	swait.ge [sflag:s9], $0x4000  }
0x2ed: {  	[sflag:s9] =	ssyncset.done $0x0  }
0x2ee: {  	[sflag:s9] =	ssyncadd.s32 $0xFFFFC000  }
0x2ef: {  	[spmem:s21] =	stream.indirect.scatter.add.f32 [tilespmem:s4], [sflag:$0x5], $0x80, s3, s7, $0xb8;
	[tilespmem:$0x1D000] =	vst v63  }
0x2f0: {  	_ =	swait.ge [sflag:s5], $0x4000  }
0x2f1: {  	[sflag:s5] =	ssyncset.done $0x0  }
0x2f2: {  	s29 =	simm.s32 $0x500;
	[sflag:s5] =	ssyncadd.s32 $0xFFFFC000  }
0x2f3: {  	[tilespmem:s4], [sflag:$0x1] =	stream.indirect.gather [hbm4b:s24+s7], $0x80, s29, s7, $0xb8;
	[tilespmem:$0x1D000] =	vst v63  }
0x2f4: {  	_ =	swait.ge [sflag:s11], $0x4000  }
0x2f5: {  	[sflag:s11] =	ssyncset.done $0x0  }
0x2f6: {  	s30 =	simm.s32 $0xC80;
	[sflag:s11] =	ssyncadd.s32 $0xFFFFC000  }
0x2f7: {  	[spmem:s21] =	stream.indirect.scatter.add.f32 [tilespmem:s8], [sflag:$0x5], $0x80, s30, s7, $0xb8;
	[tilespmem:$0x1D000] =	vst v63  }
0x2f8: {  	_ =	swait.ge [sflag:s5], $0x4000  }
0x2f9: {  	[sflag:s5] =	ssyncset.done $0x0  }
0x2fa: {  	s31 =	simm.s32 $0x580;
	[sflag:s5] =	ssyncadd.s32 $0xFFFFC000  }
0x2fb: {  	[tilespmem:s8], [sflag:$0x2] =	stream.indirect.gather [hbm4b:s24+s7], $0x80, s31, s7, $0xb8;
	[tilespmem:$0x1D000] =	vst v63  }
0x2fc: {  	_ =	swait.ge [sflag:s9], $0x4000  }
0x2fd: {  	[sflag:s9] =	ssyncset.done $0x0  }
0x2fe: {  	s13 =	simm.s32 $0xD00;
	[sflag:s9] =	ssyncadd.s32 $0xFFFFC000  }
0x2ff: {  	[spmem:s21] =	stream.indirect.scatter.add.f32 [tilespmem:s4], [sflag:$0x5], $0x80, s13, s7, $0xb8;
	[tilespmem:$0x1D000] =	vst v63  }
0x300: {  	_ =	swait.ge [sflag:s5], $0x4000  }
0x301: {  	[sflag:s5] =	ssyncset.done $0x0  }
0x302: {  	s14 =	simm.s32 $0x600;
	[sflag:s5] =	ssyncadd.s32 $0xFFFFC000  }
0x303: {  	[tilespmem:s4], [sflag:$0x1] =	stream.indirect.gather [hbm4b:s24+s7], $0x80, s14, s7, $0xb8;
	[tilespmem:$0x1D000] =	vst v63  }
0x304: {  	_ =	swait.ge [sflag:s11], $0x4000  }
0x305: {  	[sflag:s11] =	ssyncset.done $0x0  }
0x306: {  	s15 =	simm.s32 $0xD80;
	[sflag:s11] =	ssyncadd.s32 $0xFFFFC000  }
0x307: {  	[spmem:s21] =	stream.indirect.scatter.add.f32 [tilespmem:s8], [sflag:$0x5], $0x80, s15, s7, $0xb8;
	[tilespmem:$0x1D000] =	vst v63  }
0x308: {  	_ =	swait.ge [sflag:s5], $0x4000  }
0x309: {  	[sflag:s5] =	ssyncset.done $0x0  }
0x30a: {  	s16 =	simm.s32 $0x680;
	[sflag:s5] =	ssyncadd.s32 $0xFFFFC000  }
0x30b: {  	[tilespmem:s8], [sflag:$0x2] =	stream.indirect.gather [hbm4b:s24+s7], $0x80, s16, s7, $0xb8;
	[tilespmem:$0x1D000] =	vst v63  }
0x30c: {  	_ =	swait.ge [sflag:s9], $0x4000  }
0x30d: {  	[sflag:s9] =	ssyncset.done $0x0  }
0x30e: {  	s17 =	simm.s32 $0xE00;
	[sflag:s9] =	ssyncadd.s32 $0xFFFFC000  }
0x30f: {  	[spmem:s21] =	stream.indirect.scatter.add.f32 [tilespmem:s4], [sflag:$0x5], $0x80, s17, s7, $0xb8;
	[tilespmem:$0x1D000] =	vst v63  }
0x310: {  	_ =	swait.ge [sflag:s5], $0x4000  }
0x311: {  	[sflag:s5] =	ssyncset.done $0x0  }
0x312: {  	s18 =	simm.s32 $0x700;
	[sflag:s5] =	ssyncadd.s32 $0xFFFFC000  }
0x313: {  	[tilespmem:s4], [sflag:$0x1] =	stream.indirect.gather [hbm4b:s24+s7], $0x80, s18, s7, $0xb8;
	[tilespmem:$0x1D000] =	vst v63  }
0x314: {  	_ =	swait.ge [sflag:s11], $0x4000  }
0x315: {  	[sflag:s11] =	ssyncset.done $0x0  }
0x316: {  	s22 =	simm.s32 $0xE80;
	[sflag:s11] =	ssyncadd.s32 $0xFFFFC000  }
0x317: {  	[spmem:s21] =	stream.indirect.scatter.add.f32 [tilespmem:s8], [sflag:$0x5], $0x80, s22, s7, $0xb8;
	[tilespmem:$0x1D000] =	vst v63  }
0x318: {  	_ =	swait.ge [sflag:s5], $0x4000  }
0x319: {  	[sflag:s5] =	ssyncset.done $0x0  }
0x31a: {  	s23 =	simm.s32 $0x780;
	[sflag:s5] =	ssyncadd.s32 $0xFFFFC000  }
0x31b: {  	[tilespmem:s8], [sflag:$0x2] =	stream.indirect.gather [hbm4b:s24+s7], $0x80, s23, s7, $0xb8;
	[tilespmem:$0x1D000] =	vst v63  }
0x31c: {  	_ =	swait.ge [sflag:s9], $0x4000  }
0x31d: {  	[sflag:s9] =	ssyncset.done $0x0  }
0x31e: {  	s26 =	simm.s32 $0xF00;
	[sflag:s9] =	ssyncadd.s32 $0xFFFFC000  }
0x31f: {  	[spmem:s21] =	stream.indirect.scatter.add.f32 [tilespmem:s4], [sflag:$0x5], $0x80, s26, s7, $0xb8;
	[tilespmem:$0x1D000] =	vst v63  }
0x320: {  	_ =	swait.ge [sflag:s5], $0x4000  }
0x321: {  	[sflag:s5] =	ssyncset.done $0x0  }
0x322: {  	[sflag:s5] =	ssyncadd.s32 $0xFFFFC000  }
0x323: {  	_ =	swait.ge [sflag:s11], $0x4000  }
0x324: {  	[sflag:s11] =	ssyncset.done $0x0  }
0x325: {  	[sflag:s11] =	ssyncadd.s32 $0xFFFFC000  }
0x326: {  	[spmem:s21] =	stream.indirect.scatter.add.f32 [tilespmem:s8], [sflag:$0x5], $0x80, s0, s7, $0xb8;
	[tilespmem:$0x1D000] =	vst v63  }
0x327: {  	_ =	swait.ge [sflag:s5], $0x4000  }
0x328: {  	[sflag:s5] =	ssyncset.done $0x0  }
0x329: {  	[sflag:s5] =	ssyncadd.s32 $0xFFFFC000  }
0x32a: {  	s18 =	stileid.u32;
	[bflag:$0x0] =	sbarrier.arrive $0xFFFF  }
0x32b: {  	s19 =	sshll.u32 s18, $0x6;
	s22 =	rddreg [dreg:$0x19]  }
0x32c: {  	s19 =	sor.u32 $0x1C05, s19;
	s25 =	rddreg [dreg:$0x1a];
	s23 =	sshrl.u32 s22, $0x3  }
0x32d: {  	[hbm:s25], [sflag:s19] =	dma.local [spmem:s23], $0x2800  }
0x32e: {  	_ =	swait.ge [sflag:s5], $0x2800  }
0x32f: {  	s30 =	sld [smem:$0x7FD];
	_ =	sdelay $0x2  }
0x330: {  	s31 =	rddreg [dreg:$0x1b];
	s0 =	sadd.s32 $0x1, s30  }
0x331: {  	p0 =	sne.s32 s0, s31  }
.Ltmp1:
0x332: {  	_ = 	snop;
	(pc) =	sbr.rel @p0 .LBB2_1-.Ltmp1, $3  }
0x333: {  	_ =	sdelay $0x1  }
0x334: {  	[sflag:s5] =	ssyncset.done $0x0  }
0x335: {  	[sflag:s5] =	ssyncadd.s32 $0xFFFFD800  }
0x336: {  	_ =	sfence.sel $0x180000  }
0x337: {  	[bflag:$0x0] =	sbarrier.arrive $0xFFFF  }
0x338: {  	_ =	strace $0x9000004A  }
0x339: {  	s0 =	stileid.u32;
	[bflag:$0x2] =	sbarrier.arrive $0xFFFF  }
0x33a: {  	p0 =	sne.s32 s0, $0x0;
	s0 =	rddreg [dreg:$0x4]  }
0x33b: {  	s0 =	sadd.s32 @!p0 $0x100000, s0  }
0x33c: {  	[sflag:s0] =	ssyncadd.tile.s32 @!p0 $0x1;
	_ =	shalt  }
.Lfunc_end2:
_tile_overlayer_lowered:
.L_overlay_start_2:
0x33d: {  	(tag) =	ssettag $0x2  }
0x33e: {  	s0 =	rddreg [dreg:$0x0];
	s2 =	stileid.u32  }
0x33f: {  	s1 =	rddreg [dreg:$0x1];
	p0 =	sne.s32 s2, $0x0  }
0x340: {  	s3 =	rddreg [dreg:$0x2];
	[bflag:$0x3] =	sbarrier.arrive $0xFFFF;
	s2 =	simm.s32 @!p0 $0x1C05  }
0x341: {  	[timem:s3], [sflag:s2] =	dma.local @!p0 [hbm:s0], s1  }
0x342: {  	s0 =	simm.s32 @!p0 $0x5  }
0x343: {  	_ =	swait.ge @!p0 [sflag:s0], s1  }
0x344: {  	s1 =	ssub.s32 @!p0 $0x0, s1;
	[sflag:s0] =	ssyncset.done @!p0 $0x0  }
0x345: {  	[sflag:s0] =	ssyncadd.s32 @!p0 s1  }
0x346: {  	[bflag:$0x3] =	sbarrier.arrive $0xFFFF  }
0x347: {  	_ =	shalt  }

</sc_bundles>
